<compile_context>
chip_gen: v7x
topology: tpu7x:2x2x1
jax: 0.10.2.dev20260603
libtpu: 0.0.44.dev20260713+nightly
codegen_flags: <defaults>
</compile_context>

<pallas_src>
import functools

import jax
import jax.numpy as jnp
from jax import lax
from jax.experimental import pallas as pl
from jax.experimental.pallas import tpu as pltpu
from jax.experimental.pallas import tpu_sc as plsc

N_SAMPLES = 3145728
NUM_RAYS_C = 65536
NC = 2
NS = 16
NW = NC * NS
RPT = NUM_RAYS_C // NW
OUTW = RPT * 3
L = 16
B = 128
CHUNK = 1024
GB = N_SAMPLES // B
SEARCH_ITERS = 15


def _sc_body(colors_hbm, weights_hbm, rays_hbm, lo16_hbm, hi16_hbm, out_hbm,
             ray_v, w_v, c_v, acc_v, probe_v, clip_v,
             sem0, sem1, sem2, sem3, sem4, sem5):
    cid = lax.axis_index("c")
    sid = lax.axis_index("s")
    wid = cid * NS + sid
    base = wid * RPT

    def it(_, carry):
        lo0, hi0, lo1, hi1 = carry
        mid0 = jnp.minimum((lo0 + hi0) // 2, GB - 1)
        mid1 = jnp.minimum((lo1 + hi1) // 2, GB - 1)
        cp0 = pltpu.make_async_copy(
            rays_hbm.at[pl.ds(pl.multiple_of(mid0 * B, L), L)],
            probe_v.at[pl.ds(0, L)], sem0)
        cp1 = pltpu.make_async_copy(
            rays_hbm.at[pl.ds(pl.multiple_of(mid1 * B, L), L)],
            probe_v.at[pl.ds(L, L)], sem1)
        cp0.start()
        cp1.start()
        cp0.wait()
        cp1.wait()
        go0 = probe_v[pl.ds(0, L)][0] >= base
        go1 = probe_v[pl.ds(L, L)][0] >= base + RPT
        return (jnp.where(go0, lo0, mid0 + 1), jnp.where(go0, mid0, hi0),
                jnp.where(go1, lo1, mid1 + 1), jnp.where(go1, mid1, hi1))

    g0, _, g1, _ = lax.fori_loop(
        0, SEARCH_ITERS, it,
        (jnp.int32(0), jnp.int32(GB), jnp.int32(0), jnp.int32(GB)))
    lo_a = jnp.maximum(g0 - 1, 0) * B
    hi_s = g1 * B

    zeros16 = jnp.zeros((L,), jnp.float32)

    def zero_it(j, _):
        acc_v[pl.ds(j * L, L)] = zeros16
        return 0
    lax.fori_loop(0, OUTW // L, zero_it, 0)

    iota = lax.iota(jnp.int32, L)

    nsamp = hi_s - lo_a
    nchunks = (nsamp + CHUNK - 1) // CHUNK

    sems = ((sem0, sem1, sem2), (sem3, sem4, sem5))

    def chunk_start(ci):
        start_nom = lo_a + ci * CHUNK
        start = pl.multiple_of(jnp.minimum(start_nom, N_SAMPLES - CHUNK), B)
        return start_nom, start

    def copies(ci, par):
        _, start = chunk_start(ci)
        boff = par * CHUNK
        sr, sw, sc = sems[par]
        return (
            pltpu.make_async_copy(rays_hbm.at[pl.ds(start, CHUNK)],
                                  ray_v.at[pl.ds(boff, CHUNK)], sr),
            pltpu.make_async_copy(weights_hbm.at[pl.ds(start, CHUNK)],
                                  w_v.at[pl.ds(boff, CHUNK)], sw),
            pltpu.make_async_copy(
                colors_hbm.at[pl.ds(pl.multiple_of(start * 3, 8), 3 * CHUNK)],
                c_v.at[pl.ds(3 * boff, 3 * CHUNK)], sc),
        )

    def issue(ci, par):
        for cp in copies(ci, par):
            cp.start()

    SUB = CHUNK // L

    def compute(ci, par):
        boff = par * CHUNK
        start_nom, start = chunk_start(ci)
        a_s = start_nom - start + boff
        lane_base = iota * SUB + boff

        def step(i, _):
            u = (iota + i) & (SUB - 1)
            sv = lane_base + u
            rv = plsc.load_gather(ray_v, [sv])
            wv = plsc.load_gather(w_v, [sv])
            dv = rv - base
            du = plsc.bitcast(dv, jnp.uint32)
            mask = (du < jnp.uint32(RPT)) & (sv >= a_s)
            t0 = (dv >> 7) * (3 * B) + (dv & (B - 1))
            cb = (sv >> 7) * (3 * B) + (sv & (B - 1))
            for ch in range(3):
                cv = plsc.load_gather(c_v, [cb if ch == 0 else cb + ch * B])
                tk = t0 if ch == 0 else t0 + ch * B
                plsc.addupdate_scatter(acc_v, [tk], cv * wv, mask=mask)
            return 0
        lax.fori_loop(0, SUB, step, 0, unroll=16)

    @pl.when(nchunks > 0)
    def _prime():
        issue(0, 0)

    def pair_body(c, _):
        for b in range(2):
            ci = 2 * c + b

            @pl.when(ci < nchunks)
            def _step():
                for cp in copies(ci, b):
                    cp.wait()

                @pl.when(ci + 1 < nchunks)
                def _prefetch():
                    issue(ci + 1, 1 - b)

                compute(ci, b)
        return 0

    lax.fori_loop(0, (nchunks + 1) // 2, pair_body, 0)

    pltpu.sync_copy(lo16_hbm, clip_v)
    lo_vec = clip_v[...]
    pltpu.sync_copy(hi16_hbm, clip_v)
    hi_vec = clip_v[...]

    def clip_it(j, _):
        v = acc_v[pl.ds(j * L, L)]
        acc_v[pl.ds(j * L, L)] = jnp.minimum(jnp.maximum(v, lo_vec), hi_vec)
        return 0
    lax.fori_loop(0, OUTW // L, clip_it, 0)

    pltpu.sync_copy(acc_v, out_hbm.at[pl.ds(wid * OUTW, OUTW)])


@functools.partial(
    pl.kernel,
    out_type=jax.ShapeDtypeStruct((NUM_RAYS_C * 3,), jnp.float32),
    mesh=plsc.VectorSubcoreMesh(core_axis_name="c", subcore_axis_name="s",
                                num_cores=NC, num_subcores=NS),
    compiler_params=pltpu.CompilerParams(needs_layout_passes=False),
    scratch_types=[
        pltpu.VMEM((2 * CHUNK,), jnp.int32),
        pltpu.VMEM((2 * CHUNK,), jnp.float32),
        pltpu.VMEM((6 * CHUNK,), jnp.float32),
        pltpu.VMEM((OUTW,), jnp.float32),
        pltpu.VMEM((2 * L,), jnp.int32),
        pltpu.VMEM((L,), jnp.float32),
        pltpu.SemaphoreType.DMA,
        pltpu.SemaphoreType.DMA,
        pltpu.SemaphoreType.DMA,
        pltpu.SemaphoreType.DMA,
        pltpu.SemaphoreType.DMA,
        pltpu.SemaphoreType.DMA,
    ],
)
def _sc_segment_rgb(colors_hbm, weights_hbm, rays_hbm, lo16_hbm, hi16_hbm,
                    out_hbm, ray_v, w_v, c_v, acc_v, probe_v, clip_v,
                    sem0, sem1, sem2, sem3, sem4, sem5):
    _sc_body(colors_hbm, weights_hbm, rays_hbm, lo16_hbm, hi16_hbm, out_hbm,
             ray_v, w_v, c_v, acc_v, probe_v, clip_v,
             sem0, sem1, sem2, sem3, sem4, sem5)


def kernel(colors, weights, min, max, ray_indices, num_rays):
    cpl = (colors.reshape(N_SAMPLES // B, B, 3)
           .transpose(0, 2, 1)
           .reshape(3 * N_SAMPLES))
    wf = weights.reshape(-1)
    ri = ray_indices.astype(jnp.int32)
    lo16 = jnp.full((L,), min, dtype=jnp.float32)
    hi16 = jnp.full((L,), max, dtype=jnp.float32)
    out = _sc_segment_rgb(cpl, wf, ri, lo16, hi16)
    return (out.reshape(NUM_RAYS_C // B, 3, B)
            .transpose(0, 2, 1)
            .reshape(NUM_RAYS_C, 3))

# --- scband reference (transcript-rebuilt; emitter-appended) ---
"""Pipeline reference for scband-rgbrenderer-11484742549528 (READ-ONLY COPY).

The authoritative reference and input builder live on the scoring server;
editing this copy changes nothing except your own understanding.
"""

import jax, jax.numpy as jnp
import numpy as np

N_SAMPLES = 3145728
NUM_RAYS = 65536

def setup_inputs(seed: int = 0) -> dict:
    key = jax.random.key(seed)
    k1, k2, k3 = jax.random.split(key, 3)
    colors = jax.random.uniform(k1, (N_SAMPLES, 3), dtype=jnp.float32)
    weights = jax.random.uniform(k2, (N_SAMPLES, 1), dtype=jnp.float32)
    ray_indices = jnp.sort(jax.random.randint(k3, (N_SAMPLES,), 0, NUM_RAYS))
    return {
        "colors": colors,
        "weights": weights,
        "min": 0,
        "max": 100,
        "ray_indices": ray_indices,
        "num_rays": NUM_RAYS,
    }

def reference(colors, weights, min, max, ray_indices, num_rays):
    # nerfacc.accumulate_along_rays(weights, ray_indices, rgb, num_rays)
    comp_rgb = jax.ops.segment_sum(weights * colors, ray_indices, num_segments=NUM_RAYS)
    # nerfacc.accumulate_along_rays(weights, ray_indices, None, num_rays)
    accumulated_weight = jax.ops.segment_sum(weights, ray_indices, num_segments=NUM_RAYS)
    # background_color == 'black'
    background_color = jnp.zeros_like(comp_rgb)
    rgb = comp_rgb + background_color * (1.0 - accumulated_weight)
    # torch.clamp is identity when values are in [min, max]; applying it
    # unconditionally is mathematically equivalent to the data-dependent branch.
    rgb = jnp.clip(rgb, min, max)
    rgb = rgb + (jnp.asarray(num_rays) - NUM_RAYS).astype(rgb.dtype) * 0.0
    return rgb

if __name__ == "__main__":
    import jax
    _d = setup_inputs()
    print(jax.jit(kernel)(*tuple(_d.values())))

</pallas_src>

<mosaic_0001>
#map = affine_map<(d0, d1) -> (0)>
module attributes {stable_mosaic.version = 14 : i64} {
  func.func @_sc_segment_rgb(%arg0: i32, %arg1: i32, %arg2: memref<9437184xf32, #tpu.memory_space<hbm>>, %arg3: memref<3145728xf32, #tpu.memory_space<hbm>>, %arg4: memref<3145728xi32, #tpu.memory_space<hbm>>, %arg5: memref<16xf32, #tpu.memory_space<hbm>>, %arg6: memref<16xf32, #tpu.memory_space<hbm>>, %arg7: memref<196608xf32, #tpu.memory_space<hbm>>, %arg8: memref<2048xi32, #tpu.memory_space<vmem>>, %arg9: memref<2048xf32, #tpu.memory_space<vmem>>, %arg10: memref<6144xf32, #tpu.memory_space<vmem>>, %arg11: memref<6144xf32, #tpu.memory_space<vmem>>, %arg12: memref<32xi32, #tpu.memory_space<vmem>>, %arg13: memref<16xf32, #tpu.memory_space<vmem>>, %arg14: memref<!tpu.dma_semaphore, #tpu.memory_space<semaphore_mem>>, %arg15: memref<!tpu.dma_semaphore, #tpu.memory_space<semaphore_mem>>, %arg16: memref<!tpu.dma_semaphore, #tpu.memory_space<semaphore_mem>>, %arg17: memref<!tpu.dma_semaphore, #tpu.memory_space<semaphore_mem>>, %arg18: memref<!tpu.dma_semaphore, #tpu.memory_space<semaphore_mem>>, %arg19: memref<!tpu.dma_semaphore, #tpu.memory_space<semaphore_mem>>) attributes {dimension_semantics = [#tpu.dimension_semantics<core_parallel>, #tpu.dimension_semantics<subcore_parallel>], iteration_bounds = array<i64: 2, 16>, scalar_prefetch = 0 : i64, scratch_operands = 12 : i64, tpu.core_type = #tpu.core_type<sc_vector_subcore>, window_params = [{transform_indices = #map}, {transform_indices = #map}, {transform_indices = #map}, {transform_indices = #map}, {transform_indices = #map}, {transform_indices = #map}]} {
    %mul3A = arith.constant 16 : i32
    %mul3A_0 = arith.muli %arg0, %mul3A : i32
    %add3A = arith.addi %mul3A_0, %arg1 : i32
    %mul3A_1 = arith.constant 2048 : i32
    %mul3A_2 = arith.muli %add3A, %mul3A_1 : i32
    %scan3A = arith.constant 0 : i32
    %scan3A_3 = arith.constant 24576 : i32
    %scan3A_4 = arith.constant 0 : i32
    %scan3A_5 = arith.constant 24576 : i32
    %scan3A_6 = arith.constant 0 : i32
    %scan3A_7 = arith.constant 15 : i32
    %scan3A_8 = arith.addi %scan3A_6, %scan3A_7 : i32
    %scan3A_9 = arith.constant 1 : i32
    %scan3A_10:4 = scf.for %scan3A_99 = %scan3A_6 to %scan3A_8 step %scan3A_9 iter_args(%scan3A_100 = %scan3A, %scan3A_101 = %scan3A_3, %scan3A_102 = %scan3A_4, %scan3A_103 = %scan3A_5) -> (i32, i32, i32, i32)  : i32 {
      %add3A_104 = arith.addi %scan3A_100, %scan3A_101 : i32
      %jit3A_105 = arith.constant 2 : i32
      %div3A_106 = arith.divsi %add3A_104, %jit3A_105 : i32
      %sign3A_107 = arith.constant 0 : i32
      %sign3A_108 = arith.cmpi sgt, %add3A_104, %sign3A_107 : i32
      %sign3A_109 = arith.extui %sign3A_108 : i1 to i32
      %sign3A_110 = arith.constant 0 : i32
      %sign3A_111 = arith.cmpi slt, %add3A_104, %sign3A_110 : i32
      %sign3A_112 = arith.extui %sign3A_111 : i1 to i32
      %sign3A_113 = arith.subi %sign3A_109, %sign3A_112 : i32
      %sign3A_114 = arith.constant 0 : i32
      %sign3A_115 = arith.cmpi sgt, %jit3A_105, %sign3A_114 : i32
      %sign3A_116 = arith.extui %sign3A_115 : i1 to i32
      %sign3A_117 = arith.constant 0 : i32
      %sign3A_118 = arith.cmpi slt, %jit3A_105, %sign3A_117 : i32
      %sign3A_119 = arith.extui %sign3A_118 : i1 to i32
      %sign3A_120 = arith.subi %sign3A_116, %sign3A_119 : i32
      %ne3A_121 = arith.cmpi ne, %sign3A_113, %sign3A_120 : i32
      %rem3A_122 = arith.remsi %add3A_104, %jit3A_105 : i32
      %ne3A_123 = arith.constant 0 : i32
      %ne3A_124 = arith.cmpi ne, %rem3A_122, %ne3A_123 : i32
      %and3A_125 = arith.andi %ne3A_121, %ne3A_124 : i1
      %sub3A_126 = arith.constant 1 : i32
      %sub3A_127 = arith.subi %div3A_106, %sub3A_126 : i32
      %select_n3A_128 = arith.select %and3A_125, %sub3A_127, %div3A_106 : i32
      %min3A = arith.constant 24575 : i32
      %min3A_129 = arith.minsi %select_n3A_128, %min3A : i32
      %add3A_130 = arith.addi %scan3A_102, %scan3A_103 : i32
      %jit3A_131 = arith.constant 2 : i32
      %div3A_132 = arith.divsi %add3A_130, %jit3A_131 : i32
      %sign3A_133 = arith.constant 0 : i32
      %sign3A_134 = arith.cmpi sgt, %add3A_130, %sign3A_133 : i32
      %sign3A_135 = arith.extui %sign3A_134 : i1 to i32
      %sign3A_136 = arith.constant 0 : i32
      %sign3A_137 = arith.cmpi slt, %add3A_130, %sign3A_136 : i32
      %sign3A_138 = arith.extui %sign3A_137 : i1 to i32
      %sign3A_139 = arith.subi %sign3A_135, %sign3A_138 : i32
      %sign3A_140 = arith.constant 0 : i32
      %sign3A_141 = arith.cmpi sgt, %jit3A_131, %sign3A_140 : i32
      %sign3A_142 = arith.extui %sign3A_141 : i1 to i32
      %sign3A_143 = arith.constant 0 : i32
      %sign3A_144 = arith.cmpi slt, %jit3A_131, %sign3A_143 : i32
      %sign3A_145 = arith.extui %sign3A_144 : i1 to i32
      %sign3A_146 = arith.subi %sign3A_142, %sign3A_145 : i32
      %ne3A_147 = arith.cmpi ne, %sign3A_139, %sign3A_146 : i32
      %rem3A_148 = arith.remsi %add3A_130, %jit3A_131 : i32
      %ne3A_149 = arith.constant 0 : i32
      %ne3A_150 = arith.cmpi ne, %rem3A_148, %ne3A_149 : i32
      %and3A_151 = arith.andi %ne3A_147, %ne3A_150 : i1
      %sub3A_152 = arith.constant 1 : i32
      %sub3A_153 = arith.subi %div3A_132, %sub3A_152 : i32
      %select_n3A_154 = arith.select %and3A_151, %sub3A_153, %div3A_132 : i32
      %min3A_155 = arith.constant 24575 : i32
      %min3A_156 = arith.minsi %select_n3A_154, %min3A_155 : i32
      %mul3A_157 = arith.constant 128 : i32
      %mul3A_158 = arith.muli %min3A_129, %mul3A_157 : i32
      %multiple_of3A = tpu.assume_multiple %mul3A_158, 16 : i32
      %mul3A_159 = arith.constant 128 : i32
      %mul3A_160 = arith.muli %min3A_156, %mul3A_159 : i32
      %multiple_of3A_161 = tpu.assume_multiple %mul3A_160, 16 : i32
      %dma_start3A = arith.constant 0 : i32
      %dma_start3A_162 = tpu.memref_slice %arg12[%dma_start3A] : memref<32xi32, #tpu.memory_space<vmem>> -> memref<16xi32, #tpu.memory_space<vmem>>
      %dma_start3A_163 = tpu.memref_slice %arg4[%multiple_of3A] : memref<3145728xi32, #tpu.memory_space<hbm>> -> memref<16xi32, #tpu.memory_space<hbm>>
      %dma_start3A_164 = arith.constant 0 : i32
      %dma_start3A_165 = tpu.memref_slice %arg12[%dma_start3A_164] : memref<32xi32, #tpu.memory_space<vmem>> -> memref<16xi32, #tpu.memory_space<vmem>>
      %dma_start3A_166 = tpu.memref_slice %arg4[%multiple_of3A] : memref<3145728xi32, #tpu.memory_space<hbm>> -> memref<16xi32, #tpu.memory_space<hbm>>
      tpu.enqueue_dma source(%dma_start3A_166 : memref<16xi32, #tpu.memory_space<hbm>>) target(%dma_start3A_165 : memref<16xi32, #tpu.memory_space<vmem>>) target_semaphore(%arg14 : memref<!tpu.dma_semaphore, #tpu.memory_space<semaphore_mem>>)
      %dma_start3A_167 = arith.constant 16 : i32
      %dma_start3A_168 = tpu.memref_slice %arg12[%dma_start3A_167] : memref<32xi32, #tpu.memory_space<vmem>> -> memref<16xi32, #tpu.memory_space<vmem>>
      %dma_start3A_169 = tpu.memref_slice %arg4[%multiple_of3A_161] : memref<3145728xi32, #tpu.memory_space<hbm>> -> memref<16xi32, #tpu.memory_space<hbm>>
      %dma_start3A_170 = arith.constant 16 : i32
      %dma_start3A_171 = tpu.memref_slice %arg12[%dma_start3A_170] : memref<32xi32, #tpu.memory_space<vmem>> -> memref<16xi32, #tpu.memory_space<vmem>>
      %dma_start3A_172 = tpu.memref_slice %arg4[%multiple_of3A_161] : memref<3145728xi32, #tpu.memory_space<hbm>> -> memref<16xi32, #tpu.memory_space<hbm>>
      tpu.enqueue_dma source(%dma_start3A_172 : memref<16xi32, #tpu.memory_space<hbm>>) target(%dma_start3A_171 : memref<16xi32, #tpu.memory_space<vmem>>) target_semaphore(%arg15 : memref<!tpu.dma_semaphore, #tpu.memory_space<semaphore_mem>>)
      %dma_wait3A = arith.constant 0 : i32
      %dma_wait3A_173 = tpu.memref_slice %arg12[%dma_wait3A] : memref<32xi32, #tpu.memory_space<vmem>> -> memref<16xi32, #tpu.memory_space<vmem>>
      %dma_wait3A_174 = tpu.memref_slice %arg4[%multiple_of3A] : memref<3145728xi32, #tpu.memory_space<hbm>> -> memref<16xi32, #tpu.memory_space<hbm>>
      %dma_wait3A_175 = arith.constant 0 : i32
      %dma_wait3A_176 = tpu.memref_slice %arg12[%dma_wait3A_175] : memref<32xi32, #tpu.memory_space<vmem>> -> memref<16xi32, #tpu.memory_space<vmem>>
      %dma_wait3A_177 = tpu.memref_slice %arg4[%multiple_of3A] : memref<3145728xi32, #tpu.memory_space<hbm>> -> memref<16xi32, #tpu.memory_space<hbm>>
      tpu.wait_dma2 semaphore(%arg14 : memref<!tpu.dma_semaphore, #tpu.memory_space<semaphore_mem>>) src(%dma_wait3A_177 : memref<16xi32, #tpu.memory_space<hbm>>) dst(%dma_wait3A_176 : memref<16xi32, #tpu.memory_space<vmem>>)
      %dma_wait3A_178 = arith.constant 16 : i32
      %dma_wait3A_179 = tpu.memref_slice %arg12[%dma_wait3A_178] : memref<32xi32, #tpu.memory_space<vmem>> -> memref<16xi32, #tpu.memory_space<vmem>>
      %dma_wait3A_180 = tpu.memref_slice %arg4[%multiple_of3A_161] : memref<3145728xi32, #tpu.memory_space<hbm>> -> memref<16xi32, #tpu.memory_space<hbm>>
      %dma_wait3A_181 = arith.constant 16 : i32
      %dma_wait3A_182 = tpu.memref_slice %arg12[%dma_wait3A_181] : memref<32xi32, #tpu.memory_space<vmem>> -> memref<16xi32, #tpu.memory_space<vmem>>
      %dma_wait3A_183 = tpu.memref_slice %arg4[%multiple_of3A_161] : memref<3145728xi32, #tpu.memory_space<hbm>> -> memref<16xi32, #tpu.memory_space<hbm>>
      tpu.wait_dma2 semaphore(%arg15 : memref<!tpu.dma_semaphore, #tpu.memory_space<semaphore_mem>>) src(%dma_wait3A_183 : memref<16xi32, #tpu.memory_space<hbm>>) dst(%dma_wait3A_182 : memref<16xi32, #tpu.memory_space<vmem>>)
      %get3A_184 = arith.constant 0 : index
      %get3A_185 = tpu.vector_load %arg12[%get3A_184] {strides = array<i32>} : memref<32xi32, #tpu.memory_space<vmem>>, vector<16xi32>,
      %slice3A = vector.extract_strided_slice %get3A_185 {offsets = [0], sizes = [1], strides = [1]} : vector<16xi32> to vector<1xi32>
      %squeeze3A = vector.extract %slice3A[0] : i32 from vector<1xi32>
      %ge3A = arith.cmpi sge, %squeeze3A, %mul3A_2 : i32
      %get3A_186 = arith.constant 16 : index
      %get3A_187 = tpu.vector_load %arg12[%get3A_186] {strides = array<i32>} : memref<32xi32, #tpu.memory_space<vmem>>, vector<16xi32>,
      %slice3A_188 = vector.extract_strided_slice %get3A_187 {offsets = [0], sizes = [1], strides = [1]} : vector<16xi32> to vector<1xi32>
      %squeeze3A_189 = vector.extract %slice3A_188[0] : i32 from vector<1xi32>
      %add3A_190 = arith.constant 2048 : i32
      %add3A_191 = arith.addi %mul3A_2, %add3A_190 : i32
      %ge3A_192 = arith.cmpi sge, %squeeze3A_189, %add3A_191 : i32
      %add3A_193 = arith.constant 1 : i32
      %add3A_194 = arith.addi %min3A_129, %add3A_193 : i32
      %select_n3A_195 = arith.select %ge3A, %scan3A_100, %add3A_194 : i32
      %select_n3A_196 = arith.select %ge3A, %min3A_129, %scan3A_101 : i32
      %add3A_197 = arith.constant 1 : i32
      %add3A_198 = arith.addi %min3A_156, %add3A_197 : i32
      %select_n3A_199 = arith.select %ge3A_192, %scan3A_102, %add3A_198 : i32
      %select_n3A_200 = arith.select %ge3A_192, %min3A_156, %scan3A_103 : i32
      scf.yield %select_n3A_195, %select_n3A_196, %select_n3A_199, %select_n3A_200 : i32, i32, i32, i32
    }
    %scan3A_11 = arith.constant 15 : i32
    %sub3A = arith.constant 1 : i32
    %sub3A_12 = arith.subi %scan3A_10#0, %sub3A : i32
    %max3A = arith.constant 0 : i32
    %max3A_13 = arith.maxsi %sub3A_12, %max3A : i32
    %mul3A_14 = arith.constant 128 : i32
    %mul3A_15 = arith.muli %max3A_13, %mul3A_14 : i32
    %mul3A_16 = arith.constant 128 : i32
    %mul3A_17 = arith.muli %scan3A_10#2, %mul3A_16 : i32
    %broadcast_in_dim3A = arith.constant 0.000000e+00 : f32
    %broadcast_in_dim3A_18 = vector.broadcast %broadcast_in_dim3A : f32 to vector<16xf32>
    %scan3A_19 = arith.constant 0 : i32
    %scan3A_20 = arith.constant 0 : i32
    %scan3A_21 = arith.constant 384 : i32
    %scan3A_22 = arith.addi %scan3A_20, %scan3A_21 : i32
    %scan3A_23 = arith.constant 1 : i32
    %scan3A_24 = scf.for %scan3A_99 = %scan3A_20 to %scan3A_22 step %scan3A_23 iter_args(%scan3A_100 = %scan3A_19) -> (i32)  : i32 {
      %mul3A_101 = arith.constant 16 : i32
      %mul3A_102 = arith.muli %scan3A_99, %mul3A_101 : i32
      %swap3A = arith.index_cast %mul3A_102 : i32 to index
      %swap3A_103 = tpu.vector_load %arg11[%swap3A] {strides = array<i32>} : memref<6144xf32, #tpu.memory_space<vmem>>, vector<16xf32>,
      tpu.vector_store %arg11[%swap3A], %broadcast_in_dim3A_18 {strides = array<i32>} : memref<6144xf32, #tpu.memory_space<vmem>>, vector<16xf32>,
      %scan3A_104 = arith.constant 0 : i32
      scf.yield %scan3A_104 : i32
    }
    %scan3A_25 = arith.constant 384 : i32
    %iota3A = tpu.iota {dimensions = array<i32: 0>} : vector<16xi32>
    %sub3A_26 = arith.subi %mul3A_17, %mul3A_15 : i32
    %add3A_27 = arith.constant 1024 : i32
    %add3A_28 = arith.addi %sub3A_26, %add3A_27 : i32
    %sub3A_29 = arith.constant 1 : i32
    %sub3A_30 = arith.subi %add3A_28, %sub3A_29 : i32
    %jit3A = arith.constant 1024 : i32
    %div3A = arith.divsi %sub3A_30, %jit3A : i32
    %sign3A = arith.constant 0 : i32
    %sign3A_31 = arith.cmpi sgt, %sub3A_30, %sign3A : i32
    %sign3A_32 = arith.extui %sign3A_31 : i1 to i32
    %sign3A_33 = arith.constant 0 : i32
    %sign3A_34 = arith.cmpi slt, %sub3A_30, %sign3A_33 : i32
    %sign3A_35 = arith.extui %sign3A_34 : i1 to i32
    %sign3A_36 = arith.subi %sign3A_32, %sign3A_35 : i32
    %sign3A_37 = arith.constant 0 : i32
    %sign3A_38 = arith.cmpi sgt, %jit3A, %sign3A_37 : i32
    %sign3A_39 = arith.extui %sign3A_38 : i1 to i32
    %sign3A_40 = arith.constant 0 : i32
    %sign3A_41 = arith.cmpi slt, %jit3A, %sign3A_40 : i32
    %sign3A_42 = arith.extui %sign3A_41 : i1 to i32
    %sign3A_43 = arith.subi %sign3A_39, %sign3A_42 : i32
    %ne3A = arith.cmpi ne, %sign3A_36, %sign3A_43 : i32
    %rem3A = arith.remsi %sub3A_30, %jit3A : i32
    %ne3A_44 = arith.constant 0 : i32
    %ne3A_45 = arith.cmpi ne, %rem3A, %ne3A_44 : i32
    %and3A = arith.andi %ne3A, %ne3A_45 : i1
    %sub3A_46 = arith.constant 1 : i32
    %sub3A_47 = arith.subi %div3A, %sub3A_46 : i32
    %select_n3A = arith.select %and3A, %sub3A_47, %div3A : i32
    %gt3A = arith.constant 0 : i32
    %gt3A_48 = arith.cmpi sgt, %select_n3A, %gt3A : i32
    %convert_element_type3A = arith.extui %gt3A_48 : i1 to i32
    %cond3A = arith.constant 0 : i32
    %cond3A_49 = arith.cmpi ne, %convert_element_type3A, %cond3A : i32
    scf.if %cond3A_49 {
      %add3A_99 = arith.constant 0 : i32
      %add3A_100 = arith.addi %mul3A_15, %add3A_99 : i32
      %min3A = arith.constant 3144704 : i32
      %min3A_101 = arith.minsi %add3A_100, %min3A : i32
      %multiple_of3A = tpu.assume_multiple %min3A_101, 128 : i32
      %mul3A_102 = arith.constant 3 : i32
      %mul3A_103 = arith.muli %multiple_of3A, %mul3A_102 : i32
      %multiple_of3A_104 = tpu.assume_multiple %mul3A_103, 8 : i32
      %dma_start3A = arith.constant 0 : i32
      %dma_start3A_105 = tpu.memref_slice %arg8[%dma_start3A] : memref<2048xi32, #tpu.memory_space<vmem>> -> memref<1024xi32, #tpu.memory_space<vmem>>
      %dma_start3A_106 = tpu.memref_slice %arg4[%multiple_of3A] : memref<3145728xi32, #tpu.memory_space<hbm>> -> memref<1024xi32, #tpu.memory_space<hbm>>
      %dma_start3A_107 = arith.constant 0 : i32
      %dma_start3A_108 = tpu.memref_slice %arg8[%dma_start3A_107] : memref<2048xi32, #tpu.memory_space<vmem>> -> memref<1024xi32, #tpu.memory_space<vmem>>
      %dma_start3A_109 = tpu.memref_slice %arg4[%multiple_of3A] : memref<3145728xi32, #tpu.memory_space<hbm>> -> memref<1024xi32, #tpu.memory_space<hbm>>
      tpu.enqueue_dma source(%dma_start3A_109 : memref<1024xi32, #tpu.memory_space<hbm>>) target(%dma_start3A_108 : memref<1024xi32, #tpu.memory_space<vmem>>) target_semaphore(%arg14 : memref<!tpu.dma_semaphore, #tpu.memory_space<semaphore_mem>>)
      %dma_start3A_110 = arith.constant 0 : i32
      %dma_start3A_111 = tpu.memref_slice %arg9[%dma_start3A_110] : memref<2048xf32, #tpu.memory_space<vmem>> -> memref<1024xf32, #tpu.memory_space<vmem>>
      %dma_start3A_112 = tpu.memref_slice %arg3[%multiple_of3A] : memref<3145728xf32, #tpu.memory_space<hbm>> -> memref<1024xf32, #tpu.memory_space<hbm>>
      %dma_start3A_113 = arith.constant 0 : i32
      %dma_start3A_114 = tpu.memref_slice %arg9[%dma_start3A_113] : memref<2048xf32, #tpu.memory_space<vmem>> -> memref<1024xf32, #tpu.memory_space<vmem>>
      %dma_start3A_115 = tpu.memref_slice %arg3[%multiple_of3A] : memref<3145728xf32, #tpu.memory_space<hbm>> -> memref<1024xf32, #tpu.memory_space<hbm>>
      tpu.enqueue_dma source(%dma_start3A_115 : memref<1024xf32, #tpu.memory_space<hbm>>) target(%dma_start3A_114 : memref<1024xf32, #tpu.memory_space<vmem>>) target_semaphore(%arg15 : memref<!tpu.dma_semaphore, #tpu.memory_space<semaphore_mem>>)
      %dma_start3A_116 = arith.constant 0 : i32
      %dma_start3A_117 = tpu.memref_slice %arg10[%dma_start3A_116] : memref<6144xf32, #tpu.memory_space<vmem>> -> memref<3072xf32, #tpu.memory_space<vmem>>
      %dma_start3A_118 = tpu.memref_slice %arg2[%multiple_of3A_104] : memref<9437184xf32, #tpu.memory_space<hbm>> -> memref<3072xf32, #tpu.memory_space<hbm>>
      %dma_start3A_119 = arith.constant 0 : i32
      %dma_start3A_120 = tpu.memref_slice %arg10[%dma_start3A_119] : memref<6144xf32, #tpu.memory_space<vmem>> -> memref<3072xf32, #tpu.memory_space<vmem>>
      %dma_start3A_121 = tpu.memref_slice %arg2[%multiple_of3A_104] : memref<9437184xf32, #tpu.memory_space<hbm>> -> memref<3072xf32, #tpu.memory_space<hbm>>
      tpu.enqueue_dma source(%dma_start3A_121 : memref<3072xf32, #tpu.memory_space<hbm>>) target(%dma_start3A_120 : memref<3072xf32, #tpu.memory_space<vmem>>) target_semaphore(%arg16 : memref<!tpu.dma_semaphore, #tpu.memory_space<semaphore_mem>>)
    } else {
    }
    %add3A_50 = arith.constant 1 : i32
    %add3A_51 = arith.addi %select_n3A, %add3A_50 : i32
    %jit3A_52 = arith.constant 2 : i32
    %div3A_53 = arith.divsi %add3A_51, %jit3A_52 : i32
    %sign3A_54 = arith.constant 0 : i32
    %sign3A_55 = arith.cmpi sgt, %add3A_51, %sign3A_54 : i32
    %sign3A_56 = arith.extui %sign3A_55 : i1 to i32
    %sign3A_57 = arith.constant 0 : i32
    %sign3A_58 = arith.cmpi slt, %add3A_51, %sign3A_57 : i32
    %sign3A_59 = arith.extui %sign3A_58 : i1 to i32
    %sign3A_60 = arith.subi %sign3A_56, %sign3A_59 : i32
    %sign3A_61 = arith.constant 0 : i32
    %sign3A_62 = arith.cmpi sgt, %jit3A_52, %sign3A_61 : i32
    %sign3A_63 = arith.extui %sign3A_62 : i1 to i32
    %sign3A_64 = arith.constant 0 : i32
    %sign3A_65 = arith.cmpi slt, %jit3A_52, %sign3A_64 : i32
    %sign3A_66 = arith.extui %sign3A_65 : i1 to i32
    %sign3A_67 = arith.subi %sign3A_63, %sign3A_66 : i32
    %ne3A_68 = arith.cmpi ne, %sign3A_60, %sign3A_67 : i32
    %rem3A_69 = arith.remsi %add3A_51, %jit3A_52 : i32
    %ne3A_70 = arith.constant 0 : i32
    %ne3A_71 = arith.cmpi ne, %rem3A_69, %ne3A_70 : i32
    %and3A_72 = arith.andi %ne3A_68, %ne3A_71 : i1
    %sub3A_73 = arith.constant 1 : i32
    %sub3A_74 = arith.subi %div3A_53, %sub3A_73 : i32
    %select_n3A_75 = arith.select %and3A_72, %sub3A_74, %div3A_53 : i32
    %while3A = arith.constant 0 : i32
    %while3A_76 = arith.constant 0 : i32
    %while3A_77 = arith.subi %select_n3A_75, %while3A : i32
    %while3A_78 = arith.addi %while3A, %while3A_77 : i32
    %while3A_79 = arith.constant 1 : i32
    %while3A_80 = arith.divsi %while3A_77, %while3A_79 : i32
    %while3A_81 = arith.muli %while3A_80, %while3A_79 : i32
    %while3A_82 = arith.addi %while3A, %while3A_81 : i32
    %while3A_83 = arith.constant 1 : i32
    %while3A_84 = scf.for %while3A_99 = %while3A to %while3A_82 step %while3A_83 iter_args(%while3A_100 = %while3A_76) -> (i32)  : i32 {
      %mul3A_101 = arith.constant 2 : i32
      %mul3A_102 = arith.muli %mul3A_101, %while3A_99 : i32
      %add3A_103 = arith.constant 0 : i32
      %add3A_104 = arith.addi %mul3A_102, %add3A_103 : i32
      %lt3A = arith.cmpi slt, %add3A_104, %select_n3A : i32
      %convert_element_type3A_105 = arith.extui %lt3A : i1 to i32
      %cond3A_106 = arith.constant 0 : i32
      %cond3A_107 = arith.cmpi ne, %convert_element_type3A_105, %cond3A_106 : i32
      scf.if %cond3A_107 {
        %mul3A_117 = arith.constant 1024 : i32
        %mul3A_118 = arith.muli %add3A_104, %mul3A_117 : i32
        %add3A_119 = arith.addi %mul3A_15, %mul3A_118 : i32
        %min3A = arith.constant 3144704 : i32
        %min3A_120 = arith.minsi %add3A_119, %min3A : i32
        %multiple_of3A = tpu.assume_multiple %min3A_120, 128 : i32
        %mul3A_121 = arith.constant 3 : i32
        %mul3A_122 = arith.muli %multiple_of3A, %mul3A_121 : i32
        %multiple_of3A_123 = tpu.assume_multiple %mul3A_122, 8 : i32
        %dma_wait3A = arith.constant 0 : i32
        %dma_wait3A_124 = tpu.memref_slice %arg8[%dma_wait3A] : memref<2048xi32, #tpu.memory_space<vmem>> -> memref<1024xi32, #tpu.memory_space<vmem>>
        %dma_wait3A_125 = tpu.memref_slice %arg4[%multiple_of3A] : memref<3145728xi32, #tpu.memory_space<hbm>> -> memref<1024xi32, #tpu.memory_space<hbm>>
        %dma_wait3A_126 = arith.constant 0 : i32
        %dma_wait3A_127 = tpu.memref_slice %arg8[%dma_wait3A_126] : memref<2048xi32, #tpu.memory_space<vmem>> -> memref<1024xi32, #tpu.memory_space<vmem>>
        %dma_wait3A_128 = tpu.memref_slice %arg4[%multiple_of3A] : memref<3145728xi32, #tpu.memory_space<hbm>> -> memref<1024xi32, #tpu.memory_space<hbm>>
        tpu.wait_dma2 semaphore(%arg14 : memref<!tpu.dma_semaphore, #tpu.memory_space<semaphore_mem>>) src(%dma_wait3A_128 : memref<1024xi32, #tpu.memory_space<hbm>>) dst(%dma_wait3A_127 : memref<1024xi32, #tpu.memory_space<vmem>>)
        %dma_wait3A_129 = arith.constant 0 : i32
        %dma_wait3A_130 = tpu.memref_slice %arg9[%dma_wait3A_129] : memref<2048xf32, #tpu.memory_space<vmem>> -> memref<1024xf32, #tpu.memory_space<vmem>>
        %dma_wait3A_131 = tpu.memref_slice %arg3[%multiple_of3A] : memref<3145728xf32, #tpu.memory_space<hbm>> -> memref<1024xf32, #tpu.memory_space<hbm>>
        %dma_wait3A_132 = arith.constant 0 : i32
        %dma_wait3A_133 = tpu.memref_slice %arg9[%dma_wait3A_132] : memref<2048xf32, #tpu.memory_space<vmem>> -> memref<1024xf32, #tpu.memory_space<vmem>>
        %dma_wait3A_134 = tpu.memref_slice %arg3[%multiple_of3A] : memref<3145728xf32, #tpu.memory_space<hbm>> -> memref<1024xf32, #tpu.memory_space<hbm>>
        tpu.wait_dma2 semaphore(%arg15 : memref<!tpu.dma_semaphore, #tpu.memory_space<semaphore_mem>>) src(%dma_wait3A_134 : memref<1024xf32, #tpu.memory_space<hbm>>) dst(%dma_wait3A_133 : memref<1024xf32, #tpu.memory_space<vmem>>)
        %dma_wait3A_135 = arith.constant 0 : i32
        %dma_wait3A_136 = tpu.memref_slice %arg10[%dma_wait3A_135] : memref<6144xf32, #tpu.memory_space<vmem>> -> memref<3072xf32, #tpu.memory_space<vmem>>
        %dma_wait3A_137 = tpu.memref_slice %arg2[%multiple_of3A_123] : memref<9437184xf32, #tpu.memory_space<hbm>> -> memref<3072xf32, #tpu.memory_space<hbm>>
        %dma_wait3A_138 = arith.constant 0 : i32
        %dma_wait3A_139 = tpu.memref_slice %arg10[%dma_wait3A_138] : memref<6144xf32, #tpu.memory_space<vmem>> -> memref<3072xf32, #tpu.memory_space<vmem>>
        %dma_wait3A_140 = tpu.memref_slice %arg2[%multiple_of3A_123] : memref<9437184xf32, #tpu.memory_space<hbm>> -> memref<3072xf32, #tpu.memory_space<hbm>>
        tpu.wait_dma2 semaphore(%arg16 : memref<!tpu.dma_semaphore, #tpu.memory_space<semaphore_mem>>) src(%dma_wait3A_140 : memref<3072xf32, #tpu.memory_space<hbm>>) dst(%dma_wait3A_139 : memref<3072xf32, #tpu.memory_space<vmem>>)
        %add3A_141 = arith.constant 1 : i32
        %add3A_142 = arith.addi %add3A_104, %add3A_141 : i32
        %lt3A_143 = arith.cmpi slt, %add3A_142, %select_n3A : i32
        %convert_element_type3A_144 = arith.extui %lt3A_143 : i1 to i32
        %cond3A_145 = arith.constant 0 : i32
        %cond3A_146 = arith.cmpi ne, %convert_element_type3A_144, %cond3A_145 : i32
        scf.if %cond3A_146 {
          %add3A_169 = arith.constant 1 : i32
          %add3A_170 = arith.addi %add3A_104, %add3A_169 : i32
          %mul3A_171 = arith.constant 1024 : i32
          %mul3A_172 = arith.muli %add3A_170, %mul3A_171 : i32
          %add3A_173 = arith.addi %mul3A_15, %mul3A_172 : i32
          %min3A_174 = arith.constant 3144704 : i32
          %min3A_175 = arith.minsi %add3A_173, %min3A_174 : i32
          %multiple_of3A_176 = tpu.assume_multiple %min3A_175, 128 : i32
          %mul3A_177 = arith.constant 3 : i32
          %mul3A_178 = arith.muli %multiple_of3A_176, %mul3A_177 : i32
          %multiple_of3A_179 = tpu.assume_multiple %mul3A_178, 8 : i32
          %dma_start3A = arith.constant 1024 : i32
          %dma_start3A_180 = tpu.memref_slice %arg8[%dma_start3A] : memref<2048xi32, #tpu.memory_space<vmem>> -> memref<1024xi32, #tpu.memory_space<vmem>>
          %dma_start3A_181 = tpu.memref_slice %arg4[%multiple_of3A_176] : memref<3145728xi32, #tpu.memory_space<hbm>> -> memref<1024xi32, #tpu.memory_space<hbm>>
          %dma_start3A_182 = arith.constant 1024 : i32
          %dma_start3A_183 = tpu.memref_slice %arg8[%dma_start3A_182] : memref<2048xi32, #tpu.memory_space<vmem>> -> memref<1024xi32, #tpu.memory_space<vmem>>
          %dma_start3A_184 = tpu.memref_slice %arg4[%multiple_of3A_176] : memref<3145728xi32, #tpu.memory_space<hbm>> -> memref<1024xi32, #tpu.memory_space<hbm>>
          tpu.enqueue_dma source(%dma_start3A_184 : memref<1024xi32, #tpu.memory_space<hbm>>) target(%dma_start3A_183 : memref<1024xi32, #tpu.memory_space<vmem>>) target_semaphore(%arg17 : memref<!tpu.dma_semaphore, #tpu.memory_space<semaphore_mem>>)
          %dma_start3A_185 = arith.constant 1024 : i32
          %dma_start3A_186 = tpu.memref_slice %arg9[%dma_start3A_185] : memref<2048xf32, #tpu.memory_space<vmem>> -> memref<1024xf32, #tpu.memory_space<vmem>>
          %dma_start3A_187 = tpu.memref_slice %arg3[%multiple_of3A_176] : memref<3145728xf32, #tpu.memory_space<hbm>> -> memref<1024xf32, #tpu.memory_space<hbm>>
          %dma_start3A_188 = arith.constant 1024 : i32
          %dma_start3A_189 = tpu.memref_slice %arg9[%dma_start3A_188] : memref<2048xf32, #tpu.memory_space<vmem>> -> memref<1024xf32, #tpu.memory_space<vmem>>
          %dma_start3A_190 = tpu.memref_slice %arg3[%multiple_of3A_176] : memref<3145728xf32, #tpu.memory_space<hbm>> -> memref<1024xf32, #tpu.memory_space<hbm>>
          tpu.enqueue_dma source(%dma_start3A_190 : memref<1024xf32, #tpu.memory_space<hbm>>) target(%dma_start3A_189 : memref<1024xf32, #tpu.memory_space<vmem>>) target_semaphore(%arg18 : memref<!tpu.dma_semaphore, #tpu.memory_space<semaphore_mem>>)
          %dma_start3A_191 = arith.constant 3072 : i32
          %dma_start3A_192 = tpu.memref_slice %arg10[%dma_start3A_191] : memref<6144xf32, #tpu.memory_space<vmem>> -> memref<3072xf32, #tpu.memory_space<vmem>>
          %dma_start3A_193 = tpu.memref_slice %arg2[%multiple_of3A_179] : memref<9437184xf32, #tpu.memory_space<hbm>> -> memref<3072xf32, #tpu.memory_space<hbm>>
          %dma_start3A_194 = arith.constant 3072 : i32
          %dma_start3A_195 = tpu.memref_slice %arg10[%dma_start3A_194] : memref<6144xf32, #tpu.memory_space<vmem>> -> memref<3072xf32, #tpu.memory_space<vmem>>
          %dma_start3A_196 = tpu.memref_slice %arg2[%multiple_of3A_179] : memref<9437184xf32, #tpu.memory_space<hbm>> -> memref<3072xf32, #tpu.memory_space<hbm>>
          tpu.enqueue_dma source(%dma_start3A_196 : memref<3072xf32, #tpu.memory_space<hbm>>) target(%dma_start3A_195 : memref<3072xf32, #tpu.memory_space<vmem>>) target_semaphore(%arg19 : memref<!tpu.dma_semaphore, #tpu.memory_space<semaphore_mem>>)
        } else {
        }
        %mul3A_147 = arith.constant 1024 : i32
        %mul3A_148 = arith.muli %add3A_104, %mul3A_147 : i32
        %add3A_149 = arith.addi %mul3A_15, %mul3A_148 : i32
        %min3A_150 = arith.constant 3144704 : i32
        %min3A_151 = arith.minsi %add3A_149, %min3A_150 : i32
        %multiple_of3A_152 = tpu.assume_multiple %min3A_151, 128 : i32
        %sub3A_153 = arith.subi %add3A_149, %multiple_of3A_152 : i32
        %add3A_154 = arith.constant 0 : i32
        %add3A_155 = arith.addi %sub3A_153, %add3A_154 : i32
        %mul3A_156 = arith.constant 64 : i32
        %mul3A_157 = vector.broadcast %mul3A_156 : i32 to vector<16xi32>
        %mul3A_158 = arith.muli %iota3A, %mul3A_157 : vector<16xi32>
        %add3A_159 = arith.constant 0 : i32
        %add3A_160 = vector.broadcast %add3A_159 : i32 to vector<16xi32>
        %add3A_161 = arith.addi %mul3A_158, %add3A_160 : vector<16xi32>
        %scan3A_162 = arith.constant 0 : i32
        %scan3A_163 = arith.constant 0 : i32
        %scan3A_164 = arith.constant 64 : i32
        %scan3A_165 = arith.addi %scan3A_163, %scan3A_164 : i32
        %scan3A_166 = arith.constant 16 : i32
        %scan3A_167 = scf.for %scan3A_169 = %scan3A_163 to %scan3A_165 step %scan3A_166 iter_args(%scan3A_170 = %scan3A_162) -> (i32)  : i32 {
          %add3A_171 = vector.broadcast %scan3A_169 : i32 to vector<16xi32>
          %add3A_172 = arith.addi %iota3A, %add3A_171 : vector<16xi32>
          %and3A_173 = arith.constant 63 : i32
          %and3A_174 = vector.broadcast %and3A_173 : i32 to vector<16xi32>
          %and3A_175 = arith.andi %add3A_172, %and3A_174 : vector<16xi32>
          %add3A_176 = arith.addi %add3A_161, %and3A_175 : vector<16xi32>
          %gather3A = tpu.vector_load_idx %arg8[%add3A_176] : memref<2048xi32, #tpu.memory_space<vmem>>[vector<16xi32>], vector<16xi32>,
          %gather3A_177 = tpu.vector_load_idx %arg9[%add3A_176] : memref<2048xf32, #tpu.memory_space<vmem>>[vector<16xi32>], vector<16xf32>,
          %sub3A_178 = vector.broadcast %mul3A_2 : i32 to vector<16xi32>
          %sub3A_179 = arith.subi %gather3A, %sub3A_178 : vector<16xi32>
          %bitcast3A = vector.bitcast %sub3A_179 : vector<16xi32> to vector<16xi32>
          %lt3A_180 = arith.constant 2048 : i32
          %lt3A_181 = vector.broadcast %lt3A_180 : i32 to vector<16xi32>
          %lt3A_182 = arith.cmpi ult, %bitcast3A, %lt3A_181 : vector<16xi32>
          %ge3A = vector.broadcast %add3A_155 : i32 to vector<16xi32>
          %ge3A_183 = arith.cmpi sge, %add3A_176, %ge3A : vector<16xi32>
          %and3A_184 = arith.andi %lt3A_182, %ge3A_183 : vector<16xi1>
          %shift_right_arithmetic3A = arith.constant 7 : i32
          %shift_right_arithmetic3A_185 = vector.broadcast %shift_right_arithmetic3A : i32 to vector<16xi32>
          %shift_right_arithmetic3A_186 = arith.shrsi %sub3A_179, %shift_right_arithmetic3A_185 : vector<16xi32>
          %mul3A_187 = arith.constant 384 : i32
          %mul3A_188 = vector.broadcast %mul3A_187 : i32 to vector<16xi32>
          %mul3A_189 = arith.muli %shift_right_arithmetic3A_186, %mul3A_188 : vector<16xi32>
          %and3A_190 = arith.constant 127 : i32
          %and3A_191 = vector.broadcast %and3A_190 : i32 to vector<16xi32>
          %and3A_192 = arith.andi %sub3A_179, %and3A_191 : vector<16xi32>
          %add3A_193 = arith.addi %mul3A_189, %and3A_192 : vector<16xi32>
          %shift_right_arithmetic3A_194 = arith.constant 7 : i32
          %shift_right_arithmetic3A_195 = vector.broadcast %shift_right_arithmetic3A_194 : i32 to vector<16xi32>
          %shift_right_arithmetic3A_196 = arith.shrsi %add3A_176, %shift_right_arithmetic3A_195 : vector<16xi32>
          %mul3A_197 = arith.constant 384 : i32
          %mul3A_198 = vector.broadcast %mul3A_197 : i32 to vector<16xi32>
          %mul3A_199 = arith.muli %shift_right_arithmetic3A_196, %mul3A_198 : vector<16xi32>
          %and3A_200 = arith.constant 127 : i32
          %and3A_201 = vector.broadcast %and3A_200 : i32 to vector<16xi32>
          %and3A_202 = arith.andi %add3A_176, %and3A_201 : vector<16xi32>
          %add3A_203 = arith.addi %mul3A_199, %and3A_202 : vector<16xi32>
          %gather3A_204 = tpu.vector_load_idx %arg10[%add3A_203] : memref<6144xf32, #tpu.memory_space<vmem>>[vector<16xi32>], vector<16xf32>,
          %mul3A_205 = arith.mulf %gather3A_204, %gather3A_177 : vector<16xf32>
          tpu.vector_store_idx %arg11[%add3A_193], %mul3A_205 masked %and3A_184 {add = true} : memref<6144xf32, #tpu.memory_space<vmem>>[vector<16xi32>], vector<16xf32>, vector<16xi1>
          %add3A_206 = arith.constant 128 : i32
          %add3A_207 = vector.broadcast %add3A_206 : i32 to vector<16xi32>
          %add3A_208 = arith.addi %add3A_203, %add3A_207 : vector<16xi32>
          %gather3A_209 = tpu.vector_load_idx %arg10[%add3A_208] : memref<6144xf32, #tpu.memory_space<vmem>>[vector<16xi32>], vector<16xf32>,
          %add3A_210 = arith.constant 128 : i32
          %add3A_211 = vector.broadcast %add3A_210 : i32 to vector<16xi32>
          %add3A_212 = arith.addi %add3A_193, %add3A_211 : vector<16xi32>
          %mul3A_213 = arith.mulf %gather3A_209, %gather3A_177 : vector<16xf32>
          tpu.vector_store_idx %arg11[%add3A_212], %mul3A_213 masked %and3A_184 {add = true} : memref<6144xf32, #tpu.memory_space<vmem>>[vector<16xi32>], vector<16xf32>, vector<16xi1>
          %add3A_214 = arith.constant 256 : i32
          %add3A_215 = vector.broadcast %add3A_214 : i32 to vector<16xi32>
          %add3A_216 = arith.addi %add3A_203, %add3A_215 : vector<16xi32>
          %gather3A_217 = tpu.vector_load_idx %arg10[%add3A_216] : memref<6144xf32, #tpu.memory_space<vmem>>[vector<16xi32>], vector<16xf32>,
          %add3A_218 = arith.constant 256 : i32
          %add3A_219 = vector.broadcast %add3A_218 : i32 to vector<16xi32>
          %add3A_220 = arith.addi %add3A_193, %add3A_219 : vector<16xi32>
          %mul3A_221 = arith.mulf %gather3A_217, %gather3A_177 : vector<16xf32>
          tpu.vector_store_idx %arg11[%add3A_220], %mul3A_221 masked %and3A_184 {add = true} : memref<6144xf32, #tpu.memory_space<vmem>>[vector<16xi32>], vector<16xf32>, vector<16xi1>
          %scan3A_222 = arith.constant 0 : i32
          %scan3A_223 = arith.constant 1 : i32
          %scan3A_224 = arith.addi %scan3A_169, %scan3A_223 : i32
          %add3A_225 = vector.broadcast %scan3A_224 : i32 to vector<16xi32>
          %add3A_226 = arith.addi %iota3A, %add3A_225 : vector<16xi32>
          %and3A_227 = arith.constant 63 : i32
          %and3A_228 = vector.broadcast %and3A_227 : i32 to vector<16xi32>
          %and3A_229 = arith.andi %add3A_226, %and3A_228 : vector<16xi32>
          %add3A_230 = arith.addi %add3A_161, %and3A_229 : vector<16xi32>
          %gather3A_231 = tpu.vector_load_idx %arg8[%add3A_230] : memref<2048xi32, #tpu.memory_space<vmem>>[vector<16xi32>], vector<16xi32>,
          %gather3A_232 = tpu.vector_load_idx %arg9[%add3A_230] : memref<2048xf32, #tpu.memory_space<vmem>>[vector<16xi32>], vector<16xf32>,
          %sub3A_233 = vector.broadcast %mul3A_2 : i32 to vector<16xi32>
          %sub3A_234 = arith.subi %gather3A_231, %sub3A_233 : vector<16xi32>
          %bitcast3A_235 = vector.bitcast %sub3A_234 : vector<16xi32> to vector<16xi32>
          %lt3A_236 = arith.constant 2048 : i32
          %lt3A_237 = vector.broadcast %lt3A_236 : i32 to vector<16xi32>
          %lt3A_238 = arith.cmpi ult, %bitcast3A_235, %lt3A_237 : vector<16xi32>
          %ge3A_239 = vector.broadcast %add3A_155 : i32 to vector<16xi32>
          %ge3A_240 = arith.cmpi sge, %add3A_230, %ge3A_239 : vector<16xi32>
          %and3A_241 = arith.andi %lt3A_238, %ge3A_240 : vector<16xi1>
          %shift_right_arithmetic3A_242 = arith.constant 7 : i32
          %shift_right_arithmetic3A_243 = vector.broadcast %shift_right_arithmetic3A_242 : i32 to vector<16xi32>
          %shift_right_arithmetic3A_244 = arith.shrsi %sub3A_234, %shift_right_arithmetic3A_243 : vector<16xi32>
          %mul3A_245 = arith.constant 384 : i32
          %mul3A_246 = vector.broadcast %mul3A_245 : i32 to vector<16xi32>
          %mul3A_247 = arith.muli %shift_right_arithmetic3A_244, %mul3A_246 : vector<16xi32>
          %and3A_248 = arith.constant 127 : i32
          %and3A_249 = vector.broadcast %and3A_248 : i32 to vector<16xi32>
          %and3A_250 = arith.andi %sub3A_234, %and3A_249 : vector<16xi32>
          %add3A_251 = arith.addi %mul3A_247, %and3A_250 : vector<16xi32>
          %shift_right_arithmetic3A_252 = arith.constant 7 : i32
          %shift_right_arithmetic3A_253 = vector.broadcast %shift_right_arithmetic3A_252 : i32 to vector<16xi32>
          %shift_right_arithmetic3A_254 = arith.shrsi %add3A_230, %shift_right_arithmetic3A_253 : vector<16xi32>
          %mul3A_255 = arith.constant 384 : i32
          %mul3A_256 = vector.broadcast %mul3A_255 : i32 to vector<16xi32>
          %mul3A_257 = arith.muli %shift_right_arithmetic3A_254, %mul3A_256 : vector<16xi32>
          %and3A_258 = arith.constant 127 : i32
          %and3A_259 = vector.broadcast %and3A_258 : i32 to vector<16xi32>
          %and3A_260 = arith.andi %add3A_230, %and3A_259 : vector<16xi32>
          %add3A_261 = arith.addi %mul3A_257, %and3A_260 : vector<16xi32>
          %gather3A_262 = tpu.vector_load_idx %arg10[%add3A_261] : memref<6144xf32, #tpu.memory_space<vmem>>[vector<16xi32>], vector<16xf32>,
          %mul3A_263 = arith.mulf %gather3A_262, %gather3A_232 : vector<16xf32>
          tpu.vector_store_idx %arg11[%add3A_251], %mul3A_263 masked %and3A_241 {add = true} : memref<6144xf32, #tpu.memory_space<vmem>>[vector<16xi32>], vector<16xf32>, vector<16xi1>
          %add3A_264 = arith.constant 128 : i32
          %add3A_265 = vector.broadcast %add3A_264 : i32 to vector<16xi32>
          %add3A_266 = arith.addi %add3A_261, %add3A_265 : vector<16xi32>
          %gather3A_267 = tpu.vector_load_idx %arg10[%add3A_266] : memref<6144xf32, #tpu.memory_space<vmem>>[vector<16xi32>], vector<16xf32>,
          %add3A_268 = arith.constant 128 : i32
          %add3A_269 = vector.broadcast %add3A_268 : i32 to vector<16xi32>
          %add3A_270 = arith.addi %add3A_251, %add3A_269 : vector<16xi32>
          %mul3A_271 = arith.mulf %gather3A_267, %gather3A_232 : vector<16xf32>
          tpu.vector_store_idx %arg11[%add3A_270], %mul3A_271 masked %and3A_241 {add = true} : memref<6144xf32, #tpu.memory_space<vmem>>[vector<16xi32>], vector<16xf32>, vector<16xi1>
          %add3A_272 = arith.constant 256 : i32
          %add3A_273 = vector.broadcast %add3A_272 : i32 to vector<16xi32>
          %add3A_274 = arith.addi %add3A_261, %add3A_273 : vector<16xi32>
          %gather3A_275 = tpu.vector_load_idx %arg10[%add3A_274] : memref<6144xf32, #tpu.memory_space<vmem>>[vector<16xi32>], vector<16xf32>,
          %add3A_276 = arith.constant 256 : i32
          %add3A_277 = vector.broadcast %add3A_276 : i32 to vector<16xi32>
          %add3A_278 = arith.addi %add3A_251, %add3A_277 : vector<16xi32>
          %mul3A_279 = arith.mulf %gather3A_275, %gather3A_232 : vector<16xf32>
          tpu.vector_store_idx %arg11[%add3A_278], %mul3A_279 masked %and3A_241 {add = true} : memref<6144xf32, #tpu.memory_space<vmem>>[vector<16xi32>], vector<16xf32>, vector<16xi1>
          %scan3A_280 = arith.constant 0 : i32
          %scan3A_281 = arith.constant 2 : i32
          %scan3A_282 = arith.addi %scan3A_169, %scan3A_281 : i32
          %add3A_283 = vector.broadcast %scan3A_282 : i32 to vector<16xi32>
          %add3A_284 = arith.addi %iota3A, %add3A_283 : vector<16xi32>
          %and3A_285 = arith.constant 63 : i32
          %and3A_286 = vector.broadcast %and3A_285 : i32 to vector<16xi32>
          %and3A_287 = arith.andi %add3A_284, %and3A_286 : vector<16xi32>
          %add3A_288 = arith.addi %add3A_161, %and3A_287 : vector<16xi32>
          %gather3A_289 = tpu.vector_load_idx %arg8[%add3A_288] : memref<2048xi32, #tpu.memory_space<vmem>>[vector<16xi32>], vector<16xi32>,
          %gather3A_290 = tpu.vector_load_idx %arg9[%add3A_288] : memref<2048xf32, #tpu.memory_space<vmem>>[vector<16xi32>], vector<16xf32>,
          %sub3A_291 = vector.broadcast %mul3A_2 : i32 to vector<16xi32>
          %sub3A_292 = arith.subi %gather3A_289, %sub3A_291 : vector<16xi32>
          %bitcast3A_293 = vector.bitcast %sub3A_292 : vector<16xi32> to vector<16xi32>
          %lt3A_294 = arith.constant 2048 : i32
          %lt3A_295 = vector.broadcast %lt3A_294 : i32 to vector<16xi32>
          %lt3A_296 = arith.cmpi ult, %bitcast3A_293, %lt3A_295 : vector<16xi32>
          %ge3A_297 = vector.broadcast %add3A_155 : i32 to vector<16xi32>
          %ge3A_298 = arith.cmpi sge, %add3A_288, %ge3A_297 : vector<16xi32>
          %and3A_299 = arith.andi %lt3A_296, %ge3A_298 : vector<16xi1>
          %shift_right_arithmetic3A_300 = arith.constant 7 : i32
          %shift_right_arithmetic3A_301 = vector.broadcast %shift_right_arithmetic3A_300 : i32 to vector<16xi32>
          %shift_right_arithmetic3A_302 = arith.shrsi %sub3A_292, %shift_right_arithmetic3A_301 : vector<16xi32>
          %mul3A_303 = arith.constant 384 : i32
          %mul3A_304 = vector.broadcast %mul3A_303 : i32 to vector<16xi32>
          %mul3A_305 = arith.muli %shift_right_arithmetic3A_302, %mul3A_304 : vector<16xi32>
          %and3A_306 = arith.constant 127 : i32
          %and3A_307 = vector.broadcast %and3A_306 : i32 to vector<16xi32>
          %and3A_308 = arith.andi %sub3A_292, %and3A_307 : vector<16xi32>
          %add3A_309 = arith.addi %mul3A_305, %and3A_308 : vector<16xi32>
          %shift_right_arithmetic3A_310 = arith.constant 7 : i32
          %shift_right_arithmetic3A_311 = vector.broadcast %shift_right_arithmetic3A_310 : i32 to vector<16xi32>
          %shift_right_arithmetic3A_312 = arith.shrsi %add3A_288, %shift_right_arithmetic3A_311 : vector<16xi32>
          %mul3A_313 = arith.constant 384 : i32
          %mul3A_314 = vector.broadcast %mul3A_313 : i32 to vector<16xi32>
          %mul3A_315 = arith.muli %shift_right_arithmetic3A_312, %mul3A_314 : vector<16xi32>
          %and3A_316 = arith.constant 127 : i32
          %and3A_317 = vector.broadcast %and3A_316 : i32 to vector<16xi32>
          %and3A_318 = arith.andi %add3A_288, %and3A_317 : vector<16xi32>
          %add3A_319 = arith.addi %mul3A_315, %and3A_318 : vector<16xi32>
          %gather3A_320 = tpu.vector_load_idx %arg10[%add3A_319] : memref<6144xf32, #tpu.memory_space<vmem>>[vector<16xi32>], vector<16xf32>,
          %mul3A_321 = arith.mulf %gather3A_320, %gather3A_290 : vector<16xf32>
          tpu.vector_store_idx %arg11[%add3A_309], %mul3A_321 masked %and3A_299 {add = true} : memref<6144xf32, #tpu.memory_space<vmem>>[vector<16xi32>], vector<16xf32>, vector<16xi1>
          %add3A_322 = arith.constant 128 : i32
          %add3A_323 = vector.broadcast %add3A_322 : i32 to vector<16xi32>
          %add3A_324 = arith.addi %add3A_319, %add3A_323 : vector<16xi32>
          %gather3A_325 = tpu.vector_load_idx %arg10[%add3A_324] : memref<6144xf32, #tpu.memory_space<vmem>>[vector<16xi32>], vector<16xf32>,
          %add3A_326 = arith.constant 128 : i32
          %add3A_327 = vector.broadcast %add3A_326 : i32 to vector<16xi32>
          %add3A_328 = arith.addi %add3A_309, %add3A_327 : vector<16xi32>
          %mul3A_329 = arith.mulf %gather3A_325, %gather3A_290 : vector<16xf32>
          tpu.vector_store_idx %arg11[%add3A_328], %mul3A_329 masked %and3A_299 {add = true} : memref<6144xf32, #tpu.memory_space<vmem>>[vector<16xi32>], vector<16xf32>, vector<16xi1>
          %add3A_330 = arith.constant 256 : i32
          %add3A_331 = vector.broadcast %add3A_330 : i32 to vector<16xi32>
          %add3A_332 = arith.addi %add3A_319, %add3A_331 : vector<16xi32>
          %gather3A_333 = tpu.vector_load_idx %arg10[%add3A_332] : memref<6144xf32, #tpu.memory_space<vmem>>[vector<16xi32>], vector<16xf32>,
          %add3A_334 = arith.constant 256 : i32
          %add3A_335 = vector.broadcast %add3A_334 : i32 to vector<16xi32>
          %add3A_336 = arith.addi %add3A_309, %add3A_335 : vector<16xi32>
          %mul3A_337 = arith.mulf %gather3A_333, %gather3A_290 : vector<16xf32>
          tpu.vector_store_idx %arg11[%add3A_336], %mul3A_337 masked %and3A_299 {add = true} : memref<6144xf32, #tpu.memory_space<vmem>>[vector<16xi32>], vector<16xf32>, vector<16xi1>
          %scan3A_338 = arith.constant 0 : i32
          %scan3A_339 = arith.constant 3 : i32
          %scan3A_340 = arith.addi %scan3A_169, %scan3A_339 : i32
          %add3A_341 = vector.broadcast %scan3A_340 : i32 to vector<16xi32>
          %add3A_342 = arith.addi %iota3A, %add3A_341 : vector<16xi32>
          %and3A_343 = arith.constant 63 : i32
          %and3A_344 = vector.broadcast %and3A_343 : i32 to vector<16xi32>
          %and3A_345 = arith.andi %add3A_342, %and3A_344 : vector<16xi32>
          %add3A_346 = arith.addi %add3A_161, %and3A_345 : vector<16xi32>
          %gather3A_347 = tpu.vector_load_idx %arg8[%add3A_346] : memref<2048xi32, #tpu.memory_space<vmem>>[vector<16xi32>], vector<16xi32>,
          %gather3A_348 = tpu.vector_load_idx %arg9[%add3A_346] : memref<2048xf32, #tpu.memory_space<vmem>>[vector<16xi32>], vector<16xf32>,
          %sub3A_349 = vector.broadcast %mul3A_2 : i32 to vector<16xi32>
          %sub3A_350 = arith.subi %gather3A_347, %sub3A_349 : vector<16xi32>
          %bitcast3A_351 = vector.bitcast %sub3A_350 : vector<16xi32> to vector<16xi32>
          %lt3A_352 = arith.constant 2048 : i32
          %lt3A_353 = vector.broadcast %lt3A_352 : i32 to vector<16xi32>
          %lt3A_354 = arith.cmpi ult, %bitcast3A_351, %lt3A_353 : vector<16xi32>
          %ge3A_355 = vector.broadcast %add3A_155 : i32 to vector<16xi32>
          %ge3A_356 = arith.cmpi sge, %add3A_346, %ge3A_355 : vector<16xi32>
          %and3A_357 = arith.andi %lt3A_354, %ge3A_356 : vector<16xi1>
          %shift_right_arithmetic3A_358 = arith.constant 7 : i32
          %shift_right_arithmetic3A_359 = vector.broadcast %shift_right_arithmetic3A_358 : i32 to vector<16xi32>
          %shift_right_arithmetic3A_360 = arith.shrsi %sub3A_350, %shift_right_arithmetic3A_359 : vector<16xi32>
          %mul3A_361 = arith.constant 384 : i32
          %mul3A_362 = vector.broadcast %mul3A_361 : i32 to vector<16xi32>
          %mul3A_363 = arith.muli %shift_right_arithmetic3A_360, %mul3A_362 : vector<16xi32>
          %and3A_364 = arith.constant 127 : i32
          %and3A_365 = vector.broadcast %and3A_364 : i32 to vector<16xi32>
          %and3A_366 = arith.andi %sub3A_350, %and3A_365 : vector<16xi32>
          %add3A_367 = arith.addi %mul3A_363, %and3A_366 : vector<16xi32>
          %shift_right_arithmetic3A_368 = arith.constant 7 : i32
          %shift_right_arithmetic3A_369 = vector.broadcast %shift_right_arithmetic3A_368 : i32 to vector<16xi32>
          %shift_right_arithmetic3A_370 = arith.shrsi %add3A_346, %shift_right_arithmetic3A_369 : vector<16xi32>
          %mul3A_371 = arith.constant 384 : i32
          %mul3A_372 = vector.broadcast %mul3A_371 : i32 to vector<16xi32>
          %mul3A_373 = arith.muli %shift_right_arithmetic3A_370, %mul3A_372 : vector<16xi32>
          %and3A_374 = arith.constant 127 : i32
          %and3A_375 = vector.broadcast %and3A_374 : i32 to vector<16xi32>
          %and3A_376 = arith.andi %add3A_346, %and3A_375 : vector<16xi32>
          %add3A_377 = arith.addi %mul3A_373, %and3A_376 : vector<16xi32>
          %gather3A_378 = tpu.vector_load_idx %arg10[%add3A_377] : memref<6144xf32, #tpu.memory_space<vmem>>[vector<16xi32>], vector<16xf32>,
          %mul3A_379 = arith.mulf %gather3A_378, %gather3A_348 : vector<16xf32>
          tpu.vector_store_idx %arg11[%add3A_367], %mul3A_379 masked %and3A_357 {add = true} : memref<6144xf32, #tpu.memory_space<vmem>>[vector<16xi32>], vector<16xf32>, vector<16xi1>
          %add3A_380 = arith.constant 128 : i32
          %add3A_381 = vector.broadcast %add3A_380 : i32 to vector<16xi32>
          %add3A_382 = arith.addi %add3A_377, %add3A_381 : vector<16xi32>
          %gather3A_383 = tpu.vector_load_idx %arg10[%add3A_382] : memref<6144xf32, #tpu.memory_space<vmem>>[vector<16xi32>], vector<16xf32>,
          %add3A_384 = arith.constant 128 : i32
          %add3A_385 = vector.broadcast %add3A_384 : i32 to vector<16xi32>
          %add3A_386 = arith.addi %add3A_367, %add3A_385 : vector<16xi32>
          %mul3A_387 = arith.mulf %gather3A_383, %gather3A_348 : vector<16xf32>
          tpu.vector_store_idx %arg11[%add3A_386], %mul3A_387 masked %and3A_357 {add = true} : memref<6144xf32, #tpu.memory_space<vmem>>[vector<16xi32>], vector<16xf32>, vector<16xi1>
          %add3A_388 = arith.constant 256 : i32
          %add3A_389 = vector.broadcast %add3A_388 : i32 to vector<16xi32>
          %add3A_390 = arith.addi %add3A_377, %add3A_389 : vector<16xi32>
          %gather3A_391 = tpu.vector_load_idx %arg10[%add3A_390] : memref<6144xf32, #tpu.memory_space<vmem>>[vector<16xi32>], vector<16xf32>,
          %add3A_392 = arith.constant 256 : i32
          %add3A_393 = vector.broadcast %add3A_392 : i32 to vector<16xi32>
          %add3A_394 = arith.addi %add3A_367, %add3A_393 : vector<16xi32>
          %mul3A_395 = arith.mulf %gather3A_391, %gather3A_348 : vector<16xf32>
          tpu.vector_store_idx %arg11[%add3A_394], %mul3A_395 masked %and3A_357 {add = true} : memref<6144xf32, #tpu.memory_space<vmem>>[vector<16xi32>], vector<16xf32>, vector<16xi1>
          %scan3A_396 = arith.constant 0 : i32
          %scan3A_397 = arith.constant 4 : i32
          %scan3A_398 = arith.addi %scan3A_169, %scan3A_397 : i32
          %add3A_399 = vector.broadcast %scan3A_398 : i32 to vector<16xi32>
          %add3A_400 = arith.addi %iota3A, %add3A_399 : vector<16xi32>
          %and3A_401 = arith.constant 63 : i32
          %and3A_402 = vector.broadcast %and3A_401 : i32 to vector<16xi32>
          %and3A_403 = arith.andi %add3A_400, %and3A_402 : vector<16xi32>
          %add3A_404 = arith.addi %add3A_161, %and3A_403 : vector<16xi32>
          %gather3A_405 = tpu.vector_load_idx %arg8[%add3A_404] : memref<2048xi32, #tpu.memory_space<vmem>>[vector<16xi32>], vector<16xi32>,
          %gather3A_406 = tpu.vector_load_idx %arg9[%add3A_404] : memref<2048xf32, #tpu.memory_space<vmem>>[vector<16xi32>], vector<16xf32>,
          %sub3A_407 = vector.broadcast %mul3A_2 : i32 to vector<16xi32>
          %sub3A_408 = arith.subi %gather3A_405, %sub3A_407 : vector<16xi32>
          %bitcast3A_409 = vector.bitcast %sub3A_408 : vector<16xi32> to vector<16xi32>
          %lt3A_410 = arith.constant 2048 : i32
          %lt3A_411 = vector.broadcast %lt3A_410 : i32 to vector<16xi32>
          %lt3A_412 = arith.cmpi ult, %bitcast3A_409, %lt3A_411 : vector<16xi32>
          %ge3A_413 = vector.broadcast %add3A_155 : i32 to vector<16xi32>
          %ge3A_414 = arith.cmpi sge, %add3A_404, %ge3A_413 : vector<16xi32>
          %and3A_415 = arith.andi %lt3A_412, %ge3A_414 : vector<16xi1>
          %shift_right_arithmetic3A_416 = arith.constant 7 : i32
          %shift_right_arithmetic3A_417 = vector.broadcast %shift_right_arithmetic3A_416 : i32 to vector<16xi32>
          %shift_right_arithmetic3A_418 = arith.shrsi %sub3A_408, %shift_right_arithmetic3A_417 : vector<16xi32>
          %mul3A_419 = arith.constant 384 : i32
          %mul3A_420 = vector.broadcast %mul3A_419 : i32 to vector<16xi32>
          %mul3A_421 = arith.muli %shift_right_arithmetic3A_418, %mul3A_420 : vector<16xi32>
          %and3A_422 = arith.constant 127 : i32
          %and3A_423 = vector.broadcast %and3A_422 : i32 to vector<16xi32>
          %and3A_424 = arith.andi %sub3A_408, %and3A_423 : vector<16xi32>
          %add3A_425 = arith.addi %mul3A_421, %and3A_424 : vector<16xi32>
          %shift_right_arithmetic3A_426 = arith.constant 7 : i32
          %shift_right_arithmetic3A_427 = vector.broadcast %shift_right_arithmetic3A_426 : i32 to vector<16xi32>
          %shift_right_arithmetic3A_428 = arith.shrsi %add3A_404, %shift_right_arithmetic3A_427 : vector<16xi32>
          %mul3A_429 = arith.constant 384 : i32
          %mul3A_430 = vector.broadcast %mul3A_429 : i32 to vector<16xi32>
          %mul3A_431 = arith.muli %shift_right_arithmetic3A_428, %mul3A_430 : vector<16xi32>
          %and3A_432 = arith.constant 127 : i32
          %and3A_433 = vector.broadcast %and3A_432 : i32 to vector<16xi32>
          %and3A_434 = arith.andi %add3A_404, %and3A_433 : vector<16xi32>
          %add3A_435 = arith.addi %mul3A_431, %and3A_434 : vector<16xi32>
          %gather3A_436 = tpu.vector_load_idx %arg10[%add3A_435] : memref<6144xf32, #tpu.memory_space<vmem>>[vector<16xi32>], vector<16xf32>,
          %mul3A_437 = arith.mulf %gather3A_436, %gather3A_406 : vector<16xf32>
          tpu.vector_store_idx %arg11[%add3A_425], %mul3A_437 masked %and3A_415 {add = true} : memref<6144xf32, #tpu.memory_space<vmem>>[vector<16xi32>], vector<16xf32>, vector<16xi1>
          %add3A_438 = arith.constant 128 : i32
          %add3A_439 = vector.broadcast %add3A_438 : i32 to vector<16xi32>
          %add3A_440 = arith.addi %add3A_435, %add3A_439 : vector<16xi32>
          %gather3A_441 = tpu.vector_load_idx %arg10[%add3A_440] : memref<6144xf32, #tpu.memory_space<vmem>>[vector<16xi32>], vector<16xf32>,
          %add3A_442 = arith.constant 128 : i32
          %add3A_443 = vector.broadcast %add3A_442 : i32 to vector<16xi32>
          %add3A_444 = arith.addi %add3A_425, %add3A_443 : vector<16xi32>
          %mul3A_445 = arith.mulf %gather3A_441, %gather3A_406 : vector<16xf32>
          tpu.vector_store_idx %arg11[%add3A_444], %mul3A_445 masked %and3A_415 {add = true} : memref<6144xf32, #tpu.memory_space<vmem>>[vector<16xi32>], vector<16xf32>, vector<16xi1>
          %add3A_446 = arith.constant 256 : i32
          %add3A_447 = vector.broadcast %add3A_446 : i32 to vector<16xi32>
          %add3A_448 = arith.addi %add3A_435, %add3A_447 : vector<16xi32>
          %gather3A_449 = tpu.vector_load_idx %arg10[%add3A_448] : memref<6144xf32, #tpu.memory_space<vmem>>[vector<16xi32>], vector<16xf32>,
          %add3A_450 = arith.constant 256 : i32
          %add3A_451 = vector.broadcast %add3A_450 : i32 to vector<16xi32>
          %add3A_452 = arith.addi %add3A_425, %add3A_451 : vector<16xi32>
          %mul3A_453 = arith.mulf %gather3A_449, %gather3A_406 : vector<16xf32>
          tpu.vector_store_idx %arg11[%add3A_452], %mul3A_453 masked %and3A_415 {add = true} : memref<6144xf32, #tpu.memory_space<vmem>>[vector<16xi32>], vector<16xf32>, vector<16xi1>
          %scan3A_454 = arith.constant 0 : i32
          %scan3A_455 = arith.constant 5 : i32
          %scan3A_456 = arith.addi %scan3A_169, %scan3A_455 : i32
          %add3A_457 = vector.broadcast %scan3A_456 : i32 to vector<16xi32>
          %add3A_458 = arith.addi %iota3A, %add3A_457 : vector<16xi32>
          %and3A_459 = arith.constant 63 : i32
          %and3A_460 = vector.broadcast %and3A_459 : i32 to vector<16xi32>
          %and3A_461 = arith.andi %add3A_458, %and3A_460 : vector<16xi32>
          %add3A_462 = arith.addi %add3A_161, %and3A_461 : vector<16xi32>
          %gather3A_463 = tpu.vector_load_idx %arg8[%add3A_462] : memref<2048xi32, #tpu.memory_space<vmem>>[vector<16xi32>], vector<16xi32>,
          %gather3A_464 = tpu.vector_load_idx %arg9[%add3A_462] : memref<2048xf32, #tpu.memory_space<vmem>>[vector<16xi32>], vector<16xf32>,
          %sub3A_465 = vector.broadcast %mul3A_2 : i32 to vector<16xi32>
          %sub3A_466 = arith.subi %gather3A_463, %sub3A_465 : vector<16xi32>
          %bitcast3A_467 = vector.bitcast %sub3A_466 : vector<16xi32> to vector<16xi32>
          %lt3A_468 = arith.constant 2048 : i32
          %lt3A_469 = vector.broadcast %lt3A_468 : i32 to vector<16xi32>
          %lt3A_470 = arith.cmpi ult, %bitcast3A_467, %lt3A_469 : vector<16xi32>
          %ge3A_471 = vector.broadcast %add3A_155 : i32 to vector<16xi32>
          %ge3A_472 = arith.cmpi sge, %add3A_462, %ge3A_471 : vector<16xi32>
          %and3A_473 = arith.andi %lt3A_470, %ge3A_472 : vector<16xi1>
          %shift_right_arithmetic3A_474 = arith.constant 7 : i32
          %shift_right_arithmetic3A_475 = vector.broadcast %shift_right_arithmetic3A_474 : i32 to vector<16xi32>
          %shift_right_arithmetic3A_476 = arith.shrsi %sub3A_466, %shift_right_arithmetic3A_475 : vector<16xi32>
          %mul3A_477 = arith.constant 384 : i32
          %mul3A_478 = vector.broadcast %mul3A_477 : i32 to vector<16xi32>
          %mul3A_479 = arith.muli %shift_right_arithmetic3A_476, %mul3A_478 : vector<16xi32>
          %and3A_480 = arith.constant 127 : i32
          %and3A_481 = vector.broadcast %and3A_480 : i32 to vector<16xi32>
          %and3A_482 = arith.andi %sub3A_466, %and3A_481 : vector<16xi32>
          %add3A_483 = arith.addi %mul3A_479, %and3A_482 : vector<16xi32>
          %shift_right_arithmetic3A_484 = arith.constant 7 : i32
          %shift_right_arithmetic3A_485 = vector.broadcast %shift_right_arithmetic3A_484 : i32 to vector<16xi32>
          %shift_right_arithmetic3A_486 = arith.shrsi %add3A_462, %shift_right_arithmetic3A_485 : vector<16xi32>
          %mul3A_487 = arith.constant 384 : i32
          %mul3A_488 = vector.broadcast %mul3A_487 : i32 to vector<16xi32>
          %mul3A_489 = arith.muli %shift_right_arithmetic3A_486, %mul3A_488 : vector<16xi32>
          %and3A_490 = arith.constant 127 : i32
          %and3A_491 = vector.broadcast %and3A_490 : i32 to vector<16xi32>
          %and3A_492 = arith.andi %add3A_462, %and3A_491 : vector<16xi32>
          %add3A_493 = arith.addi %mul3A_489, %and3A_492 : vector<16xi32>
          %gather3A_494 = tpu.vector_load_idx %arg10[%add3A_493] : memref<6144xf32, #tpu.memory_space<vmem>>[vector<16xi32>], vector<16xf32>,
          %mul3A_495 = arith.mulf %gather3A_494, %gather3A_464 : vector<16xf32>
          tpu.vector_store_idx %arg11[%add3A_483], %mul3A_495 masked %and3A_473 {add = true} : memref<6144xf32, #tpu.memory_space<vmem>>[vector<16xi32>], vector<16xf32>, vector<16xi1>
          %add3A_496 = arith.constant 128 : i32
          %add3A_497 = vector.broadcast %add3A_496 : i32 to vector<16xi32>
          %add3A_498 = arith.addi %add3A_493, %add3A_497 : vector<16xi32>
          %gather3A_499 = tpu.vector_load_idx %arg10[%add3A_498] : memref<6144xf32, #tpu.memory_space<vmem>>[vector<16xi32>], vector<16xf32>,
          %add3A_500 = arith.constant 128 : i32
          %add3A_501 = vector.broadcast %add3A_500 : i32 to vector<16xi32>
          %add3A_502 = arith.addi %add3A_483, %add3A_501 : vector<16xi32>
          %mul3A_503 = arith.mulf %gather3A_499, %gather3A_464 : vector<16xf32>
          tpu.vector_store_idx %arg11[%add3A_502], %mul3A_503 masked %and3A_473 {add = true} : memref<6144xf32, #tpu.memory_space<vmem>>[vector<16xi32>], vector<16xf32>, vector<16xi1>
          %add3A_504 = arith.constant 256 : i32
          %add3A_505 = vector.broadcast %add3A_504 : i32 to vector<16xi32>
          %add3A_506 = arith.addi %add3A_493, %add3A_505 : vector<16xi32>
          %gather3A_507 = tpu.vector_load_idx %arg10[%add3A_506] : memref<6144xf32, #tpu.memory_space<vmem>>[vector<16xi32>], vector<16xf32>,
          %add3A_508 = arith.constant 256 : i32
          %add3A_509 = vector.broadcast %add3A_508 : i32 to vector<16xi32>
          %add3A_510 = arith.addi %add3A_483, %add3A_509 : vector<16xi32>
          %mul3A_511 = arith.mulf %gather3A_507, %gather3A_464 : vector<16xf32>
          tpu.vector_store_idx %arg11[%add3A_510], %mul3A_511 masked %and3A_473 {add = true} : memref<6144xf32, #tpu.memory_space<vmem>>[vector<16xi32>], vector<16xf32>, vector<16xi1>
          %scan3A_512 = arith.constant 0 : i32
          %scan3A_513 = arith.constant 6 : i32
          %scan3A_514 = arith.addi %scan3A_169, %scan3A_513 : i32
          %add3A_515 = vector.broadcast %scan3A_514 : i32 to vector<16xi32>
          %add3A_516 = arith.addi %iota3A, %add3A_515 : vector<16xi32>
          %and3A_517 = arith.constant 63 : i32
          %and3A_518 = vector.broadcast %and3A_517 : i32 to vector<16xi32>
          %and3A_519 = arith.andi %add3A_516, %and3A_518 : vector<16xi32>
          %add3A_520 = arith.addi %add3A_161, %and3A_519 : vector<16xi32>
          %gather3A_521 = tpu.vector_load_idx %arg8[%add3A_520] : memref<2048xi32, #tpu.memory_space<vmem>>[vector<16xi32>], vector<16xi32>,
          %gather3A_522 = tpu.vector_load_idx %arg9[%add3A_520] : memref<2048xf32, #tpu.memory_space<vmem>>[vector<16xi32>], vector<16xf32>,
          %sub3A_523 = vector.broadcast %mul3A_2 : i32 to vector<16xi32>
          %sub3A_524 = arith.subi %gather3A_521, %sub3A_523 : vector<16xi32>
          %bitcast3A_525 = vector.bitcast %sub3A_524 : vector<16xi32> to vector<16xi32>
          %lt3A_526 = arith.constant 2048 : i32
          %lt3A_527 = vector.broadcast %lt3A_526 : i32 to vector<16xi32>
          %lt3A_528 = arith.cmpi ult, %bitcast3A_525, %lt3A_527 : vector<16xi32>
          %ge3A_529 = vector.broadcast %add3A_155 : i32 to vector<16xi32>
          %ge3A_530 = arith.cmpi sge, %add3A_520, %ge3A_529 : vector<16xi32>
          %and3A_531 = arith.andi %lt3A_528, %ge3A_530 : vector<16xi1>
          %shift_right_arithmetic3A_532 = arith.constant 7 : i32
          %shift_right_arithmetic3A_533 = vector.broadcast %shift_right_arithmetic3A_532 : i32 to vector<16xi32>
          %shift_right_arithmetic3A_534 = arith.shrsi %sub3A_524, %shift_right_arithmetic3A_533 : vector<16xi32>
          %mul3A_535 = arith.constant 384 : i32
          %mul3A_536 = vector.broadcast %mul3A_535 : i32 to vector<16xi32>
          %mul3A_537 = arith.muli %shift_right_arithmetic3A_534, %mul3A_536 : vector<16xi32>
          %and3A_538 = arith.constant 127 : i32
          %and3A_539 = vector.broadcast %and3A_538 : i32 to vector<16xi32>
          %and3A_540 = arith.andi %sub3A_524, %and3A_539 : vector<16xi32>
          %add3A_541 = arith.addi %mul3A_537, %and3A_540 : vector<16xi32>
          %shift_right_arithmetic3A_542 = arith.constant 7 : i32
          %shift_right_arithmetic3A_543 = vector.broadcast %shift_right_arithmetic3A_542 : i32 to vector<16xi32>
          %shift_right_arithmetic3A_544 = arith.shrsi %add3A_520, %shift_right_arithmetic3A_543 : vector<16xi32>
          %mul3A_545 = arith.constant 384 : i32
          %mul3A_546 = vector.broadcast %mul3A_545 : i32 to vector<16xi32>
          %mul3A_547 = arith.muli %shift_right_arithmetic3A_544, %mul3A_546 : vector<16xi32>
          %and3A_548 = arith.constant 127 : i32
          %and3A_549 = vector.broadcast %and3A_548 : i32 to vector<16xi32>
          %and3A_550 = arith.andi %add3A_520, %and3A_549 : vector<16xi32>
          %add3A_551 = arith.addi %mul3A_547, %and3A_550 : vector<16xi32>
          %gather3A_552 = tpu.vector_load_idx %arg10[%add3A_551] : memref<6144xf32, #tpu.memory_space<vmem>>[vector<16xi32>], vector<16xf32>,
          %mul3A_553 = arith.mulf %gather3A_552, %gather3A_522 : vector<16xf32>
          tpu.vector_store_idx %arg11[%add3A_541], %mul3A_553 masked %and3A_531 {add = true} : memref<6144xf32, #tpu.memory_space<vmem>>[vector<16xi32>], vector<16xf32>, vector<16xi1>
          %add3A_554 = arith.constant 128 : i32
          %add3A_555 = vector.broadcast %add3A_554 : i32 to vector<16xi32>
          %add3A_556 = arith.addi %add3A_551, %add3A_555 : vector<16xi32>
          %gather3A_557 = tpu.vector_load_idx %arg10[%add3A_556] : memref<6144xf32, #tpu.memory_space<vmem>>[vector<16xi32>], vector<16xf32>,
          %add3A_558 = arith.constant 128 : i32
          %add3A_559 = vector.broadcast %add3A_558 : i32 to vector<16xi32>
          %add3A_560 = arith.addi %add3A_541, %add3A_559 : vector<16xi32>
          %mul3A_561 = arith.mulf %gather3A_557, %gather3A_522 : vector<16xf32>
          tpu.vector_store_idx %arg11[%add3A_560], %mul3A_561 masked %and3A_531 {add = true} : memref<6144xf32, #tpu.memory_space<vmem>>[vector<16xi32>], vector<16xf32>, vector<16xi1>
          %add3A_562 = arith.constant 256 : i32
          %add3A_563 = vector.broadcast %add3A_562 : i32 to vector<16xi32>
          %add3A_564 = arith.addi %add3A_551, %add3A_563 : vector<16xi32>
          %gather3A_565 = tpu.vector_load_idx %arg10[%add3A_564] : memref<6144xf32, #tpu.memory_space<vmem>>[vector<16xi32>], vector<16xf32>,
          %add3A_566 = arith.constant 256 : i32
          %add3A_567 = vector.broadcast %add3A_566 : i32 to vector<16xi32>
          %add3A_568 = arith.addi %add3A_541, %add3A_567 : vector<16xi32>
          %mul3A_569 = arith.mulf %gather3A_565, %gather3A_522 : vector<16xf32>
          tpu.vector_store_idx %arg11[%add3A_568], %mul3A_569 masked %and3A_531 {add = true} : memref<6144xf32, #tpu.memory_space<vmem>>[vector<16xi32>], vector<16xf32>, vector<16xi1>
          %scan3A_570 = arith.constant 0 : i32
          %scan3A_571 = arith.constant 7 : i32
          %scan3A_572 = arith.addi %scan3A_169, %scan3A_571 : i32
          %add3A_573 = vector.broadcast %scan3A_572 : i32 to vector<16xi32>
          %add3A_574 = arith.addi %iota3A, %add3A_573 : vector<16xi32>
          %and3A_575 = arith.constant 63 : i32
          %and3A_576 = vector.broadcast %and3A_575 : i32 to vector<16xi32>
          %and3A_577 = arith.andi %add3A_574, %and3A_576 : vector<16xi32>
          %add3A_578 = arith.addi %add3A_161, %and3A_577 : vector<16xi32>
          %gather3A_579 = tpu.vector_load_idx %arg8[%add3A_578] : memref<2048xi32, #tpu.memory_space<vmem>>[vector<16xi32>], vector<16xi32>,
          %gather3A_580 = tpu.vector_load_idx %arg9[%add3A_578] : memref<2048xf32, #tpu.memory_space<vmem>>[vector<16xi32>], vector<16xf32>,
          %sub3A_581 = vector.broadcast %mul3A_2 : i32 to vector<16xi32>
          %sub3A_582 = arith.subi %gather3A_579, %sub3A_581 : vector<16xi32>
          %bitcast3A_583 = vector.bitcast %sub3A_582 : vector<16xi32> to vector<16xi32>
          %lt3A_584 = arith.constant 2048 : i32
          %lt3A_585 = vector.broadcast %lt3A_584 : i32 to vector<16xi32>
          %lt3A_586 = arith.cmpi ult, %bitcast3A_583, %lt3A_585 : vector<16xi32>
          %ge3A_587 = vector.broadcast %add3A_155 : i32 to vector<16xi32>
          %ge3A_588 = arith.cmpi sge, %add3A_578, %ge3A_587 : vector<16xi32>
          %and3A_589 = arith.andi %lt3A_586, %ge3A_588 : vector<16xi1>
          %shift_right_arithmetic3A_590 = arith.constant 7 : i32
          %shift_right_arithmetic3A_591 = vector.broadcast %shift_right_arithmetic3A_590 : i32 to vector<16xi32>
          %shift_right_arithmetic3A_592 = arith.shrsi %sub3A_582, %shift_right_arithmetic3A_591 : vector<16xi32>
          %mul3A_593 = arith.constant 384 : i32
          %mul3A_594 = vector.broadcast %mul3A_593 : i32 to vector<16xi32>
          %mul3A_595 = arith.muli %shift_right_arithmetic3A_592, %mul3A_594 : vector<16xi32>
          %and3A_596 = arith.constant 127 : i32
          %and3A_597 = vector.broadcast %and3A_596 : i32 to vector<16xi32>
          %and3A_598 = arith.andi %sub3A_582, %and3A_597 : vector<16xi32>
          %add3A_599 = arith.addi %mul3A_595, %and3A_598 : vector<16xi32>
          %shift_right_arithmetic3A_600 = arith.constant 7 : i32
          %shift_right_arithmetic3A_601 = vector.broadcast %shift_right_arithmetic3A_600 : i32 to vector<16xi32>
          %shift_right_arithmetic3A_602 = arith.shrsi %add3A_578, %shift_right_arithmetic3A_601 : vector<16xi32>
          %mul3A_603 = arith.constant 384 : i32
          %mul3A_604 = vector.broadcast %mul3A_603 : i32 to vector<16xi32>
          %mul3A_605 = arith.muli %shift_right_arithmetic3A_602, %mul3A_604 : vector<16xi32>
          %and3A_606 = arith.constant 127 : i32
          %and3A_607 = vector.broadcast %and3A_606 : i32 to vector<16xi32>
          %and3A_608 = arith.andi %add3A_578, %and3A_607 : vector<16xi32>
          %add3A_609 = arith.addi %mul3A_605, %and3A_608 : vector<16xi32>
          %gather3A_610 = tpu.vector_load_idx %arg10[%add3A_609] : memref<6144xf32, #tpu.memory_space<vmem>>[vector<16xi32>], vector<16xf32>,
          %mul3A_611 = arith.mulf %gather3A_610, %gather3A_580 : vector<16xf32>
          tpu.vector_store_idx %arg11[%add3A_599], %mul3A_611 masked %and3A_589 {add = true} : memref<6144xf32, #tpu.memory_space<vmem>>[vector<16xi32>], vector<16xf32>, vector<16xi1>
          %add3A_612 = arith.constant 128 : i32
          %add3A_613 = vector.broadcast %add3A_612 : i32 to vector<16xi32>
          %add3A_614 = arith.addi %add3A_609, %add3A_613 : vector<16xi32>
          %gather3A_615 = tpu.vector_load_idx %arg10[%add3A_614] : memref<6144xf32, #tpu.memory_space<vmem>>[vector<16xi32>], vector<16xf32>,
          %add3A_616 = arith.constant 128 : i32
          %add3A_617 = vector.broadcast %add3A_616 : i32 to vector<16xi32>
          %add3A_618 = arith.addi %add3A_599, %add3A_617 : vector<16xi32>
          %mul3A_619 = arith.mulf %gather3A_615, %gather3A_580 : vector<16xf32>
          tpu.vector_store_idx %arg11[%add3A_618], %mul3A_619 masked %and3A_589 {add = true} : memref<6144xf32, #tpu.memory_space<vmem>>[vector<16xi32>], vector<16xf32>, vector<16xi1>
          %add3A_620 = arith.constant 256 : i32
          %add3A_621 = vector.broadcast %add3A_620 : i32 to vector<16xi32>
          %add3A_622 = arith.addi %add3A_609, %add3A_621 : vector<16xi32>
          %gather3A_623 = tpu.vector_load_idx %arg10[%add3A_622] : memref<6144xf32, #tpu.memory_space<vmem>>[vector<16xi32>], vector<16xf32>,
          %add3A_624 = arith.constant 256 : i32
          %add3A_625 = vector.broadcast %add3A_624 : i32 to vector<16xi32>
          %add3A_626 = arith.addi %add3A_599, %add3A_625 : vector<16xi32>
          %mul3A_627 = arith.mulf %gather3A_623, %gather3A_580 : vector<16xf32>
          tpu.vector_store_idx %arg11[%add3A_626], %mul3A_627 masked %and3A_589 {add = true} : memref<6144xf32, #tpu.memory_space<vmem>>[vector<16xi32>], vector<16xf32>, vector<16xi1>
          %scan3A_628 = arith.constant 0 : i32
          %scan3A_629 = arith.constant 8 : i32
          %scan3A_630 = arith.addi %scan3A_169, %scan3A_629 : i32
          %add3A_631 = vector.broadcast %scan3A_630 : i32 to vector<16xi32>
          %add3A_632 = arith.addi %iota3A, %add3A_631 : vector<16xi32>
          %and3A_633 = arith.constant 63 : i32
          %and3A_634 = vector.broadcast %and3A_633 : i32 to vector<16xi32>
          %and3A_635 = arith.andi %add3A_632, %and3A_634 : vector<16xi32>
          %add3A_636 = arith.addi %add3A_161, %and3A_635 : vector<16xi32>
          %gather3A_637 = tpu.vector_load_idx %arg8[%add3A_636] : memref<2048xi32, #tpu.memory_space<vmem>>[vector<16xi32>], vector<16xi32>,
          %gather3A_638 = tpu.vector_load_idx %arg9[%add3A_636] : memref<2048xf32, #tpu.memory_space<vmem>>[vector<16xi32>], vector<16xf32>,
          %sub3A_639 = vector.broadcast %mul3A_2 : i32 to vector<16xi32>
          %sub3A_640 = arith.subi %gather3A_637, %sub3A_639 : vector<16xi32>
          %bitcast3A_641 = vector.bitcast %sub3A_640 : vector<16xi32> to vector<16xi32>
          %lt3A_642 = arith.constant 2048 : i32
          %lt3A_643 = vector.broadcast %lt3A_642 : i32 to vector<16xi32>
          %lt3A_644 = arith.cmpi ult, %bitcast3A_641, %lt3A_643 : vector<16xi32>
          %ge3A_645 = vector.broadcast %add3A_155 : i32 to vector<16xi32>
          %ge3A_646 = arith.cmpi sge, %add3A_636, %ge3A_645 : vector<16xi32>
          %and3A_647 = arith.andi %lt3A_644, %ge3A_646 : vector<16xi1>
          %shift_right_arithmetic3A_648 = arith.constant 7 : i32
          %shift_right_arithmetic3A_649 = vector.broadcast %shift_right_arithmetic3A_648 : i32 to vector<16xi32>
          %shift_right_arithmetic3A_650 = arith.shrsi %sub3A_640, %shift_right_arithmetic3A_649 : vector<16xi32>
          %mul3A_651 = arith.constant 384 : i32
          %mul3A_652 = vector.broadcast %mul3A_651 : i32 to vector<16xi32>
          %mul3A_653 = arith.muli %shift_right_arithmetic3A_650, %mul3A_652 : vector<16xi32>
          %and3A_654 = arith.constant 127 : i32
          %and3A_655 = vector.broadcast %and3A_654 : i32 to vector<16xi32>
          %and3A_656 = arith.andi %sub3A_640, %and3A_655 : vector<16xi32>
          %add3A_657 = arith.addi %mul3A_653, %and3A_656 : vector<16xi32>
          %shift_right_arithmetic3A_658 = arith.constant 7 : i32
          %shift_right_arithmetic3A_659 = vector.broadcast %shift_right_arithmetic3A_658 : i32 to vector<16xi32>
          %shift_right_arithmetic3A_660 = arith.shrsi %add3A_636, %shift_right_arithmetic3A_659 : vector<16xi32>
          %mul3A_661 = arith.constant 384 : i32
          %mul3A_662 = vector.broadcast %mul3A_661 : i32 to vector<16xi32>
          %mul3A_663 = arith.muli %shift_right_arithmetic3A_660, %mul3A_662 : vector<16xi32>
          %and3A_664 = arith.constant 127 : i32
          %and3A_665 = vector.broadcast %and3A_664 : i32 to vector<16xi32>
          %and3A_666 = arith.andi %add3A_636, %and3A_665 : vector<16xi32>
          %add3A_667 = arith.addi %mul3A_663, %and3A_666 : vector<16xi32>
          %gather3A_668 = tpu.vector_load_idx %arg10[%add3A_667] : memref<6144xf32, #tpu.memory_space<vmem>>[vector<16xi32>], vector<16xf32>,
          %mul3A_669 = arith.mulf %gather3A_668, %gather3A_638 : vector<16xf32>
          tpu.vector_store_idx %arg11[%add3A_657], %mul3A_669 masked %and3A_647 {add = true} : memref<6144xf32, #tpu.memory_space<vmem>>[vector<16xi32>], vector<16xf32>, vector<16xi1>
          %add3A_670 = arith.constant 128 : i32
          %add3A_671 = vector.broadcast %add3A_670 : i32 to vector<16xi32>
          %add3A_672 = arith.addi %add3A_667, %add3A_671 : vector<16xi32>
          %gather3A_673 = tpu.vector_load_idx %arg10[%add3A_672] : memref<6144xf32, #tpu.memory_space<vmem>>[vector<16xi32>], vector<16xf32>,
          %add3A_674 = arith.constant 128 : i32
          %add3A_675 = vector.broadcast %add3A_674 : i32 to vector<16xi32>
          %add3A_676 = arith.addi %add3A_657, %add3A_675 : vector<16xi32>
          %mul3A_677 = arith.mulf %gather3A_673, %gather3A_638 : vector<16xf32>
          tpu.vector_store_idx %arg11[%add3A_676], %mul3A_677 masked %and3A_647 {add = true} : memref<6144xf32, #tpu.memory_space<vmem>>[vector<16xi32>], vector<16xf32>, vector<16xi1>
          %add3A_678 = arith.constant 256 : i32
          %add3A_679 = vector.broadcast %add3A_678 : i32 to vector<16xi32>
          %add3A_680 = arith.addi %add3A_667, %add3A_679 : vector<16xi32>
          %gather3A_681 = tpu.vector_load_idx %arg10[%add3A_680] : memref<6144xf32, #tpu.memory_space<vmem>>[vector<16xi32>], vector<16xf32>,
          %add3A_682 = arith.constant 256 : i32
          %add3A_683 = vector.broadcast %add3A_682 : i32 to vector<16xi32>
          %add3A_684 = arith.addi %add3A_657, %add3A_683 : vector<16xi32>
          %mul3A_685 = arith.mulf %gather3A_681, %gather3A_638 : vector<16xf32>
          tpu.vector_store_idx %arg11[%add3A_684], %mul3A_685 masked %and3A_647 {add = true} : memref<6144xf32, #tpu.memory_space<vmem>>[vector<16xi32>], vector<16xf32>, vector<16xi1>
          %scan3A_686 = arith.constant 0 : i32
          %scan3A_687 = arith.constant 9 : i32
          %scan3A_688 = arith.addi %scan3A_169, %scan3A_687 : i32
          %add3A_689 = vector.broadcast %scan3A_688 : i32 to vector<16xi32>
          %add3A_690 = arith.addi %iota3A, %add3A_689 : vector<16xi32>
          %and3A_691 = arith.constant 63 : i32
          %and3A_692 = vector.broadcast %and3A_691 : i32 to vector<16xi32>
          %and3A_693 = arith.andi %add3A_690, %and3A_692 : vector<16xi32>
          %add3A_694 = arith.addi %add3A_161, %and3A_693 : vector<16xi32>
          %gather3A_695 = tpu.vector_load_idx %arg8[%add3A_694] : memref<2048xi32, #tpu.memory_space<vmem>>[vector<16xi32>], vector<16xi32>,
          %gather3A_696 = tpu.vector_load_idx %arg9[%add3A_694] : memref<2048xf32, #tpu.memory_space<vmem>>[vector<16xi32>], vector<16xf32>,
          %sub3A_697 = vector.broadcast %mul3A_2 : i32 to vector<16xi32>
          %sub3A_698 = arith.subi %gather3A_695, %sub3A_697 : vector<16xi32>
          %bitcast3A_699 = vector.bitcast %sub3A_698 : vector<16xi32> to vector<16xi32>
          %lt3A_700 = arith.constant 2048 : i32
          %lt3A_701 = vector.broadcast %lt3A_700 : i32 to vector<16xi32>
          %lt3A_702 = arith.cmpi ult, %bitcast3A_699, %lt3A_701 : vector<16xi32>
          %ge3A_703 = vector.broadcast %add3A_155 : i32 to vector<16xi32>
          %ge3A_704 = arith.cmpi sge, %add3A_694, %ge3A_703 : vector<16xi32>
          %and3A_705 = arith.andi %lt3A_702, %ge3A_704 : vector<16xi1>
          %shift_right_arithmetic3A_706 = arith.constant 7 : i32
          %shift_right_arithmetic3A_707 = vector.broadcast %shift_right_arithmetic3A_706 : i32 to vector<16xi32>
          %shift_right_arithmetic3A_708 = arith.shrsi %sub3A_698, %shift_right_arithmetic3A_707 : vector<16xi32>
          %mul3A_709 = arith.constant 384 : i32
          %mul3A_710 = vector.broadcast %mul3A_709 : i32 to vector<16xi32>
          %mul3A_711 = arith.muli %shift_right_arithmetic3A_708, %mul3A_710 : vector<16xi32>
          %and3A_712 = arith.constant 127 : i32
          %and3A_713 = vector.broadcast %and3A_712 : i32 to vector<16xi32>
          %and3A_714 = arith.andi %sub3A_698, %and3A_713 : vector<16xi32>
          %add3A_715 = arith.addi %mul3A_711, %and3A_714 : vector<16xi32>
          %shift_right_arithmetic3A_716 = arith.constant 7 : i32
          %shift_right_arithmetic3A_717 = vector.broadcast %shift_right_arithmetic3A_716 : i32 to vector<16xi32>
          %shift_right_arithmetic3A_718 = arith.shrsi %add3A_694, %shift_right_arithmetic3A_717 : vector<16xi32>
          %mul3A_719 = arith.constant 384 : i32
          %mul3A_720 = vector.broadcast %mul3A_719 : i32 to vector<16xi32>
          %mul3A_721 = arith.muli %shift_right_arithmetic3A_718, %mul3A_720 : vector<16xi32>
          %and3A_722 = arith.constant 127 : i32
          %and3A_723 = vector.broadcast %and3A_722 : i32 to vector<16xi32>
          %and3A_724 = arith.andi %add3A_694, %and3A_723 : vector<16xi32>
          %add3A_725 = arith.addi %mul3A_721, %and3A_724 : vector<16xi32>
          %gather3A_726 = tpu.vector_load_idx %arg10[%add3A_725] : memref<6144xf32, #tpu.memory_space<vmem>>[vector<16xi32>], vector<16xf32>,
          %mul3A_727 = arith.mulf %gather3A_726, %gather3A_696 : vector<16xf32>
          tpu.vector_store_idx %arg11[%add3A_715], %mul3A_727 masked %and3A_705 {add = true} : memref<6144xf32, #tpu.memory_space<vmem>>[vector<16xi32>], vector<16xf32>, vector<16xi1>
          %add3A_728 = arith.constant 128 : i32
          %add3A_729 = vector.broadcast %add3A_728 : i32 to vector<16xi32>
          %add3A_730 = arith.addi %add3A_725, %add3A_729 : vector<16xi32>
          %gather3A_731 = tpu.vector_load_idx %arg10[%add3A_730] : memref<6144xf32, #tpu.memory_space<vmem>>[vector<16xi32>], vector<16xf32>,
          %add3A_732 = arith.constant 128 : i32
          %add3A_733 = vector.broadcast %add3A_732 : i32 to vector<16xi32>
          %add3A_734 = arith.addi %add3A_715, %add3A_733 : vector<16xi32>
          %mul3A_735 = arith.mulf %gather3A_731, %gather3A_696 : vector<16xf32>
          tpu.vector_store_idx %arg11[%add3A_734], %mul3A_735 masked %and3A_705 {add = true} : memref<6144xf32, #tpu.memory_space<vmem>>[vector<16xi32>], vector<16xf32>, vector<16xi1>
          %add3A_736 = arith.constant 256 : i32
          %add3A_737 = vector.broadcast %add3A_736 : i32 to vector<16xi32>
          %add3A_738 = arith.addi %add3A_725, %add3A_737 : vector<16xi32>
          %gather3A_739 = tpu.vector_load_idx %arg10[%add3A_738] : memref<6144xf32, #tpu.memory_space<vmem>>[vector<16xi32>], vector<16xf32>,
          %add3A_740 = arith.constant 256 : i32
          %add3A_741 = vector.broadcast %add3A_740 : i32 to vector<16xi32>
          %add3A_742 = arith.addi %add3A_715, %add3A_741 : vector<16xi32>
          %mul3A_743 = arith.mulf %gather3A_739, %gather3A_696 : vector<16xf32>
          tpu.vector_store_idx %arg11[%add3A_742], %mul3A_743 masked %and3A_705 {add = true} : memref<6144xf32, #tpu.memory_space<vmem>>[vector<16xi32>], vector<16xf32>, vector<16xi1>
          %scan3A_744 = arith.constant 0 : i32
          %scan3A_745 = arith.constant 10 : i32
          %scan3A_746 = arith.addi %scan3A_169, %scan3A_745 : i32
          %add3A_747 = vector.broadcast %scan3A_746 : i32 to vector<16xi32>
          %add3A_748 = arith.addi %iota3A, %add3A_747 : vector<16xi32>
          %and3A_749 = arith.constant 63 : i32
          %and3A_750 = vector.broadcast %and3A_749 : i32 to vector<16xi32>
          %and3A_751 = arith.andi %add3A_748, %and3A_750 : vector<16xi32>
          %add3A_752 = arith.addi %add3A_161, %and3A_751 : vector<16xi32>
          %gather3A_753 = tpu.vector_load_idx %arg8[%add3A_752] : memref<2048xi32, #tpu.memory_space<vmem>>[vector<16xi32>], vector<16xi32>,
          %gather3A_754 = tpu.vector_load_idx %arg9[%add3A_752] : memref<2048xf32, #tpu.memory_space<vmem>>[vector<16xi32>], vector<16xf32>,
          %sub3A_755 = vector.broadcast %mul3A_2 : i32 to vector<16xi32>
          %sub3A_756 = arith.subi %gather3A_753, %sub3A_755 : vector<16xi32>
          %bitcast3A_757 = vector.bitcast %sub3A_756 : vector<16xi32> to vector<16xi32>
          %lt3A_758 = arith.constant 2048 : i32
          %lt3A_759 = vector.broadcast %lt3A_758 : i32 to vector<16xi32>
          %lt3A_760 = arith.cmpi ult, %bitcast3A_757, %lt3A_759 : vector<16xi32>
          %ge3A_761 = vector.broadcast %add3A_155 : i32 to vector<16xi32>
          %ge3A_762 = arith.cmpi sge, %add3A_752, %ge3A_761 : vector<16xi32>
          %and3A_763 = arith.andi %lt3A_760, %ge3A_762 : vector<16xi1>
          %shift_right_arithmetic3A_764 = arith.constant 7 : i32
          %shift_right_arithmetic3A_765 = vector.broadcast %shift_right_arithmetic3A_764 : i32 to vector<16xi32>
          %shift_right_arithmetic3A_766 = arith.shrsi %sub3A_756, %shift_right_arithmetic3A_765 : vector<16xi32>
          %mul3A_767 = arith.constant 384 : i32
          %mul3A_768 = vector.broadcast %mul3A_767 : i32 to vector<16xi32>
          %mul3A_769 = arith.muli %shift_right_arithmetic3A_766, %mul3A_768 : vector<16xi32>
          %and3A_770 = arith.constant 127 : i32
          %and3A_771 = vector.broadcast %and3A_770 : i32 to vector<16xi32>
          %and3A_772 = arith.andi %sub3A_756, %and3A_771 : vector<16xi32>
          %add3A_773 = arith.addi %mul3A_769, %and3A_772 : vector<16xi32>
          %shift_right_arithmetic3A_774 = arith.constant 7 : i32
          %shift_right_arithmetic3A_775 = vector.broadcast %shift_right_arithmetic3A_774 : i32 to vector<16xi32>
          %shift_right_arithmetic3A_776 = arith.shrsi %add3A_752, %shift_right_arithmetic3A_775 : vector<16xi32>
          %mul3A_777 = arith.constant 384 : i32
          %mul3A_778 = vector.broadcast %mul3A_777 : i32 to vector<16xi32>
          %mul3A_779 = arith.muli %shift_right_arithmetic3A_776, %mul3A_778 : vector<16xi32>
          %and3A_780 = arith.constant 127 : i32
          %and3A_781 = vector.broadcast %and3A_780 : i32 to vector<16xi32>
          %and3A_782 = arith.andi %add3A_752, %and3A_781 : vector<16xi32>
          %add3A_783 = arith.addi %mul3A_779, %and3A_782 : vector<16xi32>
          %gather3A_784 = tpu.vector_load_idx %arg10[%add3A_783] : memref<6144xf32, #tpu.memory_space<vmem>>[vector<16xi32>], vector<16xf32>,
          %mul3A_785 = arith.mulf %gather3A_784, %gather3A_754 : vector<16xf32>
          tpu.vector_store_idx %arg11[%add3A_773], %mul3A_785 masked %and3A_763 {add = true} : memref<6144xf32, #tpu.memory_space<vmem>>[vector<16xi32>], vector<16xf32>, vector<16xi1>
          %add3A_786 = arith.constant 128 : i32
          %add3A_787 = vector.broadcast %add3A_786 : i32 to vector<16xi32>
          %add3A_788 = arith.addi %add3A_783, %add3A_787 : vector<16xi32>
          %gather3A_789 = tpu.vector_load_idx %arg10[%add3A_788] : memref<6144xf32, #tpu.memory_space<vmem>>[vector<16xi32>], vector<16xf32>,
          %add3A_790 = arith.constant 128 : i32
          %add3A_791 = vector.broadcast %add3A_790 : i32 to vector<16xi32>
          %add3A_792 = arith.addi %add3A_773, %add3A_791 : vector<16xi32>
          %mul3A_793 = arith.mulf %gather3A_789, %gather3A_754 : vector<16xf32>
          tpu.vector_store_idx %arg11[%add3A_792], %mul3A_793 masked %and3A_763 {add = true} : memref<6144xf32, #tpu.memory_space<vmem>>[vector<16xi32>], vector<16xf32>, vector<16xi1>
          %add3A_794 = arith.constant 256 : i32
          %add3A_795 = vector.broadcast %add3A_794 : i32 to vector<16xi32>
          %add3A_796 = arith.addi %add3A_783, %add3A_795 : vector<16xi32>
          %gather3A_797 = tpu.vector_load_idx %arg10[%add3A_796] : memref<6144xf32, #tpu.memory_space<vmem>>[vector<16xi32>], vector<16xf32>,
          %add3A_798 = arith.constant 256 : i32
          %add3A_799 = vector.broadcast %add3A_798 : i32 to vector<16xi32>
          %add3A_800 = arith.addi %add3A_773, %add3A_799 : vector<16xi32>
          %mul3A_801 = arith.mulf %gather3A_797, %gather3A_754 : vector<16xf32>
          tpu.vector_store_idx %arg11[%add3A_800], %mul3A_801 masked %and3A_763 {add = true} : memref<6144xf32, #tpu.memory_space<vmem>>[vector<16xi32>], vector<16xf32>, vector<16xi1>
          %scan3A_802 = arith.constant 0 : i32
          %scan3A_803 = arith.constant 11 : i32
          %scan3A_804 = arith.addi %scan3A_169, %scan3A_803 : i32
          %add3A_805 = vector.broadcast %scan3A_804 : i32 to vector<16xi32>
          %add3A_806 = arith.addi %iota3A, %add3A_805 : vector<16xi32>
          %and3A_807 = arith.constant 63 : i32
          %and3A_808 = vector.broadcast %and3A_807 : i32 to vector<16xi32>
          %and3A_809 = arith.andi %add3A_806, %and3A_808 : vector<16xi32>
          %add3A_810 = arith.addi %add3A_161, %and3A_809 : vector<16xi32>
          %gather3A_811 = tpu.vector_load_idx %arg8[%add3A_810] : memref<2048xi32, #tpu.memory_space<vmem>>[vector<16xi32>], vector<16xi32>,
          %gather3A_812 = tpu.vector_load_idx %arg9[%add3A_810] : memref<2048xf32, #tpu.memory_space<vmem>>[vector<16xi32>], vector<16xf32>,
          %sub3A_813 = vector.broadcast %mul3A_2 : i32 to vector<16xi32>
          %sub3A_814 = arith.subi %gather3A_811, %sub3A_813 : vector<16xi32>
          %bitcast3A_815 = vector.bitcast %sub3A_814 : vector<16xi32> to vector<16xi32>
          %lt3A_816 = arith.constant 2048 : i32
          %lt3A_817 = vector.broadcast %lt3A_816 : i32 to vector<16xi32>
          %lt3A_818 = arith.cmpi ult, %bitcast3A_815, %lt3A_817 : vector<16xi32>
          %ge3A_819 = vector.broadcast %add3A_155 : i32 to vector<16xi32>
          %ge3A_820 = arith.cmpi sge, %add3A_810, %ge3A_819 : vector<16xi32>
          %and3A_821 = arith.andi %lt3A_818, %ge3A_820 : vector<16xi1>
          %shift_right_arithmetic3A_822 = arith.constant 7 : i32
          %shift_right_arithmetic3A_823 = vector.broadcast %shift_right_arithmetic3A_822 : i32 to vector<16xi32>
          %shift_right_arithmetic3A_824 = arith.shrsi %sub3A_814, %shift_right_arithmetic3A_823 : vector<16xi32>
          %mul3A_825 = arith.constant 384 : i32
          %mul3A_826 = vector.broadcast %mul3A_825 : i32 to vector<16xi32>
          %mul3A_827 = arith.muli %shift_right_arithmetic3A_824, %mul3A_826 : vector<16xi32>
          %and3A_828 = arith.constant 127 : i32
          %and3A_829 = vector.broadcast %and3A_828 : i32 to vector<16xi32>
          %and3A_830 = arith.andi %sub3A_814, %and3A_829 : vector<16xi32>
          %add3A_831 = arith.addi %mul3A_827, %and3A_830 : vector<16xi32>
          %shift_right_arithmetic3A_832 = arith.constant 7 : i32
          %shift_right_arithmetic3A_833 = vector.broadcast %shift_right_arithmetic3A_832 : i32 to vector<16xi32>
          %shift_right_arithmetic3A_834 = arith.shrsi %add3A_810, %shift_right_arithmetic3A_833 : vector<16xi32>
          %mul3A_835 = arith.constant 384 : i32
          %mul3A_836 = vector.broadcast %mul3A_835 : i32 to vector<16xi32>
          %mul3A_837 = arith.muli %shift_right_arithmetic3A_834, %mul3A_836 : vector<16xi32>
          %and3A_838 = arith.constant 127 : i32
          %and3A_839 = vector.broadcast %and3A_838 : i32 to vector<16xi32>
          %and3A_840 = arith.andi %add3A_810, %and3A_839 : vector<16xi32>
          %add3A_841 = arith.addi %mul3A_837, %and3A_840 : vector<16xi32>
          %gather3A_842 = tpu.vector_load_idx %arg10[%add3A_841] : memref<6144xf32, #tpu.memory_space<vmem>>[vector<16xi32>], vector<16xf32>,
          %mul3A_843 = arith.mulf %gather3A_842, %gather3A_812 : vector<16xf32>
          tpu.vector_store_idx %arg11[%add3A_831], %mul3A_843 masked %and3A_821 {add = true} : memref<6144xf32, #tpu.memory_space<vmem>>[vector<16xi32>], vector<16xf32>, vector<16xi1>
          %add3A_844 = arith.constant 128 : i32
          %add3A_845 = vector.broadcast %add3A_844 : i32 to vector<16xi32>
          %add3A_846 = arith.addi %add3A_841, %add3A_845 : vector<16xi32>
          %gather3A_847 = tpu.vector_load_idx %arg10[%add3A_846] : memref<6144xf32, #tpu.memory_space<vmem>>[vector<16xi32>], vector<16xf32>,
          %add3A_848 = arith.constant 128 : i32
          %add3A_849 = vector.broadcast %add3A_848 : i32 to vector<16xi32>
          %add3A_850 = arith.addi %add3A_831, %add3A_849 : vector<16xi32>
          %mul3A_851 = arith.mulf %gather3A_847, %gather3A_812 : vector<16xf32>
          tpu.vector_store_idx %arg11[%add3A_850], %mul3A_851 masked %and3A_821 {add = true} : memref<6144xf32, #tpu.memory_space<vmem>>[vector<16xi32>], vector<16xf32>, vector<16xi1>
          %add3A_852 = arith.constant 256 : i32
          %add3A_853 = vector.broadcast %add3A_852 : i32 to vector<16xi32>
          %add3A_854 = arith.addi %add3A_841, %add3A_853 : vector<16xi32>
          %gather3A_855 = tpu.vector_load_idx %arg10[%add3A_854] : memref<6144xf32, #tpu.memory_space<vmem>>[vector<16xi32>], vector<16xf32>,
          %add3A_856 = arith.constant 256 : i32
          %add3A_857 = vector.broadcast %add3A_856 : i32 to vector<16xi32>
          %add3A_858 = arith.addi %add3A_831, %add3A_857 : vector<16xi32>
          %mul3A_859 = arith.mulf %gather3A_855, %gather3A_812 : vector<16xf32>
          tpu.vector_store_idx %arg11[%add3A_858], %mul3A_859 masked %and3A_821 {add = true} : memref<6144xf32, #tpu.memory_space<vmem>>[vector<16xi32>], vector<16xf32>, vector<16xi1>
          %scan3A_860 = arith.constant 0 : i32
          %scan3A_861 = arith.constant 12 : i32
          %scan3A_862 = arith.addi %scan3A_169, %scan3A_861 : i32
          %add3A_863 = vector.broadcast %scan3A_862 : i32 to vector<16xi32>
          %add3A_864 = arith.addi %iota3A, %add3A_863 : vector<16xi32>
          %and3A_865 = arith.constant 63 : i32
          %and3A_866 = vector.broadcast %and3A_865 : i32 to vector<16xi32>
          %and3A_867 = arith.andi %add3A_864, %and3A_866 : vector<16xi32>
          %add3A_868 = arith.addi %add3A_161, %and3A_867 : vector<16xi32>
          %gather3A_869 = tpu.vector_load_idx %arg8[%add3A_868] : memref<2048xi32, #tpu.memory_space<vmem>>[vector<16xi32>], vector<16xi32>,
          %gather3A_870 = tpu.vector_load_idx %arg9[%add3A_868] : memref<2048xf32, #tpu.memory_space<vmem>>[vector<16xi32>], vector<16xf32>,
          %sub3A_871 = vector.broadcast %mul3A_2 : i32 to vector<16xi32>
          %sub3A_872 = arith.subi %gather3A_869, %sub3A_871 : vector<16xi32>
          %bitcast3A_873 = vector.bitcast %sub3A_872 : vector<16xi32> to vector<16xi32>
          %lt3A_874 = arith.constant 2048 : i32
          %lt3A_875 = vector.broadcast %lt3A_874 : i32 to vector<16xi32>
          %lt3A_876 = arith.cmpi ult, %bitcast3A_873, %lt3A_875 : vector<16xi32>
          %ge3A_877 = vector.broadcast %add3A_155 : i32 to vector<16xi32>
          %ge3A_878 = arith.cmpi sge, %add3A_868, %ge3A_877 : vector<16xi32>
          %and3A_879 = arith.andi %lt3A_876, %ge3A_878 : vector<16xi1>
          %shift_right_arithmetic3A_880 = arith.constant 7 : i32
          %shift_right_arithmetic3A_881 = vector.broadcast %shift_right_arithmetic3A_880 : i32 to vector<16xi32>
          %shift_right_arithmetic3A_882 = arith.shrsi %sub3A_872, %shift_right_arithmetic3A_881 : vector<16xi32>
          %mul3A_883 = arith.constant 384 : i32
          %mul3A_884 = vector.broadcast %mul3A_883 : i32 to vector<16xi32>
          %mul3A_885 = arith.muli %shift_right_arithmetic3A_882, %mul3A_884 : vector<16xi32>
          %and3A_886 = arith.constant 127 : i32
          %and3A_887 = vector.broadcast %and3A_886 : i32 to vector<16xi32>
          %and3A_888 = arith.andi %sub3A_872, %and3A_887 : vector<16xi32>
          %add3A_889 = arith.addi %mul3A_885, %and3A_888 : vector<16xi32>
          %shift_right_arithmetic3A_890 = arith.constant 7 : i32
          %shift_right_arithmetic3A_891 = vector.broadcast %shift_right_arithmetic3A_890 : i32 to vector<16xi32>
          %shift_right_arithmetic3A_892 = arith.shrsi %add3A_868, %shift_right_arithmetic3A_891 : vector<16xi32>
          %mul3A_893 = arith.constant 384 : i32
          %mul3A_894 = vector.broadcast %mul3A_893 : i32 to vector<16xi32>
          %mul3A_895 = arith.muli %shift_right_arithmetic3A_892, %mul3A_894 : vector<16xi32>
          %and3A_896 = arith.constant 127 : i32
          %and3A_897 = vector.broadcast %and3A_896 : i32 to vector<16xi32>
          %and3A_898 = arith.andi %add3A_868, %and3A_897 : vector<16xi32>
          %add3A_899 = arith.addi %mul3A_895, %and3A_898 : vector<16xi32>
          %gather3A_900 = tpu.vector_load_idx %arg10[%add3A_899] : memref<6144xf32, #tpu.memory_space<vmem>>[vector<16xi32>], vector<16xf32>,
          %mul3A_901 = arith.mulf %gather3A_900, %gather3A_870 : vector<16xf32>
          tpu.vector_store_idx %arg11[%add3A_889], %mul3A_901 masked %and3A_879 {add = true} : memref<6144xf32, #tpu.memory_space<vmem>>[vector<16xi32>], vector<16xf32>, vector<16xi1>
          %add3A_902 = arith.constant 128 : i32
          %add3A_903 = vector.broadcast %add3A_902 : i32 to vector<16xi32>
          %add3A_904 = arith.addi %add3A_899, %add3A_903 : vector<16xi32>
          %gather3A_905 = tpu.vector_load_idx %arg10[%add3A_904] : memref<6144xf32, #tpu.memory_space<vmem>>[vector<16xi32>], vector<16xf32>,
          %add3A_906 = arith.constant 128 : i32
          %add3A_907 = vector.broadcast %add3A_906 : i32 to vector<16xi32>
          %add3A_908 = arith.addi %add3A_889, %add3A_907 : vector<16xi32>
          %mul3A_909 = arith.mulf %gather3A_905, %gather3A_870 : vector<16xf32>
          tpu.vector_store_idx %arg11[%add3A_908], %mul3A_909 masked %and3A_879 {add = true} : memref<6144xf32, #tpu.memory_space<vmem>>[vector<16xi32>], vector<16xf32>, vector<16xi1>
          %add3A_910 = arith.constant 256 : i32
          %add3A_911 = vector.broadcast %add3A_910 : i32 to vector<16xi32>
          %add3A_912 = arith.addi %add3A_899, %add3A_911 : vector<16xi32>
          %gather3A_913 = tpu.vector_load_idx %arg10[%add3A_912] : memref<6144xf32, #tpu.memory_space<vmem>>[vector<16xi32>], vector<16xf32>,
          %add3A_914 = arith.constant 256 : i32
          %add3A_915 = vector.broadcast %add3A_914 : i32 to vector<16xi32>
          %add3A_916 = arith.addi %add3A_889, %add3A_915 : vector<16xi32>
          %mul3A_917 = arith.mulf %gather3A_913, %gather3A_870 : vector<16xf32>
          tpu.vector_store_idx %arg11[%add3A_916], %mul3A_917 masked %and3A_879 {add = true} : memref<6144xf32, #tpu.memory_space<vmem>>[vector<16xi32>], vector<16xf32>, vector<16xi1>
          %scan3A_918 = arith.constant 0 : i32
          %scan3A_919 = arith.constant 13 : i32
          %scan3A_920 = arith.addi %scan3A_169, %scan3A_919 : i32
          %add3A_921 = vector.broadcast %scan3A_920 : i32 to vector<16xi32>
          %add3A_922 = arith.addi %iota3A, %add3A_921 : vector<16xi32>
          %and3A_923 = arith.constant 63 : i32
          %and3A_924 = vector.broadcast %and3A_923 : i32 to vector<16xi32>
          %and3A_925 = arith.andi %add3A_922, %and3A_924 : vector<16xi32>
          %add3A_926 = arith.addi %add3A_161, %and3A_925 : vector<16xi32>
          %gather3A_927 = tpu.vector_load_idx %arg8[%add3A_926] : memref<2048xi32, #tpu.memory_space<vmem>>[vector<16xi32>], vector<16xi32>,
          %gather3A_928 = tpu.vector_load_idx %arg9[%add3A_926] : memref<2048xf32, #tpu.memory_space<vmem>>[vector<16xi32>], vector<16xf32>,
          %sub3A_929 = vector.broadcast %mul3A_2 : i32 to vector<16xi32>
          %sub3A_930 = arith.subi %gather3A_927, %sub3A_929 : vector<16xi32>
          %bitcast3A_931 = vector.bitcast %sub3A_930 : vector<16xi32> to vector<16xi32>
          %lt3A_932 = arith.constant 2048 : i32
          %lt3A_933 = vector.broadcast %lt3A_932 : i32 to vector<16xi32>
          %lt3A_934 = arith.cmpi ult, %bitcast3A_931, %lt3A_933 : vector<16xi32>
          %ge3A_935 = vector.broadcast %add3A_155 : i32 to vector<16xi32>
          %ge3A_936 = arith.cmpi sge, %add3A_926, %ge3A_935 : vector<16xi32>
          %and3A_937 = arith.andi %lt3A_934, %ge3A_936 : vector<16xi1>
          %shift_right_arithmetic3A_938 = arith.constant 7 : i32
          %shift_right_arithmetic3A_939 = vector.broadcast %shift_right_arithmetic3A_938 : i32 to vector<16xi32>
          %shift_right_arithmetic3A_940 = arith.shrsi %sub3A_930, %shift_right_arithmetic3A_939 : vector<16xi32>
          %mul3A_941 = arith.constant 384 : i32
          %mul3A_942 = vector.broadcast %mul3A_941 : i32 to vector<16xi32>
          %mul3A_943 = arith.muli %shift_right_arithmetic3A_940, %mul3A_942 : vector<16xi32>
          %and3A_944 = arith.constant 127 : i32
          %and3A_945 = vector.broadcast %and3A_944 : i32 to vector<16xi32>
          %and3A_946 = arith.andi %sub3A_930, %and3A_945 : vector<16xi32>
          %add3A_947 = arith.addi %mul3A_943, %and3A_946 : vector<16xi32>
          %shift_right_arithmetic3A_948 = arith.constant 7 : i32
          %shift_right_arithmetic3A_949 = vector.broadcast %shift_right_arithmetic3A_948 : i32 to vector<16xi32>
          %shift_right_arithmetic3A_950 = arith.shrsi %add3A_926, %shift_right_arithmetic3A_949 : vector<16xi32>
          %mul3A_951 = arith.constant 384 : i32
          %mul3A_952 = vector.broadcast %mul3A_951 : i32 to vector<16xi32>
          %mul3A_953 = arith.muli %shift_right_arithmetic3A_950, %mul3A_952 : vector<16xi32>
          %and3A_954 = arith.constant 127 : i32
          %and3A_955 = vector.broadcast %and3A_954 : i32 to vector<16xi32>
          %and3A_956 = arith.andi %add3A_926, %and3A_955 : vector<16xi32>
          %add3A_957 = arith.addi %mul3A_953, %and3A_956 : vector<16xi32>
          %gather3A_958 = tpu.vector_load_idx %arg10[%add3A_957] : memref<6144xf32, #tpu.memory_space<vmem>>[vector<16xi32>], vector<16xf32>,
          %mul3A_959 = arith.mulf %gather3A_958, %gather3A_928 : vector<16xf32>
          tpu.vector_store_idx %arg11[%add3A_947], %mul3A_959 masked %and3A_937 {add = true} : memref<6144xf32, #tpu.memory_space<vmem>>[vector<16xi32>], vector<16xf32>, vector<16xi1>
          %add3A_960 = arith.constant 128 : i32
          %add3A_961 = vector.broadcast %add3A_960 : i32 to vector<16xi32>
          %add3A_962 = arith.addi %add3A_957, %add3A_961 : vector<16xi32>
          %gather3A_963 = tpu.vector_load_idx %arg10[%add3A_962] : memref<6144xf32, #tpu.memory_space<vmem>>[vector<16xi32>], vector<16xf32>,
          %add3A_964 = arith.constant 128 : i32
          %add3A_965 = vector.broadcast %add3A_964 : i32 to vector<16xi32>
          %add3A_966 = arith.addi %add3A_947, %add3A_965 : vector<16xi32>
          %mul3A_967 = arith.mulf %gather3A_963, %gather3A_928 : vector<16xf32>
          tpu.vector_store_idx %arg11[%add3A_966], %mul3A_967 masked %and3A_937 {add = true} : memref<6144xf32, #tpu.memory_space<vmem>>[vector<16xi32>], vector<16xf32>, vector<16xi1>
          %add3A_968 = arith.constant 256 : i32
          %add3A_969 = vector.broadcast %add3A_968 : i32 to vector<16xi32>
          %add3A_970 = arith.addi %add3A_957, %add3A_969 : vector<16xi32>
          %gather3A_971 = tpu.vector_load_idx %arg10[%add3A_970] : memref<6144xf32, #tpu.memory_space<vmem>>[vector<16xi32>], vector<16xf32>,
          %add3A_972 = arith.constant 256 : i32
          %add3A_973 = vector.broadcast %add3A_972 : i32 to vector<16xi32>
          %add3A_974 = arith.addi %add3A_947, %add3A_973 : vector<16xi32>
          %mul3A_975 = arith.mulf %gather3A_971, %gather3A_928 : vector<16xf32>
          tpu.vector_store_idx %arg11[%add3A_974], %mul3A_975 masked %and3A_937 {add = true} : memref<6144xf32, #tpu.memory_space<vmem>>[vector<16xi32>], vector<16xf32>, vector<16xi1>
          %scan3A_976 = arith.constant 0 : i32
          %scan3A_977 = arith.constant 14 : i32
          %scan3A_978 = arith.addi %scan3A_169, %scan3A_977 : i32
          %add3A_979 = vector.broadcast %scan3A_978 : i32 to vector<16xi32>
          %add3A_980 = arith.addi %iota3A, %add3A_979 : vector<16xi32>
          %and3A_981 = arith.constant 63 : i32
          %and3A_982 = vector.broadcast %and3A_981 : i32 to vector<16xi32>
          %and3A_983 = arith.andi %add3A_980, %and3A_982 : vector<16xi32>
          %add3A_984 = arith.addi %add3A_161, %and3A_983 : vector<16xi32>
          %gather3A_985 = tpu.vector_load_idx %arg8[%add3A_984] : memref<2048xi32, #tpu.memory_space<vmem>>[vector<16xi32>], vector<16xi32>,
          %gather3A_986 = tpu.vector_load_idx %arg9[%add3A_984] : memref<2048xf32, #tpu.memory_space<vmem>>[vector<16xi32>], vector<16xf32>,
          %sub3A_987 = vector.broadcast %mul3A_2 : i32 to vector<16xi32>
          %sub3A_988 = arith.subi %gather3A_985, %sub3A_987 : vector<16xi32>
          %bitcast3A_989 = vector.bitcast %sub3A_988 : vector<16xi32> to vector<16xi32>
          %lt3A_990 = arith.constant 2048 : i32
          %lt3A_991 = vector.broadcast %lt3A_990 : i32 to vector<16xi32>
          %lt3A_992 = arith.cmpi ult, %bitcast3A_989, %lt3A_991 : vector<16xi32>
          %ge3A_993 = vector.broadcast %add3A_155 : i32 to vector<16xi32>
          %ge3A_994 = arith.cmpi sge, %add3A_984, %ge3A_993 : vector<16xi32>
          %and3A_995 = arith.andi %lt3A_992, %ge3A_994 : vector<16xi1>
          %shift_right_arithmetic3A_996 = arith.constant 7 : i32
          %shift_right_arithmetic3A_997 = vector.broadcast %shift_right_arithmetic3A_996 : i32 to vector<16xi32>
          %shift_right_arithmetic3A_998 = arith.shrsi %sub3A_988, %shift_right_arithmetic3A_997 : vector<16xi32>
          %mul3A_999 = arith.constant 384 : i32
          %mul3A_1000 = vector.broadcast %mul3A_999 : i32 to vector<16xi32>
          %mul3A_1001 = arith.muli %shift_right_arithmetic3A_998, %mul3A_1000 : vector<16xi32>
          %and3A_1002 = arith.constant 127 : i32
          %and3A_1003 = vector.broadcast %and3A_1002 : i32 to vector<16xi32>
          %and3A_1004 = arith.andi %sub3A_988, %and3A_1003 : vector<16xi32>
          %add3A_1005 = arith.addi %mul3A_1001, %and3A_1004 : vector<16xi32>
          %shift_right_arithmetic3A_1006 = arith.constant 7 : i32
          %shift_right_arithmetic3A_1007 = vector.broadcast %shift_right_arithmetic3A_1006 : i32 to vector<16xi32>
          %shift_right_arithmetic3A_1008 = arith.shrsi %add3A_984, %shift_right_arithmetic3A_1007 : vector<16xi32>
          %mul3A_1009 = arith.constant 384 : i32
          %mul3A_1010 = vector.broadcast %mul3A_1009 : i32 to vector<16xi32>
          %mul3A_1011 = arith.muli %shift_right_arithmetic3A_1008, %mul3A_1010 : vector<16xi32>
          %and3A_1012 = arith.constant 127 : i32
          %and3A_1013 = vector.broadcast %and3A_1012 : i32 to vector<16xi32>
          %and3A_1014 = arith.andi %add3A_984, %and3A_1013 : vector<16xi32>
          %add3A_1015 = arith.addi %mul3A_1011, %and3A_1014 : vector<16xi32>
          %gather3A_1016 = tpu.vector_load_idx %arg10[%add3A_1015] : memref<6144xf32, #tpu.memory_space<vmem>>[vector<16xi32>], vector<16xf32>,
          %mul3A_1017 = arith.mulf %gather3A_1016, %gather3A_986 : vector<16xf32>
          tpu.vector_store_idx %arg11[%add3A_1005], %mul3A_1017 masked %and3A_995 {add = true} : memref<6144xf32, #tpu.memory_space<vmem>>[vector<16xi32>], vector<16xf32>, vector<16xi1>
          %add3A_1018 = arith.constant 128 : i32
          %add3A_1019 = vector.broadcast %add3A_1018 : i32 to vector<16xi32>
          %add3A_1020 = arith.addi %add3A_1015, %add3A_1019 : vector<16xi32>
          %gather3A_1021 = tpu.vector_load_idx %arg10[%add3A_1020] : memref<6144xf32, #tpu.memory_space<vmem>>[vector<16xi32>], vector<16xf32>,
          %add3A_1022 = arith.constant 128 : i32
          %add3A_1023 = vector.broadcast %add3A_1022 : i32 to vector<16xi32>
          %add3A_1024 = arith.addi %add3A_1005, %add3A_1023 : vector<16xi32>
          %mul3A_1025 = arith.mulf %gather3A_1021, %gather3A_986 : vector<16xf32>
          tpu.vector_store_idx %arg11[%add3A_1024], %mul3A_1025 masked %and3A_995 {add = true} : memref<6144xf32, #tpu.memory_space<vmem>>[vector<16xi32>], vector<16xf32>, vector<16xi1>
          %add3A_1026 = arith.constant 256 : i32
          %add3A_1027 = vector.broadcast %add3A_1026 : i32 to vector<16xi32>
          %add3A_1028 = arith.addi %add3A_1015, %add3A_1027 : vector<16xi32>
          %gather3A_1029 = tpu.vector_load_idx %arg10[%add3A_1028] : memref<6144xf32, #tpu.memory_space<vmem>>[vector<16xi32>], vector<16xf32>,
          %add3A_1030 = arith.constant 256 : i32
          %add3A_1031 = vector.broadcast %add3A_1030 : i32 to vector<16xi32>
          %add3A_1032 = arith.addi %add3A_1005, %add3A_1031 : vector<16xi32>
          %mul3A_1033 = arith.mulf %gather3A_1029, %gather3A_986 : vector<16xf32>
          tpu.vector_store_idx %arg11[%add3A_1032], %mul3A_1033 masked %and3A_995 {add = true} : memref<6144xf32, #tpu.memory_space<vmem>>[vector<16xi32>], vector<16xf32>, vector<16xi1>
          %scan3A_1034 = arith.constant 0 : i32
          %scan3A_1035 = arith.constant 15 : i32
          %scan3A_1036 = arith.addi %scan3A_169, %scan3A_1035 : i32
          %add3A_1037 = vector.broadcast %scan3A_1036 : i32 to vector<16xi32>
          %add3A_1038 = arith.addi %iota3A, %add3A_1037 : vector<16xi32>
          %and3A_1039 = arith.constant 63 : i32
          %and3A_1040 = vector.broadcast %and3A_1039 : i32 to vector<16xi32>
          %and3A_1041 = arith.andi %add3A_1038, %and3A_1040 : vector<16xi32>
          %add3A_1042 = arith.addi %add3A_161, %and3A_1041 : vector<16xi32>
          %gather3A_1043 = tpu.vector_load_idx %arg8[%add3A_1042] : memref<2048xi32, #tpu.memory_space<vmem>>[vector<16xi32>], vector<16xi32>,
          %gather3A_1044 = tpu.vector_load_idx %arg9[%add3A_1042] : memref<2048xf32, #tpu.memory_space<vmem>>[vector<16xi32>], vector<16xf32>,
          %sub3A_1045 = vector.broadcast %mul3A_2 : i32 to vector<16xi32>
          %sub3A_1046 = arith.subi %gather3A_1043, %sub3A_1045 : vector<16xi32>
          %bitcast3A_1047 = vector.bitcast %sub3A_1046 : vector<16xi32> to vector<16xi32>
          %lt3A_1048 = arith.constant 2048 : i32
          %lt3A_1049 = vector.broadcast %lt3A_1048 : i32 to vector<16xi32>
          %lt3A_1050 = arith.cmpi ult, %bitcast3A_1047, %lt3A_1049 : vector<16xi32>
          %ge3A_1051 = vector.broadcast %add3A_155 : i32 to vector<16xi32>
          %ge3A_1052 = arith.cmpi sge, %add3A_1042, %ge3A_1051 : vector<16xi32>
          %and3A_1053 = arith.andi %lt3A_1050, %ge3A_1052 : vector<16xi1>
          %shift_right_arithmetic3A_1054 = arith.constant 7 : i32
          %shift_right_arithmetic3A_1055 = vector.broadcast %shift_right_arithmetic3A_1054 : i32 to vector<16xi32>
          %shift_right_arithmetic3A_1056 = arith.shrsi %sub3A_1046, %shift_right_arithmetic3A_1055 : vector<16xi32>
          %mul3A_1057 = arith.constant 384 : i32
          %mul3A_1058 = vector.broadcast %mul3A_1057 : i32 to vector<16xi32>
          %mul3A_1059 = arith.muli %shift_right_arithmetic3A_1056, %mul3A_1058 : vector<16xi32>
          %and3A_1060 = arith.constant 127 : i32
          %and3A_1061 = vector.broadcast %and3A_1060 : i32 to vector<16xi32>
          %and3A_1062 = arith.andi %sub3A_1046, %and3A_1061 : vector<16xi32>
          %add3A_1063 = arith.addi %mul3A_1059, %and3A_1062 : vector<16xi32>
          %shift_right_arithmetic3A_1064 = arith.constant 7 : i32
          %shift_right_arithmetic3A_1065 = vector.broadcast %shift_right_arithmetic3A_1064 : i32 to vector<16xi32>
          %shift_right_arithmetic3A_1066 = arith.shrsi %add3A_1042, %shift_right_arithmetic3A_1065 : vector<16xi32>
          %mul3A_1067 = arith.constant 384 : i32
          %mul3A_1068 = vector.broadcast %mul3A_1067 : i32 to vector<16xi32>
          %mul3A_1069 = arith.muli %shift_right_arithmetic3A_1066, %mul3A_1068 : vector<16xi32>
          %and3A_1070 = arith.constant 127 : i32
          %and3A_1071 = vector.broadcast %and3A_1070 : i32 to vector<16xi32>
          %and3A_1072 = arith.andi %add3A_1042, %and3A_1071 : vector<16xi32>
          %add3A_1073 = arith.addi %mul3A_1069, %and3A_1072 : vector<16xi32>
          %gather3A_1074 = tpu.vector_load_idx %arg10[%add3A_1073] : memref<6144xf32, #tpu.memory_space<vmem>>[vector<16xi32>], vector<16xf32>,
          %mul3A_1075 = arith.mulf %gather3A_1074, %gather3A_1044 : vector<16xf32>
          tpu.vector_store_idx %arg11[%add3A_1063], %mul3A_1075 masked %and3A_1053 {add = true} : memref<6144xf32, #tpu.memory_space<vmem>>[vector<16xi32>], vector<16xf32>, vector<16xi1>
          %add3A_1076 = arith.constant 128 : i32
          %add3A_1077 = vector.broadcast %add3A_1076 : i32 to vector<16xi32>
          %add3A_1078 = arith.addi %add3A_1073, %add3A_1077 : vector<16xi32>
          %gather3A_1079 = tpu.vector_load_idx %arg10[%add3A_1078] : memref<6144xf32, #tpu.memory_space<vmem>>[vector<16xi32>], vector<16xf32>,
          %add3A_1080 = arith.constant 128 : i32
          %add3A_1081 = vector.broadcast %add3A_1080 : i32 to vector<16xi32>
          %add3A_1082 = arith.addi %add3A_1063, %add3A_1081 : vector<16xi32>
          %mul3A_1083 = arith.mulf %gather3A_1079, %gather3A_1044 : vector<16xf32>
          tpu.vector_store_idx %arg11[%add3A_1082], %mul3A_1083 masked %and3A_1053 {add = true} : memref<6144xf32, #tpu.memory_space<vmem>>[vector<16xi32>], vector<16xf32>, vector<16xi1>
          %add3A_1084 = arith.constant 256 : i32
          %add3A_1085 = vector.broadcast %add3A_1084 : i32 to vector<16xi32>
          %add3A_1086 = arith.addi %add3A_1073, %add3A_1085 : vector<16xi32>
          %gather3A_1087 = tpu.vector_load_idx %arg10[%add3A_1086] : memref<6144xf32, #tpu.memory_space<vmem>>[vector<16xi32>], vector<16xf32>,
          %add3A_1088 = arith.constant 256 : i32
          %add3A_1089 = vector.broadcast %add3A_1088 : i32 to vector<16xi32>
          %add3A_1090 = arith.addi %add3A_1063, %add3A_1089 : vector<16xi32>
          %mul3A_1091 = arith.mulf %gather3A_1087, %gather3A_1044 : vector<16xf32>
          tpu.vector_store_idx %arg11[%add3A_1090], %mul3A_1091 masked %and3A_1053 {add = true} : memref<6144xf32, #tpu.memory_space<vmem>>[vector<16xi32>], vector<16xf32>, vector<16xi1>
          %scan3A_1092 = arith.constant 0 : i32
          scf.yield %scan3A_1092 : i32
        }
        %scan3A_168 = arith.constant 64 : i32
      } else {
      }
      %mul3A_108 = arith.constant 2 : i32
      %mul3A_109 = arith.muli %mul3A_108, %while3A_99 : i32
      %add3A_110 = arith.constant 1 : i32
      %add3A_111 = arith.addi %mul3A_109, %add3A_110 : i32
      %lt3A_112 = arith.cmpi slt, %add3A_111, %select_n3A : i32
      %convert_element_type3A_113 = arith.extui %lt3A_112 : i1 to i32
      %cond3A_114 = arith.constant 0 : i32
      %cond3A_115 = arith.cmpi ne, %convert_element_type3A_113, %cond3A_114 : i32
      scf.if %cond3A_115 {
        %mul3A_117 = arith.constant 1024 : i32
        %mul3A_118 = arith.muli %add3A_111, %mul3A_117 : i32
        %add3A_119 = arith.addi %mul3A_15, %mul3A_118 : i32
        %min3A = arith.constant 3144704 : i32
        %min3A_120 = arith.minsi %add3A_119, %min3A : i32
        %multiple_of3A = tpu.assume_multiple %min3A_120, 128 : i32
        %mul3A_121 = arith.constant 3 : i32
        %mul3A_122 = arith.muli %multiple_of3A, %mul3A_121 : i32
        %multiple_of3A_123 = tpu.assume_multiple %mul3A_122, 8 : i32
        %dma_wait3A = arith.constant 1024 : i32
        %dma_wait3A_124 = tpu.memref_slice %arg8[%dma_wait3A] : memref<2048xi32, #tpu.memory_space<vmem>> -> memref<1024xi32, #tpu.memory_space<vmem>>
        %dma_wait3A_125 = tpu.memref_slice %arg4[%multiple_of3A] : memref<3145728xi32, #tpu.memory_space<hbm>> -> memref<1024xi32, #tpu.memory_space<hbm>>
        %dma_wait3A_126 = arith.constant 1024 : i32
        %dma_wait3A_127 = tpu.memref_slice %arg8[%dma_wait3A_126] : memref<2048xi32, #tpu.memory_space<vmem>> -> memref<1024xi32, #tpu.memory_space<vmem>>
        %dma_wait3A_128 = tpu.memref_slice %arg4[%multiple_of3A] : memref<3145728xi32, #tpu.memory_space<hbm>> -> memref<1024xi32, #tpu.memory_space<hbm>>
        tpu.wait_dma2 semaphore(%arg17 : memref<!tpu.dma_semaphore, #tpu.memory_space<semaphore_mem>>) src(%dma_wait3A_128 : memref<1024xi32, #tpu.memory_space<hbm>>) dst(%dma_wait3A_127 : memref<1024xi32, #tpu.memory_space<vmem>>)
        %dma_wait3A_129 = arith.constant 1024 : i32
        %dma_wait3A_130 = tpu.memref_slice %arg9[%dma_wait3A_129] : memref<2048xf32, #tpu.memory_space<vmem>> -> memref<1024xf32, #tpu.memory_space<vmem>>
        %dma_wait3A_131 = tpu.memref_slice %arg3[%multiple_of3A] : memref<3145728xf32, #tpu.memory_space<hbm>> -> memref<1024xf32, #tpu.memory_space<hbm>>
        %dma_wait3A_132 = arith.constant 1024 : i32
        %dma_wait3A_133 = tpu.memref_slice %arg9[%dma_wait3A_132] : memref<2048xf32, #tpu.memory_space<vmem>> -> memref<1024xf32, #tpu.memory_space<vmem>>
        %dma_wait3A_134 = tpu.memref_slice %arg3[%multiple_of3A] : memref<3145728xf32, #tpu.memory_space<hbm>> -> memref<1024xf32, #tpu.memory_space<hbm>>
        tpu.wait_dma2 semaphore(%arg18 : memref<!tpu.dma_semaphore, #tpu.memory_space<semaphore_mem>>) src(%dma_wait3A_134 : memref<1024xf32, #tpu.memory_space<hbm>>) dst(%dma_wait3A_133 : memref<1024xf32, #tpu.memory_space<vmem>>)
        %dma_wait3A_135 = arith.constant 3072 : i32
        %dma_wait3A_136 = tpu.memref_slice %arg10[%dma_wait3A_135] : memref<6144xf32, #tpu.memory_space<vmem>> -> memref<3072xf32, #tpu.memory_space<vmem>>
        %dma_wait3A_137 = tpu.memref_slice %arg2[%multiple_of3A_123] : memref<9437184xf32, #tpu.memory_space<hbm>> -> memref<3072xf32, #tpu.memory_space<hbm>>
        %dma_wait3A_138 = arith.constant 3072 : i32
        %dma_wait3A_139 = tpu.memref_slice %arg10[%dma_wait3A_138] : memref<6144xf32, #tpu.memory_space<vmem>> -> memref<3072xf32, #tpu.memory_space<vmem>>
        %dma_wait3A_140 = tpu.memref_slice %arg2[%multiple_of3A_123] : memref<9437184xf32, #tpu.memory_space<hbm>> -> memref<3072xf32, #tpu.memory_space<hbm>>
        tpu.wait_dma2 semaphore(%arg19 : memref<!tpu.dma_semaphore, #tpu.memory_space<semaphore_mem>>) src(%dma_wait3A_140 : memref<3072xf32, #tpu.memory_space<hbm>>) dst(%dma_wait3A_139 : memref<3072xf32, #tpu.memory_space<vmem>>)
        %add3A_141 = arith.constant 1 : i32
        %add3A_142 = arith.addi %add3A_111, %add3A_141 : i32
        %lt3A_143 = arith.cmpi slt, %add3A_142, %select_n3A : i32
        %convert_element_type3A_144 = arith.extui %lt3A_143 : i1 to i32
        %cond3A_145 = arith.constant 0 : i32
        %cond3A_146 = arith.cmpi ne, %convert_element_type3A_144, %cond3A_145 : i32
        scf.if %cond3A_146 {
          %add3A_169 = arith.constant 1 : i32
          %add3A_170 = arith.addi %add3A_111, %add3A_169 : i32
          %mul3A_171 = arith.constant 1024 : i32
          %mul3A_172 = arith.muli %add3A_170, %mul3A_171 : i32
          %add3A_173 = arith.addi %mul3A_15, %mul3A_172 : i32
          %min3A_174 = arith.constant 3144704 : i32
          %min3A_175 = arith.minsi %add3A_173, %min3A_174 : i32
          %multiple_of3A_176 = tpu.assume_multiple %min3A_175, 128 : i32
          %mul3A_177 = arith.constant 3 : i32
          %mul3A_178 = arith.muli %multiple_of3A_176, %mul3A_177 : i32
          %multiple_of3A_179 = tpu.assume_multiple %mul3A_178, 8 : i32
          %dma_start3A = arith.constant 0 : i32
          %dma_start3A_180 = tpu.memref_slice %arg8[%dma_start3A] : memref<2048xi32, #tpu.memory_space<vmem>> -> memref<1024xi32, #tpu.memory_space<vmem>>
          %dma_start3A_181 = tpu.memref_slice %arg4[%multiple_of3A_176] : memref<3145728xi32, #tpu.memory_space<hbm>> -> memref<1024xi32, #tpu.memory_space<hbm>>
          %dma_start3A_182 = arith.constant 0 : i32
          %dma_start3A_183 = tpu.memref_slice %arg8[%dma_start3A_182] : memref<2048xi32, #tpu.memory_space<vmem>> -> memref<1024xi32, #tpu.memory_space<vmem>>
          %dma_start3A_184 = tpu.memref_slice %arg4[%multiple_of3A_176] : memref<3145728xi32, #tpu.memory_space<hbm>> -> memref<1024xi32, #tpu.memory_space<hbm>>
          tpu.enqueue_dma source(%dma_start3A_184 : memref<1024xi32, #tpu.memory_space<hbm>>) target(%dma_start3A_183 : memref<1024xi32, #tpu.memory_space<vmem>>) target_semaphore(%arg14 : memref<!tpu.dma_semaphore, #tpu.memory_space<semaphore_mem>>)
          %dma_start3A_185 = arith.constant 0 : i32
          %dma_start3A_186 = tpu.memref_slice %arg9[%dma_start3A_185] : memref<2048xf32, #tpu.memory_space<vmem>> -> memref<1024xf32, #tpu.memory_space<vmem>>
          %dma_start3A_187 = tpu.memref_slice %arg3[%multiple_of3A_176] : memref<3145728xf32, #tpu.memory_space<hbm>> -> memref<1024xf32, #tpu.memory_space<hbm>>
          %dma_start3A_188 = arith.constant 0 : i32
          %dma_start3A_189 = tpu.memref_slice %arg9[%dma_start3A_188] : memref<2048xf32, #tpu.memory_space<vmem>> -> memref<1024xf32, #tpu.memory_space<vmem>>
          %dma_start3A_190 = tpu.memref_slice %arg3[%multiple_of3A_176] : memref<3145728xf32, #tpu.memory_space<hbm>> -> memref<1024xf32, #tpu.memory_space<hbm>>
          tpu.enqueue_dma source(%dma_start3A_190 : memref<1024xf32, #tpu.memory_space<hbm>>) target(%dma_start3A_189 : memref<1024xf32, #tpu.memory_space<vmem>>) target_semaphore(%arg15 : memref<!tpu.dma_semaphore, #tpu.memory_space<semaphore_mem>>)
          %dma_start3A_191 = arith.constant 0 : i32
          %dma_start3A_192 = tpu.memref_slice %arg10[%dma_start3A_191] : memref<6144xf32, #tpu.memory_space<vmem>> -> memref<3072xf32, #tpu.memory_space<vmem>>
          %dma_start3A_193 = tpu.memref_slice %arg2[%multiple_of3A_179] : memref<9437184xf32, #tpu.memory_space<hbm>> -> memref<3072xf32, #tpu.memory_space<hbm>>
          %dma_start3A_194 = arith.constant 0 : i32
          %dma_start3A_195 = tpu.memref_slice %arg10[%dma_start3A_194] : memref<6144xf32, #tpu.memory_space<vmem>> -> memref<3072xf32, #tpu.memory_space<vmem>>
          %dma_start3A_196 = tpu.memref_slice %arg2[%multiple_of3A_179] : memref<9437184xf32, #tpu.memory_space<hbm>> -> memref<3072xf32, #tpu.memory_space<hbm>>
          tpu.enqueue_dma source(%dma_start3A_196 : memref<3072xf32, #tpu.memory_space<hbm>>) target(%dma_start3A_195 : memref<3072xf32, #tpu.memory_space<vmem>>) target_semaphore(%arg16 : memref<!tpu.dma_semaphore, #tpu.memory_space<semaphore_mem>>)
        } else {
        }
        %mul3A_147 = arith.constant 1024 : i32
        %mul3A_148 = arith.muli %add3A_111, %mul3A_147 : i32
        %add3A_149 = arith.addi %mul3A_15, %mul3A_148 : i32
        %min3A_150 = arith.constant 3144704 : i32
        %min3A_151 = arith.minsi %add3A_149, %min3A_150 : i32
        %multiple_of3A_152 = tpu.assume_multiple %min3A_151, 128 : i32
        %sub3A_153 = arith.subi %add3A_149, %multiple_of3A_152 : i32
        %add3A_154 = arith.constant 1024 : i32
        %add3A_155 = arith.addi %sub3A_153, %add3A_154 : i32
        %mul3A_156 = arith.constant 64 : i32
        %mul3A_157 = vector.broadcast %mul3A_156 : i32 to vector<16xi32>
        %mul3A_158 = arith.muli %iota3A, %mul3A_157 : vector<16xi32>
        %add3A_159 = arith.constant 1024 : i32
        %add3A_160 = vector.broadcast %add3A_159 : i32 to vector<16xi32>
        %add3A_161 = arith.addi %mul3A_158, %add3A_160 : vector<16xi32>
        %scan3A_162 = arith.constant 0 : i32
        %scan3A_163 = arith.constant 0 : i32
        %scan3A_164 = arith.constant 64 : i32
        %scan3A_165 = arith.addi %scan3A_163, %scan3A_164 : i32
        %scan3A_166 = arith.constant 16 : i32
        %scan3A_167 = scf.for %scan3A_169 = %scan3A_163 to %scan3A_165 step %scan3A_166 iter_args(%scan3A_170 = %scan3A_162) -> (i32)  : i32 {
          %add3A_171 = vector.broadcast %scan3A_169 : i32 to vector<16xi32>
          %add3A_172 = arith.addi %iota3A, %add3A_171 : vector<16xi32>
          %and3A_173 = arith.constant 63 : i32
          %and3A_174 = vector.broadcast %and3A_173 : i32 to vector<16xi32>
          %and3A_175 = arith.andi %add3A_172, %and3A_174 : vector<16xi32>
          %add3A_176 = arith.addi %add3A_161, %and3A_175 : vector<16xi32>
          %gather3A = tpu.vector_load_idx %arg8[%add3A_176] : memref<2048xi32, #tpu.memory_space<vmem>>[vector<16xi32>], vector<16xi32>,
          %gather3A_177 = tpu.vector_load_idx %arg9[%add3A_176] : memref<2048xf32, #tpu.memory_space<vmem>>[vector<16xi32>], vector<16xf32>,
          %sub3A_178 = vector.broadcast %mul3A_2 : i32 to vector<16xi32>
          %sub3A_179 = arith.subi %gather3A, %sub3A_178 : vector<16xi32>
          %bitcast3A = vector.bitcast %sub3A_179 : vector<16xi32> to vector<16xi32>
          %lt3A_180 = arith.constant 2048 : i32
          %lt3A_181 = vector.broadcast %lt3A_180 : i32 to vector<16xi32>
          %lt3A_182 = arith.cmpi ult, %bitcast3A, %lt3A_181 : vector<16xi32>
          %ge3A = vector.broadcast %add3A_155 : i32 to vector<16xi32>
          %ge3A_183 = arith.cmpi sge, %add3A_176, %ge3A : vector<16xi32>
          %and3A_184 = arith.andi %lt3A_182, %ge3A_183 : vector<16xi1>
          %shift_right_arithmetic3A = arith.constant 7 : i32
          %shift_right_arithmetic3A_185 = vector.broadcast %shift_right_arithmetic3A : i32 to vector<16xi32>
          %shift_right_arithmetic3A_186 = arith.shrsi %sub3A_179, %shift_right_arithmetic3A_185 : vector<16xi32>
          %mul3A_187 = arith.constant 384 : i32
          %mul3A_188 = vector.broadcast %mul3A_187 : i32 to vector<16xi32>
          %mul3A_189 = arith.muli %shift_right_arithmetic3A_186, %mul3A_188 : vector<16xi32>
          %and3A_190 = arith.constant 127 : i32
          %and3A_191 = vector.broadcast %and3A_190 : i32 to vector<16xi32>
          %and3A_192 = arith.andi %sub3A_179, %and3A_191 : vector<16xi32>
          %add3A_193 = arith.addi %mul3A_189, %and3A_192 : vector<16xi32>
          %shift_right_arithmetic3A_194 = arith.constant 7 : i32
          %shift_right_arithmetic3A_195 = vector.broadcast %shift_right_arithmetic3A_194 : i32 to vector<16xi32>
          %shift_right_arithmetic3A_196 = arith.shrsi %add3A_176, %shift_right_arithmetic3A_195 : vector<16xi32>
          %mul3A_197 = arith.constant 384 : i32
          %mul3A_198 = vector.broadcast %mul3A_197 : i32 to vector<16xi32>
          %mul3A_199 = arith.muli %shift_right_arithmetic3A_196, %mul3A_198 : vector<16xi32>
          %and3A_200 = arith.constant 127 : i32
          %and3A_201 = vector.broadcast %and3A_200 : i32 to vector<16xi32>
          %and3A_202 = arith.andi %add3A_176, %and3A_201 : vector<16xi32>
          %add3A_203 = arith.addi %mul3A_199, %and3A_202 : vector<16xi32>
          %gather3A_204 = tpu.vector_load_idx %arg10[%add3A_203] : memref<6144xf32, #tpu.memory_space<vmem>>[vector<16xi32>], vector<16xf32>,
          %mul3A_205 = arith.mulf %gather3A_204, %gather3A_177 : vector<16xf32>
          tpu.vector_store_idx %arg11[%add3A_193], %mul3A_205 masked %and3A_184 {add = true} : memref<6144xf32, #tpu.memory_space<vmem>>[vector<16xi32>], vector<16xf32>, vector<16xi1>
          %add3A_206 = arith.constant 128 : i32
          %add3A_207 = vector.broadcast %add3A_206 : i32 to vector<16xi32>
          %add3A_208 = arith.addi %add3A_203, %add3A_207 : vector<16xi32>
          %gather3A_209 = tpu.vector_load_idx %arg10[%add3A_208] : memref<6144xf32, #tpu.memory_space<vmem>>[vector<16xi32>], vector<16xf32>,
          %add3A_210 = arith.constant 128 : i32
          %add3A_211 = vector.broadcast %add3A_210 : i32 to vector<16xi32>
          %add3A_212 = arith.addi %add3A_193, %add3A_211 : vector<16xi32>
          %mul3A_213 = arith.mulf %gather3A_209, %gather3A_177 : vector<16xf32>
          tpu.vector_store_idx %arg11[%add3A_212], %mul3A_213 masked %and3A_184 {add = true} : memref<6144xf32, #tpu.memory_space<vmem>>[vector<16xi32>], vector<16xf32>, vector<16xi1>
          %add3A_214 = arith.constant 256 : i32
          %add3A_215 = vector.broadcast %add3A_214 : i32 to vector<16xi32>
          %add3A_216 = arith.addi %add3A_203, %add3A_215 : vector<16xi32>
          %gather3A_217 = tpu.vector_load_idx %arg10[%add3A_216] : memref<6144xf32, #tpu.memory_space<vmem>>[vector<16xi32>], vector<16xf32>,
          %add3A_218 = arith.constant 256 : i32
          %add3A_219 = vector.broadcast %add3A_218 : i32 to vector<16xi32>
          %add3A_220 = arith.addi %add3A_193, %add3A_219 : vector<16xi32>
          %mul3A_221 = arith.mulf %gather3A_217, %gather3A_177 : vector<16xf32>
          tpu.vector_store_idx %arg11[%add3A_220], %mul3A_221 masked %and3A_184 {add = true} : memref<6144xf32, #tpu.memory_space<vmem>>[vector<16xi32>], vector<16xf32>, vector<16xi1>
          %scan3A_222 = arith.constant 0 : i32
          %scan3A_223 = arith.constant 1 : i32
          %scan3A_224 = arith.addi %scan3A_169, %scan3A_223 : i32
          %add3A_225 = vector.broadcast %scan3A_224 : i32 to vector<16xi32>
          %add3A_226 = arith.addi %iota3A, %add3A_225 : vector<16xi32>
          %and3A_227 = arith.constant 63 : i32
          %and3A_228 = vector.broadcast %and3A_227 : i32 to vector<16xi32>
          %and3A_229 = arith.andi %add3A_226, %and3A_228 : vector<16xi32>
          %add3A_230 = arith.addi %add3A_161, %and3A_229 : vector<16xi32>
          %gather3A_231 = tpu.vector_load_idx %arg8[%add3A_230] : memref<2048xi32, #tpu.memory_space<vmem>>[vector<16xi32>], vector<16xi32>,
          %gather3A_232 = tpu.vector_load_idx %arg9[%add3A_230] : memref<2048xf32, #tpu.memory_space<vmem>>[vector<16xi32>], vector<16xf32>,
          %sub3A_233 = vector.broadcast %mul3A_2 : i32 to vector<16xi32>
          %sub3A_234 = arith.subi %gather3A_231, %sub3A_233 : vector<16xi32>
          %bitcast3A_235 = vector.bitcast %sub3A_234 : vector<16xi32> to vector<16xi32>
          %lt3A_236 = arith.constant 2048 : i32
          %lt3A_237 = vector.broadcast %lt3A_236 : i32 to vector<16xi32>
          %lt3A_238 = arith.cmpi ult, %bitcast3A_235, %lt3A_237 : vector<16xi32>
          %ge3A_239 = vector.broadcast %add3A_155 : i32 to vector<16xi32>
          %ge3A_240 = arith.cmpi sge, %add3A_230, %ge3A_239 : vector<16xi32>
          %and3A_241 = arith.andi %lt3A_238, %ge3A_240 : vector<16xi1>
          %shift_right_arithmetic3A_242 = arith.constant 7 : i32
          %shift_right_arithmetic3A_243 = vector.broadcast %shift_right_arithmetic3A_242 : i32 to vector<16xi32>
          %shift_right_arithmetic3A_244 = arith.shrsi %sub3A_234, %shift_right_arithmetic3A_243 : vector<16xi32>
          %mul3A_245 = arith.constant 384 : i32
          %mul3A_246 = vector.broadcast %mul3A_245 : i32 to vector<16xi32>
          %mul3A_247 = arith.muli %shift_right_arithmetic3A_244, %mul3A_246 : vector<16xi32>
          %and3A_248 = arith.constant 127 : i32
          %and3A_249 = vector.broadcast %and3A_248 : i32 to vector<16xi32>
          %and3A_250 = arith.andi %sub3A_234, %and3A_249 : vector<16xi32>
          %add3A_251 = arith.addi %mul3A_247, %and3A_250 : vector<16xi32>
          %shift_right_arithmetic3A_252 = arith.constant 7 : i32
          %shift_right_arithmetic3A_253 = vector.broadcast %shift_right_arithmetic3A_252 : i32 to vector<16xi32>
          %shift_right_arithmetic3A_254 = arith.shrsi %add3A_230, %shift_right_arithmetic3A_253 : vector<16xi32>
          %mul3A_255 = arith.constant 384 : i32
          %mul3A_256 = vector.broadcast %mul3A_255 : i32 to vector<16xi32>
          %mul3A_257 = arith.muli %shift_right_arithmetic3A_254, %mul3A_256 : vector<16xi32>
          %and3A_258 = arith.constant 127 : i32
          %and3A_259 = vector.broadcast %and3A_258 : i32 to vector<16xi32>
          %and3A_260 = arith.andi %add3A_230, %and3A_259 : vector<16xi32>
          %add3A_261 = arith.addi %mul3A_257, %and3A_260 : vector<16xi32>
          %gather3A_262 = tpu.vector_load_idx %arg10[%add3A_261] : memref<6144xf32, #tpu.memory_space<vmem>>[vector<16xi32>], vector<16xf32>,
          %mul3A_263 = arith.mulf %gather3A_262, %gather3A_232 : vector<16xf32>
          tpu.vector_store_idx %arg11[%add3A_251], %mul3A_263 masked %and3A_241 {add = true} : memref<6144xf32, #tpu.memory_space<vmem>>[vector<16xi32>], vector<16xf32>, vector<16xi1>
          %add3A_264 = arith.constant 128 : i32
          %add3A_265 = vector.broadcast %add3A_264 : i32 to vector<16xi32>
          %add3A_266 = arith.addi %add3A_261, %add3A_265 : vector<16xi32>
          %gather3A_267 = tpu.vector_load_idx %arg10[%add3A_266] : memref<6144xf32, #tpu.memory_space<vmem>>[vector<16xi32>], vector<16xf32>,
          %add3A_268 = arith.constant 128 : i32
          %add3A_269 = vector.broadcast %add3A_268 : i32 to vector<16xi32>
          %add3A_270 = arith.addi %add3A_251, %add3A_269 : vector<16xi32>
          %mul3A_271 = arith.mulf %gather3A_267, %gather3A_232 : vector<16xf32>
          tpu.vector_store_idx %arg11[%add3A_270], %mul3A_271 masked %and3A_241 {add = true} : memref<6144xf32, #tpu.memory_space<vmem>>[vector<16xi32>], vector<16xf32>, vector<16xi1>
          %add3A_272 = arith.constant 256 : i32
          %add3A_273 = vector.broadcast %add3A_272 : i32 to vector<16xi32>
          %add3A_274 = arith.addi %add3A_261, %add3A_273 : vector<16xi32>
          %gather3A_275 = tpu.vector_load_idx %arg10[%add3A_274] : memref<6144xf32, #tpu.memory_space<vmem>>[vector<16xi32>], vector<16xf32>,
          %add3A_276 = arith.constant 256 : i32
          %add3A_277 = vector.broadcast %add3A_276 : i32 to vector<16xi32>
          %add3A_278 = arith.addi %add3A_251, %add3A_277 : vector<16xi32>
          %mul3A_279 = arith.mulf %gather3A_275, %gather3A_232 : vector<16xf32>
          tpu.vector_store_idx %arg11[%add3A_278], %mul3A_279 masked %and3A_241 {add = true} : memref<6144xf32, #tpu.memory_space<vmem>>[vector<16xi32>], vector<16xf32>, vector<16xi1>
          %scan3A_280 = arith.constant 0 : i32
          %scan3A_281 = arith.constant 2 : i32
          %scan3A_282 = arith.addi %scan3A_169, %scan3A_281 : i32
          %add3A_283 = vector.broadcast %scan3A_282 : i32 to vector<16xi32>
          %add3A_284 = arith.addi %iota3A, %add3A_283 : vector<16xi32>
          %and3A_285 = arith.constant 63 : i32
          %and3A_286 = vector.broadcast %and3A_285 : i32 to vector<16xi32>
          %and3A_287 = arith.andi %add3A_284, %and3A_286 : vector<16xi32>
          %add3A_288 = arith.addi %add3A_161, %and3A_287 : vector<16xi32>
          %gather3A_289 = tpu.vector_load_idx %arg8[%add3A_288] : memref<2048xi32, #tpu.memory_space<vmem>>[vector<16xi32>], vector<16xi32>,
          %gather3A_290 = tpu.vector_load_idx %arg9[%add3A_288] : memref<2048xf32, #tpu.memory_space<vmem>>[vector<16xi32>], vector<16xf32>,
          %sub3A_291 = vector.broadcast %mul3A_2 : i32 to vector<16xi32>
          %sub3A_292 = arith.subi %gather3A_289, %sub3A_291 : vector<16xi32>
          %bitcast3A_293 = vector.bitcast %sub3A_292 : vector<16xi32> to vector<16xi32>
          %lt3A_294 = arith.constant 2048 : i32
          %lt3A_295 = vector.broadcast %lt3A_294 : i32 to vector<16xi32>
          %lt3A_296 = arith.cmpi ult, %bitcast3A_293, %lt3A_295 : vector<16xi32>
          %ge3A_297 = vector.broadcast %add3A_155 : i32 to vector<16xi32>
          %ge3A_298 = arith.cmpi sge, %add3A_288, %ge3A_297 : vector<16xi32>
          %and3A_299 = arith.andi %lt3A_296, %ge3A_298 : vector<16xi1>
          %shift_right_arithmetic3A_300 = arith.constant 7 : i32
          %shift_right_arithmetic3A_301 = vector.broadcast %shift_right_arithmetic3A_300 : i32 to vector<16xi32>
          %shift_right_arithmetic3A_302 = arith.shrsi %sub3A_292, %shift_right_arithmetic3A_301 : vector<16xi32>
          %mul3A_303 = arith.constant 384 : i32
          %mul3A_304 = vector.broadcast %mul3A_303 : i32 to vector<16xi32>
          %mul3A_305 = arith.muli %shift_right_arithmetic3A_302, %mul3A_304 : vector<16xi32>
          %and3A_306 = arith.constant 127 : i32
          %and3A_307 = vector.broadcast %and3A_306 : i32 to vector<16xi32>
          %and3A_308 = arith.andi %sub3A_292, %and3A_307 : vector<16xi32>
          %add3A_309 = arith.addi %mul3A_305, %and3A_308 : vector<16xi32>
          %shift_right_arithmetic3A_310 = arith.constant 7 : i32
          %shift_right_arithmetic3A_311 = vector.broadcast %shift_right_arithmetic3A_310 : i32 to vector<16xi32>
          %shift_right_arithmetic3A_312 = arith.shrsi %add3A_288, %shift_right_arithmetic3A_311 : vector<16xi32>
          %mul3A_313 = arith.constant 384 : i32
          %mul3A_314 = vector.broadcast %mul3A_313 : i32 to vector<16xi32>
          %mul3A_315 = arith.muli %shift_right_arithmetic3A_312, %mul3A_314 : vector<16xi32>
          %and3A_316 = arith.constant 127 : i32
          %and3A_317 = vector.broadcast %and3A_316 : i32 to vector<16xi32>
          %and3A_318 = arith.andi %add3A_288, %and3A_317 : vector<16xi32>
          %add3A_319 = arith.addi %mul3A_315, %and3A_318 : vector<16xi32>
          %gather3A_320 = tpu.vector_load_idx %arg10[%add3A_319] : memref<6144xf32, #tpu.memory_space<vmem>>[vector<16xi32>], vector<16xf32>,
          %mul3A_321 = arith.mulf %gather3A_320, %gather3A_290 : vector<16xf32>
          tpu.vector_store_idx %arg11[%add3A_309], %mul3A_321 masked %and3A_299 {add = true} : memref<6144xf32, #tpu.memory_space<vmem>>[vector<16xi32>], vector<16xf32>, vector<16xi1>
          %add3A_322 = arith.constant 128 : i32
          %add3A_323 = vector.broadcast %add3A_322 : i32 to vector<16xi32>
          %add3A_324 = arith.addi %add3A_319, %add3A_323 : vector<16xi32>
          %gather3A_325 = tpu.vector_load_idx %arg10[%add3A_324] : memref<6144xf32, #tpu.memory_space<vmem>>[vector<16xi32>], vector<16xf32>,
          %add3A_326 = arith.constant 128 : i32
          %add3A_327 = vector.broadcast %add3A_326 : i32 to vector<16xi32>
          %add3A_328 = arith.addi %add3A_309, %add3A_327 : vector<16xi32>
          %mul3A_329 = arith.mulf %gather3A_325, %gather3A_290 : vector<16xf32>
          tpu.vector_store_idx %arg11[%add3A_328], %mul3A_329 masked %and3A_299 {add = true} : memref<6144xf32, #tpu.memory_space<vmem>>[vector<16xi32>], vector<16xf32>, vector<16xi1>
          %add3A_330 = arith.constant 256 : i32
          %add3A_331 = vector.broadcast %add3A_330 : i32 to vector<16xi32>
          %add3A_332 = arith.addi %add3A_319, %add3A_331 : vector<16xi32>
          %gather3A_333 = tpu.vector_load_idx %arg10[%add3A_332] : memref<6144xf32, #tpu.memory_space<vmem>>[vector<16xi32>], vector<16xf32>,
          %add3A_334 = arith.constant 256 : i32
          %add3A_335 = vector.broadcast %add3A_334 : i32 to vector<16xi32>
          %add3A_336 = arith.addi %add3A_309, %add3A_335 : vector<16xi32>
          %mul3A_337 = arith.mulf %gather3A_333, %gather3A_290 : vector<16xf32>
          tpu.vector_store_idx %arg11[%add3A_336], %mul3A_337 masked %and3A_299 {add = true} : memref<6144xf32, #tpu.memory_space<vmem>>[vector<16xi32>], vector<16xf32>, vector<16xi1>
          %scan3A_338 = arith.constant 0 : i32
          %scan3A_339 = arith.constant 3 : i32
          %scan3A_340 = arith.addi %scan3A_169, %scan3A_339 : i32
          %add3A_341 = vector.broadcast %scan3A_340 : i32 to vector<16xi32>
          %add3A_342 = arith.addi %iota3A, %add3A_341 : vector<16xi32>
          %and3A_343 = arith.constant 63 : i32
          %and3A_344 = vector.broadcast %and3A_343 : i32 to vector<16xi32>
          %and3A_345 = arith.andi %add3A_342, %and3A_344 : vector<16xi32>
          %add3A_346 = arith.addi %add3A_161, %and3A_345 : vector<16xi32>
          %gather3A_347 = tpu.vector_load_idx %arg8[%add3A_346] : memref<2048xi32, #tpu.memory_space<vmem>>[vector<16xi32>], vector<16xi32>,
          %gather3A_348 = tpu.vector_load_idx %arg9[%add3A_346] : memref<2048xf32, #tpu.memory_space<vmem>>[vector<16xi32>], vector<16xf32>,
          %sub3A_349 = vector.broadcast %mul3A_2 : i32 to vector<16xi32>
          %sub3A_350 = arith.subi %gather3A_347, %sub3A_349 : vector<16xi32>
          %bitcast3A_351 = vector.bitcast %sub3A_350 : vector<16xi32> to vector<16xi32>
          %lt3A_352 = arith.constant 2048 : i32
          %lt3A_353 = vector.broadcast %lt3A_352 : i32 to vector<16xi32>
          %lt3A_354 = arith.cmpi ult, %bitcast3A_351, %lt3A_353 : vector<16xi32>
          %ge3A_355 = vector.broadcast %add3A_155 : i32 to vector<16xi32>
          %ge3A_356 = arith.cmpi sge, %add3A_346, %ge3A_355 : vector<16xi32>
          %and3A_357 = arith.andi %lt3A_354, %ge3A_356 : vector<16xi1>
          %shift_right_arithmetic3A_358 = arith.constant 7 : i32
          %shift_right_arithmetic3A_359 = vector.broadcast %shift_right_arithmetic3A_358 : i32 to vector<16xi32>
          %shift_right_arithmetic3A_360 = arith.shrsi %sub3A_350, %shift_right_arithmetic3A_359 : vector<16xi32>
          %mul3A_361 = arith.constant 384 : i32
          %mul3A_362 = vector.broadcast %mul3A_361 : i32 to vector<16xi32>
          %mul3A_363 = arith.muli %shift_right_arithmetic3A_360, %mul3A_362 : vector<16xi32>
          %and3A_364 = arith.constant 127 : i32
          %and3A_365 = vector.broadcast %and3A_364 : i32 to vector<16xi32>
          %and3A_366 = arith.andi %sub3A_350, %and3A_365 : vector<16xi32>
          %add3A_367 = arith.addi %mul3A_363, %and3A_366 : vector<16xi32>
          %shift_right_arithmetic3A_368 = arith.constant 7 : i32
          %shift_right_arithmetic3A_369 = vector.broadcast %shift_right_arithmetic3A_368 : i32 to vector<16xi32>
          %shift_right_arithmetic3A_370 = arith.shrsi %add3A_346, %shift_right_arithmetic3A_369 : vector<16xi32>
          %mul3A_371 = arith.constant 384 : i32
          %mul3A_372 = vector.broadcast %mul3A_371 : i32 to vector<16xi32>
          %mul3A_373 = arith.muli %shift_right_arithmetic3A_370, %mul3A_372 : vector<16xi32>
          %and3A_374 = arith.constant 127 : i32
          %and3A_375 = vector.broadcast %and3A_374 : i32 to vector<16xi32>
          %and3A_376 = arith.andi %add3A_346, %and3A_375 : vector<16xi32>
          %add3A_377 = arith.addi %mul3A_373, %and3A_376 : vector<16xi32>
          %gather3A_378 = tpu.vector_load_idx %arg10[%add3A_377] : memref<6144xf32, #tpu.memory_space<vmem>>[vector<16xi32>], vector<16xf32>,
          %mul3A_379 = arith.mulf %gather3A_378, %gather3A_348 : vector<16xf32>
          tpu.vector_store_idx %arg11[%add3A_367], %mul3A_379 masked %and3A_357 {add = true} : memref<6144xf32, #tpu.memory_space<vmem>>[vector<16xi32>], vector<16xf32>, vector<16xi1>
          %add3A_380 = arith.constant 128 : i32
          %add3A_381 = vector.broadcast %add3A_380 : i32 to vector<16xi32>
          %add3A_382 = arith.addi %add3A_377, %add3A_381 : vector<16xi32>
          %gather3A_383 = tpu.vector_load_idx %arg10[%add3A_382] : memref<6144xf32, #tpu.memory_space<vmem>>[vector<16xi32>], vector<16xf32>,
          %add3A_384 = arith.constant 128 : i32
          %add3A_385 = vector.broadcast %add3A_384 : i32 to vector<16xi32>
          %add3A_386 = arith.addi %add3A_367, %add3A_385 : vector<16xi32>
          %mul3A_387 = arith.mulf %gather3A_383, %gather3A_348 : vector<16xf32>
          tpu.vector_store_idx %arg11[%add3A_386], %mul3A_387 masked %and3A_357 {add = true} : memref<6144xf32, #tpu.memory_space<vmem>>[vector<16xi32>], vector<16xf32>, vector<16xi1>
          %add3A_388 = arith.constant 256 : i32
          %add3A_389 = vector.broadcast %add3A_388 : i32 to vector<16xi32>
          %add3A_390 = arith.addi %add3A_377, %add3A_389 : vector<16xi32>
          %gather3A_391 = tpu.vector_load_idx %arg10[%add3A_390] : memref<6144xf32, #tpu.memory_space<vmem>>[vector<16xi32>], vector<16xf32>,
          %add3A_392 = arith.constant 256 : i32
          %add3A_393 = vector.broadcast %add3A_392 : i32 to vector<16xi32>
          %add3A_394 = arith.addi %add3A_367, %add3A_393 : vector<16xi32>
          %mul3A_395 = arith.mulf %gather3A_391, %gather3A_348 : vector<16xf32>
          tpu.vector_store_idx %arg11[%add3A_394], %mul3A_395 masked %and3A_357 {add = true} : memref<6144xf32, #tpu.memory_space<vmem>>[vector<16xi32>], vector<16xf32>, vector<16xi1>
          %scan3A_396 = arith.constant 0 : i32
          %scan3A_397 = arith.constant 4 : i32
          %scan3A_398 = arith.addi %scan3A_169, %scan3A_397 : i32
          %add3A_399 = vector.broadcast %scan3A_398 : i32 to vector<16xi32>
          %add3A_400 = arith.addi %iota3A, %add3A_399 : vector<16xi32>
          %and3A_401 = arith.constant 63 : i32
          %and3A_402 = vector.broadcast %and3A_401 : i32 to vector<16xi32>
          %and3A_403 = arith.andi %add3A_400, %and3A_402 : vector<16xi32>
          %add3A_404 = arith.addi %add3A_161, %and3A_403 : vector<16xi32>
          %gather3A_405 = tpu.vector_load_idx %arg8[%add3A_404] : memref<2048xi32, #tpu.memory_space<vmem>>[vector<16xi32>], vector<16xi32>,
          %gather3A_406 = tpu.vector_load_idx %arg9[%add3A_404] : memref<2048xf32, #tpu.memory_space<vmem>>[vector<16xi32>], vector<16xf32>,
          %sub3A_407 = vector.broadcast %mul3A_2 : i32 to vector<16xi32>
          %sub3A_408 = arith.subi %gather3A_405, %sub3A_407 : vector<16xi32>
          %bitcast3A_409 = vector.bitcast %sub3A_408 : vector<16xi32> to vector<16xi32>
          %lt3A_410 = arith.constant 2048 : i32
          %lt3A_411 = vector.broadcast %lt3A_410 : i32 to vector<16xi32>
          %lt3A_412 = arith.cmpi ult, %bitcast3A_409, %lt3A_411 : vector<16xi32>
          %ge3A_413 = vector.broadcast %add3A_155 : i32 to vector<16xi32>
          %ge3A_414 = arith.cmpi sge, %add3A_404, %ge3A_413 : vector<16xi32>
          %and3A_415 = arith.andi %lt3A_412, %ge3A_414 : vector<16xi1>
          %shift_right_arithmetic3A_416 = arith.constant 7 : i32
          %shift_right_arithmetic3A_417 = vector.broadcast %shift_right_arithmetic3A_416 : i32 to vector<16xi32>
          %shift_right_arithmetic3A_418 = arith.shrsi %sub3A_408, %shift_right_arithmetic3A_417 : vector<16xi32>
          %mul3A_419 = arith.constant 384 : i32
          %mul3A_420 = vector.broadcast %mul3A_419 : i32 to vector<16xi32>
          %mul3A_421 = arith.muli %shift_right_arithmetic3A_418, %mul3A_420 : vector<16xi32>
          %and3A_422 = arith.constant 127 : i32
          %and3A_423 = vector.broadcast %and3A_422 : i32 to vector<16xi32>
          %and3A_424 = arith.andi %sub3A_408, %and3A_423 : vector<16xi32>
          %add3A_425 = arith.addi %mul3A_421, %and3A_424 : vector<16xi32>
          %shift_right_arithmetic3A_426 = arith.constant 7 : i32
          %shift_right_arithmetic3A_427 = vector.broadcast %shift_right_arithmetic3A_426 : i32 to vector<16xi32>
          %shift_right_arithmetic3A_428 = arith.shrsi %add3A_404, %shift_right_arithmetic3A_427 : vector<16xi32>
          %mul3A_429 = arith.constant 384 : i32
          %mul3A_430 = vector.broadcast %mul3A_429 : i32 to vector<16xi32>
          %mul3A_431 = arith.muli %shift_right_arithmetic3A_428, %mul3A_430 : vector<16xi32>
          %and3A_432 = arith.constant 127 : i32
          %and3A_433 = vector.broadcast %and3A_432 : i32 to vector<16xi32>
          %and3A_434 = arith.andi %add3A_404, %and3A_433 : vector<16xi32>
          %add3A_435 = arith.addi %mul3A_431, %and3A_434 : vector<16xi32>
          %gather3A_436 = tpu.vector_load_idx %arg10[%add3A_435] : memref<6144xf32, #tpu.memory_space<vmem>>[vector<16xi32>], vector<16xf32>,
          %mul3A_437 = arith.mulf %gather3A_436, %gather3A_406 : vector<16xf32>
          tpu.vector_store_idx %arg11[%add3A_425], %mul3A_437 masked %and3A_415 {add = true} : memref<6144xf32, #tpu.memory_space<vmem>>[vector<16xi32>], vector<16xf32>, vector<16xi1>
          %add3A_438 = arith.constant 128 : i32
          %add3A_439 = vector.broadcast %add3A_438 : i32 to vector<16xi32>
          %add3A_440 = arith.addi %add3A_435, %add3A_439 : vector<16xi32>
          %gather3A_441 = tpu.vector_load_idx %arg10[%add3A_440] : memref<6144xf32, #tpu.memory_space<vmem>>[vector<16xi32>], vector<16xf32>,
          %add3A_442 = arith.constant 128 : i32
          %add3A_443 = vector.broadcast %add3A_442 : i32 to vector<16xi32>
          %add3A_444 = arith.addi %add3A_425, %add3A_443 : vector<16xi32>
          %mul3A_445 = arith.mulf %gather3A_441, %gather3A_406 : vector<16xf32>
          tpu.vector_store_idx %arg11[%add3A_444], %mul3A_445 masked %and3A_415 {add = true} : memref<6144xf32, #tpu.memory_space<vmem>>[vector<16xi32>], vector<16xf32>, vector<16xi1>
          %add3A_446 = arith.constant 256 : i32
          %add3A_447 = vector.broadcast %add3A_446 : i32 to vector<16xi32>
          %add3A_448 = arith.addi %add3A_435, %add3A_447 : vector<16xi32>
          %gather3A_449 = tpu.vector_load_idx %arg10[%add3A_448] : memref<6144xf32, #tpu.memory_space<vmem>>[vector<16xi32>], vector<16xf32>,
          %add3A_450 = arith.constant 256 : i32
          %add3A_451 = vector.broadcast %add3A_450 : i32 to vector<16xi32>
          %add3A_452 = arith.addi %add3A_425, %add3A_451 : vector<16xi32>
          %mul3A_453 = arith.mulf %gather3A_449, %gather3A_406 : vector<16xf32>
          tpu.vector_store_idx %arg11[%add3A_452], %mul3A_453 masked %and3A_415 {add = true} : memref<6144xf32, #tpu.memory_space<vmem>>[vector<16xi32>], vector<16xf32>, vector<16xi1>
          %scan3A_454 = arith.constant 0 : i32
          %scan3A_455 = arith.constant 5 : i32
          %scan3A_456 = arith.addi %scan3A_169, %scan3A_455 : i32
          %add3A_457 = vector.broadcast %scan3A_456 : i32 to vector<16xi32>
          %add3A_458 = arith.addi %iota3A, %add3A_457 : vector<16xi32>
          %and3A_459 = arith.constant 63 : i32
          %and3A_460 = vector.broadcast %and3A_459 : i32 to vector<16xi32>
          %and3A_461 = arith.andi %add3A_458, %and3A_460 : vector<16xi32>
          %add3A_462 = arith.addi %add3A_161, %and3A_461 : vector<16xi32>
          %gather3A_463 = tpu.vector_load_idx %arg8[%add3A_462] : memref<2048xi32, #tpu.memory_space<vmem>>[vector<16xi32>], vector<16xi32>,
          %gather3A_464 = tpu.vector_load_idx %arg9[%add3A_462] : memref<2048xf32, #tpu.memory_space<vmem>>[vector<16xi32>], vector<16xf32>,
          %sub3A_465 = vector.broadcast %mul3A_2 : i32 to vector<16xi32>
          %sub3A_466 = arith.subi %gather3A_463, %sub3A_465 : vector<16xi32>
          %bitcast3A_467 = vector.bitcast %sub3A_466 : vector<16xi32> to vector<16xi32>
          %lt3A_468 = arith.constant 2048 : i32
          %lt3A_469 = vector.broadcast %lt3A_468 : i32 to vector<16xi32>
          %lt3A_470 = arith.cmpi ult, %bitcast3A_467, %lt3A_469 : vector<16xi32>
          %ge3A_471 = vector.broadcast %add3A_155 : i32 to vector<16xi32>
          %ge3A_472 = arith.cmpi sge, %add3A_462, %ge3A_471 : vector<16xi32>
          %and3A_473 = arith.andi %lt3A_470, %ge3A_472 : vector<16xi1>
          %shift_right_arithmetic3A_474 = arith.constant 7 : i32
          %shift_right_arithmetic3A_475 = vector.broadcast %shift_right_arithmetic3A_474 : i32 to vector<16xi32>
          %shift_right_arithmetic3A_476 = arith.shrsi %sub3A_466, %shift_right_arithmetic3A_475 : vector<16xi32>
          %mul3A_477 = arith.constant 384 : i32
          %mul3A_478 = vector.broadcast %mul3A_477 : i32 to vector<16xi32>
          %mul3A_479 = arith.muli %shift_right_arithmetic3A_476, %mul3A_478 : vector<16xi32>
          %and3A_480 = arith.constant 127 : i32
          %and3A_481 = vector.broadcast %and3A_480 : i32 to vector<16xi32>
          %and3A_482 = arith.andi %sub3A_466, %and3A_481 : vector<16xi32>
          %add3A_483 = arith.addi %mul3A_479, %and3A_482 : vector<16xi32>
          %shift_right_arithmetic3A_484 = arith.constant 7 : i32
          %shift_right_arithmetic3A_485 = vector.broadcast %shift_right_arithmetic3A_484 : i32 to vector<16xi32>
          %shift_right_arithmetic3A_486 = arith.shrsi %add3A_462, %shift_right_arithmetic3A_485 : vector<16xi32>
          %mul3A_487 = arith.constant 384 : i32
          %mul3A_488 = vector.broadcast %mul3A_487 : i32 to vector<16xi32>
          %mul3A_489 = arith.muli %shift_right_arithmetic3A_486, %mul3A_488 : vector<16xi32>
          %and3A_490 = arith.constant 127 : i32
          %and3A_491 = vector.broadcast %and3A_490 : i32 to vector<16xi32>
          %and3A_492 = arith.andi %add3A_462, %and3A_491 : vector<16xi32>
          %add3A_493 = arith.addi %mul3A_489, %and3A_492 : vector<16xi32>
          %gather3A_494 = tpu.vector_load_idx %arg10[%add3A_493] : memref<6144xf32, #tpu.memory_space<vmem>>[vector<16xi32>], vector<16xf32>,
          %mul3A_495 = arith.mulf %gather3A_494, %gather3A_464 : vector<16xf32>
          tpu.vector_store_idx %arg11[%add3A_483], %mul3A_495 masked %and3A_473 {add = true} : memref<6144xf32, #tpu.memory_space<vmem>>[vector<16xi32>], vector<16xf32>, vector<16xi1>
          %add3A_496 = arith.constant 128 : i32
          %add3A_497 = vector.broadcast %add3A_496 : i32 to vector<16xi32>
          %add3A_498 = arith.addi %add3A_493, %add3A_497 : vector<16xi32>
          %gather3A_499 = tpu.vector_load_idx %arg10[%add3A_498] : memref<6144xf32, #tpu.memory_space<vmem>>[vector<16xi32>], vector<16xf32>,
          %add3A_500 = arith.constant 128 : i32
          %add3A_501 = vector.broadcast %add3A_500 : i32 to vector<16xi32>
          %add3A_502 = arith.addi %add3A_483, %add3A_501 : vector<16xi32>
          %mul3A_503 = arith.mulf %gather3A_499, %gather3A_464 : vector<16xf32>
          tpu.vector_store_idx %arg11[%add3A_502], %mul3A_503 masked %and3A_473 {add = true} : memref<6144xf32, #tpu.memory_space<vmem>>[vector<16xi32>], vector<16xf32>, vector<16xi1>
          %add3A_504 = arith.constant 256 : i32
          %add3A_505 = vector.broadcast %add3A_504 : i32 to vector<16xi32>
          %add3A_506 = arith.addi %add3A_493, %add3A_505 : vector<16xi32>
          %gather3A_507 = tpu.vector_load_idx %arg10[%add3A_506] : memref<6144xf32, #tpu.memory_space<vmem>>[vector<16xi32>], vector<16xf32>,
          %add3A_508 = arith.constant 256 : i32
          %add3A_509 = vector.broadcast %add3A_508 : i32 to vector<16xi32>
          %add3A_510 = arith.addi %add3A_483, %add3A_509 : vector<16xi32>
          %mul3A_511 = arith.mulf %gather3A_507, %gather3A_464 : vector<16xf32>
          tpu.vector_store_idx %arg11[%add3A_510], %mul3A_511 masked %and3A_473 {add = true} : memref<6144xf32, #tpu.memory_space<vmem>>[vector<16xi32>], vector<16xf32>, vector<16xi1>
          %scan3A_512 = arith.constant 0 : i32
          %scan3A_513 = arith.constant 6 : i32
          %scan3A_514 = arith.addi %scan3A_169, %scan3A_513 : i32
          %add3A_515 = vector.broadcast %scan3A_514 : i32 to vector<16xi32>
          %add3A_516 = arith.addi %iota3A, %add3A_515 : vector<16xi32>
          %and3A_517 = arith.constant 63 : i32
          %and3A_518 = vector.broadcast %and3A_517 : i32 to vector<16xi32>
          %and3A_519 = arith.andi %add3A_516, %and3A_518 : vector<16xi32>
          %add3A_520 = arith.addi %add3A_161, %and3A_519 : vector<16xi32>
          %gather3A_521 = tpu.vector_load_idx %arg8[%add3A_520] : memref<2048xi32, #tpu.memory_space<vmem>>[vector<16xi32>], vector<16xi32>,
          %gather3A_522 = tpu.vector_load_idx %arg9[%add3A_520] : memref<2048xf32, #tpu.memory_space<vmem>>[vector<16xi32>], vector<16xf32>,
          %sub3A_523 = vector.broadcast %mul3A_2 : i32 to vector<16xi32>
          %sub3A_524 = arith.subi %gather3A_521, %sub3A_523 : vector<16xi32>
          %bitcast3A_525 = vector.bitcast %sub3A_524 : vector<16xi32> to vector<16xi32>
          %lt3A_526 = arith.constant 2048 : i32
          %lt3A_527 = vector.broadcast %lt3A_526 : i32 to vector<16xi32>
          %lt3A_528 = arith.cmpi ult, %bitcast3A_525, %lt3A_527 : vector<16xi32>
          %ge3A_529 = vector.broadcast %add3A_155 : i32 to vector<16xi32>
          %ge3A_530 = arith.cmpi sge, %add3A_520, %ge3A_529 : vector<16xi32>
          %and3A_531 = arith.andi %lt3A_528, %ge3A_530 : vector<16xi1>
          %shift_right_arithmetic3A_532 = arith.constant 7 : i32
          %shift_right_arithmetic3A_533 = vector.broadcast %shift_right_arithmetic3A_532 : i32 to vector<16xi32>
          %shift_right_arithmetic3A_534 = arith.shrsi %sub3A_524, %shift_right_arithmetic3A_533 : vector<16xi32>
          %mul3A_535 = arith.constant 384 : i32
          %mul3A_536 = vector.broadcast %mul3A_535 : i32 to vector<16xi32>
          %mul3A_537 = arith.muli %shift_right_arithmetic3A_534, %mul3A_536 : vector<16xi32>
          %and3A_538 = arith.constant 127 : i32
          %and3A_539 = vector.broadcast %and3A_538 : i32 to vector<16xi32>
          %and3A_540 = arith.andi %sub3A_524, %and3A_539 : vector<16xi32>
          %add3A_541 = arith.addi %mul3A_537, %and3A_540 : vector<16xi32>
          %shift_right_arithmetic3A_542 = arith.constant 7 : i32
          %shift_right_arithmetic3A_543 = vector.broadcast %shift_right_arithmetic3A_542 : i32 to vector<16xi32>
          %shift_right_arithmetic3A_544 = arith.shrsi %add3A_520, %shift_right_arithmetic3A_543 : vector<16xi32>
          %mul3A_545 = arith.constant 384 : i32
          %mul3A_546 = vector.broadcast %mul3A_545 : i32 to vector<16xi32>
          %mul3A_547 = arith.muli %shift_right_arithmetic3A_544, %mul3A_546 : vector<16xi32>
          %and3A_548 = arith.constant 127 : i32
          %and3A_549 = vector.broadcast %and3A_548 : i32 to vector<16xi32>
          %and3A_550 = arith.andi %add3A_520, %and3A_549 : vector<16xi32>
          %add3A_551 = arith.addi %mul3A_547, %and3A_550 : vector<16xi32>
          %gather3A_552 = tpu.vector_load_idx %arg10[%add3A_551] : memref<6144xf32, #tpu.memory_space<vmem>>[vector<16xi32>], vector<16xf32>,
          %mul3A_553 = arith.mulf %gather3A_552, %gather3A_522 : vector<16xf32>
          tpu.vector_store_idx %arg11[%add3A_541], %mul3A_553 masked %and3A_531 {add = true} : memref<6144xf32, #tpu.memory_space<vmem>>[vector<16xi32>], vector<16xf32>, vector<16xi1>
          %add3A_554 = arith.constant 128 : i32
          %add3A_555 = vector.broadcast %add3A_554 : i32 to vector<16xi32>
          %add3A_556 = arith.addi %add3A_551, %add3A_555 : vector<16xi32>
          %gather3A_557 = tpu.vector_load_idx %arg10[%add3A_556] : memref<6144xf32, #tpu.memory_space<vmem>>[vector<16xi32>], vector<16xf32>,
          %add3A_558 = arith.constant 128 : i32
          %add3A_559 = vector.broadcast %add3A_558 : i32 to vector<16xi32>
          %add3A_560 = arith.addi %add3A_541, %add3A_559 : vector<16xi32>
          %mul3A_561 = arith.mulf %gather3A_557, %gather3A_522 : vector<16xf32>
          tpu.vector_store_idx %arg11[%add3A_560], %mul3A_561 masked %and3A_531 {add = true} : memref<6144xf32, #tpu.memory_space<vmem>>[vector<16xi32>], vector<16xf32>, vector<16xi1>
          %add3A_562 = arith.constant 256 : i32
          %add3A_563 = vector.broadcast %add3A_562 : i32 to vector<16xi32>
          %add3A_564 = arith.addi %add3A_551, %add3A_563 : vector<16xi32>
          %gather3A_565 = tpu.vector_load_idx %arg10[%add3A_564] : memref<6144xf32, #tpu.memory_space<vmem>>[vector<16xi32>], vector<16xf32>,
          %add3A_566 = arith.constant 256 : i32
          %add3A_567 = vector.broadcast %add3A_566 : i32 to vector<16xi32>
          %add3A_568 = arith.addi %add3A_541, %add3A_567 : vector<16xi32>
          %mul3A_569 = arith.mulf %gather3A_565, %gather3A_522 : vector<16xf32>
          tpu.vector_store_idx %arg11[%add3A_568], %mul3A_569 masked %and3A_531 {add = true} : memref<6144xf32, #tpu.memory_space<vmem>>[vector<16xi32>], vector<16xf32>, vector<16xi1>
          %scan3A_570 = arith.constant 0 : i32
          %scan3A_571 = arith.constant 7 : i32
          %scan3A_572 = arith.addi %scan3A_169, %scan3A_571 : i32
          %add3A_573 = vector.broadcast %scan3A_572 : i32 to vector<16xi32>
          %add3A_574 = arith.addi %iota3A, %add3A_573 : vector<16xi32>
          %and3A_575 = arith.constant 63 : i32
          %and3A_576 = vector.broadcast %and3A_575 : i32 to vector<16xi32>
          %and3A_577 = arith.andi %add3A_574, %and3A_576 : vector<16xi32>
          %add3A_578 = arith.addi %add3A_161, %and3A_577 : vector<16xi32>
          %gather3A_579 = tpu.vector_load_idx %arg8[%add3A_578] : memref<2048xi32, #tpu.memory_space<vmem>>[vector<16xi32>], vector<16xi32>,
          %gather3A_580 = tpu.vector_load_idx %arg9[%add3A_578] : memref<2048xf32, #tpu.memory_space<vmem>>[vector<16xi32>], vector<16xf32>,
          %sub3A_581 = vector.broadcast %mul3A_2 : i32 to vector<16xi32>
          %sub3A_582 = arith.subi %gather3A_579, %sub3A_581 : vector<16xi32>
          %bitcast3A_583 = vector.bitcast %sub3A_582 : vector<16xi32> to vector<16xi32>
          %lt3A_584 = arith.constant 2048 : i32
          %lt3A_585 = vector.broadcast %lt3A_584 : i32 to vector<16xi32>
          %lt3A_586 = arith.cmpi ult, %bitcast3A_583, %lt3A_585 : vector<16xi32>
          %ge3A_587 = vector.broadcast %add3A_155 : i32 to vector<16xi32>
          %ge3A_588 = arith.cmpi sge, %add3A_578, %ge3A_587 : vector<16xi32>
          %and3A_589 = arith.andi %lt3A_586, %ge3A_588 : vector<16xi1>
          %shift_right_arithmetic3A_590 = arith.constant 7 : i32
          %shift_right_arithmetic3A_591 = vector.broadcast %shift_right_arithmetic3A_590 : i32 to vector<16xi32>
          %shift_right_arithmetic3A_592 = arith.shrsi %sub3A_582, %shift_right_arithmetic3A_591 : vector<16xi32>
          %mul3A_593 = arith.constant 384 : i32
          %mul3A_594 = vector.broadcast %mul3A_593 : i32 to vector<16xi32>
          %mul3A_595 = arith.muli %shift_right_arithmetic3A_592, %mul3A_594 : vector<16xi32>
          %and3A_596 = arith.constant 127 : i32
          %and3A_597 = vector.broadcast %and3A_596 : i32 to vector<16xi32>
          %and3A_598 = arith.andi %sub3A_582, %and3A_597 : vector<16xi32>
          %add3A_599 = arith.addi %mul3A_595, %and3A_598 : vector<16xi32>
          %shift_right_arithmetic3A_600 = arith.constant 7 : i32
          %shift_right_arithmetic3A_601 = vector.broadcast %shift_right_arithmetic3A_600 : i32 to vector<16xi32>
          %shift_right_arithmetic3A_602 = arith.shrsi %add3A_578, %shift_right_arithmetic3A_601 : vector<16xi32>
          %mul3A_603 = arith.constant 384 : i32
          %mul3A_604 = vector.broadcast %mul3A_603 : i32 to vector<16xi32>
          %mul3A_605 = arith.muli %shift_right_arithmetic3A_602, %mul3A_604 : vector<16xi32>
          %and3A_606 = arith.constant 127 : i32
          %and3A_607 = vector.broadcast %and3A_606 : i32 to vector<16xi32>
          %and3A_608 = arith.andi %add3A_578, %and3A_607 : vector<16xi32>
          %add3A_609 = arith.addi %mul3A_605, %and3A_608 : vector<16xi32>
          %gather3A_610 = tpu.vector_load_idx %arg10[%add3A_609] : memref<6144xf32, #tpu.memory_space<vmem>>[vector<16xi32>], vector<16xf32>,
          %mul3A_611 = arith.mulf %gather3A_610, %gather3A_580 : vector<16xf32>
          tpu.vector_store_idx %arg11[%add3A_599], %mul3A_611 masked %and3A_589 {add = true} : memref<6144xf32, #tpu.memory_space<vmem>>[vector<16xi32>], vector<16xf32>, vector<16xi1>
          %add3A_612 = arith.constant 128 : i32
          %add3A_613 = vector.broadcast %add3A_612 : i32 to vector<16xi32>
          %add3A_614 = arith.addi %add3A_609, %add3A_613 : vector<16xi32>
          %gather3A_615 = tpu.vector_load_idx %arg10[%add3A_614] : memref<6144xf32, #tpu.memory_space<vmem>>[vector<16xi32>], vector<16xf32>,
          %add3A_616 = arith.constant 128 : i32
          %add3A_617 = vector.broadcast %add3A_616 : i32 to vector<16xi32>
          %add3A_618 = arith.addi %add3A_599, %add3A_617 : vector<16xi32>
          %mul3A_619 = arith.mulf %gather3A_615, %gather3A_580 : vector<16xf32>
          tpu.vector_store_idx %arg11[%add3A_618], %mul3A_619 masked %and3A_589 {add = true} : memref<6144xf32, #tpu.memory_space<vmem>>[vector<16xi32>], vector<16xf32>, vector<16xi1>
          %add3A_620 = arith.constant 256 : i32
          %add3A_621 = vector.broadcast %add3A_620 : i32 to vector<16xi32>
          %add3A_622 = arith.addi %add3A_609, %add3A_621 : vector<16xi32>
          %gather3A_623 = tpu.vector_load_idx %arg10[%add3A_622] : memref<6144xf32, #tpu.memory_space<vmem>>[vector<16xi32>], vector<16xf32>,
          %add3A_624 = arith.constant 256 : i32
          %add3A_625 = vector.broadcast %add3A_624 : i32 to vector<16xi32>
          %add3A_626 = arith.addi %add3A_599, %add3A_625 : vector<16xi32>
          %mul3A_627 = arith.mulf %gather3A_623, %gather3A_580 : vector<16xf32>
          tpu.vector_store_idx %arg11[%add3A_626], %mul3A_627 masked %and3A_589 {add = true} : memref<6144xf32, #tpu.memory_space<vmem>>[vector<16xi32>], vector<16xf32>, vector<16xi1>
          %scan3A_628 = arith.constant 0 : i32
          %scan3A_629 = arith.constant 8 : i32
          %scan3A_630 = arith.addi %scan3A_169, %scan3A_629 : i32
          %add3A_631 = vector.broadcast %scan3A_630 : i32 to vector<16xi32>
          %add3A_632 = arith.addi %iota3A, %add3A_631 : vector<16xi32>
          %and3A_633 = arith.constant 63 : i32
          %and3A_634 = vector.broadcast %and3A_633 : i32 to vector<16xi32>
          %and3A_635 = arith.andi %add3A_632, %and3A_634 : vector<16xi32>
          %add3A_636 = arith.addi %add3A_161, %and3A_635 : vector<16xi32>
          %gather3A_637 = tpu.vector_load_idx %arg8[%add3A_636] : memref<2048xi32, #tpu.memory_space<vmem>>[vector<16xi32>], vector<16xi32>,
          %gather3A_638 = tpu.vector_load_idx %arg9[%add3A_636] : memref<2048xf32, #tpu.memory_space<vmem>>[vector<16xi32>], vector<16xf32>,
          %sub3A_639 = vector.broadcast %mul3A_2 : i32 to vector<16xi32>
          %sub3A_640 = arith.subi %gather3A_637, %sub3A_639 : vector<16xi32>
          %bitcast3A_641 = vector.bitcast %sub3A_640 : vector<16xi32> to vector<16xi32>
          %lt3A_642 = arith.constant 2048 : i32
          %lt3A_643 = vector.broadcast %lt3A_642 : i32 to vector<16xi32>
          %lt3A_644 = arith.cmpi ult, %bitcast3A_641, %lt3A_643 : vector<16xi32>
          %ge3A_645 = vector.broadcast %add3A_155 : i32 to vector<16xi32>
          %ge3A_646 = arith.cmpi sge, %add3A_636, %ge3A_645 : vector<16xi32>
          %and3A_647 = arith.andi %lt3A_644, %ge3A_646 : vector<16xi1>
          %shift_right_arithmetic3A_648 = arith.constant 7 : i32
          %shift_right_arithmetic3A_649 = vector.broadcast %shift_right_arithmetic3A_648 : i32 to vector<16xi32>
          %shift_right_arithmetic3A_650 = arith.shrsi %sub3A_640, %shift_right_arithmetic3A_649 : vector<16xi32>
          %mul3A_651 = arith.constant 384 : i32
          %mul3A_652 = vector.broadcast %mul3A_651 : i32 to vector<16xi32>
          %mul3A_653 = arith.muli %shift_right_arithmetic3A_650, %mul3A_652 : vector<16xi32>
          %and3A_654 = arith.constant 127 : i32
          %and3A_655 = vector.broadcast %and3A_654 : i32 to vector<16xi32>
          %and3A_656 = arith.andi %sub3A_640, %and3A_655 : vector<16xi32>
          %add3A_657 = arith.addi %mul3A_653, %and3A_656 : vector<16xi32>
          %shift_right_arithmetic3A_658 = arith.constant 7 : i32
          %shift_right_arithmetic3A_659 = vector.broadcast %shift_right_arithmetic3A_658 : i32 to vector<16xi32>
          %shift_right_arithmetic3A_660 = arith.shrsi %add3A_636, %shift_right_arithmetic3A_659 : vector<16xi32>
          %mul3A_661 = arith.constant 384 : i32
          %mul3A_662 = vector.broadcast %mul3A_661 : i32 to vector<16xi32>
          %mul3A_663 = arith.muli %shift_right_arithmetic3A_660, %mul3A_662 : vector<16xi32>
          %and3A_664 = arith.constant 127 : i32
          %and3A_665 = vector.broadcast %and3A_664 : i32 to vector<16xi32>
          %and3A_666 = arith.andi %add3A_636, %and3A_665 : vector<16xi32>
          %add3A_667 = arith.addi %mul3A_663, %and3A_666 : vector<16xi32>
          %gather3A_668 = tpu.vector_load_idx %arg10[%add3A_667] : memref<6144xf32, #tpu.memory_space<vmem>>[vector<16xi32>], vector<16xf32>,
          %mul3A_669 = arith.mulf %gather3A_668, %gather3A_638 : vector<16xf32>
          tpu.vector_store_idx %arg11[%add3A_657], %mul3A_669 masked %and3A_647 {add = true} : memref<6144xf32, #tpu.memory_space<vmem>>[vector<16xi32>], vector<16xf32>, vector<16xi1>
          %add3A_670 = arith.constant 128 : i32
          %add3A_671 = vector.broadcast %add3A_670 : i32 to vector<16xi32>
          %add3A_672 = arith.addi %add3A_667, %add3A_671 : vector<16xi32>
          %gather3A_673 = tpu.vector_load_idx %arg10[%add3A_672] : memref<6144xf32, #tpu.memory_space<vmem>>[vector<16xi32>], vector<16xf32>,
          %add3A_674 = arith.constant 128 : i32
          %add3A_675 = vector.broadcast %add3A_674 : i32 to vector<16xi32>
          %add3A_676 = arith.addi %add3A_657, %add3A_675 : vector<16xi32>
          %mul3A_677 = arith.mulf %gather3A_673, %gather3A_638 : vector<16xf32>
          tpu.vector_store_idx %arg11[%add3A_676], %mul3A_677 masked %and3A_647 {add = true} : memref<6144xf32, #tpu.memory_space<vmem>>[vector<16xi32>], vector<16xf32>, vector<16xi1>
          %add3A_678 = arith.constant 256 : i32
          %add3A_679 = vector.broadcast %add3A_678 : i32 to vector<16xi32>
          %add3A_680 = arith.addi %add3A_667, %add3A_679 : vector<16xi32>
          %gather3A_681 = tpu.vector_load_idx %arg10[%add3A_680] : memref<6144xf32, #tpu.memory_space<vmem>>[vector<16xi32>], vector<16xf32>,
          %add3A_682 = arith.constant 256 : i32
          %add3A_683 = vector.broadcast %add3A_682 : i32 to vector<16xi32>
          %add3A_684 = arith.addi %add3A_657, %add3A_683 : vector<16xi32>
          %mul3A_685 = arith.mulf %gather3A_681, %gather3A_638 : vector<16xf32>
          tpu.vector_store_idx %arg11[%add3A_684], %mul3A_685 masked %and3A_647 {add = true} : memref<6144xf32, #tpu.memory_space<vmem>>[vector<16xi32>], vector<16xf32>, vector<16xi1>
          %scan3A_686 = arith.constant 0 : i32
          %scan3A_687 = arith.constant 9 : i32
          %scan3A_688 = arith.addi %scan3A_169, %scan3A_687 : i32
          %add3A_689 = vector.broadcast %scan3A_688 : i32 to vector<16xi32>
          %add3A_690 = arith.addi %iota3A, %add3A_689 : vector<16xi32>
          %and3A_691 = arith.constant 63 : i32
          %and3A_692 = vector.broadcast %and3A_691 : i32 to vector<16xi32>
          %and3A_693 = arith.andi %add3A_690, %and3A_692 : vector<16xi32>
          %add3A_694 = arith.addi %add3A_161, %and3A_693 : vector<16xi32>
          %gather3A_695 = tpu.vector_load_idx %arg8[%add3A_694] : memref<2048xi32, #tpu.memory_space<vmem>>[vector<16xi32>], vector<16xi32>,
          %gather3A_696 = tpu.vector_load_idx %arg9[%add3A_694] : memref<2048xf32, #tpu.memory_space<vmem>>[vector<16xi32>], vector<16xf32>,
          %sub3A_697 = vector.broadcast %mul3A_2 : i32 to vector<16xi32>
          %sub3A_698 = arith.subi %gather3A_695, %sub3A_697 : vector<16xi32>
          %bitcast3A_699 = vector.bitcast %sub3A_698 : vector<16xi32> to vector<16xi32>
          %lt3A_700 = arith.constant 2048 : i32
          %lt3A_701 = vector.broadcast %lt3A_700 : i32 to vector<16xi32>
          %lt3A_702 = arith.cmpi ult, %bitcast3A_699, %lt3A_701 : vector<16xi32>
          %ge3A_703 = vector.broadcast %add3A_155 : i32 to vector<16xi32>
          %ge3A_704 = arith.cmpi sge, %add3A_694, %ge3A_703 : vector<16xi32>
          %and3A_705 = arith.andi %lt3A_702, %ge3A_704 : vector<16xi1>
          %shift_right_arithmetic3A_706 = arith.constant 7 : i32
          %shift_right_arithmetic3A_707 = vector.broadcast %shift_right_arithmetic3A_706 : i32 to vector<16xi32>
          %shift_right_arithmetic3A_708 = arith.shrsi %sub3A_698, %shift_right_arithmetic3A_707 : vector<16xi32>
          %mul3A_709 = arith.constant 384 : i32
          %mul3A_710 = vector.broadcast %mul3A_709 : i32 to vector<16xi32>
          %mul3A_711 = arith.muli %shift_right_arithmetic3A_708, %mul3A_710 : vector<16xi32>
          %and3A_712 = arith.constant 127 : i32
          %and3A_713 = vector.broadcast %and3A_712 : i32 to vector<16xi32>
          %and3A_714 = arith.andi %sub3A_698, %and3A_713 : vector<16xi32>
          %add3A_715 = arith.addi %mul3A_711, %and3A_714 : vector<16xi32>
          %shift_right_arithmetic3A_716 = arith.constant 7 : i32
          %shift_right_arithmetic3A_717 = vector.broadcast %shift_right_arithmetic3A_716 : i32 to vector<16xi32>
          %shift_right_arithmetic3A_718 = arith.shrsi %add3A_694, %shift_right_arithmetic3A_717 : vector<16xi32>
          %mul3A_719 = arith.constant 384 : i32
          %mul3A_720 = vector.broadcast %mul3A_719 : i32 to vector<16xi32>
          %mul3A_721 = arith.muli %shift_right_arithmetic3A_718, %mul3A_720 : vector<16xi32>
          %and3A_722 = arith.constant 127 : i32
          %and3A_723 = vector.broadcast %and3A_722 : i32 to vector<16xi32>
          %and3A_724 = arith.andi %add3A_694, %and3A_723 : vector<16xi32>
          %add3A_725 = arith.addi %mul3A_721, %and3A_724 : vector<16xi32>
          %gather3A_726 = tpu.vector_load_idx %arg10[%add3A_725] : memref<6144xf32, #tpu.memory_space<vmem>>[vector<16xi32>], vector<16xf32>,
          %mul3A_727 = arith.mulf %gather3A_726, %gather3A_696 : vector<16xf32>
          tpu.vector_store_idx %arg11[%add3A_715], %mul3A_727 masked %and3A_705 {add = true} : memref<6144xf32, #tpu.memory_space<vmem>>[vector<16xi32>], vector<16xf32>, vector<16xi1>
          %add3A_728 = arith.constant 128 : i32
          %add3A_729 = vector.broadcast %add3A_728 : i32 to vector<16xi32>
          %add3A_730 = arith.addi %add3A_725, %add3A_729 : vector<16xi32>
          %gather3A_731 = tpu.vector_load_idx %arg10[%add3A_730] : memref<6144xf32, #tpu.memory_space<vmem>>[vector<16xi32>], vector<16xf32>,
          %add3A_732 = arith.constant 128 : i32
          %add3A_733 = vector.broadcast %add3A_732 : i32 to vector<16xi32>
          %add3A_734 = arith.addi %add3A_715, %add3A_733 : vector<16xi32>
          %mul3A_735 = arith.mulf %gather3A_731, %gather3A_696 : vector<16xf32>
          tpu.vector_store_idx %arg11[%add3A_734], %mul3A_735 masked %and3A_705 {add = true} : memref<6144xf32, #tpu.memory_space<vmem>>[vector<16xi32>], vector<16xf32>, vector<16xi1>
          %add3A_736 = arith.constant 256 : i32
          %add3A_737 = vector.broadcast %add3A_736 : i32 to vector<16xi32>
          %add3A_738 = arith.addi %add3A_725, %add3A_737 : vector<16xi32>
          %gather3A_739 = tpu.vector_load_idx %arg10[%add3A_738] : memref<6144xf32, #tpu.memory_space<vmem>>[vector<16xi32>], vector<16xf32>,
          %add3A_740 = arith.constant 256 : i32
          %add3A_741 = vector.broadcast %add3A_740 : i32 to vector<16xi32>
          %add3A_742 = arith.addi %add3A_715, %add3A_741 : vector<16xi32>
          %mul3A_743 = arith.mulf %gather3A_739, %gather3A_696 : vector<16xf32>
          tpu.vector_store_idx %arg11[%add3A_742], %mul3A_743 masked %and3A_705 {add = true} : memref<6144xf32, #tpu.memory_space<vmem>>[vector<16xi32>], vector<16xf32>, vector<16xi1>
          %scan3A_744 = arith.constant 0 : i32
          %scan3A_745 = arith.constant 10 : i32
          %scan3A_746 = arith.addi %scan3A_169, %scan3A_745 : i32
          %add3A_747 = vector.broadcast %scan3A_746 : i32 to vector<16xi32>
          %add3A_748 = arith.addi %iota3A, %add3A_747 : vector<16xi32>
          %and3A_749 = arith.constant 63 : i32
          %and3A_750 = vector.broadcast %and3A_749 : i32 to vector<16xi32>
          %and3A_751 = arith.andi %add3A_748, %and3A_750 : vector<16xi32>
          %add3A_752 = arith.addi %add3A_161, %and3A_751 : vector<16xi32>
          %gather3A_753 = tpu.vector_load_idx %arg8[%add3A_752] : memref<2048xi32, #tpu.memory_space<vmem>>[vector<16xi32>], vector<16xi32>,
          %gather3A_754 = tpu.vector_load_idx %arg9[%add3A_752] : memref<2048xf32, #tpu.memory_space<vmem>>[vector<16xi32>], vector<16xf32>,
          %sub3A_755 = vector.broadcast %mul3A_2 : i32 to vector<16xi32>
          %sub3A_756 = arith.subi %gather3A_753, %sub3A_755 : vector<16xi32>
          %bitcast3A_757 = vector.bitcast %sub3A_756 : vector<16xi32> to vector<16xi32>
          %lt3A_758 = arith.constant 2048 : i32
          %lt3A_759 = vector.broadcast %lt3A_758 : i32 to vector<16xi32>
          %lt3A_760 = arith.cmpi ult, %bitcast3A_757, %lt3A_759 : vector<16xi32>
          %ge3A_761 = vector.broadcast %add3A_155 : i32 to vector<16xi32>
          %ge3A_762 = arith.cmpi sge, %add3A_752, %ge3A_761 : vector<16xi32>
          %and3A_763 = arith.andi %lt3A_760, %ge3A_762 : vector<16xi1>
          %shift_right_arithmetic3A_764 = arith.constant 7 : i32
          %shift_right_arithmetic3A_765 = vector.broadcast %shift_right_arithmetic3A_764 : i32 to vector<16xi32>
          %shift_right_arithmetic3A_766 = arith.shrsi %sub3A_756, %shift_right_arithmetic3A_765 : vector<16xi32>
          %mul3A_767 = arith.constant 384 : i32
          %mul3A_768 = vector.broadcast %mul3A_767 : i32 to vector<16xi32>
          %mul3A_769 = arith.muli %shift_right_arithmetic3A_766, %mul3A_768 : vector<16xi32>
          %and3A_770 = arith.constant 127 : i32
          %and3A_771 = vector.broadcast %and3A_770 : i32 to vector<16xi32>
          %and3A_772 = arith.andi %sub3A_756, %and3A_771 : vector<16xi32>
          %add3A_773 = arith.addi %mul3A_769, %and3A_772 : vector<16xi32>
          %shift_right_arithmetic3A_774 = arith.constant 7 : i32
          %shift_right_arithmetic3A_775 = vector.broadcast %shift_right_arithmetic3A_774 : i32 to vector<16xi32>
          %shift_right_arithmetic3A_776 = arith.shrsi %add3A_752, %shift_right_arithmetic3A_775 : vector<16xi32>
          %mul3A_777 = arith.constant 384 : i32
          %mul3A_778 = vector.broadcast %mul3A_777 : i32 to vector<16xi32>
          %mul3A_779 = arith.muli %shift_right_arithmetic3A_776, %mul3A_778 : vector<16xi32>
          %and3A_780 = arith.constant 127 : i32
          %and3A_781 = vector.broadcast %and3A_780 : i32 to vector<16xi32>
          %and3A_782 = arith.andi %add3A_752, %and3A_781 : vector<16xi32>
          %add3A_783 = arith.addi %mul3A_779, %and3A_782 : vector<16xi32>
          %gather3A_784 = tpu.vector_load_idx %arg10[%add3A_783] : memref<6144xf32, #tpu.memory_space<vmem>>[vector<16xi32>], vector<16xf32>,
          %mul3A_785 = arith.mulf %gather3A_784, %gather3A_754 : vector<16xf32>
          tpu.vector_store_idx %arg11[%add3A_773], %mul3A_785 masked %and3A_763 {add = true} : memref<6144xf32, #tpu.memory_space<vmem>>[vector<16xi32>], vector<16xf32>, vector<16xi1>
          %add3A_786 = arith.constant 128 : i32
          %add3A_787 = vector.broadcast %add3A_786 : i32 to vector<16xi32>
          %add3A_788 = arith.addi %add3A_783, %add3A_787 : vector<16xi32>
          %gather3A_789 = tpu.vector_load_idx %arg10[%add3A_788] : memref<6144xf32, #tpu.memory_space<vmem>>[vector<16xi32>], vector<16xf32>,
          %add3A_790 = arith.constant 128 : i32
          %add3A_791 = vector.broadcast %add3A_790 : i32 to vector<16xi32>
          %add3A_792 = arith.addi %add3A_773, %add3A_791 : vector<16xi32>
          %mul3A_793 = arith.mulf %gather3A_789, %gather3A_754 : vector<16xf32>
          tpu.vector_store_idx %arg11[%add3A_792], %mul3A_793 masked %and3A_763 {add = true} : memref<6144xf32, #tpu.memory_space<vmem>>[vector<16xi32>], vector<16xf32>, vector<16xi1>
          %add3A_794 = arith.constant 256 : i32
          %add3A_795 = vector.broadcast %add3A_794 : i32 to vector<16xi32>
          %add3A_796 = arith.addi %add3A_783, %add3A_795 : vector<16xi32>
          %gather3A_797 = tpu.vector_load_idx %arg10[%add3A_796] : memref<6144xf32, #tpu.memory_space<vmem>>[vector<16xi32>], vector<16xf32>,
          %add3A_798 = arith.constant 256 : i32
          %add3A_799 = vector.broadcast %add3A_798 : i32 to vector<16xi32>
          %add3A_800 = arith.addi %add3A_773, %add3A_799 : vector<16xi32>
          %mul3A_801 = arith.mulf %gather3A_797, %gather3A_754 : vector<16xf32>
          tpu.vector_store_idx %arg11[%add3A_800], %mul3A_801 masked %and3A_763 {add = true} : memref<6144xf32, #tpu.memory_space<vmem>>[vector<16xi32>], vector<16xf32>, vector<16xi1>
          %scan3A_802 = arith.constant 0 : i32
          %scan3A_803 = arith.constant 11 : i32
          %scan3A_804 = arith.addi %scan3A_169, %scan3A_803 : i32
          %add3A_805 = vector.broadcast %scan3A_804 : i32 to vector<16xi32>
          %add3A_806 = arith.addi %iota3A, %add3A_805 : vector<16xi32>
          %and3A_807 = arith.constant 63 : i32
          %and3A_808 = vector.broadcast %and3A_807 : i32 to vector<16xi32>
          %and3A_809 = arith.andi %add3A_806, %and3A_808 : vector<16xi32>
          %add3A_810 = arith.addi %add3A_161, %and3A_809 : vector<16xi32>
          %gather3A_811 = tpu.vector_load_idx %arg8[%add3A_810] : memref<2048xi32, #tpu.memory_space<vmem>>[vector<16xi32>], vector<16xi32>,
          %gather3A_812 = tpu.vector_load_idx %arg9[%add3A_810] : memref<2048xf32, #tpu.memory_space<vmem>>[vector<16xi32>], vector<16xf32>,
          %sub3A_813 = vector.broadcast %mul3A_2 : i32 to vector<16xi32>
          %sub3A_814 = arith.subi %gather3A_811, %sub3A_813 : vector<16xi32>
          %bitcast3A_815 = vector.bitcast %sub3A_814 : vector<16xi32> to vector<16xi32>
          %lt3A_816 = arith.constant 2048 : i32
          %lt3A_817 = vector.broadcast %lt3A_816 : i32 to vector<16xi32>
          %lt3A_818 = arith.cmpi ult, %bitcast3A_815, %lt3A_817 : vector<16xi32>
          %ge3A_819 = vector.broadcast %add3A_155 : i32 to vector<16xi32>
          %ge3A_820 = arith.cmpi sge, %add3A_810, %ge3A_819 : vector<16xi32>
          %and3A_821 = arith.andi %lt3A_818, %ge3A_820 : vector<16xi1>
          %shift_right_arithmetic3A_822 = arith.constant 7 : i32
          %shift_right_arithmetic3A_823 = vector.broadcast %shift_right_arithmetic3A_822 : i32 to vector<16xi32>
          %shift_right_arithmetic3A_824 = arith.shrsi %sub3A_814, %shift_right_arithmetic3A_823 : vector<16xi32>
          %mul3A_825 = arith.constant 384 : i32
          %mul3A_826 = vector.broadcast %mul3A_825 : i32 to vector<16xi32>
          %mul3A_827 = arith.muli %shift_right_arithmetic3A_824, %mul3A_826 : vector<16xi32>
          %and3A_828 = arith.constant 127 : i32
          %and3A_829 = vector.broadcast %and3A_828 : i32 to vector<16xi32>
          %and3A_830 = arith.andi %sub3A_814, %and3A_829 : vector<16xi32>
          %add3A_831 = arith.addi %mul3A_827, %and3A_830 : vector<16xi32>
          %shift_right_arithmetic3A_832 = arith.constant 7 : i32
          %shift_right_arithmetic3A_833 = vector.broadcast %shift_right_arithmetic3A_832 : i32 to vector<16xi32>
          %shift_right_arithmetic3A_834 = arith.shrsi %add3A_810, %shift_right_arithmetic3A_833 : vector<16xi32>
          %mul3A_835 = arith.constant 384 : i32
          %mul3A_836 = vector.broadcast %mul3A_835 : i32 to vector<16xi32>
          %mul3A_837 = arith.muli %shift_right_arithmetic3A_834, %mul3A_836 : vector<16xi32>
          %and3A_838 = arith.constant 127 : i32
          %and3A_839 = vector.broadcast %and3A_838 : i32 to vector<16xi32>
          %and3A_840 = arith.andi %add3A_810, %and3A_839 : vector<16xi32>
          %add3A_841 = arith.addi %mul3A_837, %and3A_840 : vector<16xi32>
          %gather3A_842 = tpu.vector_load_idx %arg10[%add3A_841] : memref<6144xf32, #tpu.memory_space<vmem>>[vector<16xi32>], vector<16xf32>,
          %mul3A_843 = arith.mulf %gather3A_842, %gather3A_812 : vector<16xf32>
          tpu.vector_store_idx %arg11[%add3A_831], %mul3A_843 masked %and3A_821 {add = true} : memref<6144xf32, #tpu.memory_space<vmem>>[vector<16xi32>], vector<16xf32>, vector<16xi1>
          %add3A_844 = arith.constant 128 : i32
          %add3A_845 = vector.broadcast %add3A_844 : i32 to vector<16xi32>
          %add3A_846 = arith.addi %add3A_841, %add3A_845 : vector<16xi32>
          %gather3A_847 = tpu.vector_load_idx %arg10[%add3A_846] : memref<6144xf32, #tpu.memory_space<vmem>>[vector<16xi32>], vector<16xf32>,
          %add3A_848 = arith.constant 128 : i32
          %add3A_849 = vector.broadcast %add3A_848 : i32 to vector<16xi32>
          %add3A_850 = arith.addi %add3A_831, %add3A_849 : vector<16xi32>
          %mul3A_851 = arith.mulf %gather3A_847, %gather3A_812 : vector<16xf32>
          tpu.vector_store_idx %arg11[%add3A_850], %mul3A_851 masked %and3A_821 {add = true} : memref<6144xf32, #tpu.memory_space<vmem>>[vector<16xi32>], vector<16xf32>, vector<16xi1>
          %add3A_852 = arith.constant 256 : i32
          %add3A_853 = vector.broadcast %add3A_852 : i32 to vector<16xi32>
          %add3A_854 = arith.addi %add3A_841, %add3A_853 : vector<16xi32>
          %gather3A_855 = tpu.vector_load_idx %arg10[%add3A_854] : memref<6144xf32, #tpu.memory_space<vmem>>[vector<16xi32>], vector<16xf32>,
          %add3A_856 = arith.constant 256 : i32
          %add3A_857 = vector.broadcast %add3A_856 : i32 to vector<16xi32>
          %add3A_858 = arith.addi %add3A_831, %add3A_857 : vector<16xi32>
          %mul3A_859 = arith.mulf %gather3A_855, %gather3A_812 : vector<16xf32>
          tpu.vector_store_idx %arg11[%add3A_858], %mul3A_859 masked %and3A_821 {add = true} : memref<6144xf32, #tpu.memory_space<vmem>>[vector<16xi32>], vector<16xf32>, vector<16xi1>
          %scan3A_860 = arith.constant 0 : i32
          %scan3A_861 = arith.constant 12 : i32
          %scan3A_862 = arith.addi %scan3A_169, %scan3A_861 : i32
          %add3A_863 = vector.broadcast %scan3A_862 : i32 to vector<16xi32>
          %add3A_864 = arith.addi %iota3A, %add3A_863 : vector<16xi32>
          %and3A_865 = arith.constant 63 : i32
          %and3A_866 = vector.broadcast %and3A_865 : i32 to vector<16xi32>
          %and3A_867 = arith.andi %add3A_864, %and3A_866 : vector<16xi32>
          %add3A_868 = arith.addi %add3A_161, %and3A_867 : vector<16xi32>
          %gather3A_869 = tpu.vector_load_idx %arg8[%add3A_868] : memref<2048xi32, #tpu.memory_space<vmem>>[vector<16xi32>], vector<16xi32>,
          %gather3A_870 = tpu.vector_load_idx %arg9[%add3A_868] : memref<2048xf32, #tpu.memory_space<vmem>>[vector<16xi32>], vector<16xf32>,
          %sub3A_871 = vector.broadcast %mul3A_2 : i32 to vector<16xi32>
          %sub3A_872 = arith.subi %gather3A_869, %sub3A_871 : vector<16xi32>
          %bitcast3A_873 = vector.bitcast %sub3A_872 : vector<16xi32> to vector<16xi32>
          %lt3A_874 = arith.constant 2048 : i32
          %lt3A_875 = vector.broadcast %lt3A_874 : i32 to vector<16xi32>
          %lt3A_876 = arith.cmpi ult, %bitcast3A_873, %lt3A_875 : vector<16xi32>
          %ge3A_877 = vector.broadcast %add3A_155 : i32 to vector<16xi32>
          %ge3A_878 = arith.cmpi sge, %add3A_868, %ge3A_877 : vector<16xi32>
          %and3A_879 = arith.andi %lt3A_876, %ge3A_878 : vector<16xi1>
          %shift_right_arithmetic3A_880 = arith.constant 7 : i32
          %shift_right_arithmetic3A_881 = vector.broadcast %shift_right_arithmetic3A_880 : i32 to vector<16xi32>
          %shift_right_arithmetic3A_882 = arith.shrsi %sub3A_872, %shift_right_arithmetic3A_881 : vector<16xi32>
          %mul3A_883 = arith.constant 384 : i32
          %mul3A_884 = vector.broadcast %mul3A_883 : i32 to vector<16xi32>
          %mul3A_885 = arith.muli %shift_right_arithmetic3A_882, %mul3A_884 : vector<16xi32>
          %and3A_886 = arith.constant 127 : i32
          %and3A_887 = vector.broadcast %and3A_886 : i32 to vector<16xi32>
          %and3A_888 = arith.andi %sub3A_872, %and3A_887 : vector<16xi32>
          %add3A_889 = arith.addi %mul3A_885, %and3A_888 : vector<16xi32>
          %shift_right_arithmetic3A_890 = arith.constant 7 : i32
          %shift_right_arithmetic3A_891 = vector.broadcast %shift_right_arithmetic3A_890 : i32 to vector<16xi32>
          %shift_right_arithmetic3A_892 = arith.shrsi %add3A_868, %shift_right_arithmetic3A_891 : vector<16xi32>
          %mul3A_893 = arith.constant 384 : i32
          %mul3A_894 = vector.broadcast %mul3A_893 : i32 to vector<16xi32>
          %mul3A_895 = arith.muli %shift_right_arithmetic3A_892, %mul3A_894 : vector<16xi32>
          %and3A_896 = arith.constant 127 : i32
          %and3A_897 = vector.broadcast %and3A_896 : i32 to vector<16xi32>
          %and3A_898 = arith.andi %add3A_868, %and3A_897 : vector<16xi32>
          %add3A_899 = arith.addi %mul3A_895, %and3A_898 : vector<16xi32>
          %gather3A_900 = tpu.vector_load_idx %arg10[%add3A_899] : memref<6144xf32, #tpu.memory_space<vmem>>[vector<16xi32>], vector<16xf32>,
          %mul3A_901 = arith.mulf %gather3A_900, %gather3A_870 : vector<16xf32>
          tpu.vector_store_idx %arg11[%add3A_889], %mul3A_901 masked %and3A_879 {add = true} : memref<6144xf32, #tpu.memory_space<vmem>>[vector<16xi32>], vector<16xf32>, vector<16xi1>
          %add3A_902 = arith.constant 128 : i32
          %add3A_903 = vector.broadcast %add3A_902 : i32 to vector<16xi32>
          %add3A_904 = arith.addi %add3A_899, %add3A_903 : vector<16xi32>
          %gather3A_905 = tpu.vector_load_idx %arg10[%add3A_904] : memref<6144xf32, #tpu.memory_space<vmem>>[vector<16xi32>], vector<16xf32>,
          %add3A_906 = arith.constant 128 : i32
          %add3A_907 = vector.broadcast %add3A_906 : i32 to vector<16xi32>
          %add3A_908 = arith.addi %add3A_889, %add3A_907 : vector<16xi32>
          %mul3A_909 = arith.mulf %gather3A_905, %gather3A_870 : vector<16xf32>
          tpu.vector_store_idx %arg11[%add3A_908], %mul3A_909 masked %and3A_879 {add = true} : memref<6144xf32, #tpu.memory_space<vmem>>[vector<16xi32>], vector<16xf32>, vector<16xi1>
          %add3A_910 = arith.constant 256 : i32
          %add3A_911 = vector.broadcast %add3A_910 : i32 to vector<16xi32>
          %add3A_912 = arith.addi %add3A_899, %add3A_911 : vector<16xi32>
          %gather3A_913 = tpu.vector_load_idx %arg10[%add3A_912] : memref<6144xf32, #tpu.memory_space<vmem>>[vector<16xi32>], vector<16xf32>,
          %add3A_914 = arith.constant 256 : i32
          %add3A_915 = vector.broadcast %add3A_914 : i32 to vector<16xi32>
          %add3A_916 = arith.addi %add3A_889, %add3A_915 : vector<16xi32>
          %mul3A_917 = arith.mulf %gather3A_913, %gather3A_870 : vector<16xf32>
          tpu.vector_store_idx %arg11[%add3A_916], %mul3A_917 masked %and3A_879 {add = true} : memref<6144xf32, #tpu.memory_space<vmem>>[vector<16xi32>], vector<16xf32>, vector<16xi1>
          %scan3A_918 = arith.constant 0 : i32
          %scan3A_919 = arith.constant 13 : i32
          %scan3A_920 = arith.addi %scan3A_169, %scan3A_919 : i32
          %add3A_921 = vector.broadcast %scan3A_920 : i32 to vector<16xi32>
          %add3A_922 = arith.addi %iota3A, %add3A_921 : vector<16xi32>
          %and3A_923 = arith.constant 63 : i32
          %and3A_924 = vector.broadcast %and3A_923 : i32 to vector<16xi32>
          %and3A_925 = arith.andi %add3A_922, %and3A_924 : vector<16xi32>
          %add3A_926 = arith.addi %add3A_161, %and3A_925 : vector<16xi32>
          %gather3A_927 = tpu.vector_load_idx %arg8[%add3A_926] : memref<2048xi32, #tpu.memory_space<vmem>>[vector<16xi32>], vector<16xi32>,
          %gather3A_928 = tpu.vector_load_idx %arg9[%add3A_926] : memref<2048xf32, #tpu.memory_space<vmem>>[vector<16xi32>], vector<16xf32>,
          %sub3A_929 = vector.broadcast %mul3A_2 : i32 to vector<16xi32>
          %sub3A_930 = arith.subi %gather3A_927, %sub3A_929 : vector<16xi32>
          %bitcast3A_931 = vector.bitcast %sub3A_930 : vector<16xi32> to vector<16xi32>
          %lt3A_932 = arith.constant 2048 : i32
          %lt3A_933 = vector.broadcast %lt3A_932 : i32 to vector<16xi32>
          %lt3A_934 = arith.cmpi ult, %bitcast3A_931, %lt3A_933 : vector<16xi32>
          %ge3A_935 = vector.broadcast %add3A_155 : i32 to vector<16xi32>
          %ge3A_936 = arith.cmpi sge, %add3A_926, %ge3A_935 : vector<16xi32>
          %and3A_937 = arith.andi %lt3A_934, %ge3A_936 : vector<16xi1>
          %shift_right_arithmetic3A_938 = arith.constant 7 : i32
          %shift_right_arithmetic3A_939 = vector.broadcast %shift_right_arithmetic3A_938 : i32 to vector<16xi32>
          %shift_right_arithmetic3A_940 = arith.shrsi %sub3A_930, %shift_right_arithmetic3A_939 : vector<16xi32>
          %mul3A_941 = arith.constant 384 : i32
          %mul3A_942 = vector.broadcast %mul3A_941 : i32 to vector<16xi32>
          %mul3A_943 = arith.muli %shift_right_arithmetic3A_940, %mul3A_942 : vector<16xi32>
          %and3A_944 = arith.constant 127 : i32
          %and3A_945 = vector.broadcast %and3A_944 : i32 to vector<16xi32>
          %and3A_946 = arith.andi %sub3A_930, %and3A_945 : vector<16xi32>
          %add3A_947 = arith.addi %mul3A_943, %and3A_946 : vector<16xi32>
          %shift_right_arithmetic3A_948 = arith.constant 7 : i32
          %shift_right_arithmetic3A_949 = vector.broadcast %shift_right_arithmetic3A_948 : i32 to vector<16xi32>
          %shift_right_arithmetic3A_950 = arith.shrsi %add3A_926, %shift_right_arithmetic3A_949 : vector<16xi32>
          %mul3A_951 = arith.constant 384 : i32
          %mul3A_952 = vector.broadcast %mul3A_951 : i32 to vector<16xi32>
          %mul3A_953 = arith.muli %shift_right_arithmetic3A_950, %mul3A_952 : vector<16xi32>
          %and3A_954 = arith.constant 127 : i32
          %and3A_955 = vector.broadcast %and3A_954 : i32 to vector<16xi32>
          %and3A_956 = arith.andi %add3A_926, %and3A_955 : vector<16xi32>
          %add3A_957 = arith.addi %mul3A_953, %and3A_956 : vector<16xi32>
          %gather3A_958 = tpu.vector_load_idx %arg10[%add3A_957] : memref<6144xf32, #tpu.memory_space<vmem>>[vector<16xi32>], vector<16xf32>,
          %mul3A_959 = arith.mulf %gather3A_958, %gather3A_928 : vector<16xf32>
          tpu.vector_store_idx %arg11[%add3A_947], %mul3A_959 masked %and3A_937 {add = true} : memref<6144xf32, #tpu.memory_space<vmem>>[vector<16xi32>], vector<16xf32>, vector<16xi1>
          %add3A_960 = arith.constant 128 : i32
          %add3A_961 = vector.broadcast %add3A_960 : i32 to vector<16xi32>
          %add3A_962 = arith.addi %add3A_957, %add3A_961 : vector<16xi32>
          %gather3A_963 = tpu.vector_load_idx %arg10[%add3A_962] : memref<6144xf32, #tpu.memory_space<vmem>>[vector<16xi32>], vector<16xf32>,
          %add3A_964 = arith.constant 128 : i32
          %add3A_965 = vector.broadcast %add3A_964 : i32 to vector<16xi32>
          %add3A_966 = arith.addi %add3A_947, %add3A_965 : vector<16xi32>
          %mul3A_967 = arith.mulf %gather3A_963, %gather3A_928 : vector<16xf32>
          tpu.vector_store_idx %arg11[%add3A_966], %mul3A_967 masked %and3A_937 {add = true} : memref<6144xf32, #tpu.memory_space<vmem>>[vector<16xi32>], vector<16xf32>, vector<16xi1>
          %add3A_968 = arith.constant 256 : i32
          %add3A_969 = vector.broadcast %add3A_968 : i32 to vector<16xi32>
          %add3A_970 = arith.addi %add3A_957, %add3A_969 : vector<16xi32>
          %gather3A_971 = tpu.vector_load_idx %arg10[%add3A_970] : memref<6144xf32, #tpu.memory_space<vmem>>[vector<16xi32>], vector<16xf32>,
          %add3A_972 = arith.constant 256 : i32
          %add3A_973 = vector.broadcast %add3A_972 : i32 to vector<16xi32>
          %add3A_974 = arith.addi %add3A_947, %add3A_973 : vector<16xi32>
          %mul3A_975 = arith.mulf %gather3A_971, %gather3A_928 : vector<16xf32>
          tpu.vector_store_idx %arg11[%add3A_974], %mul3A_975 masked %and3A_937 {add = true} : memref<6144xf32, #tpu.memory_space<vmem>>[vector<16xi32>], vector<16xf32>, vector<16xi1>
          %scan3A_976 = arith.constant 0 : i32
          %scan3A_977 = arith.constant 14 : i32
          %scan3A_978 = arith.addi %scan3A_169, %scan3A_977 : i32
          %add3A_979 = vector.broadcast %scan3A_978 : i32 to vector<16xi32>
          %add3A_980 = arith.addi %iota3A, %add3A_979 : vector<16xi32>
          %and3A_981 = arith.constant 63 : i32
          %and3A_982 = vector.broadcast %and3A_981 : i32 to vector<16xi32>
          %and3A_983 = arith.andi %add3A_980, %and3A_982 : vector<16xi32>
          %add3A_984 = arith.addi %add3A_161, %and3A_983 : vector<16xi32>
          %gather3A_985 = tpu.vector_load_idx %arg8[%add3A_984] : memref<2048xi32, #tpu.memory_space<vmem>>[vector<16xi32>], vector<16xi32>,
          %gather3A_986 = tpu.vector_load_idx %arg9[%add3A_984] : memref<2048xf32, #tpu.memory_space<vmem>>[vector<16xi32>], vector<16xf32>,
          %sub3A_987 = vector.broadcast %mul3A_2 : i32 to vector<16xi32>
          %sub3A_988 = arith.subi %gather3A_985, %sub3A_987 : vector<16xi32>
          %bitcast3A_989 = vector.bitcast %sub3A_988 : vector<16xi32> to vector<16xi32>
          %lt3A_990 = arith.constant 2048 : i32
          %lt3A_991 = vector.broadcast %lt3A_990 : i32 to vector<16xi32>
          %lt3A_992 = arith.cmpi ult, %bitcast3A_989, %lt3A_991 : vector<16xi32>
          %ge3A_993 = vector.broadcast %add3A_155 : i32 to vector<16xi32>
          %ge3A_994 = arith.cmpi sge, %add3A_984, %ge3A_993 : vector<16xi32>
          %and3A_995 = arith.andi %lt3A_992, %ge3A_994 : vector<16xi1>
          %shift_right_arithmetic3A_996 = arith.constant 7 : i32
          %shift_right_arithmetic3A_997 = vector.broadcast %shift_right_arithmetic3A_996 : i32 to vector<16xi32>
          %shift_right_arithmetic3A_998 = arith.shrsi %sub3A_988, %shift_right_arithmetic3A_997 : vector<16xi32>
          %mul3A_999 = arith.constant 384 : i32
          %mul3A_1000 = vector.broadcast %mul3A_999 : i32 to vector<16xi32>
          %mul3A_1001 = arith.muli %shift_right_arithmetic3A_998, %mul3A_1000 : vector<16xi32>
          %and3A_1002 = arith.constant 127 : i32
          %and3A_1003 = vector.broadcast %and3A_1002 : i32 to vector<16xi32>
          %and3A_1004 = arith.andi %sub3A_988, %and3A_1003 : vector<16xi32>
          %add3A_1005 = arith.addi %mul3A_1001, %and3A_1004 : vector<16xi32>
          %shift_right_arithmetic3A_1006 = arith.constant 7 : i32
          %shift_right_arithmetic3A_1007 = vector.broadcast %shift_right_arithmetic3A_1006 : i32 to vector<16xi32>
          %shift_right_arithmetic3A_1008 = arith.shrsi %add3A_984, %shift_right_arithmetic3A_1007 : vector<16xi32>
          %mul3A_1009 = arith.constant 384 : i32
          %mul3A_1010 = vector.broadcast %mul3A_1009 : i32 to vector<16xi32>
          %mul3A_1011 = arith.muli %shift_right_arithmetic3A_1008, %mul3A_1010 : vector<16xi32>
          %and3A_1012 = arith.constant 127 : i32
          %and3A_1013 = vector.broadcast %and3A_1012 : i32 to vector<16xi32>
          %and3A_1014 = arith.andi %add3A_984, %and3A_1013 : vector<16xi32>
          %add3A_1015 = arith.addi %mul3A_1011, %and3A_1014 : vector<16xi32>
          %gather3A_1016 = tpu.vector_load_idx %arg10[%add3A_1015] : memref<6144xf32, #tpu.memory_space<vmem>>[vector<16xi32>], vector<16xf32>,
          %mul3A_1017 = arith.mulf %gather3A_1016, %gather3A_986 : vector<16xf32>
          tpu.vector_store_idx %arg11[%add3A_1005], %mul3A_1017 masked %and3A_995 {add = true} : memref<6144xf32, #tpu.memory_space<vmem>>[vector<16xi32>], vector<16xf32>, vector<16xi1>
          %add3A_1018 = arith.constant 128 : i32
          %add3A_1019 = vector.broadcast %add3A_1018 : i32 to vector<16xi32>
          %add3A_1020 = arith.addi %add3A_1015, %add3A_1019 : vector<16xi32>
          %gather3A_1021 = tpu.vector_load_idx %arg10[%add3A_1020] : memref<6144xf32, #tpu.memory_space<vmem>>[vector<16xi32>], vector<16xf32>,
          %add3A_1022 = arith.constant 128 : i32
          %add3A_1023 = vector.broadcast %add3A_1022 : i32 to vector<16xi32>
          %add3A_1024 = arith.addi %add3A_1005, %add3A_1023 : vector<16xi32>
          %mul3A_1025 = arith.mulf %gather3A_1021, %gather3A_986 : vector<16xf32>
          tpu.vector_store_idx %arg11[%add3A_1024], %mul3A_1025 masked %and3A_995 {add = true} : memref<6144xf32, #tpu.memory_space<vmem>>[vector<16xi32>], vector<16xf32>, vector<16xi1>
          %add3A_1026 = arith.constant 256 : i32
          %add3A_1027 = vector.broadcast %add3A_1026 : i32 to vector<16xi32>
          %add3A_1028 = arith.addi %add3A_1015, %add3A_1027 : vector<16xi32>
          %gather3A_1029 = tpu.vector_load_idx %arg10[%add3A_1028] : memref<6144xf32, #tpu.memory_space<vmem>>[vector<16xi32>], vector<16xf32>,
          %add3A_1030 = arith.constant 256 : i32
          %add3A_1031 = vector.broadcast %add3A_1030 : i32 to vector<16xi32>
          %add3A_1032 = arith.addi %add3A_1005, %add3A_1031 : vector<16xi32>
          %mul3A_1033 = arith.mulf %gather3A_1029, %gather3A_986 : vector<16xf32>
          tpu.vector_store_idx %arg11[%add3A_1032], %mul3A_1033 masked %and3A_995 {add = true} : memref<6144xf32, #tpu.memory_space<vmem>>[vector<16xi32>], vector<16xf32>, vector<16xi1>
          %scan3A_1034 = arith.constant 0 : i32
          %scan3A_1035 = arith.constant 15 : i32
          %scan3A_1036 = arith.addi %scan3A_169, %scan3A_1035 : i32
          %add3A_1037 = vector.broadcast %scan3A_1036 : i32 to vector<16xi32>
          %add3A_1038 = arith.addi %iota3A, %add3A_1037 : vector<16xi32>
          %and3A_1039 = arith.constant 63 : i32
          %and3A_1040 = vector.broadcast %and3A_1039 : i32 to vector<16xi32>
          %and3A_1041 = arith.andi %add3A_1038, %and3A_1040 : vector<16xi32>
          %add3A_1042 = arith.addi %add3A_161, %and3A_1041 : vector<16xi32>
          %gather3A_1043 = tpu.vector_load_idx %arg8[%add3A_1042] : memref<2048xi32, #tpu.memory_space<vmem>>[vector<16xi32>], vector<16xi32>,
          %gather3A_1044 = tpu.vector_load_idx %arg9[%add3A_1042] : memref<2048xf32, #tpu.memory_space<vmem>>[vector<16xi32>], vector<16xf32>,
          %sub3A_1045 = vector.broadcast %mul3A_2 : i32 to vector<16xi32>
          %sub3A_1046 = arith.subi %gather3A_1043, %sub3A_1045 : vector<16xi32>
          %bitcast3A_1047 = vector.bitcast %sub3A_1046 : vector<16xi32> to vector<16xi32>
          %lt3A_1048 = arith.constant 2048 : i32
          %lt3A_1049 = vector.broadcast %lt3A_1048 : i32 to vector<16xi32>
          %lt3A_1050 = arith.cmpi ult, %bitcast3A_1047, %lt3A_1049 : vector<16xi32>
          %ge3A_1051 = vector.broadcast %add3A_155 : i32 to vector<16xi32>
          %ge3A_1052 = arith.cmpi sge, %add3A_1042, %ge3A_1051 : vector<16xi32>
          %and3A_1053 = arith.andi %lt3A_1050, %ge3A_1052 : vector<16xi1>
          %shift_right_arithmetic3A_1054 = arith.constant 7 : i32
          %shift_right_arithmetic3A_1055 = vector.broadcast %shift_right_arithmetic3A_1054 : i32 to vector<16xi32>
          %shift_right_arithmetic3A_1056 = arith.shrsi %sub3A_1046, %shift_right_arithmetic3A_1055 : vector<16xi32>
          %mul3A_1057 = arith.constant 384 : i32
          %mul3A_1058 = vector.broadcast %mul3A_1057 : i32 to vector<16xi32>
          %mul3A_1059 = arith.muli %shift_right_arithmetic3A_1056, %mul3A_1058 : vector<16xi32>
          %and3A_1060 = arith.constant 127 : i32
          %and3A_1061 = vector.broadcast %and3A_1060 : i32 to vector<16xi32>
          %and3A_1062 = arith.andi %sub3A_1046, %and3A_1061 : vector<16xi32>
          %add3A_1063 = arith.addi %mul3A_1059, %and3A_1062 : vector<16xi32>
          %shift_right_arithmetic3A_1064 = arith.constant 7 : i32
          %shift_right_arithmetic3A_1065 = vector.broadcast %shift_right_arithmetic3A_1064 : i32 to vector<16xi32>
          %shift_right_arithmetic3A_1066 = arith.shrsi %add3A_1042, %shift_right_arithmetic3A_1065 : vector<16xi32>
          %mul3A_1067 = arith.constant 384 : i32
          %mul3A_1068 = vector.broadcast %mul3A_1067 : i32 to vector<16xi32>
          %mul3A_1069 = arith.muli %shift_right_arithmetic3A_1066, %mul3A_1068 : vector<16xi32>
          %and3A_1070 = arith.constant 127 : i32
          %and3A_1071 = vector.broadcast %and3A_1070 : i32 to vector<16xi32>
          %and3A_1072 = arith.andi %add3A_1042, %and3A_1071 : vector<16xi32>
          %add3A_1073 = arith.addi %mul3A_1069, %and3A_1072 : vector<16xi32>
          %gather3A_1074 = tpu.vector_load_idx %arg10[%add3A_1073] : memref<6144xf32, #tpu.memory_space<vmem>>[vector<16xi32>], vector<16xf32>,
          %mul3A_1075 = arith.mulf %gather3A_1074, %gather3A_1044 : vector<16xf32>
          tpu.vector_store_idx %arg11[%add3A_1063], %mul3A_1075 masked %and3A_1053 {add = true} : memref<6144xf32, #tpu.memory_space<vmem>>[vector<16xi32>], vector<16xf32>, vector<16xi1>
          %add3A_1076 = arith.constant 128 : i32
          %add3A_1077 = vector.broadcast %add3A_1076 : i32 to vector<16xi32>
          %add3A_1078 = arith.addi %add3A_1073, %add3A_1077 : vector<16xi32>
          %gather3A_1079 = tpu.vector_load_idx %arg10[%add3A_1078] : memref<6144xf32, #tpu.memory_space<vmem>>[vector<16xi32>], vector<16xf32>,
          %add3A_1080 = arith.constant 128 : i32
          %add3A_1081 = vector.broadcast %add3A_1080 : i32 to vector<16xi32>
          %add3A_1082 = arith.addi %add3A_1063, %add3A_1081 : vector<16xi32>
          %mul3A_1083 = arith.mulf %gather3A_1079, %gather3A_1044 : vector<16xf32>
          tpu.vector_store_idx %arg11[%add3A_1082], %mul3A_1083 masked %and3A_1053 {add = true} : memref<6144xf32, #tpu.memory_space<vmem>>[vector<16xi32>], vector<16xf32>, vector<16xi1>
          %add3A_1084 = arith.constant 256 : i32
          %add3A_1085 = vector.broadcast %add3A_1084 : i32 to vector<16xi32>
          %add3A_1086 = arith.addi %add3A_1073, %add3A_1085 : vector<16xi32>
          %gather3A_1087 = tpu.vector_load_idx %arg10[%add3A_1086] : memref<6144xf32, #tpu.memory_space<vmem>>[vector<16xi32>], vector<16xf32>,
          %add3A_1088 = arith.constant 256 : i32
          %add3A_1089 = vector.broadcast %add3A_1088 : i32 to vector<16xi32>
          %add3A_1090 = arith.addi %add3A_1063, %add3A_1089 : vector<16xi32>
          %mul3A_1091 = arith.mulf %gather3A_1087, %gather3A_1044 : vector<16xf32>
          tpu.vector_store_idx %arg11[%add3A_1090], %mul3A_1091 masked %and3A_1053 {add = true} : memref<6144xf32, #tpu.memory_space<vmem>>[vector<16xi32>], vector<16xf32>, vector<16xi1>
          %scan3A_1092 = arith.constant 0 : i32
          scf.yield %scan3A_1092 : i32
        }
        %scan3A_168 = arith.constant 64 : i32
      } else {
      }
      %while3A_116 = arith.constant 0 : i32
      scf.yield %while3A_116 : i32
    }
    %while3A_85 = arith.constant 1 : i32
    %while3A_86 = scf.for %while3A_99 = %while3A_82 to %while3A_78 step %while3A_85 iter_args(%while3A_100 = %while3A_84) -> (i32)  : i32 {
      %mul3A_101 = arith.constant 2 : i32
      %mul3A_102 = arith.muli %mul3A_101, %while3A_99 : i32
      %add3A_103 = arith.constant 0 : i32
      %add3A_104 = arith.addi %mul3A_102, %add3A_103 : i32
      %lt3A = arith.cmpi slt, %add3A_104, %select_n3A : i32
      %convert_element_type3A_105 = arith.extui %lt3A : i1 to i32
      %cond3A_106 = arith.constant 0 : i32
      %cond3A_107 = arith.cmpi ne, %convert_element_type3A_105, %cond3A_106 : i32
      scf.if %cond3A_107 {
        %mul3A_117 = arith.constant 1024 : i32
        %mul3A_118 = arith.muli %add3A_104, %mul3A_117 : i32
        %add3A_119 = arith.addi %mul3A_15, %mul3A_118 : i32
        %min3A = arith.constant 3144704 : i32
        %min3A_120 = arith.minsi %add3A_119, %min3A : i32
        %multiple_of3A = tpu.assume_multiple %min3A_120, 128 : i32
        %mul3A_121 = arith.constant 3 : i32
        %mul3A_122 = arith.muli %multiple_of3A, %mul3A_121 : i32
        %multiple_of3A_123 = tpu.assume_multiple %mul3A_122, 8 : i32
        %dma_wait3A = arith.constant 0 : i32
        %dma_wait3A_124 = tpu.memref_slice %arg8[%dma_wait3A] : memref<2048xi32, #tpu.memory_space<vmem>> -> memref<1024xi32, #tpu.memory_space<vmem>>
        %dma_wait3A_125 = tpu.memref_slice %arg4[%multiple_of3A] : memref<3145728xi32, #tpu.memory_space<hbm>> -> memref<1024xi32, #tpu.memory_space<hbm>>
        %dma_wait3A_126 = arith.constant 0 : i32
        %dma_wait3A_127 = tpu.memref_slice %arg8[%dma_wait3A_126] : memref<2048xi32, #tpu.memory_space<vmem>> -> memref<1024xi32, #tpu.memory_space<vmem>>
        %dma_wait3A_128 = tpu.memref_slice %arg4[%multiple_of3A] : memref<3145728xi32, #tpu.memory_space<hbm>> -> memref<1024xi32, #tpu.memory_space<hbm>>
        tpu.wait_dma2 semaphore(%arg14 : memref<!tpu.dma_semaphore, #tpu.memory_space<semaphore_mem>>) src(%dma_wait3A_128 : memref<1024xi32, #tpu.memory_space<hbm>>) dst(%dma_wait3A_127 : memref<1024xi32, #tpu.memory_space<vmem>>)
        %dma_wait3A_129 = arith.constant 0 : i32
        %dma_wait3A_130 = tpu.memref_slice %arg9[%dma_wait3A_129] : memref<2048xf32, #tpu.memory_space<vmem>> -> memref<1024xf32, #tpu.memory_space<vmem>>
        %dma_wait3A_131 = tpu.memref_slice %arg3[%multiple_of3A] : memref<3145728xf32, #tpu.memory_space<hbm>> -> memref<1024xf32, #tpu.memory_space<hbm>>
        %dma_wait3A_132 = arith.constant 0 : i32
        %dma_wait3A_133 = tpu.memref_slice %arg9[%dma_wait3A_132] : memref<2048xf32, #tpu.memory_space<vmem>> -> memref<1024xf32, #tpu.memory_space<vmem>>
        %dma_wait3A_134 = tpu.memref_slice %arg3[%multiple_of3A] : memref<3145728xf32, #tpu.memory_space<hbm>> -> memref<1024xf32, #tpu.memory_space<hbm>>
        tpu.wait_dma2 semaphore(%arg15 : memref<!tpu.dma_semaphore, #tpu.memory_space<semaphore_mem>>) src(%dma_wait3A_134 : memref<1024xf32, #tpu.memory_space<hbm>>) dst(%dma_wait3A_133 : memref<1024xf32, #tpu.memory_space<vmem>>)
        %dma_wait3A_135 = arith.constant 0 : i32
        %dma_wait3A_136 = tpu.memref_slice %arg10[%dma_wait3A_135] : memref<6144xf32, #tpu.memory_space<vmem>> -> memref<3072xf32, #tpu.memory_space<vmem>>
        %dma_wait3A_137 = tpu.memref_slice %arg2[%multiple_of3A_123] : memref<9437184xf32, #tpu.memory_space<hbm>> -> memref<3072xf32, #tpu.memory_space<hbm>>
        %dma_wait3A_138 = arith.constant 0 : i32
        %dma_wait3A_139 = tpu.memref_slice %arg10[%dma_wait3A_138] : memref<6144xf32, #tpu.memory_space<vmem>> -> memref<3072xf32, #tpu.memory_space<vmem>>
        %dma_wait3A_140 = tpu.memref_slice %arg2[%multiple_of3A_123] : memref<9437184xf32, #tpu.memory_space<hbm>> -> memref<3072xf32, #tpu.memory_space<hbm>>
        tpu.wait_dma2 semaphore(%arg16 : memref<!tpu.dma_semaphore, #tpu.memory_space<semaphore_mem>>) src(%dma_wait3A_140 : memref<3072xf32, #tpu.memory_space<hbm>>) dst(%dma_wait3A_139 : memref<3072xf32, #tpu.memory_space<vmem>>)
        %add3A_141 = arith.constant 1 : i32
        %add3A_142 = arith.addi %add3A_104, %add3A_141 : i32
        %lt3A_143 = arith.cmpi slt, %add3A_142, %select_n3A : i32
        %convert_element_type3A_144 = arith.extui %lt3A_143 : i1 to i32
        %cond3A_145 = arith.constant 0 : i32
        %cond3A_146 = arith.cmpi ne, %convert_element_type3A_144, %cond3A_145 : i32
        scf.if %cond3A_146 {
          %add3A_169 = arith.constant 1 : i32
          %add3A_170 = arith.addi %add3A_104, %add3A_169 : i32
          %mul3A_171 = arith.constant 1024 : i32
          %mul3A_172 = arith.muli %add3A_170, %mul3A_171 : i32
          %add3A_173 = arith.addi %mul3A_15, %mul3A_172 : i32
          %min3A_174 = arith.constant 3144704 : i32
          %min3A_175 = arith.minsi %add3A_173, %min3A_174 : i32
          %multiple_of3A_176 = tpu.assume_multiple %min3A_175, 128 : i32
          %mul3A_177 = arith.constant 3 : i32
          %mul3A_178 = arith.muli %multiple_of3A_176, %mul3A_177 : i32
          %multiple_of3A_179 = tpu.assume_multiple %mul3A_178, 8 : i32
          %dma_start3A = arith.constant 1024 : i32
          %dma_start3A_180 = tpu.memref_slice %arg8[%dma_start3A] : memref<2048xi32, #tpu.memory_space<vmem>> -> memref<1024xi32, #tpu.memory_space<vmem>>
          %dma_start3A_181 = tpu.memref_slice %arg4[%multiple_of3A_176] : memref<3145728xi32, #tpu.memory_space<hbm>> -> memref<1024xi32, #tpu.memory_space<hbm>>
          %dma_start3A_182 = arith.constant 1024 : i32
          %dma_start3A_183 = tpu.memref_slice %arg8[%dma_start3A_182] : memref<2048xi32, #tpu.memory_space<vmem>> -> memref<1024xi32, #tpu.memory_space<vmem>>
          %dma_start3A_184 = tpu.memref_slice %arg4[%multiple_of3A_176] : memref<3145728xi32, #tpu.memory_space<hbm>> -> memref<1024xi32, #tpu.memory_space<hbm>>
          tpu.enqueue_dma source(%dma_start3A_184 : memref<1024xi32, #tpu.memory_space<hbm>>) target(%dma_start3A_183 : memref<1024xi32, #tpu.memory_space<vmem>>) target_semaphore(%arg17 : memref<!tpu.dma_semaphore, #tpu.memory_space<semaphore_mem>>)
          %dma_start3A_185 = arith.constant 1024 : i32
          %dma_start3A_186 = tpu.memref_slice %arg9[%dma_start3A_185] : memref<2048xf32, #tpu.memory_space<vmem>> -> memref<1024xf32, #tpu.memory_space<vmem>>
          %dma_start3A_187 = tpu.memref_slice %arg3[%multiple_of3A_176] : memref<3145728xf32, #tpu.memory_space<hbm>> -> memref<1024xf32, #tpu.memory_space<hbm>>
          %dma_start3A_188 = arith.constant 1024 : i32
          %dma_start3A_189 = tpu.memref_slice %arg9[%dma_start3A_188] : memref<2048xf32, #tpu.memory_space<vmem>> -> memref<1024xf32, #tpu.memory_space<vmem>>
          %dma_start3A_190 = tpu.memref_slice %arg3[%multiple_of3A_176] : memref<3145728xf32, #tpu.memory_space<hbm>> -> memref<1024xf32, #tpu.memory_space<hbm>>
          tpu.enqueue_dma source(%dma_start3A_190 : memref<1024xf32, #tpu.memory_space<hbm>>) target(%dma_start3A_189 : memref<1024xf32, #tpu.memory_space<vmem>>) target_semaphore(%arg18 : memref<!tpu.dma_semaphore, #tpu.memory_space<semaphore_mem>>)
          %dma_start3A_191 = arith.constant 3072 : i32
          %dma_start3A_192 = tpu.memref_slice %arg10[%dma_start3A_191] : memref<6144xf32, #tpu.memory_space<vmem>> -> memref<3072xf32, #tpu.memory_space<vmem>>
          %dma_start3A_193 = tpu.memref_slice %arg2[%multiple_of3A_179] : memref<9437184xf32, #tpu.memory_space<hbm>> -> memref<3072xf32, #tpu.memory_space<hbm>>
          %dma_start3A_194 = arith.constant 3072 : i32
          %dma_start3A_195 = tpu.memref_slice %arg10[%dma_start3A_194] : memref<6144xf32, #tpu.memory_space<vmem>> -> memref<3072xf32, #tpu.memory_space<vmem>>
          %dma_start3A_196 = tpu.memref_slice %arg2[%multiple_of3A_179] : memref<9437184xf32, #tpu.memory_space<hbm>> -> memref<3072xf32, #tpu.memory_space<hbm>>
          tpu.enqueue_dma source(%dma_start3A_196 : memref<3072xf32, #tpu.memory_space<hbm>>) target(%dma_start3A_195 : memref<3072xf32, #tpu.memory_space<vmem>>) target_semaphore(%arg19 : memref<!tpu.dma_semaphore, #tpu.memory_space<semaphore_mem>>)
        } else {
        }
        %mul3A_147 = arith.constant 1024 : i32
        %mul3A_148 = arith.muli %add3A_104, %mul3A_147 : i32
        %add3A_149 = arith.addi %mul3A_15, %mul3A_148 : i32
        %min3A_150 = arith.constant 3144704 : i32
        %min3A_151 = arith.minsi %add3A_149, %min3A_150 : i32
        %multiple_of3A_152 = tpu.assume_multiple %min3A_151, 128 : i32
        %sub3A_153 = arith.subi %add3A_149, %multiple_of3A_152 : i32
        %add3A_154 = arith.constant 0 : i32
        %add3A_155 = arith.addi %sub3A_153, %add3A_154 : i32
        %mul3A_156 = arith.constant 64 : i32
        %mul3A_157 = vector.broadcast %mul3A_156 : i32 to vector<16xi32>
        %mul3A_158 = arith.muli %iota3A, %mul3A_157 : vector<16xi32>
        %add3A_159 = arith.constant 0 : i32
        %add3A_160 = vector.broadcast %add3A_159 : i32 to vector<16xi32>
        %add3A_161 = arith.addi %mul3A_158, %add3A_160 : vector<16xi32>
        %scan3A_162 = arith.constant 0 : i32
        %scan3A_163 = arith.constant 0 : i32
        %scan3A_164 = arith.constant 64 : i32
        %scan3A_165 = arith.addi %scan3A_163, %scan3A_164 : i32
        %scan3A_166 = arith.constant 16 : i32
        %scan3A_167 = scf.for %scan3A_169 = %scan3A_163 to %scan3A_165 step %scan3A_166 iter_args(%scan3A_170 = %scan3A_162) -> (i32)  : i32 {
          %add3A_171 = vector.broadcast %scan3A_169 : i32 to vector<16xi32>
          %add3A_172 = arith.addi %iota3A, %add3A_171 : vector<16xi32>
          %and3A_173 = arith.constant 63 : i32
          %and3A_174 = vector.broadcast %and3A_173 : i32 to vector<16xi32>
          %and3A_175 = arith.andi %add3A_172, %and3A_174 : vector<16xi32>
          %add3A_176 = arith.addi %add3A_161, %and3A_175 : vector<16xi32>
          %gather3A = tpu.vector_load_idx %arg8[%add3A_176] : memref<2048xi32, #tpu.memory_space<vmem>>[vector<16xi32>], vector<16xi32>,
          %gather3A_177 = tpu.vector_load_idx %arg9[%add3A_176] : memref<2048xf32, #tpu.memory_space<vmem>>[vector<16xi32>], vector<16xf32>,
          %sub3A_178 = vector.broadcast %mul3A_2 : i32 to vector<16xi32>
          %sub3A_179 = arith.subi %gather3A, %sub3A_178 : vector<16xi32>
          %bitcast3A = vector.bitcast %sub3A_179 : vector<16xi32> to vector<16xi32>
          %lt3A_180 = arith.constant 2048 : i32
          %lt3A_181 = vector.broadcast %lt3A_180 : i32 to vector<16xi32>
          %lt3A_182 = arith.cmpi ult, %bitcast3A, %lt3A_181 : vector<16xi32>
          %ge3A = vector.broadcast %add3A_155 : i32 to vector<16xi32>
          %ge3A_183 = arith.cmpi sge, %add3A_176, %ge3A : vector<16xi32>
          %and3A_184 = arith.andi %lt3A_182, %ge3A_183 : vector<16xi1>
          %shift_right_arithmetic3A = arith.constant 7 : i32
          %shift_right_arithmetic3A_185 = vector.broadcast %shift_right_arithmetic3A : i32 to vector<16xi32>
          %shift_right_arithmetic3A_186 = arith.shrsi %sub3A_179, %shift_right_arithmetic3A_185 : vector<16xi32>
          %mul3A_187 = arith.constant 384 : i32
          %mul3A_188 = vector.broadcast %mul3A_187 : i32 to vector<16xi32>
          %mul3A_189 = arith.muli %shift_right_arithmetic3A_186, %mul3A_188 : vector<16xi32>
          %and3A_190 = arith.constant 127 : i32
          %and3A_191 = vector.broadcast %and3A_190 : i32 to vector<16xi32>
          %and3A_192 = arith.andi %sub3A_179, %and3A_191 : vector<16xi32>
          %add3A_193 = arith.addi %mul3A_189, %and3A_192 : vector<16xi32>
          %shift_right_arithmetic3A_194 = arith.constant 7 : i32
          %shift_right_arithmetic3A_195 = vector.broadcast %shift_right_arithmetic3A_194 : i32 to vector<16xi32>
          %shift_right_arithmetic3A_196 = arith.shrsi %add3A_176, %shift_right_arithmetic3A_195 : vector<16xi32>
          %mul3A_197 = arith.constant 384 : i32
          %mul3A_198 = vector.broadcast %mul3A_197 : i32 to vector<16xi32>
          %mul3A_199 = arith.muli %shift_right_arithmetic3A_196, %mul3A_198 : vector<16xi32>
          %and3A_200 = arith.constant 127 : i32
          %and3A_201 = vector.broadcast %and3A_200 : i32 to vector<16xi32>
          %and3A_202 = arith.andi %add3A_176, %and3A_201 : vector<16xi32>
          %add3A_203 = arith.addi %mul3A_199, %and3A_202 : vector<16xi32>
          %gather3A_204 = tpu.vector_load_idx %arg10[%add3A_203] : memref<6144xf32, #tpu.memory_space<vmem>>[vector<16xi32>], vector<16xf32>,
          %mul3A_205 = arith.mulf %gather3A_204, %gather3A_177 : vector<16xf32>
          tpu.vector_store_idx %arg11[%add3A_193], %mul3A_205 masked %and3A_184 {add = true} : memref<6144xf32, #tpu.memory_space<vmem>>[vector<16xi32>], vector<16xf32>, vector<16xi1>
          %add3A_206 = arith.constant 128 : i32
          %add3A_207 = vector.broadcast %add3A_206 : i32 to vector<16xi32>
          %add3A_208 = arith.addi %add3A_203, %add3A_207 : vector<16xi32>
          %gather3A_209 = tpu.vector_load_idx %arg10[%add3A_208] : memref<6144xf32, #tpu.memory_space<vmem>>[vector<16xi32>], vector<16xf32>,
          %add3A_210 = arith.constant 128 : i32
          %add3A_211 = vector.broadcast %add3A_210 : i32 to vector<16xi32>
          %add3A_212 = arith.addi %add3A_193, %add3A_211 : vector<16xi32>
          %mul3A_213 = arith.mulf %gather3A_209, %gather3A_177 : vector<16xf32>
          tpu.vector_store_idx %arg11[%add3A_212], %mul3A_213 masked %and3A_184 {add = true} : memref<6144xf32, #tpu.memory_space<vmem>>[vector<16xi32>], vector<16xf32>, vector<16xi1>
          %add3A_214 = arith.constant 256 : i32
          %add3A_215 = vector.broadcast %add3A_214 : i32 to vector<16xi32>
          %add3A_216 = arith.addi %add3A_203, %add3A_215 : vector<16xi32>
          %gather3A_217 = tpu.vector_load_idx %arg10[%add3A_216] : memref<6144xf32, #tpu.memory_space<vmem>>[vector<16xi32>], vector<16xf32>,
          %add3A_218 = arith.constant 256 : i32
          %add3A_219 = vector.broadcast %add3A_218 : i32 to vector<16xi32>
          %add3A_220 = arith.addi %add3A_193, %add3A_219 : vector<16xi32>
          %mul3A_221 = arith.mulf %gather3A_217, %gather3A_177 : vector<16xf32>
          tpu.vector_store_idx %arg11[%add3A_220], %mul3A_221 masked %and3A_184 {add = true} : memref<6144xf32, #tpu.memory_space<vmem>>[vector<16xi32>], vector<16xf32>, vector<16xi1>
          %scan3A_222 = arith.constant 0 : i32
          %scan3A_223 = arith.constant 1 : i32
          %scan3A_224 = arith.addi %scan3A_169, %scan3A_223 : i32
          %add3A_225 = vector.broadcast %scan3A_224 : i32 to vector<16xi32>
          %add3A_226 = arith.addi %iota3A, %add3A_225 : vector<16xi32>
          %and3A_227 = arith.constant 63 : i32
          %and3A_228 = vector.broadcast %and3A_227 : i32 to vector<16xi32>
          %and3A_229 = arith.andi %add3A_226, %and3A_228 : vector<16xi32>
          %add3A_230 = arith.addi %add3A_161, %and3A_229 : vector<16xi32>
          %gather3A_231 = tpu.vector_load_idx %arg8[%add3A_230] : memref<2048xi32, #tpu.memory_space<vmem>>[vector<16xi32>], vector<16xi32>,
          %gather3A_232 = tpu.vector_load_idx %arg9[%add3A_230] : memref<2048xf32, #tpu.memory_space<vmem>>[vector<16xi32>], vector<16xf32>,
          %sub3A_233 = vector.broadcast %mul3A_2 : i32 to vector<16xi32>
          %sub3A_234 = arith.subi %gather3A_231, %sub3A_233 : vector<16xi32>
          %bitcast3A_235 = vector.bitcast %sub3A_234 : vector<16xi32> to vector<16xi32>
          %lt3A_236 = arith.constant 2048 : i32
          %lt3A_237 = vector.broadcast %lt3A_236 : i32 to vector<16xi32>
          %lt3A_238 = arith.cmpi ult, %bitcast3A_235, %lt3A_237 : vector<16xi32>
          %ge3A_239 = vector.broadcast %add3A_155 : i32 to vector<16xi32>
          %ge3A_240 = arith.cmpi sge, %add3A_230, %ge3A_239 : vector<16xi32>
          %and3A_241 = arith.andi %lt3A_238, %ge3A_240 : vector<16xi1>
          %shift_right_arithmetic3A_242 = arith.constant 7 : i32
          %shift_right_arithmetic3A_243 = vector.broadcast %shift_right_arithmetic3A_242 : i32 to vector<16xi32>
          %shift_right_arithmetic3A_244 = arith.shrsi %sub3A_234, %shift_right_arithmetic3A_243 : vector<16xi32>
          %mul3A_245 = arith.constant 384 : i32
          %mul3A_246 = vector.broadcast %mul3A_245 : i32 to vector<16xi32>
          %mul3A_247 = arith.muli %shift_right_arithmetic3A_244, %mul3A_246 : vector<16xi32>
          %and3A_248 = arith.constant 127 : i32
          %and3A_249 = vector.broadcast %and3A_248 : i32 to vector<16xi32>
          %and3A_250 = arith.andi %sub3A_234, %and3A_249 : vector<16xi32>
          %add3A_251 = arith.addi %mul3A_247, %and3A_250 : vector<16xi32>
          %shift_right_arithmetic3A_252 = arith.constant 7 : i32
          %shift_right_arithmetic3A_253 = vector.broadcast %shift_right_arithmetic3A_252 : i32 to vector<16xi32>
          %shift_right_arithmetic3A_254 = arith.shrsi %add3A_230, %shift_right_arithmetic3A_253 : vector<16xi32>
          %mul3A_255 = arith.constant 384 : i32
          %mul3A_256 = vector.broadcast %mul3A_255 : i32 to vector<16xi32>
          %mul3A_257 = arith.muli %shift_right_arithmetic3A_254, %mul3A_256 : vector<16xi32>
          %and3A_258 = arith.constant 127 : i32
          %and3A_259 = vector.broadcast %and3A_258 : i32 to vector<16xi32>
          %and3A_260 = arith.andi %add3A_230, %and3A_259 : vector<16xi32>
          %add3A_261 = arith.addi %mul3A_257, %and3A_260 : vector<16xi32>
          %gather3A_262 = tpu.vector_load_idx %arg10[%add3A_261] : memref<6144xf32, #tpu.memory_space<vmem>>[vector<16xi32>], vector<16xf32>,
          %mul3A_263 = arith.mulf %gather3A_262, %gather3A_232 : vector<16xf32>
          tpu.vector_store_idx %arg11[%add3A_251], %mul3A_263 masked %and3A_241 {add = true} : memref<6144xf32, #tpu.memory_space<vmem>>[vector<16xi32>], vector<16xf32>, vector<16xi1>
          %add3A_264 = arith.constant 128 : i32
          %add3A_265 = vector.broadcast %add3A_264 : i32 to vector<16xi32>
          %add3A_266 = arith.addi %add3A_261, %add3A_265 : vector<16xi32>
          %gather3A_267 = tpu.vector_load_idx %arg10[%add3A_266] : memref<6144xf32, #tpu.memory_space<vmem>>[vector<16xi32>], vector<16xf32>,
          %add3A_268 = arith.constant 128 : i32
          %add3A_269 = vector.broadcast %add3A_268 : i32 to vector<16xi32>
          %add3A_270 = arith.addi %add3A_251, %add3A_269 : vector<16xi32>
          %mul3A_271 = arith.mulf %gather3A_267, %gather3A_232 : vector<16xf32>
          tpu.vector_store_idx %arg11[%add3A_270], %mul3A_271 masked %and3A_241 {add = true} : memref<6144xf32, #tpu.memory_space<vmem>>[vector<16xi32>], vector<16xf32>, vector<16xi1>
          %add3A_272 = arith.constant 256 : i32
          %add3A_273 = vector.broadcast %add3A_272 : i32 to vector<16xi32>
          %add3A_274 = arith.addi %add3A_261, %add3A_273 : vector<16xi32>
          %gather3A_275 = tpu.vector_load_idx %arg10[%add3A_274] : memref<6144xf32, #tpu.memory_space<vmem>>[vector<16xi32>], vector<16xf32>,
          %add3A_276 = arith.constant 256 : i32
          %add3A_277 = vector.broadcast %add3A_276 : i32 to vector<16xi32>
          %add3A_278 = arith.addi %add3A_251, %add3A_277 : vector<16xi32>
          %mul3A_279 = arith.mulf %gather3A_275, %gather3A_232 : vector<16xf32>
          tpu.vector_store_idx %arg11[%add3A_278], %mul3A_279 masked %and3A_241 {add = true} : memref<6144xf32, #tpu.memory_space<vmem>>[vector<16xi32>], vector<16xf32>, vector<16xi1>
          %scan3A_280 = arith.constant 0 : i32
          %scan3A_281 = arith.constant 2 : i32
          %scan3A_282 = arith.addi %scan3A_169, %scan3A_281 : i32
          %add3A_283 = vector.broadcast %scan3A_282 : i32 to vector<16xi32>
          %add3A_284 = arith.addi %iota3A, %add3A_283 : vector<16xi32>
          %and3A_285 = arith.constant 63 : i32
          %and3A_286 = vector.broadcast %and3A_285 : i32 to vector<16xi32>
          %and3A_287 = arith.andi %add3A_284, %and3A_286 : vector<16xi32>
          %add3A_288 = arith.addi %add3A_161, %and3A_287 : vector<16xi32>
          %gather3A_289 = tpu.vector_load_idx %arg8[%add3A_288] : memref<2048xi32, #tpu.memory_space<vmem>>[vector<16xi32>], vector<16xi32>,
          %gather3A_290 = tpu.vector_load_idx %arg9[%add3A_288] : memref<2048xf32, #tpu.memory_space<vmem>>[vector<16xi32>], vector<16xf32>,
          %sub3A_291 = vector.broadcast %mul3A_2 : i32 to vector<16xi32>
          %sub3A_292 = arith.subi %gather3A_289, %sub3A_291 : vector<16xi32>
          %bitcast3A_293 = vector.bitcast %sub3A_292 : vector<16xi32> to vector<16xi32>
          %lt3A_294 = arith.constant 2048 : i32
          %lt3A_295 = vector.broadcast %lt3A_294 : i32 to vector<16xi32>
          %lt3A_296 = arith.cmpi ult, %bitcast3A_293, %lt3A_295 : vector<16xi32>
          %ge3A_297 = vector.broadcast %add3A_155 : i32 to vector<16xi32>
          %ge3A_298 = arith.cmpi sge, %add3A_288, %ge3A_297 : vector<16xi32>
          %and3A_299 = arith.andi %lt3A_296, %ge3A_298 : vector<16xi1>
          %shift_right_arithmetic3A_300 = arith.constant 7 : i32
          %shift_right_arithmetic3A_301 = vector.broadcast %shift_right_arithmetic3A_300 : i32 to vector<16xi32>
          %shift_right_arithmetic3A_302 = arith.shrsi %sub3A_292, %shift_right_arithmetic3A_301 : vector<16xi32>
          %mul3A_303 = arith.constant 384 : i32
          %mul3A_304 = vector.broadcast %mul3A_303 : i32 to vector<16xi32>
          %mul3A_305 = arith.muli %shift_right_arithmetic3A_302, %mul3A_304 : vector<16xi32>
          %and3A_306 = arith.constant 127 : i32
          %and3A_307 = vector.broadcast %and3A_306 : i32 to vector<16xi32>
          %and3A_308 = arith.andi %sub3A_292, %and3A_307 : vector<16xi32>
          %add3A_309 = arith.addi %mul3A_305, %and3A_308 : vector<16xi32>
          %shift_right_arithmetic3A_310 = arith.constant 7 : i32
          %shift_right_arithmetic3A_311 = vector.broadcast %shift_right_arithmetic3A_310 : i32 to vector<16xi32>
          %shift_right_arithmetic3A_312 = arith.shrsi %add3A_288, %shift_right_arithmetic3A_311 : vector<16xi32>
          %mul3A_313 = arith.constant 384 : i32
          %mul3A_314 = vector.broadcast %mul3A_313 : i32 to vector<16xi32>
          %mul3A_315 = arith.muli %shift_right_arithmetic3A_312, %mul3A_314 : vector<16xi32>
          %and3A_316 = arith.constant 127 : i32
          %and3A_317 = vector.broadcast %and3A_316 : i32 to vector<16xi32>
          %and3A_318 = arith.andi %add3A_288, %and3A_317 : vector<16xi32>
          %add3A_319 = arith.addi %mul3A_315, %and3A_318 : vector<16xi32>
          %gather3A_320 = tpu.vector_load_idx %arg10[%add3A_319] : memref<6144xf32, #tpu.memory_space<vmem>>[vector<16xi32>], vector<16xf32>,
          %mul3A_321 = arith.mulf %gather3A_320, %gather3A_290 : vector<16xf32>
          tpu.vector_store_idx %arg11[%add3A_309], %mul3A_321 masked %and3A_299 {add = true} : memref<6144xf32, #tpu.memory_space<vmem>>[vector<16xi32>], vector<16xf32>, vector<16xi1>
          %add3A_322 = arith.constant 128 : i32
          %add3A_323 = vector.broadcast %add3A_322 : i32 to vector<16xi32>
          %add3A_324 = arith.addi %add3A_319, %add3A_323 : vector<16xi32>
          %gather3A_325 = tpu.vector_load_idx %arg10[%add3A_324] : memref<6144xf32, #tpu.memory_space<vmem>>[vector<16xi32>], vector<16xf32>,
          %add3A_326 = arith.constant 128 : i32
          %add3A_327 = vector.broadcast %add3A_326 : i32 to vector<16xi32>
          %add3A_328 = arith.addi %add3A_309, %add3A_327 : vector<16xi32>
          %mul3A_329 = arith.mulf %gather3A_325, %gather3A_290 : vector<16xf32>
          tpu.vector_store_idx %arg11[%add3A_328], %mul3A_329 masked %and3A_299 {add = true} : memref<6144xf32, #tpu.memory_space<vmem>>[vector<16xi32>], vector<16xf32>, vector<16xi1>
          %add3A_330 = arith.constant 256 : i32
          %add3A_331 = vector.broadcast %add3A_330 : i32 to vector<16xi32>
          %add3A_332 = arith.addi %add3A_319, %add3A_331 : vector<16xi32>
          %gather3A_333 = tpu.vector_load_idx %arg10[%add3A_332] : memref<6144xf32, #tpu.memory_space<vmem>>[vector<16xi32>], vector<16xf32>,
          %add3A_334 = arith.constant 256 : i32
          %add3A_335 = vector.broadcast %add3A_334 : i32 to vector<16xi32>
          %add3A_336 = arith.addi %add3A_309, %add3A_335 : vector<16xi32>
          %mul3A_337 = arith.mulf %gather3A_333, %gather3A_290 : vector<16xf32>
          tpu.vector_store_idx %arg11[%add3A_336], %mul3A_337 masked %and3A_299 {add = true} : memref<6144xf32, #tpu.memory_space<vmem>>[vector<16xi32>], vector<16xf32>, vector<16xi1>
          %scan3A_338 = arith.constant 0 : i32
          %scan3A_339 = arith.constant 3 : i32
          %scan3A_340 = arith.addi %scan3A_169, %scan3A_339 : i32
          %add3A_341 = vector.broadcast %scan3A_340 : i32 to vector<16xi32>
          %add3A_342 = arith.addi %iota3A, %add3A_341 : vector<16xi32>
          %and3A_343 = arith.constant 63 : i32
          %and3A_344 = vector.broadcast %and3A_343 : i32 to vector<16xi32>
          %and3A_345 = arith.andi %add3A_342, %and3A_344 : vector<16xi32>
          %add3A_346 = arith.addi %add3A_161, %and3A_345 : vector<16xi32>
          %gather3A_347 = tpu.vector_load_idx %arg8[%add3A_346] : memref<2048xi32, #tpu.memory_space<vmem>>[vector<16xi32>], vector<16xi32>,
          %gather3A_348 = tpu.vector_load_idx %arg9[%add3A_346] : memref<2048xf32, #tpu.memory_space<vmem>>[vector<16xi32>], vector<16xf32>,
          %sub3A_349 = vector.broadcast %mul3A_2 : i32 to vector<16xi32>
          %sub3A_350 = arith.subi %gather3A_347, %sub3A_349 : vector<16xi32>
          %bitcast3A_351 = vector.bitcast %sub3A_350 : vector<16xi32> to vector<16xi32>
          %lt3A_352 = arith.constant 2048 : i32
          %lt3A_353 = vector.broadcast %lt3A_352 : i32 to vector<16xi32>
          %lt3A_354 = arith.cmpi ult, %bitcast3A_351, %lt3A_353 : vector<16xi32>
          %ge3A_355 = vector.broadcast %add3A_155 : i32 to vector<16xi32>
          %ge3A_356 = arith.cmpi sge, %add3A_346, %ge3A_355 : vector<16xi32>
          %and3A_357 = arith.andi %lt3A_354, %ge3A_356 : vector<16xi1>
          %shift_right_arithmetic3A_358 = arith.constant 7 : i32
          %shift_right_arithmetic3A_359 = vector.broadcast %shift_right_arithmetic3A_358 : i32 to vector<16xi32>
          %shift_right_arithmetic3A_360 = arith.shrsi %sub3A_350, %shift_right_arithmetic3A_359 : vector<16xi32>
          %mul3A_361 = arith.constant 384 : i32
          %mul3A_362 = vector.broadcast %mul3A_361 : i32 to vector<16xi32>
          %mul3A_363 = arith.muli %shift_right_arithmetic3A_360, %mul3A_362 : vector<16xi32>
          %and3A_364 = arith.constant 127 : i32
          %and3A_365 = vector.broadcast %and3A_364 : i32 to vector<16xi32>
          %and3A_366 = arith.andi %sub3A_350, %and3A_365 : vector<16xi32>
          %add3A_367 = arith.addi %mul3A_363, %and3A_366 : vector<16xi32>
          %shift_right_arithmetic3A_368 = arith.constant 7 : i32
          %shift_right_arithmetic3A_369 = vector.broadcast %shift_right_arithmetic3A_368 : i32 to vector<16xi32>
          %shift_right_arithmetic3A_370 = arith.shrsi %add3A_346, %shift_right_arithmetic3A_369 : vector<16xi32>
          %mul3A_371 = arith.constant 384 : i32
          %mul3A_372 = vector.broadcast %mul3A_371 : i32 to vector<16xi32>
          %mul3A_373 = arith.muli %shift_right_arithmetic3A_370, %mul3A_372 : vector<16xi32>
          %and3A_374 = arith.constant 127 : i32
          %and3A_375 = vector.broadcast %and3A_374 : i32 to vector<16xi32>
          %and3A_376 = arith.andi %add3A_346, %and3A_375 : vector<16xi32>
          %add3A_377 = arith.addi %mul3A_373, %and3A_376 : vector<16xi32>
          %gather3A_378 = tpu.vector_load_idx %arg10[%add3A_377] : memref<6144xf32, #tpu.memory_space<vmem>>[vector<16xi32>], vector<16xf32>,
          %mul3A_379 = arith.mulf %gather3A_378, %gather3A_348 : vector<16xf32>
          tpu.vector_store_idx %arg11[%add3A_367], %mul3A_379 masked %and3A_357 {add = true} : memref<6144xf32, #tpu.memory_space<vmem>>[vector<16xi32>], vector<16xf32>, vector<16xi1>
          %add3A_380 = arith.constant 128 : i32
          %add3A_381 = vector.broadcast %add3A_380 : i32 to vector<16xi32>
          %add3A_382 = arith.addi %add3A_377, %add3A_381 : vector<16xi32>
          %gather3A_383 = tpu.vector_load_idx %arg10[%add3A_382] : memref<6144xf32, #tpu.memory_space<vmem>>[vector<16xi32>], vector<16xf32>,
          %add3A_384 = arith.constant 128 : i32
          %add3A_385 = vector.broadcast %add3A_384 : i32 to vector<16xi32>
          %add3A_386 = arith.addi %add3A_367, %add3A_385 : vector<16xi32>
          %mul3A_387 = arith.mulf %gather3A_383, %gather3A_348 : vector<16xf32>
          tpu.vector_store_idx %arg11[%add3A_386], %mul3A_387 masked %and3A_357 {add = true} : memref<6144xf32, #tpu.memory_space<vmem>>[vector<16xi32>], vector<16xf32>, vector<16xi1>
          %add3A_388 = arith.constant 256 : i32
          %add3A_389 = vector.broadcast %add3A_388 : i32 to vector<16xi32>
          %add3A_390 = arith.addi %add3A_377, %add3A_389 : vector<16xi32>
          %gather3A_391 = tpu.vector_load_idx %arg10[%add3A_390] : memref<6144xf32, #tpu.memory_space<vmem>>[vector<16xi32>], vector<16xf32>,
          %add3A_392 = arith.constant 256 : i32
          %add3A_393 = vector.broadcast %add3A_392 : i32 to vector<16xi32>
          %add3A_394 = arith.addi %add3A_367, %add3A_393 : vector<16xi32>
          %mul3A_395 = arith.mulf %gather3A_391, %gather3A_348 : vector<16xf32>
          tpu.vector_store_idx %arg11[%add3A_394], %mul3A_395 masked %and3A_357 {add = true} : memref<6144xf32, #tpu.memory_space<vmem>>[vector<16xi32>], vector<16xf32>, vector<16xi1>
          %scan3A_396 = arith.constant 0 : i32
          %scan3A_397 = arith.constant 4 : i32
          %scan3A_398 = arith.addi %scan3A_169, %scan3A_397 : i32
          %add3A_399 = vector.broadcast %scan3A_398 : i32 to vector<16xi32>
          %add3A_400 = arith.addi %iota3A, %add3A_399 : vector<16xi32>
          %and3A_401 = arith.constant 63 : i32
          %and3A_402 = vector.broadcast %and3A_401 : i32 to vector<16xi32>
          %and3A_403 = arith.andi %add3A_400, %and3A_402 : vector<16xi32>
          %add3A_404 = arith.addi %add3A_161, %and3A_403 : vector<16xi32>
          %gather3A_405 = tpu.vector_load_idx %arg8[%add3A_404] : memref<2048xi32, #tpu.memory_space<vmem>>[vector<16xi32>], vector<16xi32>,
          %gather3A_406 = tpu.vector_load_idx %arg9[%add3A_404] : memref<2048xf32, #tpu.memory_space<vmem>>[vector<16xi32>], vector<16xf32>,
          %sub3A_407 = vector.broadcast %mul3A_2 : i32 to vector<16xi32>
          %sub3A_408 = arith.subi %gather3A_405, %sub3A_407 : vector<16xi32>
          %bitcast3A_409 = vector.bitcast %sub3A_408 : vector<16xi32> to vector<16xi32>
          %lt3A_410 = arith.constant 2048 : i32
          %lt3A_411 = vector.broadcast %lt3A_410 : i32 to vector<16xi32>
          %lt3A_412 = arith.cmpi ult, %bitcast3A_409, %lt3A_411 : vector<16xi32>
          %ge3A_413 = vector.broadcast %add3A_155 : i32 to vector<16xi32>
          %ge3A_414 = arith.cmpi sge, %add3A_404, %ge3A_413 : vector<16xi32>
          %and3A_415 = arith.andi %lt3A_412, %ge3A_414 : vector<16xi1>
          %shift_right_arithmetic3A_416 = arith.constant 7 : i32
          %shift_right_arithmetic3A_417 = vector.broadcast %shift_right_arithmetic3A_416 : i32 to vector<16xi32>
          %shift_right_arithmetic3A_418 = arith.shrsi %sub3A_408, %shift_right_arithmetic3A_417 : vector<16xi32>
          %mul3A_419 = arith.constant 384 : i32
          %mul3A_420 = vector.broadcast %mul3A_419 : i32 to vector<16xi32>
          %mul3A_421 = arith.muli %shift_right_arithmetic3A_418, %mul3A_420 : vector<16xi32>
          %and3A_422 = arith.constant 127 : i32
          %and3A_423 = vector.broadcast %and3A_422 : i32 to vector<16xi32>
          %and3A_424 = arith.andi %sub3A_408, %and3A_423 : vector<16xi32>
          %add3A_425 = arith.addi %mul3A_421, %and3A_424 : vector<16xi32>
          %shift_right_arithmetic3A_426 = arith.constant 7 : i32
          %shift_right_arithmetic3A_427 = vector.broadcast %shift_right_arithmetic3A_426 : i32 to vector<16xi32>
          %shift_right_arithmetic3A_428 = arith.shrsi %add3A_404, %shift_right_arithmetic3A_427 : vector<16xi32>
          %mul3A_429 = arith.constant 384 : i32
          %mul3A_430 = vector.broadcast %mul3A_429 : i32 to vector<16xi32>
          %mul3A_431 = arith.muli %shift_right_arithmetic3A_428, %mul3A_430 : vector<16xi32>
          %and3A_432 = arith.constant 127 : i32
          %and3A_433 = vector.broadcast %and3A_432 : i32 to vector<16xi32>
          %and3A_434 = arith.andi %add3A_404, %and3A_433 : vector<16xi32>
          %add3A_435 = arith.addi %mul3A_431, %and3A_434 : vector<16xi32>
          %gather3A_436 = tpu.vector_load_idx %arg10[%add3A_435] : memref<6144xf32, #tpu.memory_space<vmem>>[vector<16xi32>], vector<16xf32>,
          %mul3A_437 = arith.mulf %gather3A_436, %gather3A_406 : vector<16xf32>
          tpu.vector_store_idx %arg11[%add3A_425], %mul3A_437 masked %and3A_415 {add = true} : memref<6144xf32, #tpu.memory_space<vmem>>[vector<16xi32>], vector<16xf32>, vector<16xi1>
          %add3A_438 = arith.constant 128 : i32
          %add3A_439 = vector.broadcast %add3A_438 : i32 to vector<16xi32>
          %add3A_440 = arith.addi %add3A_435, %add3A_439 : vector<16xi32>
          %gather3A_441 = tpu.vector_load_idx %arg10[%add3A_440] : memref<6144xf32, #tpu.memory_space<vmem>>[vector<16xi32>], vector<16xf32>,
          %add3A_442 = arith.constant 128 : i32
          %add3A_443 = vector.broadcast %add3A_442 : i32 to vector<16xi32>
          %add3A_444 = arith.addi %add3A_425, %add3A_443 : vector<16xi32>
          %mul3A_445 = arith.mulf %gather3A_441, %gather3A_406 : vector<16xf32>
          tpu.vector_store_idx %arg11[%add3A_444], %mul3A_445 masked %and3A_415 {add = true} : memref<6144xf32, #tpu.memory_space<vmem>>[vector<16xi32>], vector<16xf32>, vector<16xi1>
          %add3A_446 = arith.constant 256 : i32
          %add3A_447 = vector.broadcast %add3A_446 : i32 to vector<16xi32>
          %add3A_448 = arith.addi %add3A_435, %add3A_447 : vector<16xi32>
          %gather3A_449 = tpu.vector_load_idx %arg10[%add3A_448] : memref<6144xf32, #tpu.memory_space<vmem>>[vector<16xi32>], vector<16xf32>,
          %add3A_450 = arith.constant 256 : i32
          %add3A_451 = vector.broadcast %add3A_450 : i32 to vector<16xi32>
          %add3A_452 = arith.addi %add3A_425, %add3A_451 : vector<16xi32>
          %mul3A_453 = arith.mulf %gather3A_449, %gather3A_406 : vector<16xf32>
          tpu.vector_store_idx %arg11[%add3A_452], %mul3A_453 masked %and3A_415 {add = true} : memref<6144xf32, #tpu.memory_space<vmem>>[vector<16xi32>], vector<16xf32>, vector<16xi1>
          %scan3A_454 = arith.constant 0 : i32
          %scan3A_455 = arith.constant 5 : i32
          %scan3A_456 = arith.addi %scan3A_169, %scan3A_455 : i32
          %add3A_457 = vector.broadcast %scan3A_456 : i32 to vector<16xi32>
          %add3A_458 = arith.addi %iota3A, %add3A_457 : vector<16xi32>
          %and3A_459 = arith.constant 63 : i32
          %and3A_460 = vector.broadcast %and3A_459 : i32 to vector<16xi32>
          %and3A_461 = arith.andi %add3A_458, %and3A_460 : vector<16xi32>
          %add3A_462 = arith.addi %add3A_161, %and3A_461 : vector<16xi32>
          %gather3A_463 = tpu.vector_load_idx %arg8[%add3A_462] : memref<2048xi32, #tpu.memory_space<vmem>>[vector<16xi32>], vector<16xi32>,
          %gather3A_464 = tpu.vector_load_idx %arg9[%add3A_462] : memref<2048xf32, #tpu.memory_space<vmem>>[vector<16xi32>], vector<16xf32>,
          %sub3A_465 = vector.broadcast %mul3A_2 : i32 to vector<16xi32>
          %sub3A_466 = arith.subi %gather3A_463, %sub3A_465 : vector<16xi32>
          %bitcast3A_467 = vector.bitcast %sub3A_466 : vector<16xi32> to vector<16xi32>
          %lt3A_468 = arith.constant 2048 : i32
          %lt3A_469 = vector.broadcast %lt3A_468 : i32 to vector<16xi32>
          %lt3A_470 = arith.cmpi ult, %bitcast3A_467, %lt3A_469 : vector<16xi32>
          %ge3A_471 = vector.broadcast %add3A_155 : i32 to vector<16xi32>
          %ge3A_472 = arith.cmpi sge, %add3A_462, %ge3A_471 : vector<16xi32>
          %and3A_473 = arith.andi %lt3A_470, %ge3A_472 : vector<16xi1>
          %shift_right_arithmetic3A_474 = arith.constant 7 : i32
          %shift_right_arithmetic3A_475 = vector.broadcast %shift_right_arithmetic3A_474 : i32 to vector<16xi32>
          %shift_right_arithmetic3A_476 = arith.shrsi %sub3A_466, %shift_right_arithmetic3A_475 : vector<16xi32>
          %mul3A_477 = arith.constant 384 : i32
          %mul3A_478 = vector.broadcast %mul3A_477 : i32 to vector<16xi32>
          %mul3A_479 = arith.muli %shift_right_arithmetic3A_476, %mul3A_478 : vector<16xi32>
          %and3A_480 = arith.constant 127 : i32
          %and3A_481 = vector.broadcast %and3A_480 : i32 to vector<16xi32>
          %and3A_482 = arith.andi %sub3A_466, %and3A_481 : vector<16xi32>
          %add3A_483 = arith.addi %mul3A_479, %and3A_482 : vector<16xi32>
          %shift_right_arithmetic3A_484 = arith.constant 7 : i32
          %shift_right_arithmetic3A_485 = vector.broadcast %shift_right_arithmetic3A_484 : i32 to vector<16xi32>
          %shift_right_arithmetic3A_486 = arith.shrsi %add3A_462, %shift_right_arithmetic3A_485 : vector<16xi32>
          %mul3A_487 = arith.constant 384 : i32
          %mul3A_488 = vector.broadcast %mul3A_487 : i32 to vector<16xi32>
          %mul3A_489 = arith.muli %shift_right_arithmetic3A_486, %mul3A_488 : vector<16xi32>
          %and3A_490 = arith.constant 127 : i32
          %and3A_491 = vector.broadcast %and3A_490 : i32 to vector<16xi32>
          %and3A_492 = arith.andi %add3A_462, %and3A_491 : vector<16xi32>
          %add3A_493 = arith.addi %mul3A_489, %and3A_492 : vector<16xi32>
          %gather3A_494 = tpu.vector_load_idx %arg10[%add3A_493] : memref<6144xf32, #tpu.memory_space<vmem>>[vector<16xi32>], vector<16xf32>,
          %mul3A_495 = arith.mulf %gather3A_494, %gather3A_464 : vector<16xf32>
          tpu.vector_store_idx %arg11[%add3A_483], %mul3A_495 masked %and3A_473 {add = true} : memref<6144xf32, #tpu.memory_space<vmem>>[vector<16xi32>], vector<16xf32>, vector<16xi1>
          %add3A_496 = arith.constant 128 : i32
          %add3A_497 = vector.broadcast %add3A_496 : i32 to vector<16xi32>
          %add3A_498 = arith.addi %add3A_493, %add3A_497 : vector<16xi32>
          %gather3A_499 = tpu.vector_load_idx %arg10[%add3A_498] : memref<6144xf32, #tpu.memory_space<vmem>>[vector<16xi32>], vector<16xf32>,
          %add3A_500 = arith.constant 128 : i32
          %add3A_501 = vector.broadcast %add3A_500 : i32 to vector<16xi32>
          %add3A_502 = arith.addi %add3A_483, %add3A_501 : vector<16xi32>
          %mul3A_503 = arith.mulf %gather3A_499, %gather3A_464 : vector<16xf32>
          tpu.vector_store_idx %arg11[%add3A_502], %mul3A_503 masked %and3A_473 {add = true} : memref<6144xf32, #tpu.memory_space<vmem>>[vector<16xi32>], vector<16xf32>, vector<16xi1>
          %add3A_504 = arith.constant 256 : i32
          %add3A_505 = vector.broadcast %add3A_504 : i32 to vector<16xi32>
          %add3A_506 = arith.addi %add3A_493, %add3A_505 : vector<16xi32>
          %gather3A_507 = tpu.vector_load_idx %arg10[%add3A_506] : memref<6144xf32, #tpu.memory_space<vmem>>[vector<16xi32>], vector<16xf32>,
          %add3A_508 = arith.constant 256 : i32
          %add3A_509 = vector.broadcast %add3A_508 : i32 to vector<16xi32>
          %add3A_510 = arith.addi %add3A_483, %add3A_509 : vector<16xi32>
          %mul3A_511 = arith.mulf %gather3A_507, %gather3A_464 : vector<16xf32>
          tpu.vector_store_idx %arg11[%add3A_510], %mul3A_511 masked %and3A_473 {add = true} : memref<6144xf32, #tpu.memory_space<vmem>>[vector<16xi32>], vector<16xf32>, vector<16xi1>
          %scan3A_512 = arith.constant 0 : i32
          %scan3A_513 = arith.constant 6 : i32
          %scan3A_514 = arith.addi %scan3A_169, %scan3A_513 : i32
          %add3A_515 = vector.broadcast %scan3A_514 : i32 to vector<16xi32>
          %add3A_516 = arith.addi %iota3A, %add3A_515 : vector<16xi32>
          %and3A_517 = arith.constant 63 : i32
          %and3A_518 = vector.broadcast %and3A_517 : i32 to vector<16xi32>
          %and3A_519 = arith.andi %add3A_516, %and3A_518 : vector<16xi32>
          %add3A_520 = arith.addi %add3A_161, %and3A_519 : vector<16xi32>
          %gather3A_521 = tpu.vector_load_idx %arg8[%add3A_520] : memref<2048xi32, #tpu.memory_space<vmem>>[vector<16xi32>], vector<16xi32>,
          %gather3A_522 = tpu.vector_load_idx %arg9[%add3A_520] : memref<2048xf32, #tpu.memory_space<vmem>>[vector<16xi32>], vector<16xf32>,
          %sub3A_523 = vector.broadcast %mul3A_2 : i32 to vector<16xi32>
          %sub3A_524 = arith.subi %gather3A_521, %sub3A_523 : vector<16xi32>
          %bitcast3A_525 = vector.bitcast %sub3A_524 : vector<16xi32> to vector<16xi32>
          %lt3A_526 = arith.constant 2048 : i32
          %lt3A_527 = vector.broadcast %lt3A_526 : i32 to vector<16xi32>
          %lt3A_528 = arith.cmpi ult, %bitcast3A_525, %lt3A_527 : vector<16xi32>
          %ge3A_529 = vector.broadcast %add3A_155 : i32 to vector<16xi32>
          %ge3A_530 = arith.cmpi sge, %add3A_520, %ge3A_529 : vector<16xi32>
          %and3A_531 = arith.andi %lt3A_528, %ge3A_530 : vector<16xi1>
          %shift_right_arithmetic3A_532 = arith.constant 7 : i32
          %shift_right_arithmetic3A_533 = vector.broadcast %shift_right_arithmetic3A_532 : i32 to vector<16xi32>
          %shift_right_arithmetic3A_534 = arith.shrsi %sub3A_524, %shift_right_arithmetic3A_533 : vector<16xi32>
          %mul3A_535 = arith.constant 384 : i32
          %mul3A_536 = vector.broadcast %mul3A_535 : i32 to vector<16xi32>
          %mul3A_537 = arith.muli %shift_right_arithmetic3A_534, %mul3A_536 : vector<16xi32>
          %and3A_538 = arith.constant 127 : i32
          %and3A_539 = vector.broadcast %and3A_538 : i32 to vector<16xi32>
          %and3A_540 = arith.andi %sub3A_524, %and3A_539 : vector<16xi32>
          %add3A_541 = arith.addi %mul3A_537, %and3A_540 : vector<16xi32>
          %shift_right_arithmetic3A_542 = arith.constant 7 : i32
          %shift_right_arithmetic3A_543 = vector.broadcast %shift_right_arithmetic3A_542 : i32 to vector<16xi32>
          %shift_right_arithmetic3A_544 = arith.shrsi %add3A_520, %shift_right_arithmetic3A_543 : vector<16xi32>
          %mul3A_545 = arith.constant 384 : i32
          %mul3A_546 = vector.broadcast %mul3A_545 : i32 to vector<16xi32>
          %mul3A_547 = arith.muli %shift_right_arithmetic3A_544, %mul3A_546 : vector<16xi32>
          %and3A_548 = arith.constant 127 : i32
          %and3A_549 = vector.broadcast %and3A_548 : i32 to vector<16xi32>
          %and3A_550 = arith.andi %add3A_520, %and3A_549 : vector<16xi32>
          %add3A_551 = arith.addi %mul3A_547, %and3A_550 : vector<16xi32>
          %gather3A_552 = tpu.vector_load_idx %arg10[%add3A_551] : memref<6144xf32, #tpu.memory_space<vmem>>[vector<16xi32>], vector<16xf32>,
          %mul3A_553 = arith.mulf %gather3A_552, %gather3A_522 : vector<16xf32>
          tpu.vector_store_idx %arg11[%add3A_541], %mul3A_553 masked %and3A_531 {add = true} : memref<6144xf32, #tpu.memory_space<vmem>>[vector<16xi32>], vector<16xf32>, vector<16xi1>
          %add3A_554 = arith.constant 128 : i32
          %add3A_555 = vector.broadcast %add3A_554 : i32 to vector<16xi32>
          %add3A_556 = arith.addi %add3A_551, %add3A_555 : vector<16xi32>
          %gather3A_557 = tpu.vector_load_idx %arg10[%add3A_556] : memref<6144xf32, #tpu.memory_space<vmem>>[vector<16xi32>], vector<16xf32>,
          %add3A_558 = arith.constant 128 : i32
          %add3A_559 = vector.broadcast %add3A_558 : i32 to vector<16xi32>
          %add3A_560 = arith.addi %add3A_541, %add3A_559 : vector<16xi32>
          %mul3A_561 = arith.mulf %gather3A_557, %gather3A_522 : vector<16xf32>
          tpu.vector_store_idx %arg11[%add3A_560], %mul3A_561 masked %and3A_531 {add = true} : memref<6144xf32, #tpu.memory_space<vmem>>[vector<16xi32>], vector<16xf32>, vector<16xi1>
          %add3A_562 = arith.constant 256 : i32
          %add3A_563 = vector.broadcast %add3A_562 : i32 to vector<16xi32>
          %add3A_564 = arith.addi %add3A_551, %add3A_563 : vector<16xi32>
          %gather3A_565 = tpu.vector_load_idx %arg10[%add3A_564] : memref<6144xf32, #tpu.memory_space<vmem>>[vector<16xi32>], vector<16xf32>,
          %add3A_566 = arith.constant 256 : i32
          %add3A_567 = vector.broadcast %add3A_566 : i32 to vector<16xi32>
          %add3A_568 = arith.addi %add3A_541, %add3A_567 : vector<16xi32>
          %mul3A_569 = arith.mulf %gather3A_565, %gather3A_522 : vector<16xf32>
          tpu.vector_store_idx %arg11[%add3A_568], %mul3A_569 masked %and3A_531 {add = true} : memref<6144xf32, #tpu.memory_space<vmem>>[vector<16xi32>], vector<16xf32>, vector<16xi1>
          %scan3A_570 = arith.constant 0 : i32
          %scan3A_571 = arith.constant 7 : i32
          %scan3A_572 = arith.addi %scan3A_169, %scan3A_571 : i32
          %add3A_573 = vector.broadcast %scan3A_572 : i32 to vector<16xi32>
          %add3A_574 = arith.addi %iota3A, %add3A_573 : vector<16xi32>
          %and3A_575 = arith.constant 63 : i32
          %and3A_576 = vector.broadcast %and3A_575 : i32 to vector<16xi32>
          %and3A_577 = arith.andi %add3A_574, %and3A_576 : vector<16xi32>
          %add3A_578 = arith.addi %add3A_161, %and3A_577 : vector<16xi32>
          %gather3A_579 = tpu.vector_load_idx %arg8[%add3A_578] : memref<2048xi32, #tpu.memory_space<vmem>>[vector<16xi32>], vector<16xi32>,
          %gather3A_580 = tpu.vector_load_idx %arg9[%add3A_578] : memref<2048xf32, #tpu.memory_space<vmem>>[vector<16xi32>], vector<16xf32>,
          %sub3A_581 = vector.broadcast %mul3A_2 : i32 to vector<16xi32>
          %sub3A_582 = arith.subi %gather3A_579, %sub3A_581 : vector<16xi32>
          %bitcast3A_583 = vector.bitcast %sub3A_582 : vector<16xi32> to vector<16xi32>
          %lt3A_584 = arith.constant 2048 : i32
          %lt3A_585 = vector.broadcast %lt3A_584 : i32 to vector<16xi32>
          %lt3A_586 = arith.cmpi ult, %bitcast3A_583, %lt3A_585 : vector<16xi32>
          %ge3A_587 = vector.broadcast %add3A_155 : i32 to vector<16xi32>
          %ge3A_588 = arith.cmpi sge, %add3A_578, %ge3A_587 : vector<16xi32>
          %and3A_589 = arith.andi %lt3A_586, %ge3A_588 : vector<16xi1>
          %shift_right_arithmetic3A_590 = arith.constant 7 : i32
          %shift_right_arithmetic3A_591 = vector.broadcast %shift_right_arithmetic3A_590 : i32 to vector<16xi32>
          %shift_right_arithmetic3A_592 = arith.shrsi %sub3A_582, %shift_right_arithmetic3A_591 : vector<16xi32>
          %mul3A_593 = arith.constant 384 : i32
          %mul3A_594 = vector.broadcast %mul3A_593 : i32 to vector<16xi32>
          %mul3A_595 = arith.muli %shift_right_arithmetic3A_592, %mul3A_594 : vector<16xi32>
          %and3A_596 = arith.constant 127 : i32
          %and3A_597 = vector.broadcast %and3A_596 : i32 to vector<16xi32>
          %and3A_598 = arith.andi %sub3A_582, %and3A_597 : vector<16xi32>
          %add3A_599 = arith.addi %mul3A_595, %and3A_598 : vector<16xi32>
          %shift_right_arithmetic3A_600 = arith.constant 7 : i32
          %shift_right_arithmetic3A_601 = vector.broadcast %shift_right_arithmetic3A_600 : i32 to vector<16xi32>
          %shift_right_arithmetic3A_602 = arith.shrsi %add3A_578, %shift_right_arithmetic3A_601 : vector<16xi32>
          %mul3A_603 = arith.constant 384 : i32
          %mul3A_604 = vector.broadcast %mul3A_603 : i32 to vector<16xi32>
          %mul3A_605 = arith.muli %shift_right_arithmetic3A_602, %mul3A_604 : vector<16xi32>
          %and3A_606 = arith.constant 127 : i32
          %and3A_607 = vector.broadcast %and3A_606 : i32 to vector<16xi32>
          %and3A_608 = arith.andi %add3A_578, %and3A_607 : vector<16xi32>
          %add3A_609 = arith.addi %mul3A_605, %and3A_608 : vector<16xi32>
          %gather3A_610 = tpu.vector_load_idx %arg10[%add3A_609] : memref<6144xf32, #tpu.memory_space<vmem>>[vector<16xi32>], vector<16xf32>,
          %mul3A_611 = arith.mulf %gather3A_610, %gather3A_580 : vector<16xf32>
          tpu.vector_store_idx %arg11[%add3A_599], %mul3A_611 masked %and3A_589 {add = true} : memref<6144xf32, #tpu.memory_space<vmem>>[vector<16xi32>], vector<16xf32>, vector<16xi1>
          %add3A_612 = arith.constant 128 : i32
          %add3A_613 = vector.broadcast %add3A_612 : i32 to vector<16xi32>
          %add3A_614 = arith.addi %add3A_609, %add3A_613 : vector<16xi32>
          %gather3A_615 = tpu.vector_load_idx %arg10[%add3A_614] : memref<6144xf32, #tpu.memory_space<vmem>>[vector<16xi32>], vector<16xf32>,
          %add3A_616 = arith.constant 128 : i32
          %add3A_617 = vector.broadcast %add3A_616 : i32 to vector<16xi32>
          %add3A_618 = arith.addi %add3A_599, %add3A_617 : vector<16xi32>
          %mul3A_619 = arith.mulf %gather3A_615, %gather3A_580 : vector<16xf32>
          tpu.vector_store_idx %arg11[%add3A_618], %mul3A_619 masked %and3A_589 {add = true} : memref<6144xf32, #tpu.memory_space<vmem>>[vector<16xi32>], vector<16xf32>, vector<16xi1>
          %add3A_620 = arith.constant 256 : i32
          %add3A_621 = vector.broadcast %add3A_620 : i32 to vector<16xi32>
          %add3A_622 = arith.addi %add3A_609, %add3A_621 : vector<16xi32>
          %gather3A_623 = tpu.vector_load_idx %arg10[%add3A_622] : memref<6144xf32, #tpu.memory_space<vmem>>[vector<16xi32>], vector<16xf32>,
          %add3A_624 = arith.constant 256 : i32
          %add3A_625 = vector.broadcast %add3A_624 : i32 to vector<16xi32>
          %add3A_626 = arith.addi %add3A_599, %add3A_625 : vector<16xi32>
          %mul3A_627 = arith.mulf %gather3A_623, %gather3A_580 : vector<16xf32>
          tpu.vector_store_idx %arg11[%add3A_626], %mul3A_627 masked %and3A_589 {add = true} : memref<6144xf32, #tpu.memory_space<vmem>>[vector<16xi32>], vector<16xf32>, vector<16xi1>
          %scan3A_628 = arith.constant 0 : i32
          %scan3A_629 = arith.constant 8 : i32
          %scan3A_630 = arith.addi %scan3A_169, %scan3A_629 : i32
          %add3A_631 = vector.broadcast %scan3A_630 : i32 to vector<16xi32>
          %add3A_632 = arith.addi %iota3A, %add3A_631 : vector<16xi32>
          %and3A_633 = arith.constant 63 : i32
          %and3A_634 = vector.broadcast %and3A_633 : i32 to vector<16xi32>
          %and3A_635 = arith.andi %add3A_632, %and3A_634 : vector<16xi32>
          %add3A_636 = arith.addi %add3A_161, %and3A_635 : vector<16xi32>
          %gather3A_637 = tpu.vector_load_idx %arg8[%add3A_636] : memref<2048xi32, #tpu.memory_space<vmem>>[vector<16xi32>], vector<16xi32>,
          %gather3A_638 = tpu.vector_load_idx %arg9[%add3A_636] : memref<2048xf32, #tpu.memory_space<vmem>>[vector<16xi32>], vector<16xf32>,
          %sub3A_639 = vector.broadcast %mul3A_2 : i32 to vector<16xi32>
          %sub3A_640 = arith.subi %gather3A_637, %sub3A_639 : vector<16xi32>
          %bitcast3A_641 = vector.bitcast %sub3A_640 : vector<16xi32> to vector<16xi32>
          %lt3A_642 = arith.constant 2048 : i32
          %lt3A_643 = vector.broadcast %lt3A_642 : i32 to vector<16xi32>
          %lt3A_644 = arith.cmpi ult, %bitcast3A_641, %lt3A_643 : vector<16xi32>
          %ge3A_645 = vector.broadcast %add3A_155 : i32 to vector<16xi32>
          %ge3A_646 = arith.cmpi sge, %add3A_636, %ge3A_645 : vector<16xi32>
          %and3A_647 = arith.andi %lt3A_644, %ge3A_646 : vector<16xi1>
          %shift_right_arithmetic3A_648 = arith.constant 7 : i32
          %shift_right_arithmetic3A_649 = vector.broadcast %shift_right_arithmetic3A_648 : i32 to vector<16xi32>
          %shift_right_arithmetic3A_650 = arith.shrsi %sub3A_640, %shift_right_arithmetic3A_649 : vector<16xi32>
          %mul3A_651 = arith.constant 384 : i32
          %mul3A_652 = vector.broadcast %mul3A_651 : i32 to vector<16xi32>
          %mul3A_653 = arith.muli %shift_right_arithmetic3A_650, %mul3A_652 : vector<16xi32>
          %and3A_654 = arith.constant 127 : i32
          %and3A_655 = vector.broadcast %and3A_654 : i32 to vector<16xi32>
          %and3A_656 = arith.andi %sub3A_640, %and3A_655 : vector<16xi32>
          %add3A_657 = arith.addi %mul3A_653, %and3A_656 : vector<16xi32>
          %shift_right_arithmetic3A_658 = arith.constant 7 : i32
          %shift_right_arithmetic3A_659 = vector.broadcast %shift_right_arithmetic3A_658 : i32 to vector<16xi32>
          %shift_right_arithmetic3A_660 = arith.shrsi %add3A_636, %shift_right_arithmetic3A_659 : vector<16xi32>
          %mul3A_661 = arith.constant 384 : i32
          %mul3A_662 = vector.broadcast %mul3A_661 : i32 to vector<16xi32>
          %mul3A_663 = arith.muli %shift_right_arithmetic3A_660, %mul3A_662 : vector<16xi32>
          %and3A_664 = arith.constant 127 : i32
          %and3A_665 = vector.broadcast %and3A_664 : i32 to vector<16xi32>
          %and3A_666 = arith.andi %add3A_636, %and3A_665 : vector<16xi32>
          %add3A_667 = arith.addi %mul3A_663, %and3A_666 : vector<16xi32>
          %gather3A_668 = tpu.vector_load_idx %arg10[%add3A_667] : memref<6144xf32, #tpu.memory_space<vmem>>[vector<16xi32>], vector<16xf32>,
          %mul3A_669 = arith.mulf %gather3A_668, %gather3A_638 : vector<16xf32>
          tpu.vector_store_idx %arg11[%add3A_657], %mul3A_669 masked %and3A_647 {add = true} : memref<6144xf32, #tpu.memory_space<vmem>>[vector<16xi32>], vector<16xf32>, vector<16xi1>
          %add3A_670 = arith.constant 128 : i32
          %add3A_671 = vector.broadcast %add3A_670 : i32 to vector<16xi32>
          %add3A_672 = arith.addi %add3A_667, %add3A_671 : vector<16xi32>
          %gather3A_673 = tpu.vector_load_idx %arg10[%add3A_672] : memref<6144xf32, #tpu.memory_space<vmem>>[vector<16xi32>], vector<16xf32>,
          %add3A_674 = arith.constant 128 : i32
          %add3A_675 = vector.broadcast %add3A_674 : i32 to vector<16xi32>
          %add3A_676 = arith.addi %add3A_657, %add3A_675 : vector<16xi32>
          %mul3A_677 = arith.mulf %gather3A_673, %gather3A_638 : vector<16xf32>
          tpu.vector_store_idx %arg11[%add3A_676], %mul3A_677 masked %and3A_647 {add = true} : memref<6144xf32, #tpu.memory_space<vmem>>[vector<16xi32>], vector<16xf32>, vector<16xi1>
          %add3A_678 = arith.constant 256 : i32
          %add3A_679 = vector.broadcast %add3A_678 : i32 to vector<16xi32>
          %add3A_680 = arith.addi %add3A_667, %add3A_679 : vector<16xi32>
          %gather3A_681 = tpu.vector_load_idx %arg10[%add3A_680] : memref<6144xf32, #tpu.memory_space<vmem>>[vector<16xi32>], vector<16xf32>,
          %add3A_682 = arith.constant 256 : i32
          %add3A_683 = vector.broadcast %add3A_682 : i32 to vector<16xi32>
          %add3A_684 = arith.addi %add3A_657, %add3A_683 : vector<16xi32>
          %mul3A_685 = arith.mulf %gather3A_681, %gather3A_638 : vector<16xf32>
          tpu.vector_store_idx %arg11[%add3A_684], %mul3A_685 masked %and3A_647 {add = true} : memref<6144xf32, #tpu.memory_space<vmem>>[vector<16xi32>], vector<16xf32>, vector<16xi1>
          %scan3A_686 = arith.constant 0 : i32
          %scan3A_687 = arith.constant 9 : i32
          %scan3A_688 = arith.addi %scan3A_169, %scan3A_687 : i32
          %add3A_689 = vector.broadcast %scan3A_688 : i32 to vector<16xi32>
          %add3A_690 = arith.addi %iota3A, %add3A_689 : vector<16xi32>
          %and3A_691 = arith.constant 63 : i32
          %and3A_692 = vector.broadcast %and3A_691 : i32 to vector<16xi32>
          %and3A_693 = arith.andi %add3A_690, %and3A_692 : vector<16xi32>
          %add3A_694 = arith.addi %add3A_161, %and3A_693 : vector<16xi32>
          %gather3A_695 = tpu.vector_load_idx %arg8[%add3A_694] : memref<2048xi32, #tpu.memory_space<vmem>>[vector<16xi32>], vector<16xi32>,
          %gather3A_696 = tpu.vector_load_idx %arg9[%add3A_694] : memref<2048xf32, #tpu.memory_space<vmem>>[vector<16xi32>], vector<16xf32>,
          %sub3A_697 = vector.broadcast %mul3A_2 : i32 to vector<16xi32>
          %sub3A_698 = arith.subi %gather3A_695, %sub3A_697 : vector<16xi32>
          %bitcast3A_699 = vector.bitcast %sub3A_698 : vector<16xi32> to vector<16xi32>
          %lt3A_700 = arith.constant 2048 : i32
          %lt3A_701 = vector.broadcast %lt3A_700 : i32 to vector<16xi32>
          %lt3A_702 = arith.cmpi ult, %bitcast3A_699, %lt3A_701 : vector<16xi32>
          %ge3A_703 = vector.broadcast %add3A_155 : i32 to vector<16xi32>
          %ge3A_704 = arith.cmpi sge, %add3A_694, %ge3A_703 : vector<16xi32>
          %and3A_705 = arith.andi %lt3A_702, %ge3A_704 : vector<16xi1>
          %shift_right_arithmetic3A_706 = arith.constant 7 : i32
          %shift_right_arithmetic3A_707 = vector.broadcast %shift_right_arithmetic3A_706 : i32 to vector<16xi32>
          %shift_right_arithmetic3A_708 = arith.shrsi %sub3A_698, %shift_right_arithmetic3A_707 : vector<16xi32>
          %mul3A_709 = arith.constant 384 : i32
          %mul3A_710 = vector.broadcast %mul3A_709 : i32 to vector<16xi32>
          %mul3A_711 = arith.muli %shift_right_arithmetic3A_708, %mul3A_710 : vector<16xi32>
          %and3A_712 = arith.constant 127 : i32
          %and3A_713 = vector.broadcast %and3A_712 : i32 to vector<16xi32>
          %and3A_714 = arith.andi %sub3A_698, %and3A_713 : vector<16xi32>
          %add3A_715 = arith.addi %mul3A_711, %and3A_714 : vector<16xi32>
          %shift_right_arithmetic3A_716 = arith.constant 7 : i32
          %shift_right_arithmetic3A_717 = vector.broadcast %shift_right_arithmetic3A_716 : i32 to vector<16xi32>
          %shift_right_arithmetic3A_718 = arith.shrsi %add3A_694, %shift_right_arithmetic3A_717 : vector<16xi32>
          %mul3A_719 = arith.constant 384 : i32
          %mul3A_720 = vector.broadcast %mul3A_719 : i32 to vector<16xi32>
          %mul3A_721 = arith.muli %shift_right_arithmetic3A_718, %mul3A_720 : vector<16xi32>
          %and3A_722 = arith.constant 127 : i32
          %and3A_723 = vector.broadcast %and3A_722 : i32 to vector<16xi32>
          %and3A_724 = arith.andi %add3A_694, %and3A_723 : vector<16xi32>
          %add3A_725 = arith.addi %mul3A_721, %and3A_724 : vector<16xi32>
          %gather3A_726 = tpu.vector_load_idx %arg10[%add3A_725] : memref<6144xf32, #tpu.memory_space<vmem>>[vector<16xi32>], vector<16xf32>,
          %mul3A_727 = arith.mulf %gather3A_726, %gather3A_696 : vector<16xf32>
          tpu.vector_store_idx %arg11[%add3A_715], %mul3A_727 masked %and3A_705 {add = true} : memref<6144xf32, #tpu.memory_space<vmem>>[vector<16xi32>], vector<16xf32>, vector<16xi1>
          %add3A_728 = arith.constant 128 : i32
          %add3A_729 = vector.broadcast %add3A_728 : i32 to vector<16xi32>
          %add3A_730 = arith.addi %add3A_725, %add3A_729 : vector<16xi32>
          %gather3A_731 = tpu.vector_load_idx %arg10[%add3A_730] : memref<6144xf32, #tpu.memory_space<vmem>>[vector<16xi32>], vector<16xf32>,
          %add3A_732 = arith.constant 128 : i32
          %add3A_733 = vector.broadcast %add3A_732 : i32 to vector<16xi32>
          %add3A_734 = arith.addi %add3A_715, %add3A_733 : vector<16xi32>
          %mul3A_735 = arith.mulf %gather3A_731, %gather3A_696 : vector<16xf32>
          tpu.vector_store_idx %arg11[%add3A_734], %mul3A_735 masked %and3A_705 {add = true} : memref<6144xf32, #tpu.memory_space<vmem>>[vector<16xi32>], vector<16xf32>, vector<16xi1>
          %add3A_736 = arith.constant 256 : i32
          %add3A_737 = vector.broadcast %add3A_736 : i32 to vector<16xi32>
          %add3A_738 = arith.addi %add3A_725, %add3A_737 : vector<16xi32>
          %gather3A_739 = tpu.vector_load_idx %arg10[%add3A_738] : memref<6144xf32, #tpu.memory_space<vmem>>[vector<16xi32>], vector<16xf32>,
          %add3A_740 = arith.constant 256 : i32
          %add3A_741 = vector.broadcast %add3A_740 : i32 to vector<16xi32>
          %add3A_742 = arith.addi %add3A_715, %add3A_741 : vector<16xi32>
          %mul3A_743 = arith.mulf %gather3A_739, %gather3A_696 : vector<16xf32>
          tpu.vector_store_idx %arg11[%add3A_742], %mul3A_743 masked %and3A_705 {add = true} : memref<6144xf32, #tpu.memory_space<vmem>>[vector<16xi32>], vector<16xf32>, vector<16xi1>
          %scan3A_744 = arith.constant 0 : i32
          %scan3A_745 = arith.constant 10 : i32
          %scan3A_746 = arith.addi %scan3A_169, %scan3A_745 : i32
          %add3A_747 = vector.broadcast %scan3A_746 : i32 to vector<16xi32>
          %add3A_748 = arith.addi %iota3A, %add3A_747 : vector<16xi32>
          %and3A_749 = arith.constant 63 : i32
          %and3A_750 = vector.broadcast %and3A_749 : i32 to vector<16xi32>
          %and3A_751 = arith.andi %add3A_748, %and3A_750 : vector<16xi32>
          %add3A_752 = arith.addi %add3A_161, %and3A_751 : vector<16xi32>
          %gather3A_753 = tpu.vector_load_idx %arg8[%add3A_752] : memref<2048xi32, #tpu.memory_space<vmem>>[vector<16xi32>], vector<16xi32>,
          %gather3A_754 = tpu.vector_load_idx %arg9[%add3A_752] : memref<2048xf32, #tpu.memory_space<vmem>>[vector<16xi32>], vector<16xf32>,
          %sub3A_755 = vector.broadcast %mul3A_2 : i32 to vector<16xi32>
          %sub3A_756 = arith.subi %gather3A_753, %sub3A_755 : vector<16xi32>
          %bitcast3A_757 = vector.bitcast %sub3A_756 : vector<16xi32> to vector<16xi32>
          %lt3A_758 = arith.constant 2048 : i32
          %lt3A_759 = vector.broadcast %lt3A_758 : i32 to vector<16xi32>
          %lt3A_760 = arith.cmpi ult, %bitcast3A_757, %lt3A_759 : vector<16xi32>
          %ge3A_761 = vector.broadcast %add3A_155 : i32 to vector<16xi32>
          %ge3A_762 = arith.cmpi sge, %add3A_752, %ge3A_761 : vector<16xi32>
          %and3A_763 = arith.andi %lt3A_760, %ge3A_762 : vector<16xi1>
          %shift_right_arithmetic3A_764 = arith.constant 7 : i32
          %shift_right_arithmetic3A_765 = vector.broadcast %shift_right_arithmetic3A_764 : i32 to vector<16xi32>
          %shift_right_arithmetic3A_766 = arith.shrsi %sub3A_756, %shift_right_arithmetic3A_765 : vector<16xi32>
          %mul3A_767 = arith.constant 384 : i32
          %mul3A_768 = vector.broadcast %mul3A_767 : i32 to vector<16xi32>
          %mul3A_769 = arith.muli %shift_right_arithmetic3A_766, %mul3A_768 : vector<16xi32>
          %and3A_770 = arith.constant 127 : i32
          %and3A_771 = vector.broadcast %and3A_770 : i32 to vector<16xi32>
          %and3A_772 = arith.andi %sub3A_756, %and3A_771 : vector<16xi32>
          %add3A_773 = arith.addi %mul3A_769, %and3A_772 : vector<16xi32>
          %shift_right_arithmetic3A_774 = arith.constant 7 : i32
          %shift_right_arithmetic3A_775 = vector.broadcast %shift_right_arithmetic3A_774 : i32 to vector<16xi32>
          %shift_right_arithmetic3A_776 = arith.shrsi %add3A_752, %shift_right_arithmetic3A_775 : vector<16xi32>
          %mul3A_777 = arith.constant 384 : i32
          %mul3A_778 = vector.broadcast %mul3A_777 : i32 to vector<16xi32>
          %mul3A_779 = arith.muli %shift_right_arithmetic3A_776, %mul3A_778 : vector<16xi32>
          %and3A_780 = arith.constant 127 : i32
          %and3A_781 = vector.broadcast %and3A_780 : i32 to vector<16xi32>
          %and3A_782 = arith.andi %add3A_752, %and3A_781 : vector<16xi32>
          %add3A_783 = arith.addi %mul3A_779, %and3A_782 : vector<16xi32>
          %gather3A_784 = tpu.vector_load_idx %arg10[%add3A_783] : memref<6144xf32, #tpu.memory_space<vmem>>[vector<16xi32>], vector<16xf32>,
          %mul3A_785 = arith.mulf %gather3A_784, %gather3A_754 : vector<16xf32>
          tpu.vector_store_idx %arg11[%add3A_773], %mul3A_785 masked %and3A_763 {add = true} : memref<6144xf32, #tpu.memory_space<vmem>>[vector<16xi32>], vector<16xf32>, vector<16xi1>
          %add3A_786 = arith.constant 128 : i32
          %add3A_787 = vector.broadcast %add3A_786 : i32 to vector<16xi32>
          %add3A_788 = arith.addi %add3A_783, %add3A_787 : vector<16xi32>
          %gather3A_789 = tpu.vector_load_idx %arg10[%add3A_788] : memref<6144xf32, #tpu.memory_space<vmem>>[vector<16xi32>], vector<16xf32>,
          %add3A_790 = arith.constant 128 : i32
          %add3A_791 = vector.broadcast %add3A_790 : i32 to vector<16xi32>
          %add3A_792 = arith.addi %add3A_773, %add3A_791 : vector<16xi32>
          %mul3A_793 = arith.mulf %gather3A_789, %gather3A_754 : vector<16xf32>
          tpu.vector_store_idx %arg11[%add3A_792], %mul3A_793 masked %and3A_763 {add = true} : memref<6144xf32, #tpu.memory_space<vmem>>[vector<16xi32>], vector<16xf32>, vector<16xi1>
          %add3A_794 = arith.constant 256 : i32
          %add3A_795 = vector.broadcast %add3A_794 : i32 to vector<16xi32>
          %add3A_796 = arith.addi %add3A_783, %add3A_795 : vector<16xi32>
          %gather3A_797 = tpu.vector_load_idx %arg10[%add3A_796] : memref<6144xf32, #tpu.memory_space<vmem>>[vector<16xi32>], vector<16xf32>,
          %add3A_798 = arith.constant 256 : i32
          %add3A_799 = vector.broadcast %add3A_798 : i32 to vector<16xi32>
          %add3A_800 = arith.addi %add3A_773, %add3A_799 : vector<16xi32>
          %mul3A_801 = arith.mulf %gather3A_797, %gather3A_754 : vector<16xf32>
          tpu.vector_store_idx %arg11[%add3A_800], %mul3A_801 masked %and3A_763 {add = true} : memref<6144xf32, #tpu.memory_space<vmem>>[vector<16xi32>], vector<16xf32>, vector<16xi1>
          %scan3A_802 = arith.constant 0 : i32
          %scan3A_803 = arith.constant 11 : i32
          %scan3A_804 = arith.addi %scan3A_169, %scan3A_803 : i32
          %add3A_805 = vector.broadcast %scan3A_804 : i32 to vector<16xi32>
          %add3A_806 = arith.addi %iota3A, %add3A_805 : vector<16xi32>
          %and3A_807 = arith.constant 63 : i32
          %and3A_808 = vector.broadcast %and3A_807 : i32 to vector<16xi32>
          %and3A_809 = arith.andi %add3A_806, %and3A_808 : vector<16xi32>
          %add3A_810 = arith.addi %add3A_161, %and3A_809 : vector<16xi32>
          %gather3A_811 = tpu.vector_load_idx %arg8[%add3A_810] : memref<2048xi32, #tpu.memory_space<vmem>>[vector<16xi32>], vector<16xi32>,
          %gather3A_812 = tpu.vector_load_idx %arg9[%add3A_810] : memref<2048xf32, #tpu.memory_space<vmem>>[vector<16xi32>], vector<16xf32>,
          %sub3A_813 = vector.broadcast %mul3A_2 : i32 to vector<16xi32>
          %sub3A_814 = arith.subi %gather3A_811, %sub3A_813 : vector<16xi32>
          %bitcast3A_815 = vector.bitcast %sub3A_814 : vector<16xi32> to vector<16xi32>
          %lt3A_816 = arith.constant 2048 : i32
          %lt3A_817 = vector.broadcast %lt3A_816 : i32 to vector<16xi32>
          %lt3A_818 = arith.cmpi ult, %bitcast3A_815, %lt3A_817 : vector<16xi32>
          %ge3A_819 = vector.broadcast %add3A_155 : i32 to vector<16xi32>
          %ge3A_820 = arith.cmpi sge, %add3A_810, %ge3A_819 : vector<16xi32>
          %and3A_821 = arith.andi %lt3A_818, %ge3A_820 : vector<16xi1>
          %shift_right_arithmetic3A_822 = arith.constant 7 : i32
          %shift_right_arithmetic3A_823 = vector.broadcast %shift_right_arithmetic3A_822 : i32 to vector<16xi32>
          %shift_right_arithmetic3A_824 = arith.shrsi %sub3A_814, %shift_right_arithmetic3A_823 : vector<16xi32>
          %mul3A_825 = arith.constant 384 : i32
          %mul3A_826 = vector.broadcast %mul3A_825 : i32 to vector<16xi32>
          %mul3A_827 = arith.muli %shift_right_arithmetic3A_824, %mul3A_826 : vector<16xi32>
          %and3A_828 = arith.constant 127 : i32
          %and3A_829 = vector.broadcast %and3A_828 : i32 to vector<16xi32>
          %and3A_830 = arith.andi %sub3A_814, %and3A_829 : vector<16xi32>
          %add3A_831 = arith.addi %mul3A_827, %and3A_830 : vector<16xi32>
          %shift_right_arithmetic3A_832 = arith.constant 7 : i32
          %shift_right_arithmetic3A_833 = vector.broadcast %shift_right_arithmetic3A_832 : i32 to vector<16xi32>
          %shift_right_arithmetic3A_834 = arith.shrsi %add3A_810, %shift_right_arithmetic3A_833 : vector<16xi32>
          %mul3A_835 = arith.constant 384 : i32
          %mul3A_836 = vector.broadcast %mul3A_835 : i32 to vector<16xi32>
          %mul3A_837 = arith.muli %shift_right_arithmetic3A_834, %mul3A_836 : vector<16xi32>
          %and3A_838 = arith.constant 127 : i32
          %and3A_839 = vector.broadcast %and3A_838 : i32 to vector<16xi32>
          %and3A_840 = arith.andi %add3A_810, %and3A_839 : vector<16xi32>
          %add3A_841 = arith.addi %mul3A_837, %and3A_840 : vector<16xi32>
          %gather3A_842 = tpu.vector_load_idx %arg10[%add3A_841] : memref<6144xf32, #tpu.memory_space<vmem>>[vector<16xi32>], vector<16xf32>,
          %mul3A_843 = arith.mulf %gather3A_842, %gather3A_812 : vector<16xf32>
          tpu.vector_store_idx %arg11[%add3A_831], %mul3A_843 masked %and3A_821 {add = true} : memref<6144xf32, #tpu.memory_space<vmem>>[vector<16xi32>], vector<16xf32>, vector<16xi1>
          %add3A_844 = arith.constant 128 : i32
          %add3A_845 = vector.broadcast %add3A_844 : i32 to vector<16xi32>
          %add3A_846 = arith.addi %add3A_841, %add3A_845 : vector<16xi32>
          %gather3A_847 = tpu.vector_load_idx %arg10[%add3A_846] : memref<6144xf32, #tpu.memory_space<vmem>>[vector<16xi32>], vector<16xf32>,
          %add3A_848 = arith.constant 128 : i32
          %add3A_849 = vector.broadcast %add3A_848 : i32 to vector<16xi32>
          %add3A_850 = arith.addi %add3A_831, %add3A_849 : vector<16xi32>
          %mul3A_851 = arith.mulf %gather3A_847, %gather3A_812 : vector<16xf32>
          tpu.vector_store_idx %arg11[%add3A_850], %mul3A_851 masked %and3A_821 {add = true} : memref<6144xf32, #tpu.memory_space<vmem>>[vector<16xi32>], vector<16xf32>, vector<16xi1>
          %add3A_852 = arith.constant 256 : i32
          %add3A_853 = vector.broadcast %add3A_852 : i32 to vector<16xi32>
          %add3A_854 = arith.addi %add3A_841, %add3A_853 : vector<16xi32>
          %gather3A_855 = tpu.vector_load_idx %arg10[%add3A_854] : memref<6144xf32, #tpu.memory_space<vmem>>[vector<16xi32>], vector<16xf32>,
          %add3A_856 = arith.constant 256 : i32
          %add3A_857 = vector.broadcast %add3A_856 : i32 to vector<16xi32>
          %add3A_858 = arith.addi %add3A_831, %add3A_857 : vector<16xi32>
          %mul3A_859 = arith.mulf %gather3A_855, %gather3A_812 : vector<16xf32>
          tpu.vector_store_idx %arg11[%add3A_858], %mul3A_859 masked %and3A_821 {add = true} : memref<6144xf32, #tpu.memory_space<vmem>>[vector<16xi32>], vector<16xf32>, vector<16xi1>
          %scan3A_860 = arith.constant 0 : i32
          %scan3A_861 = arith.constant 12 : i32
          %scan3A_862 = arith.addi %scan3A_169, %scan3A_861 : i32
          %add3A_863 = vector.broadcast %scan3A_862 : i32 to vector<16xi32>
          %add3A_864 = arith.addi %iota3A, %add3A_863 : vector<16xi32>
          %and3A_865 = arith.constant 63 : i32
          %and3A_866 = vector.broadcast %and3A_865 : i32 to vector<16xi32>
          %and3A_867 = arith.andi %add3A_864, %and3A_866 : vector<16xi32>
          %add3A_868 = arith.addi %add3A_161, %and3A_867 : vector<16xi32>
          %gather3A_869 = tpu.vector_load_idx %arg8[%add3A_868] : memref<2048xi32, #tpu.memory_space<vmem>>[vector<16xi32>], vector<16xi32>,
          %gather3A_870 = tpu.vector_load_idx %arg9[%add3A_868] : memref<2048xf32, #tpu.memory_space<vmem>>[vector<16xi32>], vector<16xf32>,
          %sub3A_871 = vector.broadcast %mul3A_2 : i32 to vector<16xi32>
          %sub3A_872 = arith.subi %gather3A_869, %sub3A_871 : vector<16xi32>
          %bitcast3A_873 = vector.bitcast %sub3A_872 : vector<16xi32> to vector<16xi32>
          %lt3A_874 = arith.constant 2048 : i32
          %lt3A_875 = vector.broadcast %lt3A_874 : i32 to vector<16xi32>
          %lt3A_876 = arith.cmpi ult, %bitcast3A_873, %lt3A_875 : vector<16xi32>
          %ge3A_877 = vector.broadcast %add3A_155 : i32 to vector<16xi32>
          %ge3A_878 = arith.cmpi sge, %add3A_868, %ge3A_877 : vector<16xi32>
          %and3A_879 = arith.andi %lt3A_876, %ge3A_878 : vector<16xi1>
          %shift_right_arithmetic3A_880 = arith.constant 7 : i32
          %shift_right_arithmetic3A_881 = vector.broadcast %shift_right_arithmetic3A_880 : i32 to vector<16xi32>
          %shift_right_arithmetic3A_882 = arith.shrsi %sub3A_872, %shift_right_arithmetic3A_881 : vector<16xi32>
          %mul3A_883 = arith.constant 384 : i32
          %mul3A_884 = vector.broadcast %mul3A_883 : i32 to vector<16xi32>
          %mul3A_885 = arith.muli %shift_right_arithmetic3A_882, %mul3A_884 : vector<16xi32>
          %and3A_886 = arith.constant 127 : i32
          %and3A_887 = vector.broadcast %and3A_886 : i32 to vector<16xi32>
          %and3A_888 = arith.andi %sub3A_872, %and3A_887 : vector<16xi32>
          %add3A_889 = arith.addi %mul3A_885, %and3A_888 : vector<16xi32>
          %shift_right_arithmetic3A_890 = arith.constant 7 : i32
          %shift_right_arithmetic3A_891 = vector.broadcast %shift_right_arithmetic3A_890 : i32 to vector<16xi32>
          %shift_right_arithmetic3A_892 = arith.shrsi %add3A_868, %shift_right_arithmetic3A_891 : vector<16xi32>
          %mul3A_893 = arith.constant 384 : i32
          %mul3A_894 = vector.broadcast %mul3A_893 : i32 to vector<16xi32>
          %mul3A_895 = arith.muli %shift_right_arithmetic3A_892, %mul3A_894 : vector<16xi32>
          %and3A_896 = arith.constant 127 : i32
          %and3A_897 = vector.broadcast %and3A_896 : i32 to vector<16xi32>
          %and3A_898 = arith.andi %add3A_868, %and3A_897 : vector<16xi32>
          %add3A_899 = arith.addi %mul3A_895, %and3A_898 : vector<16xi32>
          %gather3A_900 = tpu.vector_load_idx %arg10[%add3A_899] : memref<6144xf32, #tpu.memory_space<vmem>>[vector<16xi32>], vector<16xf32>,
          %mul3A_901 = arith.mulf %gather3A_900, %gather3A_870 : vector<16xf32>
          tpu.vector_store_idx %arg11[%add3A_889], %mul3A_901 masked %and3A_879 {add = true} : memref<6144xf32, #tpu.memory_space<vmem>>[vector<16xi32>], vector<16xf32>, vector<16xi1>
          %add3A_902 = arith.constant 128 : i32
          %add3A_903 = vector.broadcast %add3A_902 : i32 to vector<16xi32>
          %add3A_904 = arith.addi %add3A_899, %add3A_903 : vector<16xi32>
          %gather3A_905 = tpu.vector_load_idx %arg10[%add3A_904] : memref<6144xf32, #tpu.memory_space<vmem>>[vector<16xi32>], vector<16xf32>,
          %add3A_906 = arith.constant 128 : i32
          %add3A_907 = vector.broadcast %add3A_906 : i32 to vector<16xi32>
          %add3A_908 = arith.addi %add3A_889, %add3A_907 : vector<16xi32>
          %mul3A_909 = arith.mulf %gather3A_905, %gather3A_870 : vector<16xf32>
          tpu.vector_store_idx %arg11[%add3A_908], %mul3A_909 masked %and3A_879 {add = true} : memref<6144xf32, #tpu.memory_space<vmem>>[vector<16xi32>], vector<16xf32>, vector<16xi1>
          %add3A_910 = arith.constant 256 : i32
          %add3A_911 = vector.broadcast %add3A_910 : i32 to vector<16xi32>
          %add3A_912 = arith.addi %add3A_899, %add3A_911 : vector<16xi32>
          %gather3A_913 = tpu.vector_load_idx %arg10[%add3A_912] : memref<6144xf32, #tpu.memory_space<vmem>>[vector<16xi32>], vector<16xf32>,
          %add3A_914 = arith.constant 256 : i32
          %add3A_915 = vector.broadcast %add3A_914 : i32 to vector<16xi32>
          %add3A_916 = arith.addi %add3A_889, %add3A_915 : vector<16xi32>
          %mul3A_917 = arith.mulf %gather3A_913, %gather3A_870 : vector<16xf32>
          tpu.vector_store_idx %arg11[%add3A_916], %mul3A_917 masked %and3A_879 {add = true} : memref<6144xf32, #tpu.memory_space<vmem>>[vector<16xi32>], vector<16xf32>, vector<16xi1>
          %scan3A_918 = arith.constant 0 : i32
          %scan3A_919 = arith.constant 13 : i32
          %scan3A_920 = arith.addi %scan3A_169, %scan3A_919 : i32
          %add3A_921 = vector.broadcast %scan3A_920 : i32 to vector<16xi32>
          %add3A_922 = arith.addi %iota3A, %add3A_921 : vector<16xi32>
          %and3A_923 = arith.constant 63 : i32
          %and3A_924 = vector.broadcast %and3A_923 : i32 to vector<16xi32>
          %and3A_925 = arith.andi %add3A_922, %and3A_924 : vector<16xi32>
          %add3A_926 = arith.addi %add3A_161, %and3A_925 : vector<16xi32>
          %gather3A_927 = tpu.vector_load_idx %arg8[%add3A_926] : memref<2048xi32, #tpu.memory_space<vmem>>[vector<16xi32>], vector<16xi32>,
          %gather3A_928 = tpu.vector_load_idx %arg9[%add3A_926] : memref<2048xf32, #tpu.memory_space<vmem>>[vector<16xi32>], vector<16xf32>,
          %sub3A_929 = vector.broadcast %mul3A_2 : i32 to vector<16xi32>
          %sub3A_930 = arith.subi %gather3A_927, %sub3A_929 : vector<16xi32>
          %bitcast3A_931 = vector.bitcast %sub3A_930 : vector<16xi32> to vector<16xi32>
          %lt3A_932 = arith.constant 2048 : i32
          %lt3A_933 = vector.broadcast %lt3A_932 : i32 to vector<16xi32>
          %lt3A_934 = arith.cmpi ult, %bitcast3A_931, %lt3A_933 : vector<16xi32>
          %ge3A_935 = vector.broadcast %add3A_155 : i32 to vector<16xi32>
          %ge3A_936 = arith.cmpi sge, %add3A_926, %ge3A_935 : vector<16xi32>
          %and3A_937 = arith.andi %lt3A_934, %ge3A_936 : vector<16xi1>
          %shift_right_arithmetic3A_938 = arith.constant 7 : i32
          %shift_right_arithmetic3A_939 = vector.broadcast %shift_right_arithmetic3A_938 : i32 to vector<16xi32>
          %shift_right_arithmetic3A_940 = arith.shrsi %sub3A_930, %shift_right_arithmetic3A_939 : vector<16xi32>
          %mul3A_941 = arith.constant 384 : i32
          %mul3A_942 = vector.broadcast %mul3A_941 : i32 to vector<16xi32>
          %mul3A_943 = arith.muli %shift_right_arithmetic3A_940, %mul3A_942 : vector<16xi32>
          %and3A_944 = arith.constant 127 : i32
          %and3A_945 = vector.broadcast %and3A_944 : i32 to vector<16xi32>
          %and3A_946 = arith.andi %sub3A_930, %and3A_945 : vector<16xi32>
          %add3A_947 = arith.addi %mul3A_943, %and3A_946 : vector<16xi32>
          %shift_right_arithmetic3A_948 = arith.constant 7 : i32
          %shift_right_arithmetic3A_949 = vector.broadcast %shift_right_arithmetic3A_948 : i32 to vector<16xi32>
          %shift_right_arithmetic3A_950 = arith.shrsi %add3A_926, %shift_right_arithmetic3A_949 : vector<16xi32>
          %mul3A_951 = arith.constant 384 : i32
          %mul3A_952 = vector.broadcast %mul3A_951 : i32 to vector<16xi32>
          %mul3A_953 = arith.muli %shift_right_arithmetic3A_950, %mul3A_952 : vector<16xi32>
          %and3A_954 = arith.constant 127 : i32
          %and3A_955 = vector.broadcast %and3A_954 : i32 to vector<16xi32>
          %and3A_956 = arith.andi %add3A_926, %and3A_955 : vector<16xi32>
          %add3A_957 = arith.addi %mul3A_953, %and3A_956 : vector<16xi32>
          %gather3A_958 = tpu.vector_load_idx %arg10[%add3A_957] : memref<6144xf32, #tpu.memory_space<vmem>>[vector<16xi32>], vector<16xf32>,
          %mul3A_959 = arith.mulf %gather3A_958, %gather3A_928 : vector<16xf32>
          tpu.vector_store_idx %arg11[%add3A_947], %mul3A_959 masked %and3A_937 {add = true} : memref<6144xf32, #tpu.memory_space<vmem>>[vector<16xi32>], vector<16xf32>, vector<16xi1>
          %add3A_960 = arith.constant 128 : i32
          %add3A_961 = vector.broadcast %add3A_960 : i32 to vector<16xi32>
          %add3A_962 = arith.addi %add3A_957, %add3A_961 : vector<16xi32>
          %gather3A_963 = tpu.vector_load_idx %arg10[%add3A_962] : memref<6144xf32, #tpu.memory_space<vmem>>[vector<16xi32>], vector<16xf32>,
          %add3A_964 = arith.constant 128 : i32
          %add3A_965 = vector.broadcast %add3A_964 : i32 to vector<16xi32>
          %add3A_966 = arith.addi %add3A_947, %add3A_965 : vector<16xi32>
          %mul3A_967 = arith.mulf %gather3A_963, %gather3A_928 : vector<16xf32>
          tpu.vector_store_idx %arg11[%add3A_966], %mul3A_967 masked %and3A_937 {add = true} : memref<6144xf32, #tpu.memory_space<vmem>>[vector<16xi32>], vector<16xf32>, vector<16xi1>
          %add3A_968 = arith.constant 256 : i32
          %add3A_969 = vector.broadcast %add3A_968 : i32 to vector<16xi32>
          %add3A_970 = arith.addi %add3A_957, %add3A_969 : vector<16xi32>
          %gather3A_971 = tpu.vector_load_idx %arg10[%add3A_970] : memref<6144xf32, #tpu.memory_space<vmem>>[vector<16xi32>], vector<16xf32>,
          %add3A_972 = arith.constant 256 : i32
          %add3A_973 = vector.broadcast %add3A_972 : i32 to vector<16xi32>
          %add3A_974 = arith.addi %add3A_947, %add3A_973 : vector<16xi32>
          %mul3A_975 = arith.mulf %gather3A_971, %gather3A_928 : vector<16xf32>
          tpu.vector_store_idx %arg11[%add3A_974], %mul3A_975 masked %and3A_937 {add = true} : memref<6144xf32, #tpu.memory_space<vmem>>[vector<16xi32>], vector<16xf32>, vector<16xi1>
          %scan3A_976 = arith.constant 0 : i32
          %scan3A_977 = arith.constant 14 : i32
          %scan3A_978 = arith.addi %scan3A_169, %scan3A_977 : i32
          %add3A_979 = vector.broadcast %scan3A_978 : i32 to vector<16xi32>
          %add3A_980 = arith.addi %iota3A, %add3A_979 : vector<16xi32>
          %and3A_981 = arith.constant 63 : i32
          %and3A_982 = vector.broadcast %and3A_981 : i32 to vector<16xi32>
          %and3A_983 = arith.andi %add3A_980, %and3A_982 : vector<16xi32>
          %add3A_984 = arith.addi %add3A_161, %and3A_983 : vector<16xi32>
          %gather3A_985 = tpu.vector_load_idx %arg8[%add3A_984] : memref<2048xi32, #tpu.memory_space<vmem>>[vector<16xi32>], vector<16xi32>,
          %gather3A_986 = tpu.vector_load_idx %arg9[%add3A_984] : memref<2048xf32, #tpu.memory_space<vmem>>[vector<16xi32>], vector<16xf32>,
          %sub3A_987 = vector.broadcast %mul3A_2 : i32 to vector<16xi32>
          %sub3A_988 = arith.subi %gather3A_985, %sub3A_987 : vector<16xi32>
          %bitcast3A_989 = vector.bitcast %sub3A_988 : vector<16xi32> to vector<16xi32>
          %lt3A_990 = arith.constant 2048 : i32
          %lt3A_991 = vector.broadcast %lt3A_990 : i32 to vector<16xi32>
          %lt3A_992 = arith.cmpi ult, %bitcast3A_989, %lt3A_991 : vector<16xi32>
          %ge3A_993 = vector.broadcast %add3A_155 : i32 to vector<16xi32>
          %ge3A_994 = arith.cmpi sge, %add3A_984, %ge3A_993 : vector<16xi32>
          %and3A_995 = arith.andi %lt3A_992, %ge3A_994 : vector<16xi1>
          %shift_right_arithmetic3A_996 = arith.constant 7 : i32
          %shift_right_arithmetic3A_997 = vector.broadcast %shift_right_arithmetic3A_996 : i32 to vector<16xi32>
          %shift_right_arithmetic3A_998 = arith.shrsi %sub3A_988, %shift_right_arithmetic3A_997 : vector<16xi32>
          %mul3A_999 = arith.constant 384 : i32
          %mul3A_1000 = vector.broadcast %mul3A_999 : i32 to vector<16xi32>
          %mul3A_1001 = arith.muli %shift_right_arithmetic3A_998, %mul3A_1000 : vector<16xi32>
          %and3A_1002 = arith.constant 127 : i32
          %and3A_1003 = vector.broadcast %and3A_1002 : i32 to vector<16xi32>
          %and3A_1004 = arith.andi %sub3A_988, %and3A_1003 : vector<16xi32>
          %add3A_1005 = arith.addi %mul3A_1001, %and3A_1004 : vector<16xi32>
          %shift_right_arithmetic3A_1006 = arith.constant 7 : i32
          %shift_right_arithmetic3A_1007 = vector.broadcast %shift_right_arithmetic3A_1006 : i32 to vector<16xi32>
          %shift_right_arithmetic3A_1008 = arith.shrsi %add3A_984, %shift_right_arithmetic3A_1007 : vector<16xi32>
          %mul3A_1009 = arith.constant 384 : i32
          %mul3A_1010 = vector.broadcast %mul3A_1009 : i32 to vector<16xi32>
          %mul3A_1011 = arith.muli %shift_right_arithmetic3A_1008, %mul3A_1010 : vector<16xi32>
          %and3A_1012 = arith.constant 127 : i32
          %and3A_1013 = vector.broadcast %and3A_1012 : i32 to vector<16xi32>
          %and3A_1014 = arith.andi %add3A_984, %and3A_1013 : vector<16xi32>
          %add3A_1015 = arith.addi %mul3A_1011, %and3A_1014 : vector<16xi32>
          %gather3A_1016 = tpu.vector_load_idx %arg10[%add3A_1015] : memref<6144xf32, #tpu.memory_space<vmem>>[vector<16xi32>], vector<16xf32>,
          %mul3A_1017 = arith.mulf %gather3A_1016, %gather3A_986 : vector<16xf32>
          tpu.vector_store_idx %arg11[%add3A_1005], %mul3A_1017 masked %and3A_995 {add = true} : memref<6144xf32, #tpu.memory_space<vmem>>[vector<16xi32>], vector<16xf32>, vector<16xi1>
          %add3A_1018 = arith.constant 128 : i32
          %add3A_1019 = vector.broadcast %add3A_1018 : i32 to vector<16xi32>
          %add3A_1020 = arith.addi %add3A_1015, %add3A_1019 : vector<16xi32>
          %gather3A_1021 = tpu.vector_load_idx %arg10[%add3A_1020] : memref<6144xf32, #tpu.memory_space<vmem>>[vector<16xi32>], vector<16xf32>,
          %add3A_1022 = arith.constant 128 : i32
          %add3A_1023 = vector.broadcast %add3A_1022 : i32 to vector<16xi32>
          %add3A_1024 = arith.addi %add3A_1005, %add3A_1023 : vector<16xi32>
          %mul3A_1025 = arith.mulf %gather3A_1021, %gather3A_986 : vector<16xf32>
          tpu.vector_store_idx %arg11[%add3A_1024], %mul3A_1025 masked %and3A_995 {add = true} : memref<6144xf32, #tpu.memory_space<vmem>>[vector<16xi32>], vector<16xf32>, vector<16xi1>
          %add3A_1026 = arith.constant 256 : i32
          %add3A_1027 = vector.broadcast %add3A_1026 : i32 to vector<16xi32>
          %add3A_1028 = arith.addi %add3A_1015, %add3A_1027 : vector<16xi32>
          %gather3A_1029 = tpu.vector_load_idx %arg10[%add3A_1028] : memref<6144xf32, #tpu.memory_space<vmem>>[vector<16xi32>], vector<16xf32>,
          %add3A_1030 = arith.constant 256 : i32
          %add3A_1031 = vector.broadcast %add3A_1030 : i32 to vector<16xi32>
          %add3A_1032 = arith.addi %add3A_1005, %add3A_1031 : vector<16xi32>
          %mul3A_1033 = arith.mulf %gather3A_1029, %gather3A_986 : vector<16xf32>
          tpu.vector_store_idx %arg11[%add3A_1032], %mul3A_1033 masked %and3A_995 {add = true} : memref<6144xf32, #tpu.memory_space<vmem>>[vector<16xi32>], vector<16xf32>, vector<16xi1>
          %scan3A_1034 = arith.constant 0 : i32
          %scan3A_1035 = arith.constant 15 : i32
          %scan3A_1036 = arith.addi %scan3A_169, %scan3A_1035 : i32
          %add3A_1037 = vector.broadcast %scan3A_1036 : i32 to vector<16xi32>
          %add3A_1038 = arith.addi %iota3A, %add3A_1037 : vector<16xi32>
          %and3A_1039 = arith.constant 63 : i32
          %and3A_1040 = vector.broadcast %and3A_1039 : i32 to vector<16xi32>
          %and3A_1041 = arith.andi %add3A_1038, %and3A_1040 : vector<16xi32>
          %add3A_1042 = arith.addi %add3A_161, %and3A_1041 : vector<16xi32>
          %gather3A_1043 = tpu.vector_load_idx %arg8[%add3A_1042] : memref<2048xi32, #tpu.memory_space<vmem>>[vector<16xi32>], vector<16xi32>,
          %gather3A_1044 = tpu.vector_load_idx %arg9[%add3A_1042] : memref<2048xf32, #tpu.memory_space<vmem>>[vector<16xi32>], vector<16xf32>,
          %sub3A_1045 = vector.broadcast %mul3A_2 : i32 to vector<16xi32>
          %sub3A_1046 = arith.subi %gather3A_1043, %sub3A_1045 : vector<16xi32>
          %bitcast3A_1047 = vector.bitcast %sub3A_1046 : vector<16xi32> to vector<16xi32>
          %lt3A_1048 = arith.constant 2048 : i32
          %lt3A_1049 = vector.broadcast %lt3A_1048 : i32 to vector<16xi32>
          %lt3A_1050 = arith.cmpi ult, %bitcast3A_1047, %lt3A_1049 : vector<16xi32>
          %ge3A_1051 = vector.broadcast %add3A_155 : i32 to vector<16xi32>
          %ge3A_1052 = arith.cmpi sge, %add3A_1042, %ge3A_1051 : vector<16xi32>
          %and3A_1053 = arith.andi %lt3A_1050, %ge3A_1052 : vector<16xi1>
          %shift_right_arithmetic3A_1054 = arith.constant 7 : i32
          %shift_right_arithmetic3A_1055 = vector.broadcast %shift_right_arithmetic3A_1054 : i32 to vector<16xi32>
          %shift_right_arithmetic3A_1056 = arith.shrsi %sub3A_1046, %shift_right_arithmetic3A_1055 : vector<16xi32>
          %mul3A_1057 = arith.constant 384 : i32
          %mul3A_1058 = vector.broadcast %mul3A_1057 : i32 to vector<16xi32>
          %mul3A_1059 = arith.muli %shift_right_arithmetic3A_1056, %mul3A_1058 : vector<16xi32>
          %and3A_1060 = arith.constant 127 : i32
          %and3A_1061 = vector.broadcast %and3A_1060 : i32 to vector<16xi32>
          %and3A_1062 = arith.andi %sub3A_1046, %and3A_1061 : vector<16xi32>
          %add3A_1063 = arith.addi %mul3A_1059, %and3A_1062 : vector<16xi32>
          %shift_right_arithmetic3A_1064 = arith.constant 7 : i32
          %shift_right_arithmetic3A_1065 = vector.broadcast %shift_right_arithmetic3A_1064 : i32 to vector<16xi32>
          %shift_right_arithmetic3A_1066 = arith.shrsi %add3A_1042, %shift_right_arithmetic3A_1065 : vector<16xi32>
          %mul3A_1067 = arith.constant 384 : i32
          %mul3A_1068 = vector.broadcast %mul3A_1067 : i32 to vector<16xi32>
          %mul3A_1069 = arith.muli %shift_right_arithmetic3A_1066, %mul3A_1068 : vector<16xi32>
          %and3A_1070 = arith.constant 127 : i32
          %and3A_1071 = vector.broadcast %and3A_1070 : i32 to vector<16xi32>
          %and3A_1072 = arith.andi %add3A_1042, %and3A_1071 : vector<16xi32>
          %add3A_1073 = arith.addi %mul3A_1069, %and3A_1072 : vector<16xi32>
          %gather3A_1074 = tpu.vector_load_idx %arg10[%add3A_1073] : memref<6144xf32, #tpu.memory_space<vmem>>[vector<16xi32>], vector<16xf32>,
          %mul3A_1075 = arith.mulf %gather3A_1074, %gather3A_1044 : vector<16xf32>
          tpu.vector_store_idx %arg11[%add3A_1063], %mul3A_1075 masked %and3A_1053 {add = true} : memref<6144xf32, #tpu.memory_space<vmem>>[vector<16xi32>], vector<16xf32>, vector<16xi1>
          %add3A_1076 = arith.constant 128 : i32
          %add3A_1077 = vector.broadcast %add3A_1076 : i32 to vector<16xi32>
          %add3A_1078 = arith.addi %add3A_1073, %add3A_1077 : vector<16xi32>
          %gather3A_1079 = tpu.vector_load_idx %arg10[%add3A_1078] : memref<6144xf32, #tpu.memory_space<vmem>>[vector<16xi32>], vector<16xf32>,
          %add3A_1080 = arith.constant 128 : i32
          %add3A_1081 = vector.broadcast %add3A_1080 : i32 to vector<16xi32>
          %add3A_1082 = arith.addi %add3A_1063, %add3A_1081 : vector<16xi32>
          %mul3A_1083 = arith.mulf %gather3A_1079, %gather3A_1044 : vector<16xf32>
          tpu.vector_store_idx %arg11[%add3A_1082], %mul3A_1083 masked %and3A_1053 {add = true} : memref<6144xf32, #tpu.memory_space<vmem>>[vector<16xi32>], vector<16xf32>, vector<16xi1>
          %add3A_1084 = arith.constant 256 : i32
          %add3A_1085 = vector.broadcast %add3A_1084 : i32 to vector<16xi32>
          %add3A_1086 = arith.addi %add3A_1073, %add3A_1085 : vector<16xi32>
          %gather3A_1087 = tpu.vector_load_idx %arg10[%add3A_1086] : memref<6144xf32, #tpu.memory_space<vmem>>[vector<16xi32>], vector<16xf32>,
          %add3A_1088 = arith.constant 256 : i32
          %add3A_1089 = vector.broadcast %add3A_1088 : i32 to vector<16xi32>
          %add3A_1090 = arith.addi %add3A_1063, %add3A_1089 : vector<16xi32>
          %mul3A_1091 = arith.mulf %gather3A_1087, %gather3A_1044 : vector<16xf32>
          tpu.vector_store_idx %arg11[%add3A_1090], %mul3A_1091 masked %and3A_1053 {add = true} : memref<6144xf32, #tpu.memory_space<vmem>>[vector<16xi32>], vector<16xf32>, vector<16xi1>
          %scan3A_1092 = arith.constant 0 : i32
          scf.yield %scan3A_1092 : i32
        }
        %scan3A_168 = arith.constant 64 : i32
      } else {
      }
      %mul3A_108 = arith.constant 2 : i32
      %mul3A_109 = arith.muli %mul3A_108, %while3A_99 : i32
      %add3A_110 = arith.constant 1 : i32
      %add3A_111 = arith.addi %mul3A_109, %add3A_110 : i32
      %lt3A_112 = arith.cmpi slt, %add3A_111, %select_n3A : i32
      %convert_element_type3A_113 = arith.extui %lt3A_112 : i1 to i32
      %cond3A_114 = arith.constant 0 : i32
      %cond3A_115 = arith.cmpi ne, %convert_element_type3A_113, %cond3A_114 : i32
      scf.if %cond3A_115 {
        %mul3A_117 = arith.constant 1024 : i32
        %mul3A_118 = arith.muli %add3A_111, %mul3A_117 : i32
        %add3A_119 = arith.addi %mul3A_15, %mul3A_118 : i32
        %min3A = arith.constant 3144704 : i32
        %min3A_120 = arith.minsi %add3A_119, %min3A : i32
        %multiple_of3A = tpu.assume_multiple %min3A_120, 128 : i32
        %mul3A_121 = arith.constant 3 : i32
        %mul3A_122 = arith.muli %multiple_of3A, %mul3A_121 : i32
        %multiple_of3A_123 = tpu.assume_multiple %mul3A_122, 8 : i32
        %dma_wait3A = arith.constant 1024 : i32
        %dma_wait3A_124 = tpu.memref_slice %arg8[%dma_wait3A] : memref<2048xi32, #tpu.memory_space<vmem>> -> memref<1024xi32, #tpu.memory_space<vmem>>
        %dma_wait3A_125 = tpu.memref_slice %arg4[%multiple_of3A] : memref<3145728xi32, #tpu.memory_space<hbm>> -> memref<1024xi32, #tpu.memory_space<hbm>>
        %dma_wait3A_126 = arith.constant 1024 : i32
        %dma_wait3A_127 = tpu.memref_slice %arg8[%dma_wait3A_126] : memref<2048xi32, #tpu.memory_space<vmem>> -> memref<1024xi32, #tpu.memory_space<vmem>>
        %dma_wait3A_128 = tpu.memref_slice %arg4[%multiple_of3A] : memref<3145728xi32, #tpu.memory_space<hbm>> -> memref<1024xi32, #tpu.memory_space<hbm>>
        tpu.wait_dma2 semaphore(%arg17 : memref<!tpu.dma_semaphore, #tpu.memory_space<semaphore_mem>>) src(%dma_wait3A_128 : memref<1024xi32, #tpu.memory_space<hbm>>) dst(%dma_wait3A_127 : memref<1024xi32, #tpu.memory_space<vmem>>)
        %dma_wait3A_129 = arith.constant 1024 : i32
        %dma_wait3A_130 = tpu.memref_slice %arg9[%dma_wait3A_129] : memref<2048xf32, #tpu.memory_space<vmem>> -> memref<1024xf32, #tpu.memory_space<vmem>>
        %dma_wait3A_131 = tpu.memref_slice %arg3[%multiple_of3A] : memref<3145728xf32, #tpu.memory_space<hbm>> -> memref<1024xf32, #tpu.memory_space<hbm>>
        %dma_wait3A_132 = arith.constant 1024 : i32
        %dma_wait3A_133 = tpu.memref_slice %arg9[%dma_wait3A_132] : memref<2048xf32, #tpu.memory_space<vmem>> -> memref<1024xf32, #tpu.memory_space<vmem>>
        %dma_wait3A_134 = tpu.memref_slice %arg3[%multiple_of3A] : memref<3145728xf32, #tpu.memory_space<hbm>> -> memref<1024xf32, #tpu.memory_space<hbm>>
        tpu.wait_dma2 semaphore(%arg18 : memref<!tpu.dma_semaphore, #tpu.memory_space<semaphore_mem>>) src(%dma_wait3A_134 : memref<1024xf32, #tpu.memory_space<hbm>>) dst(%dma_wait3A_133 : memref<1024xf32, #tpu.memory_space<vmem>>)
        %dma_wait3A_135 = arith.constant 3072 : i32
        %dma_wait3A_136 = tpu.memref_slice %arg10[%dma_wait3A_135] : memref<6144xf32, #tpu.memory_space<vmem>> -> memref<3072xf32, #tpu.memory_space<vmem>>
        %dma_wait3A_137 = tpu.memref_slice %arg2[%multiple_of3A_123] : memref<9437184xf32, #tpu.memory_space<hbm>> -> memref<3072xf32, #tpu.memory_space<hbm>>
        %dma_wait3A_138 = arith.constant 3072 : i32
        %dma_wait3A_139 = tpu.memref_slice %arg10[%dma_wait3A_138] : memref<6144xf32, #tpu.memory_space<vmem>> -> memref<3072xf32, #tpu.memory_space<vmem>>
        %dma_wait3A_140 = tpu.memref_slice %arg2[%multiple_of3A_123] : memref<9437184xf32, #tpu.memory_space<hbm>> -> memref<3072xf32, #tpu.memory_space<hbm>>
        tpu.wait_dma2 semaphore(%arg19 : memref<!tpu.dma_semaphore, #tpu.memory_space<semaphore_mem>>) src(%dma_wait3A_140 : memref<3072xf32, #tpu.memory_space<hbm>>) dst(%dma_wait3A_139 : memref<3072xf32, #tpu.memory_space<vmem>>)
        %add3A_141 = arith.constant 1 : i32
        %add3A_142 = arith.addi %add3A_111, %add3A_141 : i32
        %lt3A_143 = arith.cmpi slt, %add3A_142, %select_n3A : i32
        %convert_element_type3A_144 = arith.extui %lt3A_143 : i1 to i32
        %cond3A_145 = arith.constant 0 : i32
        %cond3A_146 = arith.cmpi ne, %convert_element_type3A_144, %cond3A_145 : i32
        scf.if %cond3A_146 {
          %add3A_169 = arith.constant 1 : i32
          %add3A_170 = arith.addi %add3A_111, %add3A_169 : i32
          %mul3A_171 = arith.constant 1024 : i32
          %mul3A_172 = arith.muli %add3A_170, %mul3A_171 : i32
          %add3A_173 = arith.addi %mul3A_15, %mul3A_172 : i32
          %min3A_174 = arith.constant 3144704 : i32
          %min3A_175 = arith.minsi %add3A_173, %min3A_174 : i32
          %multiple_of3A_176 = tpu.assume_multiple %min3A_175, 128 : i32
          %mul3A_177 = arith.constant 3 : i32
          %mul3A_178 = arith.muli %multiple_of3A_176, %mul3A_177 : i32
          %multiple_of3A_179 = tpu.assume_multiple %mul3A_178, 8 : i32
          %dma_start3A = arith.constant 0 : i32
          %dma_start3A_180 = tpu.memref_slice %arg8[%dma_start3A] : memref<2048xi32, #tpu.memory_space<vmem>> -> memref<1024xi32, #tpu.memory_space<vmem>>
          %dma_start3A_181 = tpu.memref_slice %arg4[%multiple_of3A_176] : memref<3145728xi32, #tpu.memory_space<hbm>> -> memref<1024xi32, #tpu.memory_space<hbm>>
          %dma_start3A_182 = arith.constant 0 : i32
          %dma_start3A_183 = tpu.memref_slice %arg8[%dma_start3A_182] : memref<2048xi32, #tpu.memory_space<vmem>> -> memref<1024xi32, #tpu.memory_space<vmem>>
          %dma_start3A_184 = tpu.memref_slice %arg4[%multiple_of3A_176] : memref<3145728xi32, #tpu.memory_space<hbm>> -> memref<1024xi32, #tpu.memory_space<hbm>>
          tpu.enqueue_dma source(%dma_start3A_184 : memref<1024xi32, #tpu.memory_space<hbm>>) target(%dma_start3A_183 : memref<1024xi32, #tpu.memory_space<vmem>>) target_semaphore(%arg14 : memref<!tpu.dma_semaphore, #tpu.memory_space<semaphore_mem>>)
          %dma_start3A_185 = arith.constant 0 : i32
          %dma_start3A_186 = tpu.memref_slice %arg9[%dma_start3A_185] : memref<2048xf32, #tpu.memory_space<vmem>> -> memref<1024xf32, #tpu.memory_space<vmem>>
          %dma_start3A_187 = tpu.memref_slice %arg3[%multiple_of3A_176] : memref<3145728xf32, #tpu.memory_space<hbm>> -> memref<1024xf32, #tpu.memory_space<hbm>>
          %dma_start3A_188 = arith.constant 0 : i32
          %dma_start3A_189 = tpu.memref_slice %arg9[%dma_start3A_188] : memref<2048xf32, #tpu.memory_space<vmem>> -> memref<1024xf32, #tpu.memory_space<vmem>>
          %dma_start3A_190 = tpu.memref_slice %arg3[%multiple_of3A_176] : memref<3145728xf32, #tpu.memory_space<hbm>> -> memref<1024xf32, #tpu.memory_space<hbm>>
          tpu.enqueue_dma source(%dma_start3A_190 : memref<1024xf32, #tpu.memory_space<hbm>>) target(%dma_start3A_189 : memref<1024xf32, #tpu.memory_space<vmem>>) target_semaphore(%arg15 : memref<!tpu.dma_semaphore, #tpu.memory_space<semaphore_mem>>)
          %dma_start3A_191 = arith.constant 0 : i32
          %dma_start3A_192 = tpu.memref_slice %arg10[%dma_start3A_191] : memref<6144xf32, #tpu.memory_space<vmem>> -> memref<3072xf32, #tpu.memory_space<vmem>>
          %dma_start3A_193 = tpu.memref_slice %arg2[%multiple_of3A_179] : memref<9437184xf32, #tpu.memory_space<hbm>> -> memref<3072xf32, #tpu.memory_space<hbm>>
          %dma_start3A_194 = arith.constant 0 : i32
          %dma_start3A_195 = tpu.memref_slice %arg10[%dma_start3A_194] : memref<6144xf32, #tpu.memory_space<vmem>> -> memref<3072xf32, #tpu.memory_space<vmem>>
          %dma_start3A_196 = tpu.memref_slice %arg2[%multiple_of3A_179] : memref<9437184xf32, #tpu.memory_space<hbm>> -> memref<3072xf32, #tpu.memory_space<hbm>>
          tpu.enqueue_dma source(%dma_start3A_196 : memref<3072xf32, #tpu.memory_space<hbm>>) target(%dma_start3A_195 : memref<3072xf32, #tpu.memory_space<vmem>>) target_semaphore(%arg16 : memref<!tpu.dma_semaphore, #tpu.memory_space<semaphore_mem>>)
        } else {
        }
        %mul3A_147 = arith.constant 1024 : i32
        %mul3A_148 = arith.muli %add3A_111, %mul3A_147 : i32
        %add3A_149 = arith.addi %mul3A_15, %mul3A_148 : i32
        %min3A_150 = arith.constant 3144704 : i32
        %min3A_151 = arith.minsi %add3A_149, %min3A_150 : i32
        %multiple_of3A_152 = tpu.assume_multiple %min3A_151, 128 : i32
        %sub3A_153 = arith.subi %add3A_149, %multiple_of3A_152 : i32
        %add3A_154 = arith.constant 1024 : i32
        %add3A_155 = arith.addi %sub3A_153, %add3A_154 : i32
        %mul3A_156 = arith.constant 64 : i32
        %mul3A_157 = vector.broadcast %mul3A_156 : i32 to vector<16xi32>
        %mul3A_158 = arith.muli %iota3A, %mul3A_157 : vector<16xi32>
        %add3A_159 = arith.constant 1024 : i32
        %add3A_160 = vector.broadcast %add3A_159 : i32 to vector<16xi32>
        %add3A_161 = arith.addi %mul3A_158, %add3A_160 : vector<16xi32>
        %scan3A_162 = arith.constant 0 : i32
        %scan3A_163 = arith.constant 0 : i32
        %scan3A_164 = arith.constant 64 : i32
        %scan3A_165 = arith.addi %scan3A_163, %scan3A_164 : i32
        %scan3A_166 = arith.constant 16 : i32
        %scan3A_167 = scf.for %scan3A_169 = %scan3A_163 to %scan3A_165 step %scan3A_166 iter_args(%scan3A_170 = %scan3A_162) -> (i32)  : i32 {
          %add3A_171 = vector.broadcast %scan3A_169 : i32 to vector<16xi32>
          %add3A_172 = arith.addi %iota3A, %add3A_171 : vector<16xi32>
          %and3A_173 = arith.constant 63 : i32
          %and3A_174 = vector.broadcast %and3A_173 : i32 to vector<16xi32>
          %and3A_175 = arith.andi %add3A_172, %and3A_174 : vector<16xi32>
          %add3A_176 = arith.addi %add3A_161, %and3A_175 : vector<16xi32>
          %gather3A = tpu.vector_load_idx %arg8[%add3A_176] : memref<2048xi32, #tpu.memory_space<vmem>>[vector<16xi32>], vector<16xi32>,
          %gather3A_177 = tpu.vector_load_idx %arg9[%add3A_176] : memref<2048xf32, #tpu.memory_space<vmem>>[vector<16xi32>], vector<16xf32>,
          %sub3A_178 = vector.broadcast %mul3A_2 : i32 to vector<16xi32>
          %sub3A_179 = arith.subi %gather3A, %sub3A_178 : vector<16xi32>
          %bitcast3A = vector.bitcast %sub3A_179 : vector<16xi32> to vector<16xi32>
          %lt3A_180 = arith.constant 2048 : i32
          %lt3A_181 = vector.broadcast %lt3A_180 : i32 to vector<16xi32>
          %lt3A_182 = arith.cmpi ult, %bitcast3A, %lt3A_181 : vector<16xi32>
          %ge3A = vector.broadcast %add3A_155 : i32 to vector<16xi32>
          %ge3A_183 = arith.cmpi sge, %add3A_176, %ge3A : vector<16xi32>
          %and3A_184 = arith.andi %lt3A_182, %ge3A_183 : vector<16xi1>
          %shift_right_arithmetic3A = arith.constant 7 : i32
          %shift_right_arithmetic3A_185 = vector.broadcast %shift_right_arithmetic3A : i32 to vector<16xi32>
          %shift_right_arithmetic3A_186 = arith.shrsi %sub3A_179, %shift_right_arithmetic3A_185 : vector<16xi32>
          %mul3A_187 = arith.constant 384 : i32
          %mul3A_188 = vector.broadcast %mul3A_187 : i32 to vector<16xi32>
          %mul3A_189 = arith.muli %shift_right_arithmetic3A_186, %mul3A_188 : vector<16xi32>
          %and3A_190 = arith.constant 127 : i32
          %and3A_191 = vector.broadcast %and3A_190 : i32 to vector<16xi32>
          %and3A_192 = arith.andi %sub3A_179, %and3A_191 : vector<16xi32>
          %add3A_193 = arith.addi %mul3A_189, %and3A_192 : vector<16xi32>
          %shift_right_arithmetic3A_194 = arith.constant 7 : i32
          %shift_right_arithmetic3A_195 = vector.broadcast %shift_right_arithmetic3A_194 : i32 to vector<16xi32>
          %shift_right_arithmetic3A_196 = arith.shrsi %add3A_176, %shift_right_arithmetic3A_195 : vector<16xi32>
          %mul3A_197 = arith.constant 384 : i32
          %mul3A_198 = vector.broadcast %mul3A_197 : i32 to vector<16xi32>
          %mul3A_199 = arith.muli %shift_right_arithmetic3A_196, %mul3A_198 : vector<16xi32>
          %and3A_200 = arith.constant 127 : i32
          %and3A_201 = vector.broadcast %and3A_200 : i32 to vector<16xi32>
          %and3A_202 = arith.andi %add3A_176, %and3A_201 : vector<16xi32>
          %add3A_203 = arith.addi %mul3A_199, %and3A_202 : vector<16xi32>
          %gather3A_204 = tpu.vector_load_idx %arg10[%add3A_203] : memref<6144xf32, #tpu.memory_space<vmem>>[vector<16xi32>], vector<16xf32>,
          %mul3A_205 = arith.mulf %gather3A_204, %gather3A_177 : vector<16xf32>
          tpu.vector_store_idx %arg11[%add3A_193], %mul3A_205 masked %and3A_184 {add = true} : memref<6144xf32, #tpu.memory_space<vmem>>[vector<16xi32>], vector<16xf32>, vector<16xi1>
          %add3A_206 = arith.constant 128 : i32
          %add3A_207 = vector.broadcast %add3A_206 : i32 to vector<16xi32>
          %add3A_208 = arith.addi %add3A_203, %add3A_207 : vector<16xi32>
          %gather3A_209 = tpu.vector_load_idx %arg10[%add3A_208] : memref<6144xf32, #tpu.memory_space<vmem>>[vector<16xi32>], vector<16xf32>,
          %add3A_210 = arith.constant 128 : i32
          %add3A_211 = vector.broadcast %add3A_210 : i32 to vector<16xi32>
          %add3A_212 = arith.addi %add3A_193, %add3A_211 : vector<16xi32>
          %mul3A_213 = arith.mulf %gather3A_209, %gather3A_177 : vector<16xf32>
          tpu.vector_store_idx %arg11[%add3A_212], %mul3A_213 masked %and3A_184 {add = true} : memref<6144xf32, #tpu.memory_space<vmem>>[vector<16xi32>], vector<16xf32>, vector<16xi1>
          %add3A_214 = arith.constant 256 : i32
          %add3A_215 = vector.broadcast %add3A_214 : i32 to vector<16xi32>
          %add3A_216 = arith.addi %add3A_203, %add3A_215 : vector<16xi32>
          %gather3A_217 = tpu.vector_load_idx %arg10[%add3A_216] : memref<6144xf32, #tpu.memory_space<vmem>>[vector<16xi32>], vector<16xf32>,
          %add3A_218 = arith.constant 256 : i32
          %add3A_219 = vector.broadcast %add3A_218 : i32 to vector<16xi32>
          %add3A_220 = arith.addi %add3A_193, %add3A_219 : vector<16xi32>
          %mul3A_221 = arith.mulf %gather3A_217, %gather3A_177 : vector<16xf32>
          tpu.vector_store_idx %arg11[%add3A_220], %mul3A_221 masked %and3A_184 {add = true} : memref<6144xf32, #tpu.memory_space<vmem>>[vector<16xi32>], vector<16xf32>, vector<16xi1>
          %scan3A_222 = arith.constant 0 : i32
          %scan3A_223 = arith.constant 1 : i32
          %scan3A_224 = arith.addi %scan3A_169, %scan3A_223 : i32
          %add3A_225 = vector.broadcast %scan3A_224 : i32 to vector<16xi32>
          %add3A_226 = arith.addi %iota3A, %add3A_225 : vector<16xi32>
          %and3A_227 = arith.constant 63 : i32
          %and3A_228 = vector.broadcast %and3A_227 : i32 to vector<16xi32>
          %and3A_229 = arith.andi %add3A_226, %and3A_228 : vector<16xi32>
          %add3A_230 = arith.addi %add3A_161, %and3A_229 : vector<16xi32>
          %gather3A_231 = tpu.vector_load_idx %arg8[%add3A_230] : memref<2048xi32, #tpu.memory_space<vmem>>[vector<16xi32>], vector<16xi32>,
          %gather3A_232 = tpu.vector_load_idx %arg9[%add3A_230] : memref<2048xf32, #tpu.memory_space<vmem>>[vector<16xi32>], vector<16xf32>,
          %sub3A_233 = vector.broadcast %mul3A_2 : i32 to vector<16xi32>
          %sub3A_234 = arith.subi %gather3A_231, %sub3A_233 : vector<16xi32>
          %bitcast3A_235 = vector.bitcast %sub3A_234 : vector<16xi32> to vector<16xi32>
          %lt3A_236 = arith.constant 2048 : i32
          %lt3A_237 = vector.broadcast %lt3A_236 : i32 to vector<16xi32>
          %lt3A_238 = arith.cmpi ult, %bitcast3A_235, %lt3A_237 : vector<16xi32>
          %ge3A_239 = vector.broadcast %add3A_155 : i32 to vector<16xi32>
          %ge3A_240 = arith.cmpi sge, %add3A_230, %ge3A_239 : vector<16xi32>
          %and3A_241 = arith.andi %lt3A_238, %ge3A_240 : vector<16xi1>
          %shift_right_arithmetic3A_242 = arith.constant 7 : i32
          %shift_right_arithmetic3A_243 = vector.broadcast %shift_right_arithmetic3A_242 : i32 to vector<16xi32>
          %shift_right_arithmetic3A_244 = arith.shrsi %sub3A_234, %shift_right_arithmetic3A_243 : vector<16xi32>
          %mul3A_245 = arith.constant 384 : i32
          %mul3A_246 = vector.broadcast %mul3A_245 : i32 to vector<16xi32>
          %mul3A_247 = arith.muli %shift_right_arithmetic3A_244, %mul3A_246 : vector<16xi32>
          %and3A_248 = arith.constant 127 : i32
          %and3A_249 = vector.broadcast %and3A_248 : i32 to vector<16xi32>
          %and3A_250 = arith.andi %sub3A_234, %and3A_249 : vector<16xi32>
          %add3A_251 = arith.addi %mul3A_247, %and3A_250 : vector<16xi32>
          %shift_right_arithmetic3A_252 = arith.constant 7 : i32
          %shift_right_arithmetic3A_253 = vector.broadcast %shift_right_arithmetic3A_252 : i32 to vector<16xi32>
          %shift_right_arithmetic3A_254 = arith.shrsi %add3A_230, %shift_right_arithmetic3A_253 : vector<16xi32>
          %mul3A_255 = arith.constant 384 : i32
          %mul3A_256 = vector.broadcast %mul3A_255 : i32 to vector<16xi32>
          %mul3A_257 = arith.muli %shift_right_arithmetic3A_254, %mul3A_256 : vector<16xi32>
          %and3A_258 = arith.constant 127 : i32
          %and3A_259 = vector.broadcast %and3A_258 : i32 to vector<16xi32>
          %and3A_260 = arith.andi %add3A_230, %and3A_259 : vector<16xi32>
          %add3A_261 = arith.addi %mul3A_257, %and3A_260 : vector<16xi32>
          %gather3A_262 = tpu.vector_load_idx %arg10[%add3A_261] : memref<6144xf32, #tpu.memory_space<vmem>>[vector<16xi32>], vector<16xf32>,
          %mul3A_263 = arith.mulf %gather3A_262, %gather3A_232 : vector<16xf32>
          tpu.vector_store_idx %arg11[%add3A_251], %mul3A_263 masked %and3A_241 {add = true} : memref<6144xf32, #tpu.memory_space<vmem>>[vector<16xi32>], vector<16xf32>, vector<16xi1>
          %add3A_264 = arith.constant 128 : i32
          %add3A_265 = vector.broadcast %add3A_264 : i32 to vector<16xi32>
          %add3A_266 = arith.addi %add3A_261, %add3A_265 : vector<16xi32>
          %gather3A_267 = tpu.vector_load_idx %arg10[%add3A_266] : memref<6144xf32, #tpu.memory_space<vmem>>[vector<16xi32>], vector<16xf32>,
          %add3A_268 = arith.constant 128 : i32
          %add3A_269 = vector.broadcast %add3A_268 : i32 to vector<16xi32>
          %add3A_270 = arith.addi %add3A_251, %add3A_269 : vector<16xi32>
          %mul3A_271 = arith.mulf %gather3A_267, %gather3A_232 : vector<16xf32>
          tpu.vector_store_idx %arg11[%add3A_270], %mul3A_271 masked %and3A_241 {add = true} : memref<6144xf32, #tpu.memory_space<vmem>>[vector<16xi32>], vector<16xf32>, vector<16xi1>
          %add3A_272 = arith.constant 256 : i32
          %add3A_273 = vector.broadcast %add3A_272 : i32 to vector<16xi32>
          %add3A_274 = arith.addi %add3A_261, %add3A_273 : vector<16xi32>
          %gather3A_275 = tpu.vector_load_idx %arg10[%add3A_274] : memref<6144xf32, #tpu.memory_space<vmem>>[vector<16xi32>], vector<16xf32>,
          %add3A_276 = arith.constant 256 : i32
          %add3A_277 = vector.broadcast %add3A_276 : i32 to vector<16xi32>
          %add3A_278 = arith.addi %add3A_251, %add3A_277 : vector<16xi32>
          %mul3A_279 = arith.mulf %gather3A_275, %gather3A_232 : vector<16xf32>
          tpu.vector_store_idx %arg11[%add3A_278], %mul3A_279 masked %and3A_241 {add = true} : memref<6144xf32, #tpu.memory_space<vmem>>[vector<16xi32>], vector<16xf32>, vector<16xi1>
          %scan3A_280 = arith.constant 0 : i32
          %scan3A_281 = arith.constant 2 : i32
          %scan3A_282 = arith.addi %scan3A_169, %scan3A_281 : i32
          %add3A_283 = vector.broadcast %scan3A_282 : i32 to vector<16xi32>
          %add3A_284 = arith.addi %iota3A, %add3A_283 : vector<16xi32>
          %and3A_285 = arith.constant 63 : i32
          %and3A_286 = vector.broadcast %and3A_285 : i32 to vector<16xi32>
          %and3A_287 = arith.andi %add3A_284, %and3A_286 : vector<16xi32>
          %add3A_288 = arith.addi %add3A_161, %and3A_287 : vector<16xi32>
          %gather3A_289 = tpu.vector_load_idx %arg8[%add3A_288] : memref<2048xi32, #tpu.memory_space<vmem>>[vector<16xi32>], vector<16xi32>,
          %gather3A_290 = tpu.vector_load_idx %arg9[%add3A_288] : memref<2048xf32, #tpu.memory_space<vmem>>[vector<16xi32>], vector<16xf32>,
          %sub3A_291 = vector.broadcast %mul3A_2 : i32 to vector<16xi32>
          %sub3A_292 = arith.subi %gather3A_289, %sub3A_291 : vector<16xi32>
          %bitcast3A_293 = vector.bitcast %sub3A_292 : vector<16xi32> to vector<16xi32>
          %lt3A_294 = arith.constant 2048 : i32
          %lt3A_295 = vector.broadcast %lt3A_294 : i32 to vector<16xi32>
          %lt3A_296 = arith.cmpi ult, %bitcast3A_293, %lt3A_295 : vector<16xi32>
          %ge3A_297 = vector.broadcast %add3A_155 : i32 to vector<16xi32>
          %ge3A_298 = arith.cmpi sge, %add3A_288, %ge3A_297 : vector<16xi32>
          %and3A_299 = arith.andi %lt3A_296, %ge3A_298 : vector<16xi1>
          %shift_right_arithmetic3A_300 = arith.constant 7 : i32
          %shift_right_arithmetic3A_301 = vector.broadcast %shift_right_arithmetic3A_300 : i32 to vector<16xi32>
          %shift_right_arithmetic3A_302 = arith.shrsi %sub3A_292, %shift_right_arithmetic3A_301 : vector<16xi32>
          %mul3A_303 = arith.constant 384 : i32
          %mul3A_304 = vector.broadcast %mul3A_303 : i32 to vector<16xi32>
          %mul3A_305 = arith.muli %shift_right_arithmetic3A_302, %mul3A_304 : vector<16xi32>
          %and3A_306 = arith.constant 127 : i32
          %and3A_307 = vector.broadcast %and3A_306 : i32 to vector<16xi32>
          %and3A_308 = arith.andi %sub3A_292, %and3A_307 : vector<16xi32>
          %add3A_309 = arith.addi %mul3A_305, %and3A_308 : vector<16xi32>
          %shift_right_arithmetic3A_310 = arith.constant 7 : i32
          %shift_right_arithmetic3A_311 = vector.broadcast %shift_right_arithmetic3A_310 : i32 to vector<16xi32>
          %shift_right_arithmetic3A_312 = arith.shrsi %add3A_288, %shift_right_arithmetic3A_311 : vector<16xi32>
          %mul3A_313 = arith.constant 384 : i32
          %mul3A_314 = vector.broadcast %mul3A_313 : i32 to vector<16xi32>
          %mul3A_315 = arith.muli %shift_right_arithmetic3A_312, %mul3A_314 : vector<16xi32>
          %and3A_316 = arith.constant 127 : i32
          %and3A_317 = vector.broadcast %and3A_316 : i32 to vector<16xi32>
          %and3A_318 = arith.andi %add3A_288, %and3A_317 : vector<16xi32>
          %add3A_319 = arith.addi %mul3A_315, %and3A_318 : vector<16xi32>
          %gather3A_320 = tpu.vector_load_idx %arg10[%add3A_319] : memref<6144xf32, #tpu.memory_space<vmem>>[vector<16xi32>], vector<16xf32>,
          %mul3A_321 = arith.mulf %gather3A_320, %gather3A_290 : vector<16xf32>
          tpu.vector_store_idx %arg11[%add3A_309], %mul3A_321 masked %and3A_299 {add = true} : memref<6144xf32, #tpu.memory_space<vmem>>[vector<16xi32>], vector<16xf32>, vector<16xi1>
          %add3A_322 = arith.constant 128 : i32
          %add3A_323 = vector.broadcast %add3A_322 : i32 to vector<16xi32>
          %add3A_324 = arith.addi %add3A_319, %add3A_323 : vector<16xi32>
          %gather3A_325 = tpu.vector_load_idx %arg10[%add3A_324] : memref<6144xf32, #tpu.memory_space<vmem>>[vector<16xi32>], vector<16xf32>,
          %add3A_326 = arith.constant 128 : i32
          %add3A_327 = vector.broadcast %add3A_326 : i32 to vector<16xi32>
          %add3A_328 = arith.addi %add3A_309, %add3A_327 : vector<16xi32>
          %mul3A_329 = arith.mulf %gather3A_325, %gather3A_290 : vector<16xf32>
          tpu.vector_store_idx %arg11[%add3A_328], %mul3A_329 masked %and3A_299 {add = true} : memref<6144xf32, #tpu.memory_space<vmem>>[vector<16xi32>], vector<16xf32>, vector<16xi1>
          %add3A_330 = arith.constant 256 : i32
          %add3A_331 = vector.broadcast %add3A_330 : i32 to vector<16xi32>
          %add3A_332 = arith.addi %add3A_319, %add3A_331 : vector<16xi32>
          %gather3A_333 = tpu.vector_load_idx %arg10[%add3A_332] : memref<6144xf32, #tpu.memory_space<vmem>>[vector<16xi32>], vector<16xf32>,
          %add3A_334 = arith.constant 256 : i32
          %add3A_335 = vector.broadcast %add3A_334 : i32 to vector<16xi32>
          %add3A_336 = arith.addi %add3A_309, %add3A_335 : vector<16xi32>
          %mul3A_337 = arith.mulf %gather3A_333, %gather3A_290 : vector<16xf32>
          tpu.vector_store_idx %arg11[%add3A_336], %mul3A_337 masked %and3A_299 {add = true} : memref<6144xf32, #tpu.memory_space<vmem>>[vector<16xi32>], vector<16xf32>, vector<16xi1>
          %scan3A_338 = arith.constant 0 : i32
          %scan3A_339 = arith.constant 3 : i32
          %scan3A_340 = arith.addi %scan3A_169, %scan3A_339 : i32
          %add3A_341 = vector.broadcast %scan3A_340 : i32 to vector<16xi32>
          %add3A_342 = arith.addi %iota3A, %add3A_341 : vector<16xi32>
          %and3A_343 = arith.constant 63 : i32
          %and3A_344 = vector.broadcast %and3A_343 : i32 to vector<16xi32>
          %and3A_345 = arith.andi %add3A_342, %and3A_344 : vector<16xi32>
          %add3A_346 = arith.addi %add3A_161, %and3A_345 : vector<16xi32>
          %gather3A_347 = tpu.vector_load_idx %arg8[%add3A_346] : memref<2048xi32, #tpu.memory_space<vmem>>[vector<16xi32>], vector<16xi32>,
          %gather3A_348 = tpu.vector_load_idx %arg9[%add3A_346] : memref<2048xf32, #tpu.memory_space<vmem>>[vector<16xi32>], vector<16xf32>,
          %sub3A_349 = vector.broadcast %mul3A_2 : i32 to vector<16xi32>
          %sub3A_350 = arith.subi %gather3A_347, %sub3A_349 : vector<16xi32>
          %bitcast3A_351 = vector.bitcast %sub3A_350 : vector<16xi32> to vector<16xi32>
          %lt3A_352 = arith.constant 2048 : i32
          %lt3A_353 = vector.broadcast %lt3A_352 : i32 to vector<16xi32>
          %lt3A_354 = arith.cmpi ult, %bitcast3A_351, %lt3A_353 : vector<16xi32>
          %ge3A_355 = vector.broadcast %add3A_155 : i32 to vector<16xi32>
          %ge3A_356 = arith.cmpi sge, %add3A_346, %ge3A_355 : vector<16xi32>
          %and3A_357 = arith.andi %lt3A_354, %ge3A_356 : vector<16xi1>
          %shift_right_arithmetic3A_358 = arith.constant 7 : i32
          %shift_right_arithmetic3A_359 = vector.broadcast %shift_right_arithmetic3A_358 : i32 to vector<16xi32>
          %shift_right_arithmetic3A_360 = arith.shrsi %sub3A_350, %shift_right_arithmetic3A_359 : vector<16xi32>
          %mul3A_361 = arith.constant 384 : i32
          %mul3A_362 = vector.broadcast %mul3A_361 : i32 to vector<16xi32>
          %mul3A_363 = arith.muli %shift_right_arithmetic3A_360, %mul3A_362 : vector<16xi32>
          %and3A_364 = arith.constant 127 : i32
          %and3A_365 = vector.broadcast %and3A_364 : i32 to vector<16xi32>
          %and3A_366 = arith.andi %sub3A_350, %and3A_365 : vector<16xi32>
          %add3A_367 = arith.addi %mul3A_363, %and3A_366 : vector<16xi32>
          %shift_right_arithmetic3A_368 = arith.constant 7 : i32
          %shift_right_arithmetic3A_369 = vector.broadcast %shift_right_arithmetic3A_368 : i32 to vector<16xi32>
          %shift_right_arithmetic3A_370 = arith.shrsi %add3A_346, %shift_right_arithmetic3A_369 : vector<16xi32>
          %mul3A_371 = arith.constant 384 : i32
          %mul3A_372 = vector.broadcast %mul3A_371 : i32 to vector<16xi32>
          %mul3A_373 = arith.muli %shift_right_arithmetic3A_370, %mul3A_372 : vector<16xi32>
          %and3A_374 = arith.constant 127 : i32
          %and3A_375 = vector.broadcast %and3A_374 : i32 to vector<16xi32>
          %and3A_376 = arith.andi %add3A_346, %and3A_375 : vector<16xi32>
          %add3A_377 = arith.addi %mul3A_373, %and3A_376 : vector<16xi32>
          %gather3A_378 = tpu.vector_load_idx %arg10[%add3A_377] : memref<6144xf32, #tpu.memory_space<vmem>>[vector<16xi32>], vector<16xf32>,
          %mul3A_379 = arith.mulf %gather3A_378, %gather3A_348 : vector<16xf32>
          tpu.vector_store_idx %arg11[%add3A_367], %mul3A_379 masked %and3A_357 {add = true} : memref<6144xf32, #tpu.memory_space<vmem>>[vector<16xi32>], vector<16xf32>, vector<16xi1>
          %add3A_380 = arith.constant 128 : i32
          %add3A_381 = vector.broadcast %add3A_380 : i32 to vector<16xi32>
          %add3A_382 = arith.addi %add3A_377, %add3A_381 : vector<16xi32>
          %gather3A_383 = tpu.vector_load_idx %arg10[%add3A_382] : memref<6144xf32, #tpu.memory_space<vmem>>[vector<16xi32>], vector<16xf32>,
          %add3A_384 = arith.constant 128 : i32
          %add3A_385 = vector.broadcast %add3A_384 : i32 to vector<16xi32>
          %add3A_386 = arith.addi %add3A_367, %add3A_385 : vector<16xi32>
          %mul3A_387 = arith.mulf %gather3A_383, %gather3A_348 : vector<16xf32>
          tpu.vector_store_idx %arg11[%add3A_386], %mul3A_387 masked %and3A_357 {add = true} : memref<6144xf32, #tpu.memory_space<vmem>>[vector<16xi32>], vector<16xf32>, vector<16xi1>
          %add3A_388 = arith.constant 256 : i32
          %add3A_389 = vector.broadcast %add3A_388 : i32 to vector<16xi32>
          %add3A_390 = arith.addi %add3A_377, %add3A_389 : vector<16xi32>
          %gather3A_391 = tpu.vector_load_idx %arg10[%add3A_390] : memref<6144xf32, #tpu.memory_space<vmem>>[vector<16xi32>], vector<16xf32>,
          %add3A_392 = arith.constant 256 : i32
          %add3A_393 = vector.broadcast %add3A_392 : i32 to vector<16xi32>
          %add3A_394 = arith.addi %add3A_367, %add3A_393 : vector<16xi32>
          %mul3A_395 = arith.mulf %gather3A_391, %gather3A_348 : vector<16xf32>
          tpu.vector_store_idx %arg11[%add3A_394], %mul3A_395 masked %and3A_357 {add = true} : memref<6144xf32, #tpu.memory_space<vmem>>[vector<16xi32>], vector<16xf32>, vector<16xi1>
          %scan3A_396 = arith.constant 0 : i32
          %scan3A_397 = arith.constant 4 : i32
          %scan3A_398 = arith.addi %scan3A_169, %scan3A_397 : i32
          %add3A_399 = vector.broadcast %scan3A_398 : i32 to vector<16xi32>
          %add3A_400 = arith.addi %iota3A, %add3A_399 : vector<16xi32>
          %and3A_401 = arith.constant 63 : i32
          %and3A_402 = vector.broadcast %and3A_401 : i32 to vector<16xi32>
          %and3A_403 = arith.andi %add3A_400, %and3A_402 : vector<16xi32>
          %add3A_404 = arith.addi %add3A_161, %and3A_403 : vector<16xi32>
          %gather3A_405 = tpu.vector_load_idx %arg8[%add3A_404] : memref<2048xi32, #tpu.memory_space<vmem>>[vector<16xi32>], vector<16xi32>,
          %gather3A_406 = tpu.vector_load_idx %arg9[%add3A_404] : memref<2048xf32, #tpu.memory_space<vmem>>[vector<16xi32>], vector<16xf32>,
          %sub3A_407 = vector.broadcast %mul3A_2 : i32 to vector<16xi32>
          %sub3A_408 = arith.subi %gather3A_405, %sub3A_407 : vector<16xi32>
          %bitcast3A_409 = vector.bitcast %sub3A_408 : vector<16xi32> to vector<16xi32>
          %lt3A_410 = arith.constant 2048 : i32
          %lt3A_411 = vector.broadcast %lt3A_410 : i32 to vector<16xi32>
          %lt3A_412 = arith.cmpi ult, %bitcast3A_409, %lt3A_411 : vector<16xi32>
          %ge3A_413 = vector.broadcast %add3A_155 : i32 to vector<16xi32>
          %ge3A_414 = arith.cmpi sge, %add3A_404, %ge3A_413 : vector<16xi32>
          %and3A_415 = arith.andi %lt3A_412, %ge3A_414 : vector<16xi1>
          %shift_right_arithmetic3A_416 = arith.constant 7 : i32
          %shift_right_arithmetic3A_417 = vector.broadcast %shift_right_arithmetic3A_416 : i32 to vector<16xi32>
          %shift_right_arithmetic3A_418 = arith.shrsi %sub3A_408, %shift_right_arithmetic3A_417 : vector<16xi32>
          %mul3A_419 = arith.constant 384 : i32
          %mul3A_420 = vector.broadcast %mul3A_419 : i32 to vector<16xi32>
          %mul3A_421 = arith.muli %shift_right_arithmetic3A_418, %mul3A_420 : vector<16xi32>
          %and3A_422 = arith.constant 127 : i32
          %and3A_423 = vector.broadcast %and3A_422 : i32 to vector<16xi32>
          %and3A_424 = arith.andi %sub3A_408, %and3A_423 : vector<16xi32>
          %add3A_425 = arith.addi %mul3A_421, %and3A_424 : vector<16xi32>
          %shift_right_arithmetic3A_426 = arith.constant 7 : i32
          %shift_right_arithmetic3A_427 = vector.broadcast %shift_right_arithmetic3A_426 : i32 to vector<16xi32>
          %shift_right_arithmetic3A_428 = arith.shrsi %add3A_404, %shift_right_arithmetic3A_427 : vector<16xi32>
          %mul3A_429 = arith.constant 384 : i32
          %mul3A_430 = vector.broadcast %mul3A_429 : i32 to vector<16xi32>
          %mul3A_431 = arith.muli %shift_right_arithmetic3A_428, %mul3A_430 : vector<16xi32>
          %and3A_432 = arith.constant 127 : i32
          %and3A_433 = vector.broadcast %and3A_432 : i32 to vector<16xi32>
          %and3A_434 = arith.andi %add3A_404, %and3A_433 : vector<16xi32>
          %add3A_435 = arith.addi %mul3A_431, %and3A_434 : vector<16xi32>
          %gather3A_436 = tpu.vector_load_idx %arg10[%add3A_435] : memref<6144xf32, #tpu.memory_space<vmem>>[vector<16xi32>], vector<16xf32>,
          %mul3A_437 = arith.mulf %gather3A_436, %gather3A_406 : vector<16xf32>
          tpu.vector_store_idx %arg11[%add3A_425], %mul3A_437 masked %and3A_415 {add = true} : memref<6144xf32, #tpu.memory_space<vmem>>[vector<16xi32>], vector<16xf32>, vector<16xi1>
          %add3A_438 = arith.constant 128 : i32
          %add3A_439 = vector.broadcast %add3A_438 : i32 to vector<16xi32>
          %add3A_440 = arith.addi %add3A_435, %add3A_439 : vector<16xi32>
          %gather3A_441 = tpu.vector_load_idx %arg10[%add3A_440] : memref<6144xf32, #tpu.memory_space<vmem>>[vector<16xi32>], vector<16xf32>,
          %add3A_442 = arith.constant 128 : i32
          %add3A_443 = vector.broadcast %add3A_442 : i32 to vector<16xi32>
          %add3A_444 = arith.addi %add3A_425, %add3A_443 : vector<16xi32>
          %mul3A_445 = arith.mulf %gather3A_441, %gather3A_406 : vector<16xf32>
          tpu.vector_store_idx %arg11[%add3A_444], %mul3A_445 masked %and3A_415 {add = true} : memref<6144xf32, #tpu.memory_space<vmem>>[vector<16xi32>], vector<16xf32>, vector<16xi1>
          %add3A_446 = arith.constant 256 : i32
          %add3A_447 = vector.broadcast %add3A_446 : i32 to vector<16xi32>
          %add3A_448 = arith.addi %add3A_435, %add3A_447 : vector<16xi32>
          %gather3A_449 = tpu.vector_load_idx %arg10[%add3A_448] : memref<6144xf32, #tpu.memory_space<vmem>>[vector<16xi32>], vector<16xf32>,
          %add3A_450 = arith.constant 256 : i32
          %add3A_451 = vector.broadcast %add3A_450 : i32 to vector<16xi32>
          %add3A_452 = arith.addi %add3A_425, %add3A_451 : vector<16xi32>
          %mul3A_453 = arith.mulf %gather3A_449, %gather3A_406 : vector<16xf32>
          tpu.vector_store_idx %arg11[%add3A_452], %mul3A_453 masked %and3A_415 {add = true} : memref<6144xf32, #tpu.memory_space<vmem>>[vector<16xi32>], vector<16xf32>, vector<16xi1>
          %scan3A_454 = arith.constant 0 : i32
          %scan3A_455 = arith.constant 5 : i32
          %scan3A_456 = arith.addi %scan3A_169, %scan3A_455 : i32
          %add3A_457 = vector.broadcast %scan3A_456 : i32 to vector<16xi32>
          %add3A_458 = arith.addi %iota3A, %add3A_457 : vector<16xi32>
          %and3A_459 = arith.constant 63 : i32
          %and3A_460 = vector.broadcast %and3A_459 : i32 to vector<16xi32>
          %and3A_461 = arith.andi %add3A_458, %and3A_460 : vector<16xi32>
          %add3A_462 = arith.addi %add3A_161, %and3A_461 : vector<16xi32>
          %gather3A_463 = tpu.vector_load_idx %arg8[%add3A_462] : memref<2048xi32, #tpu.memory_space<vmem>>[vector<16xi32>], vector<16xi32>,
          %gather3A_464 = tpu.vector_load_idx %arg9[%add3A_462] : memref<2048xf32, #tpu.memory_space<vmem>>[vector<16xi32>], vector<16xf32>,
          %sub3A_465 = vector.broadcast %mul3A_2 : i32 to vector<16xi32>
          %sub3A_466 = arith.subi %gather3A_463, %sub3A_465 : vector<16xi32>
          %bitcast3A_467 = vector.bitcast %sub3A_466 : vector<16xi32> to vector<16xi32>
          %lt3A_468 = arith.constant 2048 : i32
          %lt3A_469 = vector.broadcast %lt3A_468 : i32 to vector<16xi32>
          %lt3A_470 = arith.cmpi ult, %bitcast3A_467, %lt3A_469 : vector<16xi32>
          %ge3A_471 = vector.broadcast %add3A_155 : i32 to vector<16xi32>
          %ge3A_472 = arith.cmpi sge, %add3A_462, %ge3A_471 : vector<16xi32>
          %and3A_473 = arith.andi %lt3A_470, %ge3A_472 : vector<16xi1>
          %shift_right_arithmetic3A_474 = arith.constant 7 : i32
          %shift_right_arithmetic3A_475 = vector.broadcast %shift_right_arithmetic3A_474 : i32 to vector<16xi32>
          %shift_right_arithmetic3A_476 = arith.shrsi %sub3A_466, %shift_right_arithmetic3A_475 : vector<16xi32>
          %mul3A_477 = arith.constant 384 : i32
          %mul3A_478 = vector.broadcast %mul3A_477 : i32 to vector<16xi32>
          %mul3A_479 = arith.muli %shift_right_arithmetic3A_476, %mul3A_478 : vector<16xi32>
          %and3A_480 = arith.constant 127 : i32
          %and3A_481 = vector.broadcast %and3A_480 : i32 to vector<16xi32>
          %and3A_482 = arith.andi %sub3A_466, %and3A_481 : vector<16xi32>
          %add3A_483 = arith.addi %mul3A_479, %and3A_482 : vector<16xi32>
          %shift_right_arithmetic3A_484 = arith.constant 7 : i32
          %shift_right_arithmetic3A_485 = vector.broadcast %shift_right_arithmetic3A_484 : i32 to vector<16xi32>
          %shift_right_arithmetic3A_486 = arith.shrsi %add3A_462, %shift_right_arithmetic3A_485 : vector<16xi32>
          %mul3A_487 = arith.constant 384 : i32
          %mul3A_488 = vector.broadcast %mul3A_487 : i32 to vector<16xi32>
          %mul3A_489 = arith.muli %shift_right_arithmetic3A_486, %mul3A_488 : vector<16xi32>
          %and3A_490 = arith.constant 127 : i32
          %and3A_491 = vector.broadcast %and3A_490 : i32 to vector<16xi32>
          %and3A_492 = arith.andi %add3A_462, %and3A_491 : vector<16xi32>
          %add3A_493 = arith.addi %mul3A_489, %and3A_492 : vector<16xi32>
          %gather3A_494 = tpu.vector_load_idx %arg10[%add3A_493] : memref<6144xf32, #tpu.memory_space<vmem>>[vector<16xi32>], vector<16xf32>,
          %mul3A_495 = arith.mulf %gather3A_494, %gather3A_464 : vector<16xf32>
          tpu.vector_store_idx %arg11[%add3A_483], %mul3A_495 masked %and3A_473 {add = true} : memref<6144xf32, #tpu.memory_space<vmem>>[vector<16xi32>], vector<16xf32>, vector<16xi1>
          %add3A_496 = arith.constant 128 : i32
          %add3A_497 = vector.broadcast %add3A_496 : i32 to vector<16xi32>
          %add3A_498 = arith.addi %add3A_493, %add3A_497 : vector<16xi32>
          %gather3A_499 = tpu.vector_load_idx %arg10[%add3A_498] : memref<6144xf32, #tpu.memory_space<vmem>>[vector<16xi32>], vector<16xf32>,
          %add3A_500 = arith.constant 128 : i32
          %add3A_501 = vector.broadcast %add3A_500 : i32 to vector<16xi32>
          %add3A_502 = arith.addi %add3A_483, %add3A_501 : vector<16xi32>
          %mul3A_503 = arith.mulf %gather3A_499, %gather3A_464 : vector<16xf32>
          tpu.vector_store_idx %arg11[%add3A_502], %mul3A_503 masked %and3A_473 {add = true} : memref<6144xf32, #tpu.memory_space<vmem>>[vector<16xi32>], vector<16xf32>, vector<16xi1>
          %add3A_504 = arith.constant 256 : i32
          %add3A_505 = vector.broadcast %add3A_504 : i32 to vector<16xi32>
          %add3A_506 = arith.addi %add3A_493, %add3A_505 : vector<16xi32>
          %gather3A_507 = tpu.vector_load_idx %arg10[%add3A_506] : memref<6144xf32, #tpu.memory_space<vmem>>[vector<16xi32>], vector<16xf32>,
          %add3A_508 = arith.constant 256 : i32
          %add3A_509 = vector.broadcast %add3A_508 : i32 to vector<16xi32>
          %add3A_510 = arith.addi %add3A_483, %add3A_509 : vector<16xi32>
          %mul3A_511 = arith.mulf %gather3A_507, %gather3A_464 : vector<16xf32>
          tpu.vector_store_idx %arg11[%add3A_510], %mul3A_511 masked %and3A_473 {add = true} : memref<6144xf32, #tpu.memory_space<vmem>>[vector<16xi32>], vector<16xf32>, vector<16xi1>
          %scan3A_512 = arith.constant 0 : i32
          %scan3A_513 = arith.constant 6 : i32
          %scan3A_514 = arith.addi %scan3A_169, %scan3A_513 : i32
          %add3A_515 = vector.broadcast %scan3A_514 : i32 to vector<16xi32>
          %add3A_516 = arith.addi %iota3A, %add3A_515 : vector<16xi32>
          %and3A_517 = arith.constant 63 : i32
          %and3A_518 = vector.broadcast %and3A_517 : i32 to vector<16xi32>
          %and3A_519 = arith.andi %add3A_516, %and3A_518 : vector<16xi32>
          %add3A_520 = arith.addi %add3A_161, %and3A_519 : vector<16xi32>
          %gather3A_521 = tpu.vector_load_idx %arg8[%add3A_520] : memref<2048xi32, #tpu.memory_space<vmem>>[vector<16xi32>], vector<16xi32>,
          %gather3A_522 = tpu.vector_load_idx %arg9[%add3A_520] : memref<2048xf32, #tpu.memory_space<vmem>>[vector<16xi32>], vector<16xf32>,
          %sub3A_523 = vector.broadcast %mul3A_2 : i32 to vector<16xi32>
          %sub3A_524 = arith.subi %gather3A_521, %sub3A_523 : vector<16xi32>
          %bitcast3A_525 = vector.bitcast %sub3A_524 : vector<16xi32> to vector<16xi32>
          %lt3A_526 = arith.constant 2048 : i32
          %lt3A_527 = vector.broadcast %lt3A_526 : i32 to vector<16xi32>
          %lt3A_528 = arith.cmpi ult, %bitcast3A_525, %lt3A_527 : vector<16xi32>
          %ge3A_529 = vector.broadcast %add3A_155 : i32 to vector<16xi32>
          %ge3A_530 = arith.cmpi sge, %add3A_520, %ge3A_529 : vector<16xi32>
          %and3A_531 = arith.andi %lt3A_528, %ge3A_530 : vector<16xi1>
          %shift_right_arithmetic3A_532 = arith.constant 7 : i32
          %shift_right_arithmetic3A_533 = vector.broadcast %shift_right_arithmetic3A_532 : i32 to vector<16xi32>
          %shift_right_arithmetic3A_534 = arith.shrsi %sub3A_524, %shift_right_arithmetic3A_533 : vector<16xi32>
          %mul3A_535 = arith.constant 384 : i32
          %mul3A_536 = vector.broadcast %mul3A_535 : i32 to vector<16xi32>
          %mul3A_537 = arith.muli %shift_right_arithmetic3A_534, %mul3A_536 : vector<16xi32>
          %and3A_538 = arith.constant 127 : i32
          %and3A_539 = vector.broadcast %and3A_538 : i32 to vector<16xi32>
          %and3A_540 = arith.andi %sub3A_524, %and3A_539 : vector<16xi32>
          %add3A_541 = arith.addi %mul3A_537, %and3A_540 : vector<16xi32>
          %shift_right_arithmetic3A_542 = arith.constant 7 : i32
          %shift_right_arithmetic3A_543 = vector.broadcast %shift_right_arithmetic3A_542 : i32 to vector<16xi32>
          %shift_right_arithmetic3A_544 = arith.shrsi %add3A_520, %shift_right_arithmetic3A_543 : vector<16xi32>
          %mul3A_545 = arith.constant 384 : i32
          %mul3A_546 = vector.broadcast %mul3A_545 : i32 to vector<16xi32>
          %mul3A_547 = arith.muli %shift_right_arithmetic3A_544, %mul3A_546 : vector<16xi32>
          %and3A_548 = arith.constant 127 : i32
          %and3A_549 = vector.broadcast %and3A_548 : i32 to vector<16xi32>
          %and3A_550 = arith.andi %add3A_520, %and3A_549 : vector<16xi32>
          %add3A_551 = arith.addi %mul3A_547, %and3A_550 : vector<16xi32>
          %gather3A_552 = tpu.vector_load_idx %arg10[%add3A_551] : memref<6144xf32, #tpu.memory_space<vmem>>[vector<16xi32>], vector<16xf32>,
          %mul3A_553 = arith.mulf %gather3A_552, %gather3A_522 : vector<16xf32>
          tpu.vector_store_idx %arg11[%add3A_541], %mul3A_553 masked %and3A_531 {add = true} : memref<6144xf32, #tpu.memory_space<vmem>>[vector<16xi32>], vector<16xf32>, vector<16xi1>
          %add3A_554 = arith.constant 128 : i32
          %add3A_555 = vector.broadcast %add3A_554 : i32 to vector<16xi32>
          %add3A_556 = arith.addi %add3A_551, %add3A_555 : vector<16xi32>
          %gather3A_557 = tpu.vector_load_idx %arg10[%add3A_556] : memref<6144xf32, #tpu.memory_space<vmem>>[vector<16xi32>], vector<16xf32>,
          %add3A_558 = arith.constant 128 : i32
          %add3A_559 = vector.broadcast %add3A_558 : i32 to vector<16xi32>
          %add3A_560 = arith.addi %add3A_541, %add3A_559 : vector<16xi32>
          %mul3A_561 = arith.mulf %gather3A_557, %gather3A_522 : vector<16xf32>
          tpu.vector_store_idx %arg11[%add3A_560], %mul3A_561 masked %and3A_531 {add = true} : memref<6144xf32, #tpu.memory_space<vmem>>[vector<16xi32>], vector<16xf32>, vector<16xi1>
          %add3A_562 = arith.constant 256 : i32
          %add3A_563 = vector.broadcast %add3A_562 : i32 to vector<16xi32>
          %add3A_564 = arith.addi %add3A_551, %add3A_563 : vector<16xi32>
          %gather3A_565 = tpu.vector_load_idx %arg10[%add3A_564] : memref<6144xf32, #tpu.memory_space<vmem>>[vector<16xi32>], vector<16xf32>,
          %add3A_566 = arith.constant 256 : i32
          %add3A_567 = vector.broadcast %add3A_566 : i32 to vector<16xi32>
          %add3A_568 = arith.addi %add3A_541, %add3A_567 : vector<16xi32>
          %mul3A_569 = arith.mulf %gather3A_565, %gather3A_522 : vector<16xf32>
          tpu.vector_store_idx %arg11[%add3A_568], %mul3A_569 masked %and3A_531 {add = true} : memref<6144xf32, #tpu.memory_space<vmem>>[vector<16xi32>], vector<16xf32>, vector<16xi1>
          %scan3A_570 = arith.constant 0 : i32
          %scan3A_571 = arith.constant 7 : i32
          %scan3A_572 = arith.addi %scan3A_169, %scan3A_571 : i32
          %add3A_573 = vector.broadcast %scan3A_572 : i32 to vector<16xi32>
          %add3A_574 = arith.addi %iota3A, %add3A_573 : vector<16xi32>
          %and3A_575 = arith.constant 63 : i32
          %and3A_576 = vector.broadcast %and3A_575 : i32 to vector<16xi32>
          %and3A_577 = arith.andi %add3A_574, %and3A_576 : vector<16xi32>
          %add3A_578 = arith.addi %add3A_161, %and3A_577 : vector<16xi32>
          %gather3A_579 = tpu.vector_load_idx %arg8[%add3A_578] : memref<2048xi32, #tpu.memory_space<vmem>>[vector<16xi32>], vector<16xi32>,
          %gather3A_580 = tpu.vector_load_idx %arg9[%add3A_578] : memref<2048xf32, #tpu.memory_space<vmem>>[vector<16xi32>], vector<16xf32>,
          %sub3A_581 = vector.broadcast %mul3A_2 : i32 to vector<16xi32>
          %sub3A_582 = arith.subi %gather3A_579, %sub3A_581 : vector<16xi32>
          %bitcast3A_583 = vector.bitcast %sub3A_582 : vector<16xi32> to vector<16xi32>
          %lt3A_584 = arith.constant 2048 : i32
          %lt3A_585 = vector.broadcast %lt3A_584 : i32 to vector<16xi32>
          %lt3A_586 = arith.cmpi ult, %bitcast3A_583, %lt3A_585 : vector<16xi32>
          %ge3A_587 = vector.broadcast %add3A_155 : i32 to vector<16xi32>
          %ge3A_588 = arith.cmpi sge, %add3A_578, %ge3A_587 : vector<16xi32>
          %and3A_589 = arith.andi %lt3A_586, %ge3A_588 : vector<16xi1>
          %shift_right_arithmetic3A_590 = arith.constant 7 : i32
          %shift_right_arithmetic3A_591 = vector.broadcast %shift_right_arithmetic3A_590 : i32 to vector<16xi32>
          %shift_right_arithmetic3A_592 = arith.shrsi %sub3A_582, %shift_right_arithmetic3A_591 : vector<16xi32>
          %mul3A_593 = arith.constant 384 : i32
          %mul3A_594 = vector.broadcast %mul3A_593 : i32 to vector<16xi32>
          %mul3A_595 = arith.muli %shift_right_arithmetic3A_592, %mul3A_594 : vector<16xi32>
          %and3A_596 = arith.constant 127 : i32
          %and3A_597 = vector.broadcast %and3A_596 : i32 to vector<16xi32>
          %and3A_598 = arith.andi %sub3A_582, %and3A_597 : vector<16xi32>
          %add3A_599 = arith.addi %mul3A_595, %and3A_598 : vector<16xi32>
          %shift_right_arithmetic3A_600 = arith.constant 7 : i32
          %shift_right_arithmetic3A_601 = vector.broadcast %shift_right_arithmetic3A_600 : i32 to vector<16xi32>
          %shift_right_arithmetic3A_602 = arith.shrsi %add3A_578, %shift_right_arithmetic3A_601 : vector<16xi32>
          %mul3A_603 = arith.constant 384 : i32
          %mul3A_604 = vector.broadcast %mul3A_603 : i32 to vector<16xi32>
          %mul3A_605 = arith.muli %shift_right_arithmetic3A_602, %mul3A_604 : vector<16xi32>
          %and3A_606 = arith.constant 127 : i32
          %and3A_607 = vector.broadcast %and3A_606 : i32 to vector<16xi32>
          %and3A_608 = arith.andi %add3A_578, %and3A_607 : vector<16xi32>
          %add3A_609 = arith.addi %mul3A_605, %and3A_608 : vector<16xi32>
          %gather3A_610 = tpu.vector_load_idx %arg10[%add3A_609] : memref<6144xf32, #tpu.memory_space<vmem>>[vector<16xi32>], vector<16xf32>,
          %mul3A_611 = arith.mulf %gather3A_610, %gather3A_580 : vector<16xf32>
          tpu.vector_store_idx %arg11[%add3A_599], %mul3A_611 masked %and3A_589 {add = true} : memref<6144xf32, #tpu.memory_space<vmem>>[vector<16xi32>], vector<16xf32>, vector<16xi1>
          %add3A_612 = arith.constant 128 : i32
          %add3A_613 = vector.broadcast %add3A_612 : i32 to vector<16xi32>
          %add3A_614 = arith.addi %add3A_609, %add3A_613 : vector<16xi32>
          %gather3A_615 = tpu.vector_load_idx %arg10[%add3A_614] : memref<6144xf32, #tpu.memory_space<vmem>>[vector<16xi32>], vector<16xf32>,
          %add3A_616 = arith.constant 128 : i32
          %add3A_617 = vector.broadcast %add3A_616 : i32 to vector<16xi32>
          %add3A_618 = arith.addi %add3A_599, %add3A_617 : vector<16xi32>
          %mul3A_619 = arith.mulf %gather3A_615, %gather3A_580 : vector<16xf32>
          tpu.vector_store_idx %arg11[%add3A_618], %mul3A_619 masked %and3A_589 {add = true} : memref<6144xf32, #tpu.memory_space<vmem>>[vector<16xi32>], vector<16xf32>, vector<16xi1>
          %add3A_620 = arith.constant 256 : i32
          %add3A_621 = vector.broadcast %add3A_620 : i32 to vector<16xi32>
          %add3A_622 = arith.addi %add3A_609, %add3A_621 : vector<16xi32>
          %gather3A_623 = tpu.vector_load_idx %arg10[%add3A_622] : memref<6144xf32, #tpu.memory_space<vmem>>[vector<16xi32>], vector<16xf32>,
          %add3A_624 = arith.constant 256 : i32
          %add3A_625 = vector.broadcast %add3A_624 : i32 to vector<16xi32>
          %add3A_626 = arith.addi %add3A_599, %add3A_625 : vector<16xi32>
          %mul3A_627 = arith.mulf %gather3A_623, %gather3A_580 : vector<16xf32>
          tpu.vector_store_idx %arg11[%add3A_626], %mul3A_627 masked %and3A_589 {add = true} : memref<6144xf32, #tpu.memory_space<vmem>>[vector<16xi32>], vector<16xf32>, vector<16xi1>
          %scan3A_628 = arith.constant 0 : i32
          %scan3A_629 = arith.constant 8 : i32
          %scan3A_630 = arith.addi %scan3A_169, %scan3A_629 : i32
          %add3A_631 = vector.broadcast %scan3A_630 : i32 to vector<16xi32>
          %add3A_632 = arith.addi %iota3A, %add3A_631 : vector<16xi32>
          %and3A_633 = arith.constant 63 : i32
          %and3A_634 = vector.broadcast %and3A_633 : i32 to vector<16xi32>
          %and3A_635 = arith.andi %add3A_632, %and3A_634 : vector<16xi32>
          %add3A_636 = arith.addi %add3A_161, %and3A_635 : vector<16xi32>
          %gather3A_637 = tpu.vector_load_idx %arg8[%add3A_636] : memref<2048xi32, #tpu.memory_space<vmem>>[vector<16xi32>], vector<16xi32>,
          %gather3A_638 = tpu.vector_load_idx %arg9[%add3A_636] : memref<2048xf32, #tpu.memory_space<vmem>>[vector<16xi32>], vector<16xf32>,
          %sub3A_639 = vector.broadcast %mul3A_2 : i32 to vector<16xi32>
          %sub3A_640 = arith.subi %gather3A_637, %sub3A_639 : vector<16xi32>
          %bitcast3A_641 = vector.bitcast %sub3A_640 : vector<16xi32> to vector<16xi32>
          %lt3A_642 = arith.constant 2048 : i32
          %lt3A_643 = vector.broadcast %lt3A_642 : i32 to vector<16xi32>
          %lt3A_644 = arith.cmpi ult, %bitcast3A_641, %lt3A_643 : vector<16xi32>
          %ge3A_645 = vector.broadcast %add3A_155 : i32 to vector<16xi32>
          %ge3A_646 = arith.cmpi sge, %add3A_636, %ge3A_645 : vector<16xi32>
          %and3A_647 = arith.andi %lt3A_644, %ge3A_646 : vector<16xi1>
          %shift_right_arithmetic3A_648 = arith.constant 7 : i32
          %shift_right_arithmetic3A_649 = vector.broadcast %shift_right_arithmetic3A_648 : i32 to vector<16xi32>
          %shift_right_arithmetic3A_650 = arith.shrsi %sub3A_640, %shift_right_arithmetic3A_649 : vector<16xi32>
          %mul3A_651 = arith.constant 384 : i32
          %mul3A_652 = vector.broadcast %mul3A_651 : i32 to vector<16xi32>
          %mul3A_653 = arith.muli %shift_right_arithmetic3A_650, %mul3A_652 : vector<16xi32>
          %and3A_654 = arith.constant 127 : i32
          %and3A_655 = vector.broadcast %and3A_654 : i32 to vector<16xi32>
          %and3A_656 = arith.andi %sub3A_640, %and3A_655 : vector<16xi32>
          %add3A_657 = arith.addi %mul3A_653, %and3A_656 : vector<16xi32>
          %shift_right_arithmetic3A_658 = arith.constant 7 : i32
          %shift_right_arithmetic3A_659 = vector.broadcast %shift_right_arithmetic3A_658 : i32 to vector<16xi32>
          %shift_right_arithmetic3A_660 = arith.shrsi %add3A_636, %shift_right_arithmetic3A_659 : vector<16xi32>
          %mul3A_661 = arith.constant 384 : i32
          %mul3A_662 = vector.broadcast %mul3A_661 : i32 to vector<16xi32>
          %mul3A_663 = arith.muli %shift_right_arithmetic3A_660, %mul3A_662 : vector<16xi32>
          %and3A_664 = arith.constant 127 : i32
          %and3A_665 = vector.broadcast %and3A_664 : i32 to vector<16xi32>
          %and3A_666 = arith.andi %add3A_636, %and3A_665 : vector<16xi32>
          %add3A_667 = arith.addi %mul3A_663, %and3A_666 : vector<16xi32>
          %gather3A_668 = tpu.vector_load_idx %arg10[%add3A_667] : memref<6144xf32, #tpu.memory_space<vmem>>[vector<16xi32>], vector<16xf32>,
          %mul3A_669 = arith.mulf %gather3A_668, %gather3A_638 : vector<16xf32>
          tpu.vector_store_idx %arg11[%add3A_657], %mul3A_669 masked %and3A_647 {add = true} : memref<6144xf32, #tpu.memory_space<vmem>>[vector<16xi32>], vector<16xf32>, vector<16xi1>
          %add3A_670 = arith.constant 128 : i32
          %add3A_671 = vector.broadcast %add3A_670 : i32 to vector<16xi32>
          %add3A_672 = arith.addi %add3A_667, %add3A_671 : vector<16xi32>
          %gather3A_673 = tpu.vector_load_idx %arg10[%add3A_672] : memref<6144xf32, #tpu.memory_space<vmem>>[vector<16xi32>], vector<16xf32>,
          %add3A_674 = arith.constant 128 : i32
          %add3A_675 = vector.broadcast %add3A_674 : i32 to vector<16xi32>
          %add3A_676 = arith.addi %add3A_657, %add3A_675 : vector<16xi32>
          %mul3A_677 = arith.mulf %gather3A_673, %gather3A_638 : vector<16xf32>
          tpu.vector_store_idx %arg11[%add3A_676], %mul3A_677 masked %and3A_647 {add = true} : memref<6144xf32, #tpu.memory_space<vmem>>[vector<16xi32>], vector<16xf32>, vector<16xi1>
          %add3A_678 = arith.constant 256 : i32
          %add3A_679 = vector.broadcast %add3A_678 : i32 to vector<16xi32>
          %add3A_680 = arith.addi %add3A_667, %add3A_679 : vector<16xi32>
          %gather3A_681 = tpu.vector_load_idx %arg10[%add3A_680] : memref<6144xf32, #tpu.memory_space<vmem>>[vector<16xi32>], vector<16xf32>,
          %add3A_682 = arith.constant 256 : i32
          %add3A_683 = vector.broadcast %add3A_682 : i32 to vector<16xi32>
          %add3A_684 = arith.addi %add3A_657, %add3A_683 : vector<16xi32>
          %mul3A_685 = arith.mulf %gather3A_681, %gather3A_638 : vector<16xf32>
          tpu.vector_store_idx %arg11[%add3A_684], %mul3A_685 masked %and3A_647 {add = true} : memref<6144xf32, #tpu.memory_space<vmem>>[vector<16xi32>], vector<16xf32>, vector<16xi1>
          %scan3A_686 = arith.constant 0 : i32
          %scan3A_687 = arith.constant 9 : i32
          %scan3A_688 = arith.addi %scan3A_169, %scan3A_687 : i32
          %add3A_689 = vector.broadcast %scan3A_688 : i32 to vector<16xi32>
          %add3A_690 = arith.addi %iota3A, %add3A_689 : vector<16xi32>
          %and3A_691 = arith.constant 63 : i32
          %and3A_692 = vector.broadcast %and3A_691 : i32 to vector<16xi32>
          %and3A_693 = arith.andi %add3A_690, %and3A_692 : vector<16xi32>
          %add3A_694 = arith.addi %add3A_161, %and3A_693 : vector<16xi32>
          %gather3A_695 = tpu.vector_load_idx %arg8[%add3A_694] : memref<2048xi32, #tpu.memory_space<vmem>>[vector<16xi32>], vector<16xi32>,
          %gather3A_696 = tpu.vector_load_idx %arg9[%add3A_694] : memref<2048xf32, #tpu.memory_space<vmem>>[vector<16xi32>], vector<16xf32>,
          %sub3A_697 = vector.broadcast %mul3A_2 : i32 to vector<16xi32>
          %sub3A_698 = arith.subi %gather3A_695, %sub3A_697 : vector<16xi32>
          %bitcast3A_699 = vector.bitcast %sub3A_698 : vector<16xi32> to vector<16xi32>
          %lt3A_700 = arith.constant 2048 : i32
          %lt3A_701 = vector.broadcast %lt3A_700 : i32 to vector<16xi32>
          %lt3A_702 = arith.cmpi ult, %bitcast3A_699, %lt3A_701 : vector<16xi32>
          %ge3A_703 = vector.broadcast %add3A_155 : i32 to vector<16xi32>
          %ge3A_704 = arith.cmpi sge, %add3A_694, %ge3A_703 : vector<16xi32>
          %and3A_705 = arith.andi %lt3A_702, %ge3A_704 : vector<16xi1>
          %shift_right_arithmetic3A_706 = arith.constant 7 : i32
          %shift_right_arithmetic3A_707 = vector.broadcast %shift_right_arithmetic3A_706 : i32 to vector<16xi32>
          %shift_right_arithmetic3A_708 = arith.shrsi %sub3A_698, %shift_right_arithmetic3A_707 : vector<16xi32>
          %mul3A_709 = arith.constant 384 : i32
          %mul3A_710 = vector.broadcast %mul3A_709 : i32 to vector<16xi32>
          %mul3A_711 = arith.muli %shift_right_arithmetic3A_708, %mul3A_710 : vector<16xi32>
          %and3A_712 = arith.constant 127 : i32
          %and3A_713 = vector.broadcast %and3A_712 : i32 to vector<16xi32>
          %and3A_714 = arith.andi %sub3A_698, %and3A_713 : vector<16xi32>
          %add3A_715 = arith.addi %mul3A_711, %and3A_714 : vector<16xi32>
          %shift_right_arithmetic3A_716 = arith.constant 7 : i32
          %shift_right_arithmetic3A_717 = vector.broadcast %shift_right_arithmetic3A_716 : i32 to vector<16xi32>
          %shift_right_arithmetic3A_718 = arith.shrsi %add3A_694, %shift_right_arithmetic3A_717 : vector<16xi32>
          %mul3A_719 = arith.constant 384 : i32
          %mul3A_720 = vector.broadcast %mul3A_719 : i32 to vector<16xi32>
          %mul3A_721 = arith.muli %shift_right_arithmetic3A_718, %mul3A_720 : vector<16xi32>
          %and3A_722 = arith.constant 127 : i32
          %and3A_723 = vector.broadcast %and3A_722 : i32 to vector<16xi32>
          %and3A_724 = arith.andi %add3A_694, %and3A_723 : vector<16xi32>
          %add3A_725 = arith.addi %mul3A_721, %and3A_724 : vector<16xi32>
          %gather3A_726 = tpu.vector_load_idx %arg10[%add3A_725] : memref<6144xf32, #tpu.memory_space<vmem>>[vector<16xi32>], vector<16xf32>,
          %mul3A_727 = arith.mulf %gather3A_726, %gather3A_696 : vector<16xf32>
          tpu.vector_store_idx %arg11[%add3A_715], %mul3A_727 masked %and3A_705 {add = true} : memref<6144xf32, #tpu.memory_space<vmem>>[vector<16xi32>], vector<16xf32>, vector<16xi1>
          %add3A_728 = arith.constant 128 : i32
          %add3A_729 = vector.broadcast %add3A_728 : i32 to vector<16xi32>
          %add3A_730 = arith.addi %add3A_725, %add3A_729 : vector<16xi32>
          %gather3A_731 = tpu.vector_load_idx %arg10[%add3A_730] : memref<6144xf32, #tpu.memory_space<vmem>>[vector<16xi32>], vector<16xf32>,
          %add3A_732 = arith.constant 128 : i32
          %add3A_733 = vector.broadcast %add3A_732 : i32 to vector<16xi32>
          %add3A_734 = arith.addi %add3A_715, %add3A_733 : vector<16xi32>
          %mul3A_735 = arith.mulf %gather3A_731, %gather3A_696 : vector<16xf32>
          tpu.vector_store_idx %arg11[%add3A_734], %mul3A_735 masked %and3A_705 {add = true} : memref<6144xf32, #tpu.memory_space<vmem>>[vector<16xi32>], vector<16xf32>, vector<16xi1>
          %add3A_736 = arith.constant 256 : i32
          %add3A_737 = vector.broadcast %add3A_736 : i32 to vector<16xi32>
          %add3A_738 = arith.addi %add3A_725, %add3A_737 : vector<16xi32>
          %gather3A_739 = tpu.vector_load_idx %arg10[%add3A_738] : memref<6144xf32, #tpu.memory_space<vmem>>[vector<16xi32>], vector<16xf32>,
          %add3A_740 = arith.constant 256 : i32
          %add3A_741 = vector.broadcast %add3A_740 : i32 to vector<16xi32>
          %add3A_742 = arith.addi %add3A_715, %add3A_741 : vector<16xi32>
          %mul3A_743 = arith.mulf %gather3A_739, %gather3A_696 : vector<16xf32>
          tpu.vector_store_idx %arg11[%add3A_742], %mul3A_743 masked %and3A_705 {add = true} : memref<6144xf32, #tpu.memory_space<vmem>>[vector<16xi32>], vector<16xf32>, vector<16xi1>
          %scan3A_744 = arith.constant 0 : i32
          %scan3A_745 = arith.constant 10 : i32
          %scan3A_746 = arith.addi %scan3A_169, %scan3A_745 : i32
          %add3A_747 = vector.broadcast %scan3A_746 : i32 to vector<16xi32>
          %add3A_748 = arith.addi %iota3A, %add3A_747 : vector<16xi32>
          %and3A_749 = arith.constant 63 : i32
          %and3A_750 = vector.broadcast %and3A_749 : i32 to vector<16xi32>
          %and3A_751 = arith.andi %add3A_748, %and3A_750 : vector<16xi32>
          %add3A_752 = arith.addi %add3A_161, %and3A_751 : vector<16xi32>
          %gather3A_753 = tpu.vector_load_idx %arg8[%add3A_752] : memref<2048xi32, #tpu.memory_space<vmem>>[vector<16xi32>], vector<16xi32>,
          %gather3A_754 = tpu.vector_load_idx %arg9[%add3A_752] : memref<2048xf32, #tpu.memory_space<vmem>>[vector<16xi32>], vector<16xf32>,
          %sub3A_755 = vector.broadcast %mul3A_2 : i32 to vector<16xi32>
          %sub3A_756 = arith.subi %gather3A_753, %sub3A_755 : vector<16xi32>
          %bitcast3A_757 = vector.bitcast %sub3A_756 : vector<16xi32> to vector<16xi32>
          %lt3A_758 = arith.constant 2048 : i32
          %lt3A_759 = vector.broadcast %lt3A_758 : i32 to vector<16xi32>
          %lt3A_760 = arith.cmpi ult, %bitcast3A_757, %lt3A_759 : vector<16xi32>
          %ge3A_761 = vector.broadcast %add3A_155 : i32 to vector<16xi32>
          %ge3A_762 = arith.cmpi sge, %add3A_752, %ge3A_761 : vector<16xi32>
          %and3A_763 = arith.andi %lt3A_760, %ge3A_762 : vector<16xi1>
          %shift_right_arithmetic3A_764 = arith.constant 7 : i32
          %shift_right_arithmetic3A_765 = vector.broadcast %shift_right_arithmetic3A_764 : i32 to vector<16xi32>
          %shift_right_arithmetic3A_766 = arith.shrsi %sub3A_756, %shift_right_arithmetic3A_765 : vector<16xi32>
          %mul3A_767 = arith.constant 384 : i32
          %mul3A_768 = vector.broadcast %mul3A_767 : i32 to vector<16xi32>
          %mul3A_769 = arith.muli %shift_right_arithmetic3A_766, %mul3A_768 : vector<16xi32>
          %and3A_770 = arith.constant 127 : i32
          %and3A_771 = vector.broadcast %and3A_770 : i32 to vector<16xi32>
          %and3A_772 = arith.andi %sub3A_756, %and3A_771 : vector<16xi32>
          %add3A_773 = arith.addi %mul3A_769, %and3A_772 : vector<16xi32>
          %shift_right_arithmetic3A_774 = arith.constant 7 : i32
          %shift_right_arithmetic3A_775 = vector.broadcast %shift_right_arithmetic3A_774 : i32 to vector<16xi32>
          %shift_right_arithmetic3A_776 = arith.shrsi %add3A_752, %shift_right_arithmetic3A_775 : vector<16xi32>
          %mul3A_777 = arith.constant 384 : i32
          %mul3A_778 = vector.broadcast %mul3A_777 : i32 to vector<16xi32>
          %mul3A_779 = arith.muli %shift_right_arithmetic3A_776, %mul3A_778 : vector<16xi32>
          %and3A_780 = arith.constant 127 : i32
          %and3A_781 = vector.broadcast %and3A_780 : i32 to vector<16xi32>
          %and3A_782 = arith.andi %add3A_752, %and3A_781 : vector<16xi32>
          %add3A_783 = arith.addi %mul3A_779, %and3A_782 : vector<16xi32>
          %gather3A_784 = tpu.vector_load_idx %arg10[%add3A_783] : memref<6144xf32, #tpu.memory_space<vmem>>[vector<16xi32>], vector<16xf32>,
          %mul3A_785 = arith.mulf %gather3A_784, %gather3A_754 : vector<16xf32>
          tpu.vector_store_idx %arg11[%add3A_773], %mul3A_785 masked %and3A_763 {add = true} : memref<6144xf32, #tpu.memory_space<vmem>>[vector<16xi32>], vector<16xf32>, vector<16xi1>
          %add3A_786 = arith.constant 128 : i32
          %add3A_787 = vector.broadcast %add3A_786 : i32 to vector<16xi32>
          %add3A_788 = arith.addi %add3A_783, %add3A_787 : vector<16xi32>
          %gather3A_789 = tpu.vector_load_idx %arg10[%add3A_788] : memref<6144xf32, #tpu.memory_space<vmem>>[vector<16xi32>], vector<16xf32>,
          %add3A_790 = arith.constant 128 : i32
          %add3A_791 = vector.broadcast %add3A_790 : i32 to vector<16xi32>
          %add3A_792 = arith.addi %add3A_773, %add3A_791 : vector<16xi32>
          %mul3A_793 = arith.mulf %gather3A_789, %gather3A_754 : vector<16xf32>
          tpu.vector_store_idx %arg11[%add3A_792], %mul3A_793 masked %and3A_763 {add = true} : memref<6144xf32, #tpu.memory_space<vmem>>[vector<16xi32>], vector<16xf32>, vector<16xi1>
          %add3A_794 = arith.constant 256 : i32
          %add3A_795 = vector.broadcast %add3A_794 : i32 to vector<16xi32>
          %add3A_796 = arith.addi %add3A_783, %add3A_795 : vector<16xi32>
          %gather3A_797 = tpu.vector_load_idx %arg10[%add3A_796] : memref<6144xf32, #tpu.memory_space<vmem>>[vector<16xi32>], vector<16xf32>,
          %add3A_798 = arith.constant 256 : i32
          %add3A_799 = vector.broadcast %add3A_798 : i32 to vector<16xi32>
          %add3A_800 = arith.addi %add3A_773, %add3A_799 : vector<16xi32>
          %mul3A_801 = arith.mulf %gather3A_797, %gather3A_754 : vector<16xf32>
          tpu.vector_store_idx %arg11[%add3A_800], %mul3A_801 masked %and3A_763 {add = true} : memref<6144xf32, #tpu.memory_space<vmem>>[vector<16xi32>], vector<16xf32>, vector<16xi1>
          %scan3A_802 = arith.constant 0 : i32
          %scan3A_803 = arith.constant 11 : i32
          %scan3A_804 = arith.addi %scan3A_169, %scan3A_803 : i32
          %add3A_805 = vector.broadcast %scan3A_804 : i32 to vector<16xi32>
          %add3A_806 = arith.addi %iota3A, %add3A_805 : vector<16xi32>
          %and3A_807 = arith.constant 63 : i32
          %and3A_808 = vector.broadcast %and3A_807 : i32 to vector<16xi32>
          %and3A_809 = arith.andi %add3A_806, %and3A_808 : vector<16xi32>
          %add3A_810 = arith.addi %add3A_161, %and3A_809 : vector<16xi32>
          %gather3A_811 = tpu.vector_load_idx %arg8[%add3A_810] : memref<2048xi32, #tpu.memory_space<vmem>>[vector<16xi32>], vector<16xi32>,
          %gather3A_812 = tpu.vector_load_idx %arg9[%add3A_810] : memref<2048xf32, #tpu.memory_space<vmem>>[vector<16xi32>], vector<16xf32>,
          %sub3A_813 = vector.broadcast %mul3A_2 : i32 to vector<16xi32>
          %sub3A_814 = arith.subi %gather3A_811, %sub3A_813 : vector<16xi32>
          %bitcast3A_815 = vector.bitcast %sub3A_814 : vector<16xi32> to vector<16xi32>
          %lt3A_816 = arith.constant 2048 : i32
          %lt3A_817 = vector.broadcast %lt3A_816 : i32 to vector<16xi32>
          %lt3A_818 = arith.cmpi ult, %bitcast3A_815, %lt3A_817 : vector<16xi32>
          %ge3A_819 = vector.broadcast %add3A_155 : i32 to vector<16xi32>
          %ge3A_820 = arith.cmpi sge, %add3A_810, %ge3A_819 : vector<16xi32>
          %and3A_821 = arith.andi %lt3A_818, %ge3A_820 : vector<16xi1>
          %shift_right_arithmetic3A_822 = arith.constant 7 : i32
          %shift_right_arithmetic3A_823 = vector.broadcast %shift_right_arithmetic3A_822 : i32 to vector<16xi32>
          %shift_right_arithmetic3A_824 = arith.shrsi %sub3A_814, %shift_right_arithmetic3A_823 : vector<16xi32>
          %mul3A_825 = arith.constant 384 : i32
          %mul3A_826 = vector.broadcast %mul3A_825 : i32 to vector<16xi32>
          %mul3A_827 = arith.muli %shift_right_arithmetic3A_824, %mul3A_826 : vector<16xi32>
          %and3A_828 = arith.constant 127 : i32
          %and3A_829 = vector.broadcast %and3A_828 : i32 to vector<16xi32>
          %and3A_830 = arith.andi %sub3A_814, %and3A_829 : vector<16xi32>
          %add3A_831 = arith.addi %mul3A_827, %and3A_830 : vector<16xi32>
          %shift_right_arithmetic3A_832 = arith.constant 7 : i32
          %shift_right_arithmetic3A_833 = vector.broadcast %shift_right_arithmetic3A_832 : i32 to vector<16xi32>
          %shift_right_arithmetic3A_834 = arith.shrsi %add3A_810, %shift_right_arithmetic3A_833 : vector<16xi32>
          %mul3A_835 = arith.constant 384 : i32
          %mul3A_836 = vector.broadcast %mul3A_835 : i32 to vector<16xi32>
          %mul3A_837 = arith.muli %shift_right_arithmetic3A_834, %mul3A_836 : vector<16xi32>
          %and3A_838 = arith.constant 127 : i32
          %and3A_839 = vector.broadcast %and3A_838 : i32 to vector<16xi32>
          %and3A_840 = arith.andi %add3A_810, %and3A_839 : vector<16xi32>
          %add3A_841 = arith.addi %mul3A_837, %and3A_840 : vector<16xi32>
          %gather3A_842 = tpu.vector_load_idx %arg10[%add3A_841] : memref<6144xf32, #tpu.memory_space<vmem>>[vector<16xi32>], vector<16xf32>,
          %mul3A_843 = arith.mulf %gather3A_842, %gather3A_812 : vector<16xf32>
          tpu.vector_store_idx %arg11[%add3A_831], %mul3A_843 masked %and3A_821 {add = true} : memref<6144xf32, #tpu.memory_space<vmem>>[vector<16xi32>], vector<16xf32>, vector<16xi1>
          %add3A_844 = arith.constant 128 : i32
          %add3A_845 = vector.broadcast %add3A_844 : i32 to vector<16xi32>
          %add3A_846 = arith.addi %add3A_841, %add3A_845 : vector<16xi32>
          %gather3A_847 = tpu.vector_load_idx %arg10[%add3A_846] : memref<6144xf32, #tpu.memory_space<vmem>>[vector<16xi32>], vector<16xf32>,
          %add3A_848 = arith.constant 128 : i32
          %add3A_849 = vector.broadcast %add3A_848 : i32 to vector<16xi32>
          %add3A_850 = arith.addi %add3A_831, %add3A_849 : vector<16xi32>
          %mul3A_851 = arith.mulf %gather3A_847, %gather3A_812 : vector<16xf32>
          tpu.vector_store_idx %arg11[%add3A_850], %mul3A_851 masked %and3A_821 {add = true} : memref<6144xf32, #tpu.memory_space<vmem>>[vector<16xi32>], vector<16xf32>, vector<16xi1>
          %add3A_852 = arith.constant 256 : i32
          %add3A_853 = vector.broadcast %add3A_852 : i32 to vector<16xi32>
          %add3A_854 = arith.addi %add3A_841, %add3A_853 : vector<16xi32>
          %gather3A_855 = tpu.vector_load_idx %arg10[%add3A_854] : memref<6144xf32, #tpu.memory_space<vmem>>[vector<16xi32>], vector<16xf32>,
          %add3A_856 = arith.constant 256 : i32
          %add3A_857 = vector.broadcast %add3A_856 : i32 to vector<16xi32>
          %add3A_858 = arith.addi %add3A_831, %add3A_857 : vector<16xi32>
          %mul3A_859 = arith.mulf %gather3A_855, %gather3A_812 : vector<16xf32>
          tpu.vector_store_idx %arg11[%add3A_858], %mul3A_859 masked %and3A_821 {add = true} : memref<6144xf32, #tpu.memory_space<vmem>>[vector<16xi32>], vector<16xf32>, vector<16xi1>
          %scan3A_860 = arith.constant 0 : i32
          %scan3A_861 = arith.constant 12 : i32
          %scan3A_862 = arith.addi %scan3A_169, %scan3A_861 : i32
          %add3A_863 = vector.broadcast %scan3A_862 : i32 to vector<16xi32>
          %add3A_864 = arith.addi %iota3A, %add3A_863 : vector<16xi32>
          %and3A_865 = arith.constant 63 : i32
          %and3A_866 = vector.broadcast %and3A_865 : i32 to vector<16xi32>
          %and3A_867 = arith.andi %add3A_864, %and3A_866 : vector<16xi32>
          %add3A_868 = arith.addi %add3A_161, %and3A_867 : vector<16xi32>
          %gather3A_869 = tpu.vector_load_idx %arg8[%add3A_868] : memref<2048xi32, #tpu.memory_space<vmem>>[vector<16xi32>], vector<16xi32>,
          %gather3A_870 = tpu.vector_load_idx %arg9[%add3A_868] : memref<2048xf32, #tpu.memory_space<vmem>>[vector<16xi32>], vector<16xf32>,
          %sub3A_871 = vector.broadcast %mul3A_2 : i32 to vector<16xi32>
          %sub3A_872 = arith.subi %gather3A_869, %sub3A_871 : vector<16xi32>
          %bitcast3A_873 = vector.bitcast %sub3A_872 : vector<16xi32> to vector<16xi32>
          %lt3A_874 = arith.constant 2048 : i32
          %lt3A_875 = vector.broadcast %lt3A_874 : i32 to vector<16xi32>
          %lt3A_876 = arith.cmpi ult, %bitcast3A_873, %lt3A_875 : vector<16xi32>
          %ge3A_877 = vector.broadcast %add3A_155 : i32 to vector<16xi32>
          %ge3A_878 = arith.cmpi sge, %add3A_868, %ge3A_877 : vector<16xi32>
          %and3A_879 = arith.andi %lt3A_876, %ge3A_878 : vector<16xi1>
          %shift_right_arithmetic3A_880 = arith.constant 7 : i32
          %shift_right_arithmetic3A_881 = vector.broadcast %shift_right_arithmetic3A_880 : i32 to vector<16xi32>
          %shift_right_arithmetic3A_882 = arith.shrsi %sub3A_872, %shift_right_arithmetic3A_881 : vector<16xi32>
          %mul3A_883 = arith.constant 384 : i32
          %mul3A_884 = vector.broadcast %mul3A_883 : i32 to vector<16xi32>
          %mul3A_885 = arith.muli %shift_right_arithmetic3A_882, %mul3A_884 : vector<16xi32>
          %and3A_886 = arith.constant 127 : i32
          %and3A_887 = vector.broadcast %and3A_886 : i32 to vector<16xi32>
          %and3A_888 = arith.andi %sub3A_872, %and3A_887 : vector<16xi32>
          %add3A_889 = arith.addi %mul3A_885, %and3A_888 : vector<16xi32>
          %shift_right_arithmetic3A_890 = arith.constant 7 : i32
          %shift_right_arithmetic3A_891 = vector.broadcast %shift_right_arithmetic3A_890 : i32 to vector<16xi32>
          %shift_right_arithmetic3A_892 = arith.shrsi %add3A_868, %shift_right_arithmetic3A_891 : vector<16xi32>
          %mul3A_893 = arith.constant 384 : i32
          %mul3A_894 = vector.broadcast %mul3A_893 : i32 to vector<16xi32>
          %mul3A_895 = arith.muli %shift_right_arithmetic3A_892, %mul3A_894 : vector<16xi32>
          %and3A_896 = arith.constant 127 : i32
          %and3A_897 = vector.broadcast %and3A_896 : i32 to vector<16xi32>
          %and3A_898 = arith.andi %add3A_868, %and3A_897 : vector<16xi32>
          %add3A_899 = arith.addi %mul3A_895, %and3A_898 : vector<16xi32>
          %gather3A_900 = tpu.vector_load_idx %arg10[%add3A_899] : memref<6144xf32, #tpu.memory_space<vmem>>[vector<16xi32>], vector<16xf32>,
          %mul3A_901 = arith.mulf %gather3A_900, %gather3A_870 : vector<16xf32>
          tpu.vector_store_idx %arg11[%add3A_889], %mul3A_901 masked %and3A_879 {add = true} : memref<6144xf32, #tpu.memory_space<vmem>>[vector<16xi32>], vector<16xf32>, vector<16xi1>
          %add3A_902 = arith.constant 128 : i32
          %add3A_903 = vector.broadcast %add3A_902 : i32 to vector<16xi32>
          %add3A_904 = arith.addi %add3A_899, %add3A_903 : vector<16xi32>
          %gather3A_905 = tpu.vector_load_idx %arg10[%add3A_904] : memref<6144xf32, #tpu.memory_space<vmem>>[vector<16xi32>], vector<16xf32>,
          %add3A_906 = arith.constant 128 : i32
          %add3A_907 = vector.broadcast %add3A_906 : i32 to vector<16xi32>
          %add3A_908 = arith.addi %add3A_889, %add3A_907 : vector<16xi32>
          %mul3A_909 = arith.mulf %gather3A_905, %gather3A_870 : vector<16xf32>
          tpu.vector_store_idx %arg11[%add3A_908], %mul3A_909 masked %and3A_879 {add = true} : memref<6144xf32, #tpu.memory_space<vmem>>[vector<16xi32>], vector<16xf32>, vector<16xi1>
          %add3A_910 = arith.constant 256 : i32
          %add3A_911 = vector.broadcast %add3A_910 : i32 to vector<16xi32>
          %add3A_912 = arith.addi %add3A_899, %add3A_911 : vector<16xi32>
          %gather3A_913 = tpu.vector_load_idx %arg10[%add3A_912] : memref<6144xf32, #tpu.memory_space<vmem>>[vector<16xi32>], vector<16xf32>,
          %add3A_914 = arith.constant 256 : i32
          %add3A_915 = vector.broadcast %add3A_914 : i32 to vector<16xi32>
          %add3A_916 = arith.addi %add3A_889, %add3A_915 : vector<16xi32>
          %mul3A_917 = arith.mulf %gather3A_913, %gather3A_870 : vector<16xf32>
          tpu.vector_store_idx %arg11[%add3A_916], %mul3A_917 masked %and3A_879 {add = true} : memref<6144xf32, #tpu.memory_space<vmem>>[vector<16xi32>], vector<16xf32>, vector<16xi1>
          %scan3A_918 = arith.constant 0 : i32
          %scan3A_919 = arith.constant 13 : i32
          %scan3A_920 = arith.addi %scan3A_169, %scan3A_919 : i32
          %add3A_921 = vector.broadcast %scan3A_920 : i32 to vector<16xi32>
          %add3A_922 = arith.addi %iota3A, %add3A_921 : vector<16xi32>
          %and3A_923 = arith.constant 63 : i32
          %and3A_924 = vector.broadcast %and3A_923 : i32 to vector<16xi32>
          %and3A_925 = arith.andi %add3A_922, %and3A_924 : vector<16xi32>
          %add3A_926 = arith.addi %add3A_161, %and3A_925 : vector<16xi32>
          %gather3A_927 = tpu.vector_load_idx %arg8[%add3A_926] : memref<2048xi32, #tpu.memory_space<vmem>>[vector<16xi32>], vector<16xi32>,
          %gather3A_928 = tpu.vector_load_idx %arg9[%add3A_926] : memref<2048xf32, #tpu.memory_space<vmem>>[vector<16xi32>], vector<16xf32>,
          %sub3A_929 = vector.broadcast %mul3A_2 : i32 to vector<16xi32>
          %sub3A_930 = arith.subi %gather3A_927, %sub3A_929 : vector<16xi32>
          %bitcast3A_931 = vector.bitcast %sub3A_930 : vector<16xi32> to vector<16xi32>
          %lt3A_932 = arith.constant 2048 : i32
          %lt3A_933 = vector.broadcast %lt3A_932 : i32 to vector<16xi32>
          %lt3A_934 = arith.cmpi ult, %bitcast3A_931, %lt3A_933 : vector<16xi32>
          %ge3A_935 = vector.broadcast %add3A_155 : i32 to vector<16xi32>
          %ge3A_936 = arith.cmpi sge, %add3A_926, %ge3A_935 : vector<16xi32>
          %and3A_937 = arith.andi %lt3A_934, %ge3A_936 : vector<16xi1>
          %shift_right_arithmetic3A_938 = arith.constant 7 : i32
          %shift_right_arithmetic3A_939 = vector.broadcast %shift_right_arithmetic3A_938 : i32 to vector<16xi32>
          %shift_right_arithmetic3A_940 = arith.shrsi %sub3A_930, %shift_right_arithmetic3A_939 : vector<16xi32>
          %mul3A_941 = arith.constant 384 : i32
          %mul3A_942 = vector.broadcast %mul3A_941 : i32 to vector<16xi32>
          %mul3A_943 = arith.muli %shift_right_arithmetic3A_940, %mul3A_942 : vector<16xi32>
          %and3A_944 = arith.constant 127 : i32
          %and3A_945 = vector.broadcast %and3A_944 : i32 to vector<16xi32>
          %and3A_946 = arith.andi %sub3A_930, %and3A_945 : vector<16xi32>
          %add3A_947 = arith.addi %mul3A_943, %and3A_946 : vector<16xi32>
          %shift_right_arithmetic3A_948 = arith.constant 7 : i32
          %shift_right_arithmetic3A_949 = vector.broadcast %shift_right_arithmetic3A_948 : i32 to vector<16xi32>
          %shift_right_arithmetic3A_950 = arith.shrsi %add3A_926, %shift_right_arithmetic3A_949 : vector<16xi32>
          %mul3A_951 = arith.constant 384 : i32
          %mul3A_952 = vector.broadcast %mul3A_951 : i32 to vector<16xi32>
          %mul3A_953 = arith.muli %shift_right_arithmetic3A_950, %mul3A_952 : vector<16xi32>
          %and3A_954 = arith.constant 127 : i32
          %and3A_955 = vector.broadcast %and3A_954 : i32 to vector<16xi32>
          %and3A_956 = arith.andi %add3A_926, %and3A_955 : vector<16xi32>
          %add3A_957 = arith.addi %mul3A_953, %and3A_956 : vector<16xi32>
          %gather3A_958 = tpu.vector_load_idx %arg10[%add3A_957] : memref<6144xf32, #tpu.memory_space<vmem>>[vector<16xi32>], vector<16xf32>,
          %mul3A_959 = arith.mulf %gather3A_958, %gather3A_928 : vector<16xf32>
          tpu.vector_store_idx %arg11[%add3A_947], %mul3A_959 masked %and3A_937 {add = true} : memref<6144xf32, #tpu.memory_space<vmem>>[vector<16xi32>], vector<16xf32>, vector<16xi1>
          %add3A_960 = arith.constant 128 : i32
          %add3A_961 = vector.broadcast %add3A_960 : i32 to vector<16xi32>
          %add3A_962 = arith.addi %add3A_957, %add3A_961 : vector<16xi32>
          %gather3A_963 = tpu.vector_load_idx %arg10[%add3A_962] : memref<6144xf32, #tpu.memory_space<vmem>>[vector<16xi32>], vector<16xf32>,
          %add3A_964 = arith.constant 128 : i32
          %add3A_965 = vector.broadcast %add3A_964 : i32 to vector<16xi32>
          %add3A_966 = arith.addi %add3A_947, %add3A_965 : vector<16xi32>
          %mul3A_967 = arith.mulf %gather3A_963, %gather3A_928 : vector<16xf32>
          tpu.vector_store_idx %arg11[%add3A_966], %mul3A_967 masked %and3A_937 {add = true} : memref<6144xf32, #tpu.memory_space<vmem>>[vector<16xi32>], vector<16xf32>, vector<16xi1>
          %add3A_968 = arith.constant 256 : i32
          %add3A_969 = vector.broadcast %add3A_968 : i32 to vector<16xi32>
          %add3A_970 = arith.addi %add3A_957, %add3A_969 : vector<16xi32>
          %gather3A_971 = tpu.vector_load_idx %arg10[%add3A_970] : memref<6144xf32, #tpu.memory_space<vmem>>[vector<16xi32>], vector<16xf32>,
          %add3A_972 = arith.constant 256 : i32
          %add3A_973 = vector.broadcast %add3A_972 : i32 to vector<16xi32>
          %add3A_974 = arith.addi %add3A_947, %add3A_973 : vector<16xi32>
          %mul3A_975 = arith.mulf %gather3A_971, %gather3A_928 : vector<16xf32>
          tpu.vector_store_idx %arg11[%add3A_974], %mul3A_975 masked %and3A_937 {add = true} : memref<6144xf32, #tpu.memory_space<vmem>>[vector<16xi32>], vector<16xf32>, vector<16xi1>
          %scan3A_976 = arith.constant 0 : i32
          %scan3A_977 = arith.constant 14 : i32
          %scan3A_978 = arith.addi %scan3A_169, %scan3A_977 : i32
          %add3A_979 = vector.broadcast %scan3A_978 : i32 to vector<16xi32>
          %add3A_980 = arith.addi %iota3A, %add3A_979 : vector<16xi32>
          %and3A_981 = arith.constant 63 : i32
          %and3A_982 = vector.broadcast %and3A_981 : i32 to vector<16xi32>
          %and3A_983 = arith.andi %add3A_980, %and3A_982 : vector<16xi32>
          %add3A_984 = arith.addi %add3A_161, %and3A_983 : vector<16xi32>
          %gather3A_985 = tpu.vector_load_idx %arg8[%add3A_984] : memref<2048xi32, #tpu.memory_space<vmem>>[vector<16xi32>], vector<16xi32>,
          %gather3A_986 = tpu.vector_load_idx %arg9[%add3A_984] : memref<2048xf32, #tpu.memory_space<vmem>>[vector<16xi32>], vector<16xf32>,
          %sub3A_987 = vector.broadcast %mul3A_2 : i32 to vector<16xi32>
          %sub3A_988 = arith.subi %gather3A_985, %sub3A_987 : vector<16xi32>
          %bitcast3A_989 = vector.bitcast %sub3A_988 : vector<16xi32> to vector<16xi32>
          %lt3A_990 = arith.constant 2048 : i32
          %lt3A_991 = vector.broadcast %lt3A_990 : i32 to vector<16xi32>
          %lt3A_992 = arith.cmpi ult, %bitcast3A_989, %lt3A_991 : vector<16xi32>
          %ge3A_993 = vector.broadcast %add3A_155 : i32 to vector<16xi32>
          %ge3A_994 = arith.cmpi sge, %add3A_984, %ge3A_993 : vector<16xi32>
          %and3A_995 = arith.andi %lt3A_992, %ge3A_994 : vector<16xi1>
          %shift_right_arithmetic3A_996 = arith.constant 7 : i32
          %shift_right_arithmetic3A_997 = vector.broadcast %shift_right_arithmetic3A_996 : i32 to vector<16xi32>
          %shift_right_arithmetic3A_998 = arith.shrsi %sub3A_988, %shift_right_arithmetic3A_997 : vector<16xi32>
          %mul3A_999 = arith.constant 384 : i32
          %mul3A_1000 = vector.broadcast %mul3A_999 : i32 to vector<16xi32>
          %mul3A_1001 = arith.muli %shift_right_arithmetic3A_998, %mul3A_1000 : vector<16xi32>
          %and3A_1002 = arith.constant 127 : i32
          %and3A_1003 = vector.broadcast %and3A_1002 : i32 to vector<16xi32>
          %and3A_1004 = arith.andi %sub3A_988, %and3A_1003 : vector<16xi32>
          %add3A_1005 = arith.addi %mul3A_1001, %and3A_1004 : vector<16xi32>
          %shift_right_arithmetic3A_1006 = arith.constant 7 : i32
          %shift_right_arithmetic3A_1007 = vector.broadcast %shift_right_arithmetic3A_1006 : i32 to vector<16xi32>
          %shift_right_arithmetic3A_1008 = arith.shrsi %add3A_984, %shift_right_arithmetic3A_1007 : vector<16xi32>
          %mul3A_1009 = arith.constant 384 : i32
          %mul3A_1010 = vector.broadcast %mul3A_1009 : i32 to vector<16xi32>
          %mul3A_1011 = arith.muli %shift_right_arithmetic3A_1008, %mul3A_1010 : vector<16xi32>
          %and3A_1012 = arith.constant 127 : i32
          %and3A_1013 = vector.broadcast %and3A_1012 : i32 to vector<16xi32>
          %and3A_1014 = arith.andi %add3A_984, %and3A_1013 : vector<16xi32>
          %add3A_1015 = arith.addi %mul3A_1011, %and3A_1014 : vector<16xi32>
          %gather3A_1016 = tpu.vector_load_idx %arg10[%add3A_1015] : memref<6144xf32, #tpu.memory_space<vmem>>[vector<16xi32>], vector<16xf32>,
          %mul3A_1017 = arith.mulf %gather3A_1016, %gather3A_986 : vector<16xf32>
          tpu.vector_store_idx %arg11[%add3A_1005], %mul3A_1017 masked %and3A_995 {add = true} : memref<6144xf32, #tpu.memory_space<vmem>>[vector<16xi32>], vector<16xf32>, vector<16xi1>
          %add3A_1018 = arith.constant 128 : i32
          %add3A_1019 = vector.broadcast %add3A_1018 : i32 to vector<16xi32>
          %add3A_1020 = arith.addi %add3A_1015, %add3A_1019 : vector<16xi32>
          %gather3A_1021 = tpu.vector_load_idx %arg10[%add3A_1020] : memref<6144xf32, #tpu.memory_space<vmem>>[vector<16xi32>], vector<16xf32>,
          %add3A_1022 = arith.constant 128 : i32
          %add3A_1023 = vector.broadcast %add3A_1022 : i32 to vector<16xi32>
          %add3A_1024 = arith.addi %add3A_1005, %add3A_1023 : vector<16xi32>
          %mul3A_1025 = arith.mulf %gather3A_1021, %gather3A_986 : vector<16xf32>
          tpu.vector_store_idx %arg11[%add3A_1024], %mul3A_1025 masked %and3A_995 {add = true} : memref<6144xf32, #tpu.memory_space<vmem>>[vector<16xi32>], vector<16xf32>, vector<16xi1>
          %add3A_1026 = arith.constant 256 : i32
          %add3A_1027 = vector.broadcast %add3A_1026 : i32 to vector<16xi32>
          %add3A_1028 = arith.addi %add3A_1015, %add3A_1027 : vector<16xi32>
          %gather3A_1029 = tpu.vector_load_idx %arg10[%add3A_1028] : memref<6144xf32, #tpu.memory_space<vmem>>[vector<16xi32>], vector<16xf32>,
          %add3A_1030 = arith.constant 256 : i32
          %add3A_1031 = vector.broadcast %add3A_1030 : i32 to vector<16xi32>
          %add3A_1032 = arith.addi %add3A_1005, %add3A_1031 : vector<16xi32>
          %mul3A_1033 = arith.mulf %gather3A_1029, %gather3A_986 : vector<16xf32>
          tpu.vector_store_idx %arg11[%add3A_1032], %mul3A_1033 masked %and3A_995 {add = true} : memref<6144xf32, #tpu.memory_space<vmem>>[vector<16xi32>], vector<16xf32>, vector<16xi1>
          %scan3A_1034 = arith.constant 0 : i32
          %scan3A_1035 = arith.constant 15 : i32
          %scan3A_1036 = arith.addi %scan3A_169, %scan3A_1035 : i32
          %add3A_1037 = vector.broadcast %scan3A_1036 : i32 to vector<16xi32>
          %add3A_1038 = arith.addi %iota3A, %add3A_1037 : vector<16xi32>
          %and3A_1039 = arith.constant 63 : i32
          %and3A_1040 = vector.broadcast %and3A_1039 : i32 to vector<16xi32>
          %and3A_1041 = arith.andi %add3A_1038, %and3A_1040 : vector<16xi32>
          %add3A_1042 = arith.addi %add3A_161, %and3A_1041 : vector<16xi32>
          %gather3A_1043 = tpu.vector_load_idx %arg8[%add3A_1042] : memref<2048xi32, #tpu.memory_space<vmem>>[vector<16xi32>], vector<16xi32>,
          %gather3A_1044 = tpu.vector_load_idx %arg9[%add3A_1042] : memref<2048xf32, #tpu.memory_space<vmem>>[vector<16xi32>], vector<16xf32>,
          %sub3A_1045 = vector.broadcast %mul3A_2 : i32 to vector<16xi32>
          %sub3A_1046 = arith.subi %gather3A_1043, %sub3A_1045 : vector<16xi32>
          %bitcast3A_1047 = vector.bitcast %sub3A_1046 : vector<16xi32> to vector<16xi32>
          %lt3A_1048 = arith.constant 2048 : i32
          %lt3A_1049 = vector.broadcast %lt3A_1048 : i32 to vector<16xi32>
          %lt3A_1050 = arith.cmpi ult, %bitcast3A_1047, %lt3A_1049 : vector<16xi32>
          %ge3A_1051 = vector.broadcast %add3A_155 : i32 to vector<16xi32>
          %ge3A_1052 = arith.cmpi sge, %add3A_1042, %ge3A_1051 : vector<16xi32>
          %and3A_1053 = arith.andi %lt3A_1050, %ge3A_1052 : vector<16xi1>
          %shift_right_arithmetic3A_1054 = arith.constant 7 : i32
          %shift_right_arithmetic3A_1055 = vector.broadcast %shift_right_arithmetic3A_1054 : i32 to vector<16xi32>
          %shift_right_arithmetic3A_1056 = arith.shrsi %sub3A_1046, %shift_right_arithmetic3A_1055 : vector<16xi32>
          %mul3A_1057 = arith.constant 384 : i32
          %mul3A_1058 = vector.broadcast %mul3A_1057 : i32 to vector<16xi32>
          %mul3A_1059 = arith.muli %shift_right_arithmetic3A_1056, %mul3A_1058 : vector<16xi32>
          %and3A_1060 = arith.constant 127 : i32
          %and3A_1061 = vector.broadcast %and3A_1060 : i32 to vector<16xi32>
          %and3A_1062 = arith.andi %sub3A_1046, %and3A_1061 : vector<16xi32>
          %add3A_1063 = arith.addi %mul3A_1059, %and3A_1062 : vector<16xi32>
          %shift_right_arithmetic3A_1064 = arith.constant 7 : i32
          %shift_right_arithmetic3A_1065 = vector.broadcast %shift_right_arithmetic3A_1064 : i32 to vector<16xi32>
          %shift_right_arithmetic3A_1066 = arith.shrsi %add3A_1042, %shift_right_arithmetic3A_1065 : vector<16xi32>
          %mul3A_1067 = arith.constant 384 : i32
          %mul3A_1068 = vector.broadcast %mul3A_1067 : i32 to vector<16xi32>
          %mul3A_1069 = arith.muli %shift_right_arithmetic3A_1066, %mul3A_1068 : vector<16xi32>
          %and3A_1070 = arith.constant 127 : i32
          %and3A_1071 = vector.broadcast %and3A_1070 : i32 to vector<16xi32>
          %and3A_1072 = arith.andi %add3A_1042, %and3A_1071 : vector<16xi32>
          %add3A_1073 = arith.addi %mul3A_1069, %and3A_1072 : vector<16xi32>
          %gather3A_1074 = tpu.vector_load_idx %arg10[%add3A_1073] : memref<6144xf32, #tpu.memory_space<vmem>>[vector<16xi32>], vector<16xf32>,
          %mul3A_1075 = arith.mulf %gather3A_1074, %gather3A_1044 : vector<16xf32>
          tpu.vector_store_idx %arg11[%add3A_1063], %mul3A_1075 masked %and3A_1053 {add = true} : memref<6144xf32, #tpu.memory_space<vmem>>[vector<16xi32>], vector<16xf32>, vector<16xi1>
          %add3A_1076 = arith.constant 128 : i32
          %add3A_1077 = vector.broadcast %add3A_1076 : i32 to vector<16xi32>
          %add3A_1078 = arith.addi %add3A_1073, %add3A_1077 : vector<16xi32>
          %gather3A_1079 = tpu.vector_load_idx %arg10[%add3A_1078] : memref<6144xf32, #tpu.memory_space<vmem>>[vector<16xi32>], vector<16xf32>,
          %add3A_1080 = arith.constant 128 : i32
          %add3A_1081 = vector.broadcast %add3A_1080 : i32 to vector<16xi32>
          %add3A_1082 = arith.addi %add3A_1063, %add3A_1081 : vector<16xi32>
          %mul3A_1083 = arith.mulf %gather3A_1079, %gather3A_1044 : vector<16xf32>
          tpu.vector_store_idx %arg11[%add3A_1082], %mul3A_1083 masked %and3A_1053 {add = true} : memref<6144xf32, #tpu.memory_space<vmem>>[vector<16xi32>], vector<16xf32>, vector<16xi1>
          %add3A_1084 = arith.constant 256 : i32
          %add3A_1085 = vector.broadcast %add3A_1084 : i32 to vector<16xi32>
          %add3A_1086 = arith.addi %add3A_1073, %add3A_1085 : vector<16xi32>
          %gather3A_1087 = tpu.vector_load_idx %arg10[%add3A_1086] : memref<6144xf32, #tpu.memory_space<vmem>>[vector<16xi32>], vector<16xf32>,
          %add3A_1088 = arith.constant 256 : i32
          %add3A_1089 = vector.broadcast %add3A_1088 : i32 to vector<16xi32>
          %add3A_1090 = arith.addi %add3A_1063, %add3A_1089 : vector<16xi32>
          %mul3A_1091 = arith.mulf %gather3A_1087, %gather3A_1044 : vector<16xf32>
          tpu.vector_store_idx %arg11[%add3A_1090], %mul3A_1091 masked %and3A_1053 {add = true} : memref<6144xf32, #tpu.memory_space<vmem>>[vector<16xi32>], vector<16xf32>, vector<16xi1>
          %scan3A_1092 = arith.constant 0 : i32
          scf.yield %scan3A_1092 : i32
        }
        %scan3A_168 = arith.constant 64 : i32
      } else {
      }
      %while3A_116 = arith.constant 0 : i32
      scf.yield %while3A_116 : i32
    }
    "tpu.region"() ({
      %run_scoped3A = tpu.sem_alloc : memref<!tpu.dma_semaphore, #tpu.memory_space<semaphore_mem>>
      tpu.enqueue_dma source(%arg5 : memref<16xf32, #tpu.memory_space<hbm>>) target(%arg13 : memref<16xf32, #tpu.memory_space<vmem>>) target_semaphore(%run_scoped3A : memref<!tpu.dma_semaphore, #tpu.memory_space<semaphore_mem>>)
      tpu.wait_dma2 semaphore(%run_scoped3A : memref<!tpu.dma_semaphore, #tpu.memory_space<semaphore_mem>>) src(%arg5 : memref<16xf32, #tpu.memory_space<hbm>>) dst(%arg13 : memref<16xf32, #tpu.memory_space<vmem>>)
      tpu.yield
    }) : () -> ()
    %get3A = arith.constant 0 : index
    %get3A_87 = tpu.vector_load %arg13[%get3A] {strides = array<i32>} : memref<16xf32, #tpu.memory_space<vmem>>, vector<16xf32>,
    "tpu.region"() ({
      %run_scoped3A = tpu.sem_alloc : memref<!tpu.dma_semaphore, #tpu.memory_space<semaphore_mem>>
      tpu.enqueue_dma source(%arg6 : memref<16xf32, #tpu.memory_space<hbm>>) target(%arg13 : memref<16xf32, #tpu.memory_space<vmem>>) target_semaphore(%run_scoped3A : memref<!tpu.dma_semaphore, #tpu.memory_space<semaphore_mem>>)
      tpu.wait_dma2 semaphore(%run_scoped3A : memref<!tpu.dma_semaphore, #tpu.memory_space<semaphore_mem>>) src(%arg6 : memref<16xf32, #tpu.memory_space<hbm>>) dst(%arg13 : memref<16xf32, #tpu.memory_space<vmem>>)
      tpu.yield
    }) : () -> ()
    %get3A_88 = arith.constant 0 : index
    %get3A_89 = tpu.vector_load %arg13[%get3A_88] {strides = array<i32>} : memref<16xf32, #tpu.memory_space<vmem>>, vector<16xf32>,
    %scan3A_90 = arith.constant 0 : i32
    %scan3A_91 = arith.constant 0 : i32
    %scan3A_92 = arith.constant 384 : i32
    %scan3A_93 = arith.addi %scan3A_91, %scan3A_92 : i32
    %scan3A_94 = arith.constant 1 : i32
    %scan3A_95 = scf.for %scan3A_99 = %scan3A_91 to %scan3A_93 step %scan3A_94 iter_args(%scan3A_100 = %scan3A_90) -> (i32)  : i32 {
      %mul3A_101 = arith.constant 16 : i32
      %mul3A_102 = arith.muli %scan3A_99, %mul3A_101 : i32
      %get3A_103 = arith.index_cast %mul3A_102 : i32 to index
      %get3A_104 = tpu.vector_load %arg11[%get3A_103] {strides = array<i32>} : memref<6144xf32, #tpu.memory_space<vmem>>, vector<16xf32>,
      %max3A_105 = arith.maximumf %get3A_104, %get3A_87 : vector<16xf32>
      %min3A = arith.minimumf %max3A_105, %get3A_89 : vector<16xf32>
      %mul3A_106 = arith.constant 16 : i32
      %mul3A_107 = arith.muli %scan3A_99, %mul3A_106 : i32
      %swap3A = arith.index_cast %mul3A_107 : i32 to index
      %swap3A_108 = tpu.vector_load %arg11[%swap3A] {strides = array<i32>} : memref<6144xf32, #tpu.memory_space<vmem>>, vector<16xf32>,
      tpu.vector_store %arg11[%swap3A], %min3A {strides = array<i32>} : memref<6144xf32, #tpu.memory_space<vmem>>, vector<16xf32>,
      %scan3A_109 = arith.constant 0 : i32
      scf.yield %scan3A_109 : i32
    }
    %scan3A_96 = arith.constant 384 : i32
    %mul3A_97 = arith.constant 6144 : i32
    %mul3A_98 = arith.muli %add3A, %mul3A_97 : i32
    "tpu.region"() ({
      %run_scoped3A = tpu.sem_alloc : memref<!tpu.dma_semaphore, #tpu.memory_space<semaphore_mem>>
      %dma_start3A = tpu.memref_slice %arg7[%mul3A_98] : memref<196608xf32, #tpu.memory_space<hbm>> -> memref<6144xf32, #tpu.memory_space<hbm>>
      %dma_start3A_99 = tpu.memref_slice %arg7[%mul3A_98] : memref<196608xf32, #tpu.memory_space<hbm>> -> memref<6144xf32, #tpu.memory_space<hbm>>
      tpu.enqueue_dma source(%arg11 : memref<6144xf32, #tpu.memory_space<vmem>>) target(%dma_start3A_99 : memref<6144xf32, #tpu.memory_space<hbm>>) target_semaphore(%run_scoped3A : memref<!tpu.dma_semaphore, #tpu.memory_space<semaphore_mem>>)
      %dma_wait3A = tpu.memref_slice %arg7[%mul3A_98] : memref<196608xf32, #tpu.memory_space<hbm>> -> memref<6144xf32, #tpu.memory_space<hbm>>
      %dma_wait3A_100 = tpu.memref_slice %arg7[%mul3A_98] : memref<196608xf32, #tpu.memory_space<hbm>> -> memref<6144xf32, #tpu.memory_space<hbm>>
      tpu.wait_dma2 semaphore(%run_scoped3A : memref<!tpu.dma_semaphore, #tpu.memory_space<semaphore_mem>>) src(%arg11 : memref<6144xf32, #tpu.memory_space<vmem>>) dst(%dma_wait3A_100 : memref<6144xf32, #tpu.memory_space<hbm>>)
      tpu.yield
    }) : () -> ()
    return
  }
}

</mosaic_0001>

<sc_bundles>
// kernel: kernel.3.cloned.1.call-start
scs
__scs_entry_jumppad:
0x0: {  	(pc) =	sbr.rel $0x88, $3  }
0x1: {  	(tag) =	ssettag $0x0;
	lr =	simm.s32 $0x1  }
0x2: {  	[smem:$0x3F9C] =	sst lr;
	_ =	strace $0xD0000000  }
0x3: {  	_ = 	snop  }
0x4: {  	_ = 	snop  }
0x5: {  	_ = 	snop  }
0x6: {  	_ = 	snop  }
0x7: {  	_ = 	snop  }
__scs_overlays_trampoline_lowered:
0x8: {  	[smem:$0x3FAB] =	sst s0  }
0x9: {  	[smem:$0x3FAC] =	sst s1  }
0xa: {  	[smem:$0x3FAD] =	sst s2  }
0xb: {  	[smem:$0x3FAE] =	sst s3  }
0xc: {  	[smem:$0x3FAF] =	sst s4  }
0xd: {  	[smem:$0x3FB0] =	sst s5  }
0xe: {  	[smem:$0x3FB1] =	sst s6  }
0xf: {  	[smem:$0x3FB2] =	sst s7  }
0x10: {  	[smem:$0x3FB3] =	sst s8  }
0x11: {  	[smem:$0x3FB4] =	sst s9;
	s0 =	simm.s32 @!p0 $0x0  }
0x12: {  	s1 =	sld [smem:$0x3F9A];
	s0 =	simm.s32 @p0 $0x1  }
0x13: {  	[smem:$0x3FB5] =	sst s0;
	s0 =	simm.s32 @!p1 $0x0  }
0x14: {  	s2 =	sld [smem:$0x3F99];
	s0 =	simm.s32 @p1 $0x1  }
0x15: {  	[smem:$0x3FB6] =	sst s0;
	s0 =	simm.s32 @!p2 $0x0  }
0x16: {  	s3 =	sld [smem:$0x3FDB];
	s0 =	simm.s32 @p2 $0x1  }
0x17: {  	s4 =	simm.s32 $0x1BF5;
	[smem:$0x3FB8] =	sst s0  }
0x18: {  	s0 =	sld [smem:$0x3F9B];
	_ =	swait.ge [sflag:s4], $0x0  }
0x19: {  	s7 =	sld [smem:$0x3F9C]  }
0x1a: {  	s8 =	sadd.s32 $0xFFFFE003, lr  }
0x1b: {  	s9 =	sadd.s32 $0xFFFFFEF7, lr;
	s5 =	simm.s32 $0xFFFFFFFF;
	p2 =	slt.u32 s8, $0xFFFFF086  }
0x1c: {  	p1 =	slt.u32 s9, $0xF7A;
	s5 =	simm.s32 @!p2 $0x0  }
0x1d: {  	s5 =	simm.s32 @p1 $0x1;
	p0 =	seq.s32 s7, s2  }
0x1e: {  	s7 =	smul.u32 @!p0 $0xF7A, s2;
	p2 =	seq.s32 @!p0 s5, $0x0  }
0x1f: {  	s9 =	smul.u32 $0xF7A, s1;
	s8 =	simm.s32 @!p0 $0x1BF5;
	p2 =	por !p2, p0  }
0x20: {  	[sflag:s8] =	ssyncset.s32 @!p0 $0xFFFFF086;
	s6 =	sadd.s32 @!p0 s3, s7;
	s7 =	simm.s32 @!p0 $0x108  }
0x21: {  	s3 =	sadd.s32 s3, s9;
	s6 =	sadd.s32 @!p0 $0x88, s6;
	s7 =	simm.s32 @p2 $0x1082  }
0x22: {  	[simem:s7], [sflag:s8] =	dma.local @!p0 [hbm:s6], $0xF7A  }
0x23: {  	s9 =	sor.u32 $0xD0000000, s2;
	s6 =	simm.s32 $0x108;
	_ =	swait.ge @!p0 [sflag:s8], $0x0  }
0x24: {  	s3 =	sadd.s32 $0x88, s3;
	s6 =	simm.s32 @!p1 $0x1082;
	[sflag:s4] =	ssyncset.s32 $0xFFFFF086  }
0x25: {  	[simem:s6], [sflag:s4] =	dma.local [hbm:s3], $0xF7A  }
0x26: {  	[smem:$0x3F9C] =	sst s1;
	(tag) =	ssettag s2;
	_ =	strace s9  }
0x27: {  	s1 =	sld [smem:$0x3FAC]  }
0x28: {  	s2 =	sld [smem:$0x3FAD]  }
0x29: {  	s4 =	sld [smem:$0x3FAF]  }
0x2a: {  	p0 =	seq.s32 s5, $0x0;
	s5 =	sld [smem:$0x3FB0]  }
0x2b: {  	s6 =	sld [smem:$0x3FB1]  }
0x2c: {  	s7 =	sld [smem:$0x3FB2]  }
0x2d: {  	s3 =	simm.s32 $0x108;
	s8 =	sld [smem:$0x3FB3]  }
0x2e: {  	s3 =	simm.s32 @!p0 $0x1082;
	s9 =	sld [smem:$0x3FB4]  }
0x2f: {  	lr =	sadd.s32 s0, s3;
	s0 =	sld [smem:$0x3FAB]  }
0x30: {  	s3 =	sld [smem:$0x3FAE]  }
0x31: {  	[smem:$0x3FB7] =	sst s10  }
0x32: {  	s10 =	sld [smem:$0x3FB5];
	_ =	sdelay $0x3  }
0x33: {  	p0 =	seq.s32 s10, $0x1;
	s10 =	sld [smem:$0x3FB7];
	_ =	sdelay $0x3  }
0x34: {  	[smem:$0x3FB7] =	sst s10  }
0x35: {  	s10 =	sld [smem:$0x3FB6];
	_ =	sdelay $0x3  }
0x36: {  	p1 =	seq.s32 s10, $0x1;
	s10 =	sld [smem:$0x3FB7];
	_ =	sdelay $0x3  }
0x37: {  	[smem:$0x3FB7] =	sst s10  }
0x38: {  	s10 =	sld [smem:$0x3FB8]  }
0x39: {  	_ = 	snop;
	(pc) =	sbr.ind lr, $3  }
0x3a: {  	_ = 	snop  }
0x3b: {  	_ = 	snop  }
0x3c: {  	p2 =	seq.s32 s10, $0x1;
	s10 =	sld [smem:$0x3FB7]  }
0x3d: {  	_ =	shalt  }
0x3e: {  	_ =	shalt  }
0x3f: {  	_ =	shalt  }
0x40: {  	_ =	shalt  }
0x41: {  	_ =	shalt  }
0x42: {  	_ =	shalt  }
0x43: {  	_ =	shalt  }
0x44: {  	_ =	shalt  }
0x45: {  	_ =	shalt  }
0x46: {  	_ =	shalt  }
0x47: {  	_ =	shalt  }
0x48: {  	_ =	shalt  }
0x49: {  	_ =	shalt  }
0x4a: {  	_ =	shalt  }
0x4b: {  	_ =	shalt  }
0x4c: {  	_ =	shalt  }
0x4d: {  	_ =	shalt  }
0x4e: {  	_ =	shalt  }
0x4f: {  	_ =	shalt  }
0x50: {  	_ =	shalt  }
0x51: {  	_ =	shalt  }
0x52: {  	_ =	shalt  }
0x53: {  	_ =	shalt  }
0x54: {  	_ =	shalt  }
0x55: {  	_ =	shalt  }
0x56: {  	_ =	shalt  }
0x57: {  	_ =	shalt  }
0x58: {  	_ =	shalt  }
0x59: {  	_ =	shalt  }
0x5a: {  	_ =	shalt  }
0x5b: {  	_ =	shalt  }
0x5c: {  	_ =	shalt  }
0x5d: {  	_ =	shalt  }
0x5e: {  	_ =	shalt  }
0x5f: {  	_ =	shalt  }
0x60: {  	_ =	shalt  }
0x61: {  	_ =	shalt  }
0x62: {  	_ =	shalt  }
0x63: {  	_ =	shalt  }
0x64: {  	_ =	shalt  }
0x65: {  	_ =	shalt  }
0x66: {  	_ =	shalt  }
0x67: {  	_ =	shalt  }
0x68: {  	_ =	shalt  }
0x69: {  	_ =	shalt  }
0x6a: {  	_ =	shalt  }
0x6b: {  	_ =	shalt  }
0x6c: {  	_ =	shalt  }
0x6d: {  	_ =	shalt  }
0x6e: {  	_ =	shalt  }
0x6f: {  	_ =	shalt  }
0x70: {  	_ =	shalt  }
0x71: {  	_ =	shalt  }
0x72: {  	_ =	shalt  }
0x73: {  	_ =	shalt  }
0x74: {  	_ =	shalt  }
0x75: {  	_ =	shalt  }
0x76: {  	_ =	shalt  }
0x77: {  	_ =	shalt  }
0x78: {  	_ =	shalt  }
0x79: {  	_ =	shalt  }
0x7a: {  	_ =	shalt  }
0x7b: {  	_ =	shalt  }
0x7c: {  	_ =	shalt  }
0x7d: {  	_ =	shalt  }
0x7e: {  	_ =	shalt  }
0x7f: {  	_ =	shalt  }
0x80: {  	_ =	shalt  }
0x81: {  	_ =	shalt  }
0x82: {  	_ =	shalt  }
0x83: {  	_ =	shalt  }
0x84: {  	_ =	shalt  }
0x85: {  	_ =	shalt  }
0x86: {  	_ =	shalt  }
0x87: {  	_ =	shalt  }
.Lfunc_end0:
.L_simem_size_0:
called_computation_lowered:
.L_overlay_start_0:
0x88: {  	s2 =	sld [smem:$0x3FD9]  }
0x89: {  	s3 =	sld [smem:$0x3FFE];
	_ =	sdelay $0x1  }
0x8a: {  	s1 =	srdreg.scid  }
0x8b: {  	s0 =	sand.u32 $0x1, s1  }
0x8c: {  	s17 =	sshll.u32 s0, $0xA;
	s2 =	sadd.s32 s3, s2  }
0x8d: {  	s2 =	sadd.s32 s2, s17  }
0x8e: {  	[smem:$0x3FC3] =	sst s2  }
0x8f: {  	_ = 	snop  }
0x90: {  	s2 =	sld [smem:$0x3FC8]  }
0x91: {  	s18 =	sld [smem:$0x3FC5]  }
0x92: {  	s4 =	sld [smem:$0x3FD0];
	(tm) =	ssettm $0x1  }
0x93: {  	s5 =	sld [smem:$0x3FFB];
	_ =	sdelay $0x3  }
0x94: {  	_ =	strace s5  }
0x95: {  	s5 =	sld [smem:$0x3FFC];
	_ =	sdelay $0x3  }
0x96: {  	_ =	strace s5  }
0x97: {  	s5 =	sld [smem:$0x3FFD];
	_ =	sdelay $0x3  }
0x98: {  	_ =	strace s5  }
0x99: {  	_ =	strace $0x8FFFFFFF  }
0x9a: {  	s19 =	sld [smem:$0x3FDB];
	_ =	sdelay $0x1  }
0x9b: {  	s6 =	simm.s32 $_scs_section_size  }
0x9c: {  	s7 =	simm.s32 $_size__tile_overlayer_lowered;
	s8 =	simm.s32 $_tile_overlayer_lowered  }
0x9d: {  	s22 =	simm.s32 $0x1BFF;
	s21 =	sshll.u32 s8, $0x1;
	s5 =	sadd.s32 s6, s19  }
0x9e: {  	s9 =	simm.s32 $0x0;
	s20 =	sshll.u32 s7, $0x1;
	s7 =	sadd.s32 s21, s5  }
0x9f: {  	[timem:s9], [sflag:s22] =	dma.local [hbm:s7], s20  }
0xa0: {  	_ =	swait.ge [sflag:s22], s20  }
0xa1: {  	s6 =	ssub.s32 $0x0, s20;
	[sflag:s22] =	ssyncset.done $0x0  }
0xa2: {  	[sflag:s22] =	ssyncadd.s32 s6;
	_ =	sdelay $0x1  }
0xa3: {  	s23 =	simm.s32 $0x1B8B  }
0xa4: {  	_ =	swait.ge [sflag:s23], $0x1  }
0xa5: {  	[sflag:s23] =	ssyncset.done $0x0  }
0xa6: {  	s25 =	simm.s32 $0x1B8E;
	s24 =	sld [smem:$0x3FFE];
	[sflag:s23] =	ssyncadd.s32 $0xFFFFFFFF  }
0xa7: {  	s26 =	simm.s32 $execute0_lowered;
	[smem:$0x3FD2] =	sst s25  }
0xa8: {  	s7 =	sshll.u32 s26, $0x1;
	_ =	strace $0x80000046;
	[dreg:$0x1] =	wrdreg $0xFFFFFFFF  }
0xa9: {  	s28 =	simm.s32 $_size_execute0_lowered;
	s5 =	sadd.s32 s5, s7;
	[dreg:$0x0] =	wrdreg $0x0  }
0xaa: {  	s7 =	sshll.u32 s28, $0x1;
	[dreg:$0x2] =	wrdreg s5  }
0xab: {  	[dreg:$0x3] =	wrdreg s7  }
0xac: {  	[dreg:$0x4] =	wrdreg $0xC0  }
0xad: {  	_ =	task [dreg:s9], $0x5FFFF  }
0xae: {  	[dreg:$0x1] =	wrdreg $0xFFFFFFFF  }
0xaf: {  	[dreg:$0x0] =	wrdreg $0x60  }
0xb0: {  	[dreg:$0x2] =	wrdreg s24  }
0xb1: {  	[dreg:$0x3] =	wrdreg s2  }
0xb2: {  	[dreg:$0x4] =	wrdreg s18  }
0xb3: {  	[dreg:$0x5] =	wrdreg s4  }
0xb4: {  	[dreg:$0x6] =	wrdreg $0x9  }
0xb5: {  	_ =	task.clear_ibuf [dreg:s9], $0x7FFFF;
	_ =	strace $0x90000046  }
0xb6: {  	s29 =	simm.s32 $0x9;
	_ =	strace $0x80000048  }
0xb7: {  	_ =	swait.ge [sflag:s29], $0x1  }
0xb8: {  	[sflag:s29] =	ssyncadd.s32 $0xFFFFFFFF  }
0xb9: {  	_ =	strace $0x90000048  }
0xba: {  	_ =	sfence  }
0xbb: {  	s30 =	sld [smem:$0x0];
	_ =	sdelay $0x2  }
0xbc: {  	s31 =	sshll.u32 s1, $0xD;
	s1 =	sshrl.u32 s1, $0x2  }
0xbd: {  	s3 =	sand.u32 $0x4000, s31;
	s1 =	sadd.s32 s1, s30  }
0xbe: {  	s0 =	sor.u32 s3, s0;
	s1 =	sshll.u32 s1, $0x11  }
0xbf: {  	s0 =	sor.u32 s1, s0  }
0xc0: {  	s0 =	sadd.s32 $0x8F2B, s0  }
0xc1: {  	[sflag:s0] =	ssyncadd.remote.s32 $0x1  }
0xc2: {  	_ =	sfence.sel $0xFFFF  }
0xc3: {  	[dreg:$0x0] =	wrdreg $0xFFFFFFFF;
	(pc) =	sbr.abs _section_cstart, $3  }
0xc4: {  	[dreg:$0x1] =	wrdreg $0xFFFFFFFF  }
0xc5: {  	_ =	task.clear_ibuf [dreg:s9], $0x2FFFF;
	_ =	strace $0x9FFFFFFF  }
0xc6: {  	(tm) =	ssettm $0x7FFFFFFF  }
0xc7: {  	_ =	shalt  }
tec
execute0_lowered:
.L_overlay_start_1:
0x0: {  	(tag) =	ssettag $0x1  }
0x1: {  	v0 =	vimm.s32 $0x4100;
	vm15 =	vcmask $0x700;
	vm12 =	vcmask $0xB08  }
0x2: {  	vm11 =	vcmask $0xF0C;
	vm10 =	vcmask $0x1310;
	vm9 =	vcmask $0x1714  }
0x3: {  	vm7 =	vcmask $0x1B18;
	vm1 =	vcmask $0x1F1C;
	vm0 =	vcmask $0x2320  }
0x4: {  	v5 =	vimm.s32 $0xB4F;
	vm14 =	vcmask $0x300;
	v6 =	vimm.s32 $0xBCF  }
0x5: {  	vm13 =	vcmask $0x704;
	vm2 =	vcmask $0x2724;
	vm3 =	vcmask $0x2B28  }
0x6: {  	vm4 =	vcmask $0x2F2C;
	vm5 =	vcmask $0x3330;
	vm6 =	vcmask $0x3734  }
0x7: {  	vm8 =	vcmask $0x3B38;
	v7 =	vimm.s32 $0x4000;
	v9 =	vimm.s32 $0xB40  }
0x8: {  	v10 =	vimm.s32 $0xBC0;
	v11 =	vimm.s32 $0x16CF;
	v12 =	vimm.s32 $0x174F  }
0x9: {  	v13 =	vimm.s32 $0x17CF;
	v14 =	vimm.s32 $0x16C0;
	v15 =	vimm.s32 $0x1740  }
0xa: {  	v16 =	vimm.s32 $0x17C0;
	v0 =	vunpack.c.0.s8.s32 v0;
	v5 =	vsel vm14, $0x80, v5  }
0xb: {  	v6 =	vsel vm14, $0x100, v6;
	v8 =	vunpack.c.0.s8.s32 v7;
	v9 =	vsel vm14, $0x80, v9  }
0xc: {  	v10 =	vsel vm14, $0x100, v10;
	v11 =	vsel vm14, $0xC00, v11;
	v12 =	vsel vm14, $0xC80, v12  }
0xd: {  	v13 =	vsel vm14, $0xD00, v13;
	v14 =	vsel vm14, $0xC00, v14;
	v15 =	vsel vm14, $0xC80, v15  }
0xe: {  	v16 =	vsel vm14, $0xD00, v16;
	v5 =	vsel vm13, $0xC1, v5;
	v6 =	vsel vm13, $0x141, v6  }
0xf: {  	v9 =	vsel vm13, $0xC0, v9;
	v10 =	vsel vm13, $0x140, v10;
	v11 =	vsel vm13, $0xC41, v11  }
0x10: {  	v12 =	vsel vm13, $0xCC1, v12;
	v13 =	vsel vm13, $0xD41, v13;
	v14 =	vsel vm13, $0xC40, v14  }
0x11: {  	v15 =	vsel vm13, $0xCC0, v15;
	v16 =	vsel vm13, $0xD40, v16;
	v0 =	vnsel vm15, $0xACF, v0  }
0x12: {  	v5 =	vsel vm12, $0x202, v5;
	v6 =	vsel vm12, $0x282, v6;
	v8 =	vnsel vm15, $0xAC0, v8  }
0x13: {  	v9 =	vsel vm12, $0x200, v9;
	v10 =	vsel vm12, $0x280, v10;
	v11 =	vsel vm12, $0xD82, v11  }
0x14: {  	v12 =	vsel vm12, $0xE02, v12;
	v13 =	vsel vm12, $0xE82, v13;
	v14 =	vsel vm12, $0xD80, v14  }
0x15: {  	s0 =	srdreg.scid;
	v15 =	vsel vm12, $0xE00, v15;
	v16 =	vsel vm12, $0xE80, v16;
	v0 =	vsel vm12, $0x182, v0  }
0x16: {  	s8 =	sand.u32 $0x1, s0;
	v5 =	vsel vm11, $0x243, v5;
	v6 =	vsel vm11, $0x2C3, v6;
	v8 =	vsel vm12, $0x180, v8  }
0x17: {  	s1 =	stileid.u32;
	s0 =	sshll.u32 s8, $0x4;
	v9 =	vsel vm11, $0x240, v9;
	v10 =	vsel vm11, $0x2C0, v10;
	v11 =	vsel vm11, $0xDC3, v11  }
0x18: {  	s9 =	sor.u32 s1, s0;
	v12 =	vsel vm11, $0xE43, v12;
	v13 =	vsel vm11, $0xEC3, v13;
	v14 =	vsel vm11, $0xDC0, v14  }
0x19: {  	s1 =	sshll.u32 s9, $0xB;
	v15 =	vsel vm11, $0xE40, v15;
	v16 =	vsel vm11, $0xEC0, v16;
	v1 =	vsel vm11, $0x1C3, v0  }
0x1a: {  	v0 =	vmov s1;
	v5 =	vsel vm10, $0x384, v5;
	v6 =	vsel vm10, $0x404, v6  }
0x1b: {  	v8 =	vsel vm11, $0x1C0, v8;
	v9 =	vsel vm10, $0x380, v9;
	v10 =	vsel vm10, $0x400, v10  }
0x1c: {  	v11 =	vsel vm10, $0xF04, v11;
	v12 =	vsel vm10, $0xF84, v12;
	v13 =	vsel vm10, $0x1004, v13  }
0x1d: {  	v14 =	vsel vm10, $0xF00, v14;
	v15 =	vsel vm10, $0xF80, v15;
	v16 =	vsel vm10, $0x1000, v16  }
0x1e: {  	v2 =	vsel vm10, $0x304, v1;
	v1 =	vimm.f32 $0.0e+00;
	v5 =	vsel vm9, $0x3C5, v5  }
0x1f: {  	v6 =	vsel vm9, $0x445, v6;
	v8 =	vsel vm10, $0x300, v8;
	v9 =	vsel vm9, $0x3C0, v9  }
0x20: {  	v10 =	vsel vm9, $0x440, v10;
	v11 =	vsel vm9, $0xF45, v11;
	v12 =	vsel vm9, $0xFC5, v12  }
0x21: {  	v13 =	vsel vm9, $0x1045, v13;
	v14 =	vsel vm9, $0xF40, v14;
	v15 =	vsel vm9, $0xFC0, v15  }
0x22: {  	v16 =	vsel vm9, $0x1040, v16;
	v3 =	vsel vm9, $0x345, v2;
	v2 =	vlaneseq.u32  }
0x23: {  	v5 =	vsel vm7, $0x506, v5;
	v6 =	vsel vm7, $0x586, v6;
	v8 =	vsel vm9, $0x340, v8  }
0x24: {  	v9 =	vsel vm7, $0x500, v9;
	v10 =	vsel vm7, $0x580, v10;
	v11 =	vsel vm7, $0x1086, v11  }
0x25: {  	v12 =	vsel vm7, $0x1106, v12;
	v13 =	vsel vm7, $0x1186, v13;
	v14 =	vsel vm7, $0x1080, v14  }
0x26: {  	v15 =	vsel vm7, $0x1100, v15;
	v16 =	vsel vm7, $0x1180, v16;
	v4 =	vsel vm7, $0x486, v3  }
0x27: {  	v3 =	vmul.u32 $0x41, v2;
	v5 =	vsel vm1, $0x547, v5;
	v6 =	vsel vm1, $0x5C7, v6  }
0x28: {  	v7 =	vmul.u32 $0x40, v2;
	v8 =	vsel vm7, $0x480, v8;
	v9 =	vsel vm1, $0x540, v9  }
0x29: {  	v10 =	vsel vm1, $0x5C0, v10;
	v11 =	vsel vm1, $0x10C7, v11;
	v12 =	vsel vm1, $0x1147, v12  }
0x2a: {  	v13 =	vsel vm1, $0x11C7, v13;
	v14 =	vsel vm1, $0x10C0, v14;
	v15 =	vsel vm1, $0x1140, v15  }
0x2b: {  	v16 =	vsel vm1, $0x11C0, v16;
	v4 =	vsel vm1, $0x4C7, v4;
	v5 =	vsel vm0, $0x688, v5  }
0x2c: {  	v6 =	vsel vm0, $0x708, v6;
	v8 =	vsel vm1, $0x4C0, v8;
	v9 =	vsel vm0, $0x680, v9  }
0x2d: {  	v10 =	vsel vm0, $0x700, v10;
	v11 =	vsel vm0, $0x1208, v11;
	v12 =	vsel vm0, $0x1288, v12  }
0x2e: {  	v13 =	vsel vm0, $0x1308, v13;
	v14 =	vsel vm0, $0x1200, v14;
	v15 =	vsel vm0, $0x1280, v15  }
0x2f: {  	v16 =	vsel vm0, $0x1300, v16;
	v4 =	vsel vm0, $0x608, v4;
	v5 =	vsel vm2, $0x6C9, v5  }
0x30: {  	v6 =	vsel vm2, $0x749, v6;
	v8 =	vsel vm0, $0x600, v8;
	v9 =	vsel vm2, $0x6C0, v9  }
0x31: {  	v10 =	vsel vm2, $0x740, v10;
	v11 =	vsel vm2, $0x1249, v11;
	v12 =	vsel vm2, $0x12C9, v12  }
0x32: {  	v13 =	vsel vm2, $0x1349, v13;
	v14 =	vsel vm2, $0x1240, v14;
	v15 =	vsel vm2, $0x12C0, v15  }
0x33: {  	v16 =	vsel vm2, $0x1340, v16;
	v4 =	vsel vm2, $0x649, v4;
	v5 =	vsel vm3, $0x80A, v5  }
0x34: {  	v6 =	vsel vm3, $0x88A, v6;
	v8 =	vsel vm2, $0x640, v8;
	v9 =	vsel vm3, $0x800, v9  }
0x35: {  	v10 =	vsel vm3, $0x880, v10;
	v11 =	vsel vm3, $0x138A, v11;
	v12 =	vsel vm3, $0x140A, v12  }
0x36: {  	v13 =	vsel vm3, $0x148A, v13;
	v14 =	vsel vm3, $0x1380, v14;
	v15 =	vsel vm3, $0x1400, v15  }
0x37: {  	v16 =	vsel vm3, $0x1480, v16;
	v4 =	vsel vm3, $0x78A, v4;
	v5 =	vsel vm4, $0x84B, v5  }
0x38: {  	v6 =	vsel vm4, $0x8CB, v6;
	v8 =	vsel vm3, $0x780, v8;
	v9 =	vsel vm4, $0x840, v9  }
0x39: {  	v10 =	vsel vm4, $0x8C0, v10;
	v11 =	vsel vm4, $0x13CB, v11;
	v12 =	vsel vm4, $0x144B, v12  }
0x3a: {  	v13 =	vsel vm4, $0x14CB, v13;
	v14 =	vsel vm4, $0x13C0, v14;
	v15 =	vsel vm4, $0x1440, v15  }
0x3b: {  	s25 =	rddreg [dreg:$0x0];
	v16 =	vsel vm4, $0x14C0, v16;
	v4 =	vsel vm4, $0x7CB, v4;
	v5 =	vsel vm5, $0x98C, v5  }
0x3c: {  	s2 =	rddreg [dreg:$0x1];
	v6 =	vsel vm5, $0xA0C, v6;
	v8 =	vsel vm4, $0x7C0, v8;
	v9 =	vsel vm5, $0x980, v9  }
0x3d: {  	s3 =	rddreg [dreg:$0x2];
	s6 =	simm.s32 $0x0;
	v10 =	vsel vm5, $0xA00, v10;
	v11 =	vsel vm5, $0x150C, v11;
	v12 =	vsel vm5, $0x158C, v12  }
0x3e: {  	s30 =	simm.s32 $0x4000;
	s11 =	simm.s32 $0x1;
	s31 =	simm.s32 $0x4010;
	v13 =	vsel vm5, $0x160C, v13;
	v14 =	vsel vm5, $0x1500, v14;
	v15 =	vsel vm5, $0x1580, v15  }
0x3f: {  	s12 =	simm.s32 $0x2;
	s13 =	simm.s32 $0x3;
	s14 =	simm.s32 $0x800;
	v16 =	vsel vm5, $0x1600, v16;
	v4 =	vsel vm5, $0x90C, v4;
	v5 =	vsel vm6, $0x9CD, v5  }
0x40: {  	s15 =	simm.s32 $0x1000;
	s16 =	simm.s32 $0x2800;
	s17 =	simm.s32 $0x4;
	v6 =	vsel vm6, $0xA4D, v6;
	v8 =	vsel vm5, $0x900, v8;
	v9 =	vsel vm6, $0x9C0, v9  }
0x41: {  	s18 =	simm.s32 $0x5;
	s19 =	simm.s32 $0x6;
	s20 =	simm.s32 $0x4080;
	v10 =	vsel vm6, $0xA40, v10;
	v11 =	vsel vm6, $0x154D, v11;
	v12 =	vsel vm6, $0x15CD, v12  }
0x42: {  	s21 =	simm.s32 $0x7;
	[smem:$0x7FF] =	sst s6;
	s26 =	sadd.s32 $0x120400, s25;
	v13 =	vsel vm6, $0x164D, v13;
	v14 =	vsel vm6, $0x1540, v14;
	v15 =	vsel vm6, $0x15C0, v15  }
0x43: {  	s22 =	simm.s32 $0x0;
	_ =	strace $0x80000047;
	[dreg:$0x8] =	wrdreg s26;
	v16 =	vsel vm6, $0x1640, v16;
	v4 =	vsel vm6, $0x94D, v4;
	v5 =	vsel vm8, $0xB0E, v5  }
0x44: {  	s5 =	ssub.s32 $0x2, s8;
	[dreg:$0x5] =	wrdreg s30;
	s4 =	smul.u32 $0x300, s9;
	v6 =	vsel vm8, $0xB8E, v6;
	v8 =	vsel vm6, $0x940, v8;
	v9 =	vsel vm8, $0xB00, v9  }
0x45: {  	s7 =	sadd.s32 $0x400, s25;
	[dreg:$0x6] =	wrdreg s31;
	s28 =	sshrl.u32 s5, $0x1;
	v10 =	vsel vm8, $0xB80, v10;
	v11 =	vsel vm8, $0x168E, v11;
	v12 =	vsel vm8, $0x170E, v12  }
0x46: {  	s29 =	ssub.s32 s5, s28;
	s10 =	sadd.s32 $0x800, s1;
	s0 =	sadd.s32 s4, s25;
	v13 =	vsel vm8, $0x178E, v13;
	v14 =	vsel vm8, $0x1680, v14;
	v15 =	vsel vm8, $0x1700, v15  }
0x47: {  	[dreg:$0x7] =	wrdreg s10;
	s10 =	smax.u32 s29, $0x1;
	s9 =	sadd.s32 $0x120600, s0;
	v16 =	vsel vm8, $0x1780, v16;
	v4 =	vsel vm8, $0xA8E, v4;
	v8 =	vsel vm8, $0xA80, v8  }
.LBB2_1:
0x48: {  	s0 =	simm.s32 $0x6000  }
0x49: {  	s0 =	sand.u32 $0x1, s0  }
0x4a: {  	p0 =	por $0x0, $0x0;
	p1 =	seq.s32 s0, $0x1  }
0x4b: {  	p0 =	por !p0, !p1  }
0x4c: {  	s0 =	simm.s32 $0x1;
	p0 =	por !p0, !p0  }
0x4d: {  	s0 =	simm.s32 @!p0 $0x0  }
0x4e: {  	s28 =	ssub.s32 $0x3000, s0  }
0x4f: {  	p0 =	slt.s32 s28, $0x5FFF  }
0x50: {  	s28 =	simm.s32 @!p0 $0x5FFF  }
0x51: {  	s26 =	sshll.u32 s28, $0x4  }
0x52: {  	s0 =	sand.u32 $0x1FFFFFF0, s26  }
0x53: {  	s4 =	rddreg [dreg:$0x5];
	s0 =	sadd.s32 s3, s0  }
0x54: {  	[tilespmem:s4], [sflag:$0x1] =	stream.linear.gather [hbm4b:s0+s6], $0x10, $0x38;
	[tilespmem:$0x4100] =	vst v63  }
0x55: {  	s5 =	rddreg [dreg:$0x6]  }
0x56: {  	[tilespmem:s5], [sflag:$0x2] =	stream.linear.gather [hbm4b:s0+s6], $0x10, $0x38;
	[tilespmem:$0x4100] =	vst v63  }
0x57: {  	_ =	swait.ge [sflag:s11], $0x10  }
0x58: {  	[sflag:s11] =	ssyncset.done $0x0  }
0x59: {  	[sflag:s11] =	ssyncadd.s32 $0xFFFFFFF0  }
0x5a: {  	_ =	swait.ge [sflag:s12], $0x10  }
0x5b: {  	[sflag:s12] =	ssyncset.done $0x0  }
0x5c: {  	[sflag:s12] =	ssyncadd.s32 $0xFFFFFFF0  }
0x5d: {  	v17 =	vld [tilespmem:$0x4000];
	_ =	sdelay $0x4  }
0x5e: {  	(v2sf) =	vpush v17, $0x0;
	_ =	sdelay $0x9  }
0x5f: {  	v17 =	vld [tilespmem:$0x4010];
	_ =	sdelay $0x2  }
0x60: {  	s25 =	simm.s32 $0xE;
	s23 =	simm.s32 $0x0;
	s24 =	simm.s32 $0x0  }
0x61: {  	s29 =	simm.s32 $0x6000;
	s31 =	sadd.s32 $0x1, s28;
	s30 =	smov.u32 s28  }
0x62: {  	s26 =	simm.s32 $0x6000;
	s4 =	rddreg [dreg:$0x7];
	s5 =	spop (v2sf);
	(v2sf) =	vpush v17, $0x0  }
.LBB2_2:
0x63: {  	_ =	sdelay $0xc  }
0x64: {  	s0 =	smov.u32 s29  }
0x65: {  	p0 =	slt.s32 s5, s1;
	s5 =	sadd.s32 $0x1, s28;
	s29 =	spop (v2sf)  }
0x66: {  	s23 =	smov.u32 @p0 s31;
	s30 =	smov.u32 @p0 s26;
	p1 =	slt.s32 s29, s4  }
0x67: {  	s4 =	sadd.s32 s23, s30;
	s29 =	smov.u32 s28;
	s24 =	smov.u32 @p1 s5  }
0x68: {  	s29 =	smov.u32 @p1 s0;
	s0 =	sshrl.u32 s4, $0x1F;
	s8 =	sand.u32 $0x1, s4  }
0x69: {  	p3 =	slt.s32 s4, $0x1;
	s5 =	simm.s32 $0x1;
	s26 =	sadd.s32 s24, s29  }
0x6a: {  	p4 =	seq.s32 s8, $0x1;
	s0 =	sadd.s32 s0, s4;
	s4 =	simm.s32 $0x1  }
0x6b: {  	s8 =	sshrl.u32 s26, $0x1F;
	p0 =	por !p3, !p4;
	s28 =	sand.u32 $0x1, s26  }
0x6c: {  	p5 =	slt.s32 s26, $0x1;
	p0 =	por !p0, !p0;
	p2 =	seq.s32 s28, $0x1  }
0x6d: {  	s0 =	sshra.s32 s0, $0x1;
	s4 =	simm.s32 @!p0 $0x0;
	p6 =	por !p5, !p2  }
0x6e: {  	s8 =	sadd.s32 s8, s26;
	s0 =	ssub.s32 s0, s4;
	p0 =	por !p6, !p6  }
0x6f: {  	s4 =	sshra.s32 s8, $0x1;
	p1 =	slt.s32 s0, $0x5FFF;
	s5 =	simm.s32 @!p0 $0x0  }
0x70: {  	s0 =	simm.s32 @!p1 $0x5FFF;
	s28 =	ssub.s32 s4, s5  }
0x71: {  	p1 =	slt.s32 s28, $0x5FFF;
	s26 =	sshll.u32 s0, $0x4  }
0x72: {  	s8 =	simm.s32 $0x0;
	s28 =	simm.s32 @!p1 $0x5FFF;
	s4 =	sand.u32 $0x1FFFFFF0, s26  }
0x73: {  	s5 =	rddreg [dreg:$0x5];
	s4 =	sadd.s32 s3, s4;
	s31 =	sshll.u32 s28, $0x4  }
0x74: {  	[tilespmem:s5], [sflag:$0x1] =	stream.linear.gather [hbm4b:s4+s8], $0x10, $0x38;
	[tilespmem:$0x4100] =	vst v63  }
0x75: {  	s5 =	sand.u32 $0x1FFFFFF0, s31  }
0x76: {  	s26 =	rddreg [dreg:$0x6];
	s4 =	sadd.s32 s3, s5  }
0x77: {  	[tilespmem:s26], [sflag:$0x2] =	stream.linear.gather [hbm4b:s4+s8], $0x10, $0x38;
	[tilespmem:$0x4100] =	vst v63  }
0x78: {  	_ =	swait.ge [sflag:s11], $0x10  }
0x79: {  	[sflag:s11] =	ssyncset.done $0x0  }
0x7a: {  	[sflag:s11] =	ssyncadd.s32 $0xFFFFFFF0  }
0x7b: {  	_ =	swait.ge [sflag:s12], $0x10  }
0x7c: {  	[sflag:s12] =	ssyncset.done $0x0  }
0x7d: {  	[sflag:s12] =	ssyncadd.s32 $0xFFFFFFF0  }
0x7e: {  	v17 =	vld [tilespmem:$0x4000];
	_ =	sdelay $0x4  }
0x7f: {  	(v2sf) =	vpush v17, $0x0;
	_ =	sdelay $0x9  }
0x80: {  	p0 =	sne.s32 s25, $0x1;
	v18 =	vld [tilespmem:$0x4010]  }
.Ltmp0:
0x81: {  	_ = 	snop;
	(pc) =	sbr.rel @p0 .LBB2_2-.Ltmp0, $3  }
0x82: {  	_ =	sdelay $0x1  }
0x83: {  	s25 =	sadd.s32 $0xFFFFFFFF, s25;
	s31 =	sadd.s32 $0x1, s0;
	s26 =	smov.u32 s30  }
0x84: {  	s30 =	smov.u32 s0;
	s4 =	rddreg [dreg:$0x7];
	(v2sf) =	vpush v18, $0x0;
	s5 =	spop (v2sf)  }
0x85: {  	_ =	sdelay $0xd  }
0x86: {  	p0 =	slt.s32 s5, s1;
	s0 =	spop (v2sf)  }
0x87: {  	s5 =	sadd.s32 $0x1, s28;
	s23 =	smov.u32 @p0 s31;
	p1 =	slt.s32 s0, s4  }
0x88: {  	s0 =	simm.s32 $0x40;
	s4 =	simm.s32 $0x0;
	s24 =	smov.u32 @p1 s5  }
.LBB2_4:
0x89: {  	p0 =	sne.s32 s0, $0x5FC0;
	[tilespmem:s4+$0x2800] =	vst v1;
	s4 =	smov.u32 s0;
	s0 =	sadd.s32 $0x40, s0  }
.Ltmp1:
0x8a: {  	(pc) =	sbr.rel @p0 .LBB2_4-.Ltmp1, $2  }
0x8b: {  	_ =	sdelay $0x2  }
0x8c: {  	s4 =	sshra.s32 s4, $0x2  }
0x8d: {  	p0 =	sgt.s32 s23, $0x1  }
0x8e: {  	s23 =	simm.s32 @!p0 $0x1  }
0x8f: {  	s0 =	sadd.s32 $0xFFFFFFFF, s23  }
0x90: {  	s5 =	ssub.s32 s24, s0  }
0x91: {  	s5 =	sshll.u32 s5, $0x7  }
0x92: {  	s5 =	sadd.s32 $0x3FF, s5  }
0x93: {  	s8 =	sshra.s32 s5, $0x1F  }
0x94: {  	s28 =	sshrl.u32 s8, $0x16  }
0x95: {  	s5 =	sadd.s32 s28, s5  }
0x96: {  	s5 =	sshra.s32 s5, $0xA  }
0x97: {  	s23 =	sadd.s32 s8, s5  }
0x98: {  	s24 =	sshll.u32 s0, $0x7;
	p0 =	slt.s32 s23, $0x1  }
0x99: {  	s29 =	sadd.s32 $0x1, s23;
	s0 =	smin.u32 @!p0 s24, $0x2FFC00  }
0x9a: {  	p6 =	slt.s32 s23, $0x0;
	s8 =	simm.s32 @!p0 $0x0;
	s5 =	sshrl.u32 @!p0 s0, $0x3  }
0x9b: {  	[tilespmem:s4+$0x2800] =	vst v1;
	s30 =	sand.u32 $0x1, s29;
	s0 =	smul.u32 @!p0 $0x3, s0;
	s4 =	sadd.s32 @!p0 s3, s5  }
0x9c: {  	[tilespmem:s8], [sflag:$0x1] =	stream.linear.gather @!p0 [hbm4b:s4+s8], $0x400, $0x38;
	[tilespmem:$0x4100] =	vst v63  }
0x9d: {  	s4 =	sadd.s32 @!p0 s2, s5;
	s5 =	simm.s32 @!p0 $0x800;
	s0 =	sshrl.u32 @!p0 s0, $0x3  }
0x9e: {  	[tilespmem:s5], [sflag:$0x2] =	stream.linear.gather @!p0 [hbm4b:s4+s8], $0x400, $0x38;
	[tilespmem:$0x4100] =	vst v63  }
0x9f: {  	p1 =	seq.s32 s30, $0x1;
	s0 =	sadd.s32 @!p0 s7, s0;
	s4 =	simm.s32 @!p0 $0x1000  }
0xa0: {  	[tilespmem:s4], [sflag:$0x3] =	stream.linear.gather @!p0 [hbm4b:s0+s8], $0xC00, $0x38;
	[tilespmem:$0x4100] =	vst v63  }
0xa1: {  	s31 =	sshrl.u32 s29, $0x1F;
	p0 =	por !p6, !p1  }
0xa2: {  	s0 =	sadd.s32 s31, s29;
	s4 =	simm.s32 $0x1;
	p0 =	por !p0, !p0  }
0xa3: {  	s0 =	sshra.s32 s0, $0x1;
	s4 =	simm.s32 @!p0 $0x0  }
0xa4: {  	s25 =	ssub.s32 s0, s4  }
0xa5: {  	p0 =	slt.s32 s25, $0x1  }
.Ltmp2:
0xa6: {  	_ = 	snop;
	(pc) =	sbr.rel @!p0 .LBB2_6-.Ltmp2, $2  }
0xa7: {  	_ =	sdelay $0x2  }
0xa8: {  	s26 =	simm.s32 $0x0  }
.LBB2_14:
0xa9: {  	s0 =	simm.s32 $0x0;
	s4 =	rddreg [dreg:$0x3]  }
0xaa: {  	[tilespmem:s20], [sflag:$0x7] =	stream.linear.gather [hbm4b:s4+s0], $0x80, $0x38;
	[tilespmem:$0x4100] =	vst v63  }
0xab: {  	_ =	swait.ge [sflag:s21], $0x80  }
0xac: {  	[sflag:s21] =	ssyncset.done $0x0  }
0xad: {  	s31 =	rddreg [dreg:$0x8];
	[sflag:s21] =	ssyncadd.s32 $0xFFFFFF80  }
0xae: {  	v17 =	vld [tilespmem:$0x4080];
	[tilespmem:s20], [sflag:$0x7] =	stream.linear.gather [hbm4b:s31+s0], $0x80, $0x38  }
0xaf: {  	_ =	swait.ge [sflag:s21], $0x80  }
0xb0: {  	[sflag:s21] =	ssyncset.done $0x0  }
0xb1: {  	[sflag:s21] =	ssyncadd.s32 $0xFFFFFF80  }
0xb2: {  	s4 =	simm.s32 $0x0;
	s0 =	simm.s32 $0x40;
	v18 =	vld [tilespmem:$0x4080]  }
.LBB2_15:
0xb3: {  	p0 =	sne.s32 s0, $0x5FC0;
	v19 =	vld [tilespmem:s4+$0x2800];
	_ =	sdelay $0x2  }
.Ltmp3:
0xb4: {  	(pc) =	sbr.rel @p0 .LBB2_15-.Ltmp3, $4  }
0xb5: {  	_ = 	snop  }
0xb6: {  	v19 =	vmax.f32 v19, v17  }
0xb7: {  	v19 =	vmin.f32 v19, v18  }
0xb8: {  	[tilespmem:s4+$0x2800] =	vst v19;
	s4 =	sshra.s32 s0, $0x2;
	s0 =	sadd.s32 $0x40, s0  }
0xb9: {  	v19 =	vld [tilespmem:s4+$0x2800];
	_ =	sdelay $0x4  }
0xba: {  	v17 =	vmax.f32 v19, v17  }
0xbb: {  	s22 =	sadd.s32 $0x1, s22;
	v17 =	vmin.f32 v17, v18  }
0xbc: {  	p0 =	sne.s32 s22, s10;
	[tilespmem:s4+$0x2800] =	vst v17  }
0xbd: {  	[hbm4b:s9+s6] =	stream.linear.scatter [tilespmem:s16], [sflag:$0x7], $0x1800, $0x38;
	[tilespmem:$0x4100] =	vst v63  }
.Ltmp4:
0xbe: {  	_ = 	snop;
	(pc) =	sbr.rel @p0 .LBB2_1-.Ltmp4, $4  }
.Ltmp5:
0xbf: {  	_ = 	snop;
	(pc) =	sbr.rel @!p0 .LBB2_17-.Ltmp5, $4  }
0xc0: {  	_ =	swait.ge [sflag:s21], $0x1800  }
0xc1: {  	[sflag:s21] =	ssyncset.done $0x0  }
0xc2: {  	[sflag:s21] =	ssyncadd.s32 $0xFFFFE800  }
0xc3: {  	_ = 	snop  }
.LBB2_13:
0xc4: {  	s26 =	sadd.s32 $0x1, s26  }
0xc5: {  	p0 =	sne.s32 s26, s25  }
.Ltmp6:
0xc6: {  	_ = 	snop;
	(pc) =	sbr.rel @!p0 .LBB2_14-.Ltmp6, $1  }
0xc7: {  	_ =	sdelay $0x3  }
.LBB2_6:
0xc8: {  	s29 =	sshll.u32 s26, $0x1  }
0xc9: {  	p0 =	slt.s32 s29, s23  }
.Ltmp7:
0xca: {  	_ = 	snop;
	(pc) =	sbr.rel @!p0 .LBB2_7-.Ltmp7, $1  }
0xcb: {  	_ =	sdelay $0x3  }
0xcc: {  	_ =	swait.ge [sflag:s11], $0x400;
	s28 =	sor.u32 $0x1, s29  }
0xcd: {  	[sflag:s11] =	ssyncset.done $0x0;
	p0 =	sge.s32 s28, s23  }
0xce: {  	[sflag:s11] =	ssyncadd.s32 $0xFFFFFC00;
	s0 =	sshll.u32 @!p0 s28, $0xA  }
0xcf: {  	_ =	swait.ge [sflag:s12], $0x400;
	s0 =	sadd.s32 @!p0 s24, s0  }
0xd0: {  	[sflag:s12] =	ssyncset.done $0x0;
	p1 =	slt.s32 @!p0 s0, $0x2FFC00  }
0xd1: {  	s4 =	sshll.u32 s26, $0xB;
	[sflag:s12] =	ssyncadd.s32 $0xFFFFFC00;
	p1 =	por !p1, p0  }
0xd2: {  	s4 =	sadd.s32 s24, s4;
	_ =	swait.ge [sflag:s13], $0xC00;
	s0 =	simm.s32 @p1 $0x2FFC00  }
0xd3: {  	s30 =	simm.s32 @!p0 $0x0;
	[sflag:s13] =	ssyncset.done $0x0;
	s5 =	sshrl.u32 @!p0 s0, $0x3  }
0xd4: {  	s31 =	simm.s32 @!p0 $0x400;
	[sflag:s13] =	ssyncadd.s32 $0xFFFFF400;
	s8 =	sadd.s32 @!p0 s3, s5  }
0xd5: {  	[tilespmem:s31], [sflag:$0x4] =	stream.linear.gather @!p0 [hbm4b:s8+s30], $0x400, $0x38;
	[tilespmem:$0x4100] =	vst v63  }
0xd6: {  	s0 =	smul.u32 @!p0 $0x3, s0;
	s5 =	sadd.s32 @!p0 s2, s5;
	s8 =	simm.s32 @!p0 $0xC00  }
0xd7: {  	[tilespmem:s8], [sflag:$0x5] =	stream.linear.gather @!p0 [hbm4b:s5+s30], $0x400, $0x38;
	[tilespmem:$0x4100] =	vst v63  }
0xd8: {  	p1 =	slt.s32 s4, $0x2FFC00;
	s0 =	sshrl.u32 @!p0 s0, $0x3;
	s5 =	smov.u32 s4  }
0xd9: {  	s0 =	sadd.s32 @!p0 s7, s0;
	s8 =	simm.s32 @!p0 $0x1C00;
	s5 =	simm.s32 @!p1 $0x2FFC00  }
0xda: {  	[tilespmem:s8], [sflag:$0x6] =	stream.linear.gather @!p0 [hbm4b:s0+s30], $0xC00, $0x38;
	[tilespmem:$0x4100] =	vst v63  }
0xdb: {  	s31 =	ssub.s32 s4, s5  }
0xdc: {  	s30 =	simm.s32 $0x0;
	v17 =	vmov s31  }
.LBB2_9:
0xdd: {  	v18 =	vor.u32 s30, v3;
	_ =	sdelay $0x4  }
0xde: {  	v19 =	vld.idx.msk [tilespmem:v18+s6+$0x0], $0xffff;
	_ =	sdelay $0x1  }
0xdf: {  	v20 =	vor.u32 s30, v4;
	_ =	sdelay $0x2  }
0xe0: {  	v21 =	vsub.s32 v19, v0  }
0xe1: {  	v22 =	vld.idx.msk [tilespmem:v18+s14+$0x0], $0xffff;
	v23 =	vshrl.u32 v21, $0x7  }
0xe2: {  	vm1 =	vge.s32 v18, v17;
	v20 =	vld.idx.msk [tilespmem:v20+s15+$0x0], $0xffff;
	vm0 =	vlt.u32 v21, $0x800;
	v18 =	vmul.u32 $0x180, v23  }
0xe3: {  	v19 =	vand.u32 $0x7F, v19;
	vm0 =	vmand vm1, vm0  }
0xe4: {  	v18 =	vor.u32 v19, v18  }
0xe5: {  	v19 =	vor.u32 s30, v5;
	_ =	sdelay $0x1  }
0xe6: {  	v20 =	vmul.f32 v20, v22;
	_ =	sdelay $0x1  }
0xe7: {  	[tilespmem:v18+s16+$0x0] =	vst.idx.add.f32.msk vm0, v20  }
0xe8: {  	v19 =	vld.idx.msk [tilespmem:v19+s15+$0x0], $0xffff;
	_ =	sdelay $0x1  }
0xe9: {  	v58 =	vadd.s32 $0x80, v18  }
0xea: {  	v59 =	vor.u32 s30, v6;
	_ =	sdelay $0x1  }
0xeb: {  	v19 =	vmul.f32 v19, v22;
	_ =	sdelay $0x1  }
0xec: {  	[tilespmem:v58+s16+$0x0] =	vst.idx.add.f32.msk vm0, v19  }
0xed: {  	s0 =	sadd.s32 $0x1, s30;
	v19 =	vld.idx.msk [tilespmem:v59+s15+$0x0], $0xffff  }
0xee: {  	v60 =	vadd.s32 s0, v2  }
0xef: {  	v18 =	vadd.s32 $0x100, v18;
	v20 =	vand.u32 $0x3F, v60  }
0xf0: {  	v61 =	vor.u32 v7, v20;
	_ =	sdelay $0x1  }
0xf1: {  	v19 =	vmul.f32 v19, v22;
	_ =	sdelay $0x1  }
0xf2: {  	[tilespmem:v18+s16+$0x0] =	vst.idx.add.f32.msk vm0, v19  }
0xf3: {  	v18 =	vld.idx.msk [tilespmem:v61+s6+$0x0], $0xffff;
	_ =	sdelay $0x1  }
0xf4: {  	v19 =	vor.u32 v8, v20;
	_ =	sdelay $0x2  }
0xf5: {  	v62 =	vsub.s32 v18, v0  }
0xf6: {  	v63 =	vld.idx.msk [tilespmem:v61+s14+$0x0], $0xffff;
	v24 =	vshrl.u32 v62, $0x7  }
0xf7: {  	vm11 =	vge.s32 v61, v17;
	v19 =	vld.idx.msk [tilespmem:v19+s15+$0x0], $0xffff;
	vm10 =	vlt.u32 v62, $0x800;
	v24 =	vmul.u32 $0x180, v24  }
0xf8: {  	v18 =	vand.u32 $0x7F, v18;
	vm0 =	vmand vm11, vm10  }
0xf9: {  	v18 =	vor.u32 v18, v24  }
0xfa: {  	v25 =	vor.u32 v9, v20;
	_ =	sdelay $0x1  }
0xfb: {  	v19 =	vmul.f32 v19, v63;
	_ =	sdelay $0x1  }
0xfc: {  	[tilespmem:v18+s16+$0x0] =	vst.idx.add.f32.msk vm0, v19  }
0xfd: {  	v19 =	vld.idx.msk [tilespmem:v25+s15+$0x0], $0xffff;
	_ =	sdelay $0x1  }
0xfe: {  	v26 =	vadd.s32 $0x80, v18  }
0xff: {  	v20 =	vor.u32 v10, v20;
	_ =	sdelay $0x1  }
0x100: {  	v19 =	vmul.f32 v19, v63;
	_ =	sdelay $0x1  }
0x101: {  	[tilespmem:v26+s16+$0x0] =	vst.idx.add.f32.msk vm0, v19  }
0x102: {  	s8 =	sadd.s32 $0x2, s30;
	v19 =	vld.idx.msk [tilespmem:v20+s15+$0x0], $0xffff  }
0x103: {  	v27 =	vadd.s32 s8, v2  }
0x104: {  	v18 =	vadd.s32 $0x100, v18;
	v20 =	vand.u32 $0x3F, v27  }
0x105: {  	v28 =	vor.u32 v7, v20;
	_ =	sdelay $0x1  }
0x106: {  	v19 =	vmul.f32 v19, v63;
	_ =	sdelay $0x1  }
0x107: {  	[tilespmem:v18+s16+$0x0] =	vst.idx.add.f32.msk vm0, v19  }
0x108: {  	v18 =	vld.idx.msk [tilespmem:v28+s6+$0x0], $0xffff;
	_ =	sdelay $0x1  }
0x109: {  	v19 =	vor.u32 v8, v20;
	_ =	sdelay $0x2  }
0x10a: {  	v29 =	vsub.s32 v18, v0  }
0x10b: {  	v30 =	vld.idx.msk [tilespmem:v28+s14+$0x0], $0xffff;
	v31 =	vshrl.u32 v29, $0x7  }
0x10c: {  	vm13 =	vge.s32 v28, v17;
	v19 =	vld.idx.msk [tilespmem:v19+s15+$0x0], $0xffff;
	vm12 =	vlt.u32 v29, $0x800;
	v32 =	vmul.u32 $0x180, v31  }
0x10d: {  	v18 =	vand.u32 $0x7F, v18;
	vm0 =	vmand vm13, vm12  }
0x10e: {  	v18 =	vor.u32 v18, v32  }
0x10f: {  	v33 =	vor.u32 v9, v20;
	_ =	sdelay $0x1  }
0x110: {  	v19 =	vmul.f32 v19, v30;
	_ =	sdelay $0x1  }
0x111: {  	[tilespmem:v18+s16+$0x0] =	vst.idx.add.f32.msk vm0, v19  }
0x112: {  	v19 =	vld.idx.msk [tilespmem:v33+s15+$0x0], $0xffff;
	_ =	sdelay $0x1  }
0x113: {  	v34 =	vadd.s32 $0x80, v18  }
0x114: {  	v20 =	vor.u32 v10, v20;
	_ =	sdelay $0x1  }
0x115: {  	v19 =	vmul.f32 v19, v30;
	_ =	sdelay $0x1  }
0x116: {  	[tilespmem:v34+s16+$0x0] =	vst.idx.add.f32.msk vm0, v19  }
0x117: {  	s31 =	sadd.s32 $0x3, s30;
	v19 =	vld.idx.msk [tilespmem:v20+s15+$0x0], $0xffff  }
0x118: {  	v35 =	vadd.s32 s31, v2  }
0x119: {  	v18 =	vadd.s32 $0x100, v18;
	v20 =	vand.u32 $0x3F, v35  }
0x11a: {  	v36 =	vor.u32 v7, v20;
	_ =	sdelay $0x1  }
0x11b: {  	v19 =	vmul.f32 v19, v30;
	_ =	sdelay $0x1  }
0x11c: {  	[tilespmem:v18+s16+$0x0] =	vst.idx.add.f32.msk vm0, v19  }
0x11d: {  	v18 =	vld.idx.msk [tilespmem:v36+s6+$0x0], $0xffff;
	_ =	sdelay $0x1  }
0x11e: {  	v19 =	vor.u32 v8, v20;
	_ =	sdelay $0x2  }
0x11f: {  	v37 =	vsub.s32 v18, v0  }
0x120: {  	v38 =	vld.idx.msk [tilespmem:v36+s14+$0x0], $0xffff;
	v39 =	vshrl.u32 v37, $0x7  }
0x121: {  	vm15 =	vge.s32 v36, v17;
	v19 =	vld.idx.msk [tilespmem:v19+s15+$0x0], $0xffff;
	vm14 =	vlt.u32 v37, $0x800;
	v40 =	vmul.u32 $0x180, v39  }
0x122: {  	v18 =	vand.u32 $0x7F, v18;
	vm0 =	vmand vm15, vm14  }
0x123: {  	v18 =	vor.u32 v18, v40  }
0x124: {  	v41 =	vor.u32 v9, v20;
	_ =	sdelay $0x1  }
0x125: {  	v19 =	vmul.f32 v19, v38;
	_ =	sdelay $0x1  }
0x126: {  	[tilespmem:v18+s16+$0x0] =	vst.idx.add.f32.msk vm0, v19  }
0x127: {  	v19 =	vld.idx.msk [tilespmem:v41+s15+$0x0], $0xffff;
	_ =	sdelay $0x1  }
0x128: {  	v42 =	vadd.s32 $0x80, v18  }
0x129: {  	v20 =	vor.u32 v10, v20;
	_ =	sdelay $0x1  }
0x12a: {  	v19 =	vmul.f32 v19, v38;
	_ =	sdelay $0x1  }
0x12b: {  	[tilespmem:v42+s16+$0x0] =	vst.idx.add.f32.msk vm0, v19  }
0x12c: {  	s4 =	sadd.s32 $0x4, s30;
	v19 =	vld.idx.msk [tilespmem:v20+s15+$0x0], $0xffff  }
0x12d: {  	v43 =	vadd.s32 s4, v2  }
0x12e: {  	v18 =	vadd.s32 $0x100, v18;
	v20 =	vand.u32 $0x3F, v43  }
0x12f: {  	v44 =	vor.u32 v7, v20;
	_ =	sdelay $0x1  }
0x130: {  	v19 =	vmul.f32 v19, v38;
	_ =	sdelay $0x1  }
0x131: {  	[tilespmem:v18+s16+$0x0] =	vst.idx.add.f32.msk vm0, v19  }
0x132: {  	v18 =	vld.idx.msk [tilespmem:v44+s6+$0x0], $0xffff;
	_ =	sdelay $0x1  }
0x133: {  	v19 =	vor.u32 v8, v20;
	_ =	sdelay $0x2  }
0x134: {  	v45 =	vsub.s32 v18, v0  }
0x135: {  	v46 =	vld.idx.msk [tilespmem:v44+s14+$0x0], $0xffff;
	v47 =	vshrl.u32 v45, $0x7  }
0x136: {  	vm5 =	vge.s32 v44, v17;
	v19 =	vld.idx.msk [tilespmem:v19+s15+$0x0], $0xffff;
	vm4 =	vlt.u32 v45, $0x800;
	v48 =	vmul.u32 $0x180, v47  }
0x137: {  	v18 =	vand.u32 $0x7F, v18;
	vm0 =	vmand vm5, vm4  }
0x138: {  	v18 =	vor.u32 v18, v48  }
0x139: {  	v49 =	vor.u32 v9, v20;
	_ =	sdelay $0x1  }
0x13a: {  	v19 =	vmul.f32 v19, v46;
	_ =	sdelay $0x1  }
0x13b: {  	[tilespmem:v18+s16+$0x0] =	vst.idx.add.f32.msk vm0, v19  }
0x13c: {  	v19 =	vld.idx.msk [tilespmem:v49+s15+$0x0], $0xffff;
	_ =	sdelay $0x1  }
0x13d: {  	v50 =	vadd.s32 $0x80, v18  }
0x13e: {  	v20 =	vor.u32 v10, v20;
	_ =	sdelay $0x1  }
0x13f: {  	v19 =	vmul.f32 v19, v46;
	_ =	sdelay $0x1  }
0x140: {  	[tilespmem:v50+s16+$0x0] =	vst.idx.add.f32.msk vm0, v19  }
0x141: {  	s5 =	sadd.s32 $0x5, s30;
	v19 =	vld.idx.msk [tilespmem:v20+s15+$0x0], $0xffff  }
0x142: {  	v51 =	vadd.s32 s5, v2  }
0x143: {  	v18 =	vadd.s32 $0x100, v18;
	v20 =	vand.u32 $0x3F, v51  }
0x144: {  	v52 =	vor.u32 v7, v20;
	_ =	sdelay $0x1  }
0x145: {  	v19 =	vmul.f32 v19, v46;
	_ =	sdelay $0x1  }
0x146: {  	[tilespmem:v18+s16+$0x0] =	vst.idx.add.f32.msk vm0, v19  }
0x147: {  	v18 =	vld.idx.msk [tilespmem:v52+s6+$0x0], $0xffff;
	_ =	sdelay $0x1  }
0x148: {  	v19 =	vor.u32 v8, v20;
	_ =	sdelay $0x2  }
0x149: {  	v53 =	vsub.s32 v18, v0  }
0x14a: {  	v54 =	vld.idx.msk [tilespmem:v52+s14+$0x0], $0xffff;
	v55 =	vshrl.u32 v53, $0x7  }
0x14b: {  	vm7 =	vge.s32 v52, v17;
	v19 =	vld.idx.msk [tilespmem:v19+s15+$0x0], $0xffff;
	vm6 =	vlt.u32 v53, $0x800;
	v56 =	vmul.u32 $0x180, v55  }
0x14c: {  	v18 =	vand.u32 $0x7F, v18;
	vm0 =	vmand vm7, vm6  }
0x14d: {  	v18 =	vor.u32 v18, v56  }
0x14e: {  	v57 =	vor.u32 v9, v20;
	_ =	sdelay $0x1  }
0x14f: {  	v19 =	vmul.f32 v19, v54;
	_ =	sdelay $0x1  }
0x150: {  	[tilespmem:v18+s16+$0x0] =	vst.idx.add.f32.msk vm0, v19  }
0x151: {  	v19 =	vld.idx.msk [tilespmem:v57+s15+$0x0], $0xffff;
	_ =	sdelay $0x1  }
0x152: {  	v58 =	vadd.s32 $0x80, v18  }
0x153: {  	v20 =	vor.u32 v10, v20;
	_ =	sdelay $0x1  }
0x154: {  	v19 =	vmul.f32 v19, v54;
	_ =	sdelay $0x1  }
0x155: {  	[tilespmem:v58+s16+$0x0] =	vst.idx.add.f32.msk vm0, v19  }
0x156: {  	s8 =	sadd.s32 $0x6, s30;
	v19 =	vld.idx.msk [tilespmem:v20+s15+$0x0], $0xffff  }
0x157: {  	v59 =	vadd.s32 s8, v2  }
0x158: {  	v18 =	vadd.s32 $0x100, v18;
	v20 =	vand.u32 $0x3F, v59  }
0x159: {  	v60 =	vor.u32 v7, v20;
	_ =	sdelay $0x1  }
0x15a: {  	v19 =	vmul.f32 v19, v54;
	_ =	sdelay $0x1  }
0x15b: {  	[tilespmem:v18+s16+$0x0] =	vst.idx.add.f32.msk vm0, v19  }
0x15c: {  	v18 =	vld.idx.msk [tilespmem:v60+s6+$0x0], $0xffff;
	_ =	sdelay $0x1  }
0x15d: {  	v19 =	vor.u32 v8, v20;
	_ =	sdelay $0x2  }
0x15e: {  	v61 =	vsub.s32 v18, v0  }
0x15f: {  	v62 =	vld.idx.msk [tilespmem:v60+s14+$0x0], $0xffff;
	v63 =	vshrl.u32 v61, $0x7  }
0x160: {  	vm9 =	vge.s32 v60, v17;
	v19 =	vld.idx.msk [tilespmem:v19+s15+$0x0], $0xffff;
	vm8 =	vlt.u32 v61, $0x800;
	v25 =	vmul.u32 $0x180, v63  }
0x161: {  	v18 =	vand.u32 $0x7F, v18;
	vm0 =	vmand vm9, vm8  }
0x162: {  	v18 =	vor.u32 v18, v25  }
0x163: {  	v26 =	vor.u32 v9, v20;
	_ =	sdelay $0x1  }
0x164: {  	v19 =	vmul.f32 v19, v62;
	_ =	sdelay $0x1  }
0x165: {  	[tilespmem:v18+s16+$0x0] =	vst.idx.add.f32.msk vm0, v19  }
0x166: {  	v19 =	vld.idx.msk [tilespmem:v26+s15+$0x0], $0xffff;
	_ =	sdelay $0x1  }
0x167: {  	v27 =	vadd.s32 $0x80, v18  }
0x168: {  	v20 =	vor.u32 v10, v20;
	_ =	sdelay $0x1  }
0x169: {  	v19 =	vmul.f32 v19, v62;
	_ =	sdelay $0x1  }
0x16a: {  	[tilespmem:v27+s16+$0x0] =	vst.idx.add.f32.msk vm0, v19  }
0x16b: {  	s31 =	sadd.s32 $0x7, s30;
	v19 =	vld.idx.msk [tilespmem:v20+s15+$0x0], $0xffff  }
0x16c: {  	v28 =	vadd.s32 s31, v2  }
0x16d: {  	v18 =	vadd.s32 $0x100, v18;
	v20 =	vand.u32 $0x3F, v28  }
0x16e: {  	v29 =	vor.u32 v7, v20;
	_ =	sdelay $0x1  }
0x16f: {  	v19 =	vmul.f32 v19, v62;
	_ =	sdelay $0x1  }
0x170: {  	[tilespmem:v18+s16+$0x0] =	vst.idx.add.f32.msk vm0, v19  }
0x171: {  	v18 =	vld.idx.msk [tilespmem:v29+s6+$0x0], $0xffff;
	_ =	sdelay $0x1  }
0x172: {  	v19 =	vor.u32 v8, v20;
	_ =	sdelay $0x2  }
0x173: {  	v30 =	vsub.s32 v18, v0  }
0x174: {  	v31 =	vld.idx.msk [tilespmem:v29+s14+$0x0], $0xffff;
	v32 =	vshrl.u32 v30, $0x7  }
0x175: {  	vm11 =	vge.s32 v29, v17;
	v19 =	vld.idx.msk [tilespmem:v19+s15+$0x0], $0xffff;
	vm10 =	vlt.u32 v30, $0x800;
	v33 =	vmul.u32 $0x180, v32  }
0x176: {  	v18 =	vand.u32 $0x7F, v18;
	vm0 =	vmand vm11, vm10  }
0x177: {  	v18 =	vor.u32 v18, v33  }
0x178: {  	v34 =	vor.u32 v9, v20;
	_ =	sdelay $0x1  }
0x179: {  	v19 =	vmul.f32 v19, v31;
	_ =	sdelay $0x1  }
0x17a: {  	[tilespmem:v18+s16+$0x0] =	vst.idx.add.f32.msk vm0, v19  }
0x17b: {  	v19 =	vld.idx.msk [tilespmem:v34+s15+$0x0], $0xffff;
	_ =	sdelay $0x1  }
0x17c: {  	v35 =	vadd.s32 $0x80, v18  }
0x17d: {  	v20 =	vor.u32 v10, v20;
	_ =	sdelay $0x1  }
0x17e: {  	v19 =	vmul.f32 v19, v31;
	_ =	sdelay $0x1  }
0x17f: {  	[tilespmem:v35+s16+$0x0] =	vst.idx.add.f32.msk vm0, v19  }
0x180: {  	s4 =	sadd.s32 $0x8, s30;
	v19 =	vld.idx.msk [tilespmem:v20+s15+$0x0], $0xffff  }
0x181: {  	v36 =	vadd.s32 s4, v2  }
0x182: {  	v18 =	vadd.s32 $0x100, v18;
	v20 =	vand.u32 $0x3F, v36  }
0x183: {  	v37 =	vor.u32 v7, v20;
	_ =	sdelay $0x1  }
0x184: {  	v19 =	vmul.f32 v19, v31;
	_ =	sdelay $0x1  }
0x185: {  	[tilespmem:v18+s16+$0x0] =	vst.idx.add.f32.msk vm0, v19  }
0x186: {  	v18 =	vld.idx.msk [tilespmem:v37+s6+$0x0], $0xffff;
	_ =	sdelay $0x1  }
0x187: {  	v19 =	vor.u32 v8, v20;
	_ =	sdelay $0x2  }
0x188: {  	v38 =	vsub.s32 v18, v0  }
0x189: {  	v39 =	vld.idx.msk [tilespmem:v37+s14+$0x0], $0xffff;
	v40 =	vshrl.u32 v38, $0x7  }
0x18a: {  	vm13 =	vge.s32 v37, v17;
	v19 =	vld.idx.msk [tilespmem:v19+s15+$0x0], $0xffff;
	vm12 =	vlt.u32 v38, $0x800;
	v41 =	vmul.u32 $0x180, v40  }
0x18b: {  	v18 =	vand.u32 $0x7F, v18;
	vm0 =	vmand vm13, vm12  }
0x18c: {  	v18 =	vor.u32 v18, v41  }
0x18d: {  	v42 =	vor.u32 v9, v20;
	_ =	sdelay $0x1  }
0x18e: {  	v19 =	vmul.f32 v19, v39;
	_ =	sdelay $0x1  }
0x18f: {  	[tilespmem:v18+s16+$0x0] =	vst.idx.add.f32.msk vm0, v19  }
0x190: {  	v19 =	vld.idx.msk [tilespmem:v42+s15+$0x0], $0xffff;
	_ =	sdelay $0x1  }
0x191: {  	v43 =	vadd.s32 $0x80, v18  }
0x192: {  	v20 =	vor.u32 v10, v20;
	_ =	sdelay $0x1  }
0x193: {  	v19 =	vmul.f32 v19, v39;
	_ =	sdelay $0x1  }
0x194: {  	[tilespmem:v43+s16+$0x0] =	vst.idx.add.f32.msk vm0, v19  }
0x195: {  	s5 =	sadd.s32 $0x9, s30;
	v19 =	vld.idx.msk [tilespmem:v20+s15+$0x0], $0xffff  }
0x196: {  	v44 =	vadd.s32 s5, v2  }
0x197: {  	v18 =	vadd.s32 $0x100, v18;
	v20 =	vand.u32 $0x3F, v44  }
0x198: {  	v45 =	vor.u32 v7, v20;
	_ =	sdelay $0x1  }
0x199: {  	v19 =	vmul.f32 v19, v39;
	_ =	sdelay $0x1  }
0x19a: {  	[tilespmem:v18+s16+$0x0] =	vst.idx.add.f32.msk vm0, v19  }
0x19b: {  	v18 =	vld.idx.msk [tilespmem:v45+s6+$0x0], $0xffff;
	_ =	sdelay $0x1  }
0x19c: {  	v19 =	vor.u32 v8, v20;
	_ =	sdelay $0x2  }
0x19d: {  	v46 =	vsub.s32 v18, v0  }
0x19e: {  	v47 =	vld.idx.msk [tilespmem:v45+s14+$0x0], $0xffff;
	v48 =	vshrl.u32 v46, $0x7  }
0x19f: {  	vm15 =	vge.s32 v45, v17;
	v19 =	vld.idx.msk [tilespmem:v19+s15+$0x0], $0xffff;
	vm14 =	vlt.u32 v46, $0x800;
	v49 =	vmul.u32 $0x180, v48  }
0x1a0: {  	v18 =	vand.u32 $0x7F, v18;
	vm0 =	vmand vm15, vm14  }
0x1a1: {  	v18 =	vor.u32 v18, v49  }
0x1a2: {  	v50 =	vor.u32 v9, v20;
	_ =	sdelay $0x1  }
0x1a3: {  	v19 =	vmul.f32 v19, v47;
	_ =	sdelay $0x1  }
0x1a4: {  	[tilespmem:v18+s16+$0x0] =	vst.idx.add.f32.msk vm0, v19  }
0x1a5: {  	v19 =	vld.idx.msk [tilespmem:v50+s15+$0x0], $0xffff;
	_ =	sdelay $0x1  }
0x1a6: {  	v51 =	vadd.s32 $0x80, v18  }
0x1a7: {  	v20 =	vor.u32 v10, v20;
	_ =	sdelay $0x1  }
0x1a8: {  	v19 =	vmul.f32 v19, v47;
	_ =	sdelay $0x1  }
0x1a9: {  	[tilespmem:v51+s16+$0x0] =	vst.idx.add.f32.msk vm0, v19  }
0x1aa: {  	s8 =	sadd.s32 $0xA, s30;
	v19 =	vld.idx.msk [tilespmem:v20+s15+$0x0], $0xffff  }
0x1ab: {  	v52 =	vadd.s32 s8, v2  }
0x1ac: {  	v18 =	vadd.s32 $0x100, v18;
	v20 =	vand.u32 $0x3F, v52  }
0x1ad: {  	v53 =	vor.u32 v7, v20;
	_ =	sdelay $0x1  }
0x1ae: {  	v19 =	vmul.f32 v19, v47;
	_ =	sdelay $0x1  }
0x1af: {  	[tilespmem:v18+s16+$0x0] =	vst.idx.add.f32.msk vm0, v19  }
0x1b0: {  	v18 =	vld.idx.msk [tilespmem:v53+s6+$0x0], $0xffff;
	_ =	sdelay $0x1  }
0x1b1: {  	v19 =	vor.u32 v8, v20;
	_ =	sdelay $0x2  }
0x1b2: {  	v54 =	vsub.s32 v18, v0  }
0x1b3: {  	v55 =	vld.idx.msk [tilespmem:v53+s14+$0x0], $0xffff;
	v56 =	vshrl.u32 v54, $0x7  }
0x1b4: {  	vm5 =	vge.s32 v53, v17;
	v19 =	vld.idx.msk [tilespmem:v19+s15+$0x0], $0xffff;
	vm4 =	vlt.u32 v54, $0x800;
	v57 =	vmul.u32 $0x180, v56  }
0x1b5: {  	v18 =	vand.u32 $0x7F, v18;
	vm0 =	vmand vm5, vm4  }
0x1b6: {  	v18 =	vor.u32 v18, v57  }
0x1b7: {  	v58 =	vor.u32 v9, v20;
	_ =	sdelay $0x1  }
0x1b8: {  	v19 =	vmul.f32 v19, v55;
	_ =	sdelay $0x1  }
0x1b9: {  	[tilespmem:v18+s16+$0x0] =	vst.idx.add.f32.msk vm0, v19  }
0x1ba: {  	v19 =	vld.idx.msk [tilespmem:v58+s15+$0x0], $0xffff;
	_ =	sdelay $0x1  }
0x1bb: {  	v59 =	vadd.s32 $0x80, v18  }
0x1bc: {  	v20 =	vor.u32 v10, v20;
	_ =	sdelay $0x1  }
0x1bd: {  	v19 =	vmul.f32 v19, v55;
	_ =	sdelay $0x1  }
0x1be: {  	[tilespmem:v59+s16+$0x0] =	vst.idx.add.f32.msk vm0, v19  }
0x1bf: {  	s31 =	sadd.s32 $0xB, s30;
	v19 =	vld.idx.msk [tilespmem:v20+s15+$0x0], $0xffff  }
0x1c0: {  	v60 =	vadd.s32 s31, v2  }
0x1c1: {  	v18 =	vadd.s32 $0x100, v18;
	v20 =	vand.u32 $0x3F, v60  }
0x1c2: {  	v61 =	vor.u32 v7, v20;
	_ =	sdelay $0x1  }
0x1c3: {  	v19 =	vmul.f32 v19, v55;
	_ =	sdelay $0x1  }
0x1c4: {  	[tilespmem:v18+s16+$0x0] =	vst.idx.add.f32.msk vm0, v19  }
0x1c5: {  	v18 =	vld.idx.msk [tilespmem:v61+s6+$0x0], $0xffff;
	_ =	sdelay $0x1  }
0x1c6: {  	v19 =	vor.u32 v8, v20;
	_ =	sdelay $0x2  }
0x1c7: {  	v62 =	vsub.s32 v18, v0  }
0x1c8: {  	v63 =	vld.idx.msk [tilespmem:v61+s14+$0x0], $0xffff;
	v28 =	vshrl.u32 v62, $0x7  }
0x1c9: {  	vm7 =	vge.s32 v61, v17;
	v19 =	vld.idx.msk [tilespmem:v19+s15+$0x0], $0xffff;
	vm6 =	vlt.u32 v62, $0x800;
	v29 =	vmul.u32 $0x180, v28  }
0x1ca: {  	v18 =	vand.u32 $0x7F, v18;
	vm0 =	vmand vm7, vm6  }
0x1cb: {  	v18 =	vor.u32 v18, v29  }
0x1cc: {  	v30 =	vor.u32 v9, v20;
	_ =	sdelay $0x1  }
0x1cd: {  	v19 =	vmul.f32 v19, v63;
	_ =	sdelay $0x1  }
0x1ce: {  	[tilespmem:v18+s16+$0x0] =	vst.idx.add.f32.msk vm0, v19  }
0x1cf: {  	v19 =	vld.idx.msk [tilespmem:v30+s15+$0x0], $0xffff;
	_ =	sdelay $0x1  }
0x1d0: {  	v31 =	vadd.s32 $0x80, v18  }
0x1d1: {  	v20 =	vor.u32 v10, v20;
	_ =	sdelay $0x1  }
0x1d2: {  	v19 =	vmul.f32 v19, v63;
	_ =	sdelay $0x1  }
0x1d3: {  	[tilespmem:v31+s16+$0x0] =	vst.idx.add.f32.msk vm0, v19  }
0x1d4: {  	s4 =	sadd.s32 $0xC, s30;
	v19 =	vld.idx.msk [tilespmem:v20+s15+$0x0], $0xffff  }
0x1d5: {  	v32 =	vadd.s32 s4, v2  }
0x1d6: {  	v18 =	vadd.s32 $0x100, v18;
	v20 =	vand.u32 $0x3F, v32  }
0x1d7: {  	v33 =	vor.u32 v7, v20;
	_ =	sdelay $0x1  }
0x1d8: {  	v19 =	vmul.f32 v19, v63;
	_ =	sdelay $0x1  }
0x1d9: {  	[tilespmem:v18+s16+$0x0] =	vst.idx.add.f32.msk vm0, v19  }
0x1da: {  	v18 =	vld.idx.msk [tilespmem:v33+s6+$0x0], $0xffff;
	_ =	sdelay $0x1  }
0x1db: {  	v19 =	vor.u32 v8, v20;
	_ =	sdelay $0x2  }
0x1dc: {  	v34 =	vsub.s32 v18, v0  }
0x1dd: {  	v35 =	vld.idx.msk [tilespmem:v33+s14+$0x0], $0xffff;
	v36 =	vshrl.u32 v34, $0x7  }
0x1de: {  	vm9 =	vge.s32 v33, v17;
	v19 =	vld.idx.msk [tilespmem:v19+s15+$0x0], $0xffff;
	vm8 =	vlt.u32 v34, $0x800;
	v37 =	vmul.u32 $0x180, v36  }
0x1df: {  	v18 =	vand.u32 $0x7F, v18;
	vm0 =	vmand vm9, vm8  }
0x1e0: {  	v18 =	vor.u32 v18, v37  }
0x1e1: {  	v38 =	vor.u32 v9, v20;
	_ =	sdelay $0x1  }
0x1e2: {  	v19 =	vmul.f32 v19, v35;
	_ =	sdelay $0x1  }
0x1e3: {  	[tilespmem:v18+s16+$0x0] =	vst.idx.add.f32.msk vm0, v19  }
0x1e4: {  	v19 =	vld.idx.msk [tilespmem:v38+s15+$0x0], $0xffff;
	_ =	sdelay $0x1  }
0x1e5: {  	v39 =	vadd.s32 $0x80, v18  }
0x1e6: {  	v20 =	vor.u32 v10, v20;
	_ =	sdelay $0x1  }
0x1e7: {  	v19 =	vmul.f32 v19, v35;
	_ =	sdelay $0x1  }
0x1e8: {  	[tilespmem:v39+s16+$0x0] =	vst.idx.add.f32.msk vm0, v19  }
0x1e9: {  	s5 =	sadd.s32 $0xD, s30;
	v19 =	vld.idx.msk [tilespmem:v20+s15+$0x0], $0xffff  }
0x1ea: {  	v40 =	vadd.s32 s5, v2  }
0x1eb: {  	v18 =	vadd.s32 $0x100, v18;
	v20 =	vand.u32 $0x3F, v40  }
0x1ec: {  	v41 =	vor.u32 v7, v20;
	_ =	sdelay $0x1  }
0x1ed: {  	v19 =	vmul.f32 v19, v35;
	_ =	sdelay $0x1  }
0x1ee: {  	[tilespmem:v18+s16+$0x0] =	vst.idx.add.f32.msk vm0, v19  }
0x1ef: {  	v18 =	vld.idx.msk [tilespmem:v41+s6+$0x0], $0xffff;
	_ =	sdelay $0x1  }
0x1f0: {  	v19 =	vor.u32 v8, v20;
	_ =	sdelay $0x2  }
0x1f1: {  	v42 =	vsub.s32 v18, v0  }
0x1f2: {  	v43 =	vld.idx.msk [tilespmem:v41+s14+$0x0], $0xffff;
	v44 =	vshrl.u32 v42, $0x7  }
0x1f3: {  	vm11 =	vge.s32 v41, v17;
	v19 =	vld.idx.msk [tilespmem:v19+s15+$0x0], $0xffff;
	vm10 =	vlt.u32 v42, $0x800;
	v45 =	vmul.u32 $0x180, v44  }
0x1f4: {  	v18 =	vand.u32 $0x7F, v18;
	vm0 =	vmand vm11, vm10  }
0x1f5: {  	v18 =	vor.u32 v18, v45  }
0x1f6: {  	v46 =	vor.u32 v9, v20;
	_ =	sdelay $0x1  }
0x1f7: {  	v19 =	vmul.f32 v19, v43;
	_ =	sdelay $0x1  }
0x1f8: {  	[tilespmem:v18+s16+$0x0] =	vst.idx.add.f32.msk vm0, v19  }
0x1f9: {  	v19 =	vld.idx.msk [tilespmem:v46+s15+$0x0], $0xffff;
	_ =	sdelay $0x1  }
0x1fa: {  	v47 =	vadd.s32 $0x80, v18  }
0x1fb: {  	v20 =	vor.u32 v10, v20;
	_ =	sdelay $0x1  }
0x1fc: {  	v19 =	vmul.f32 v19, v43;
	_ =	sdelay $0x1  }
0x1fd: {  	[tilespmem:v47+s16+$0x0] =	vst.idx.add.f32.msk vm0, v19  }
0x1fe: {  	s8 =	sadd.s32 $0xE, s30;
	v19 =	vld.idx.msk [tilespmem:v20+s15+$0x0], $0xffff  }
0x1ff: {  	v48 =	vadd.s32 s8, v2  }
0x200: {  	v18 =	vadd.s32 $0x100, v18;
	v20 =	vand.u32 $0x3F, v48  }
0x201: {  	v49 =	vor.u32 v7, v20;
	_ =	sdelay $0x1  }
0x202: {  	v19 =	vmul.f32 v19, v43;
	_ =	sdelay $0x1  }
0x203: {  	[tilespmem:v18+s16+$0x0] =	vst.idx.add.f32.msk vm0, v19  }
0x204: {  	v18 =	vld.idx.msk [tilespmem:v49+s6+$0x0], $0xffff;
	_ =	sdelay $0x1  }
0x205: {  	v19 =	vor.u32 v8, v20;
	_ =	sdelay $0x2  }
0x206: {  	v50 =	vsub.s32 v18, v0  }
0x207: {  	v51 =	vld.idx.msk [tilespmem:v49+s14+$0x0], $0xffff;
	v52 =	vshrl.u32 v50, $0x7  }
0x208: {  	vm13 =	vge.s32 v49, v17;
	v19 =	vld.idx.msk [tilespmem:v19+s15+$0x0], $0xffff;
	vm12 =	vlt.u32 v50, $0x800;
	v53 =	vmul.u32 $0x180, v52  }
0x209: {  	v18 =	vand.u32 $0x7F, v18;
	vm0 =	vmand vm13, vm12  }
0x20a: {  	v18 =	vor.u32 v18, v53  }
0x20b: {  	v54 =	vor.u32 v9, v20;
	_ =	sdelay $0x1  }
0x20c: {  	v19 =	vmul.f32 v19, v51;
	_ =	sdelay $0x1  }
0x20d: {  	[tilespmem:v18+s16+$0x0] =	vst.idx.add.f32.msk vm0, v19  }
0x20e: {  	v19 =	vld.idx.msk [tilespmem:v54+s15+$0x0], $0xffff;
	_ =	sdelay $0x1  }
0x20f: {  	v55 =	vadd.s32 $0x80, v18  }
0x210: {  	v20 =	vor.u32 v10, v20;
	_ =	sdelay $0x1  }
0x211: {  	v19 =	vmul.f32 v19, v51;
	_ =	sdelay $0x1  }
0x212: {  	[tilespmem:v55+s16+$0x0] =	vst.idx.add.f32.msk vm0, v19  }
0x213: {  	s31 =	sadd.s32 $0xF, s30;
	v19 =	vld.idx.msk [tilespmem:v20+s15+$0x0], $0xffff  }
0x214: {  	v56 =	vadd.s32 s31, v2  }
0x215: {  	v18 =	vadd.s32 $0x100, v18;
	v20 =	vand.u32 $0x3F, v56  }
0x216: {  	v57 =	vor.u32 v7, v20;
	_ =	sdelay $0x1  }
0x217: {  	v19 =	vmul.f32 v19, v51;
	_ =	sdelay $0x1  }
0x218: {  	[tilespmem:v18+s16+$0x0] =	vst.idx.add.f32.msk vm0, v19  }
0x219: {  	v18 =	vld.idx.msk [tilespmem:v57+s6+$0x0], $0xffff;
	_ =	sdelay $0x1  }
0x21a: {  	v19 =	vor.u32 v8, v20;
	_ =	sdelay $0x2  }
0x21b: {  	v58 =	vsub.s32 v18, v0  }
0x21c: {  	v59 =	vld.idx.msk [tilespmem:v57+s14+$0x0], $0xffff;
	v60 =	vshrl.u32 v58, $0x7  }
0x21d: {  	vm15 =	vge.s32 v57, v17;
	v19 =	vld.idx.msk [tilespmem:v19+s15+$0x0], $0xffff;
	vm14 =	vlt.u32 v58, $0x800;
	v61 =	vmul.u32 $0x180, v60  }
0x21e: {  	v18 =	vand.u32 $0x7F, v18;
	vm0 =	vmand vm15, vm14  }
0x21f: {  	v18 =	vor.u32 v18, v61  }
0x220: {  	v62 =	vor.u32 v9, v20;
	_ =	sdelay $0x1  }
0x221: {  	v19 =	vmul.f32 v19, v59;
	_ =	sdelay $0x1  }
0x222: {  	[tilespmem:v18+s16+$0x0] =	vst.idx.add.f32.msk vm0, v19  }
0x223: {  	v19 =	vld.idx.msk [tilespmem:v62+s15+$0x0], $0xffff;
	_ =	sdelay $0x1  }
0x224: {  	v63 =	vadd.s32 $0x80, v18  }
0x225: {  	v20 =	vor.u32 v10, v20;
	_ =	sdelay $0x1  }
0x226: {  	v19 =	vmul.f32 v19, v59;
	_ =	sdelay $0x1  }
0x227: {  	[tilespmem:v63+s16+$0x0] =	vst.idx.add.f32.msk vm0, v19  }
0x228: {  	v19 =	vld.idx.msk [tilespmem:v20+s15+$0x0], $0xffff;
	_ =	sdelay $0x1  }
0x229: {  	p0 =	slt.u32 s30, $0x30;
	v18 =	vadd.s32 $0x100, v18  }
.Ltmp8:
0x22a: {  	_ = 	snop;
	(pc) =	sbr.rel @p0 .LBB2_9-.Ltmp8, $3  }
0x22b: {  	_ = 	snop  }
0x22c: {  	v19 =	vmul.f32 v19, v59;
	_ =	sdelay $0x1  }
0x22d: {  	s30 =	sadd.s32 $0x10, s30;
	[tilespmem:v18+s16+$0x0] =	vst.idx.add.f32.msk vm0, v19  }
.Ltmp9:
0x22e: {  	_ = 	snop;
	(pc) =	sbr.rel .LBB2_10-.Ltmp9, $1  }
0x22f: {  	_ =	sdelay $0x3  }
.LBB2_7:
0x230: {  	s28 =	sor.u32 $0x1, s29  }
.LBB2_10:
0x231: {  	p0 =	sge.s32 s28, s23  }
.Ltmp10:
0x232: {  	_ = 	snop;
	(pc) =	sbr.rel @p0 .LBB2_13-.Ltmp10, $1  }
0x233: {  	_ =	sdelay $0x3  }
0x234: {  	_ =	swait.ge [sflag:s17], $0x400;
	s0 =	sadd.s32 $0x2, s29  }
0x235: {  	[sflag:s17] =	ssyncset.done $0x0;
	p0 =	sge.s32 s0, s23  }
0x236: {  	[sflag:s17] =	ssyncadd.s32 $0xFFFFFC00;
	s0 =	sshll.u32 @!p0 s0, $0xA  }
0x237: {  	_ =	swait.ge [sflag:s18], $0x400;
	s0 =	sadd.s32 @!p0 s24, s0  }
0x238: {  	[sflag:s18] =	ssyncset.done $0x0;
	p1 =	slt.s32 @!p0 s0, $0x2FFC00  }
0x239: {  	[sflag:s18] =	ssyncadd.s32 $0xFFFFFC00;
	p1 =	por !p1, p0  }
0x23a: {  	s4 =	sshll.u32 s28, $0xA;
	_ =	swait.ge [sflag:s19], $0xC00;
	s0 =	simm.s32 @p1 $0x2FFC00  }
0x23b: {  	s4 =	sadd.s32 s24, s4;
	[sflag:s19] =	ssyncset.done $0x0;
	s5 =	sshrl.u32 @!p0 s0, $0x3  }
0x23c: {  	s28 =	simm.s32 @!p0 $0x0;
	[sflag:s19] =	ssyncadd.s32 $0xFFFFF400;
	s8 =	sadd.s32 @!p0 s3, s5  }
0x23d: {  	[tilespmem:s28], [sflag:$0x1] =	stream.linear.gather @!p0 [hbm4b:s8+s28], $0x400, $0x38;
	[tilespmem:$0x4100] =	vst v63  }
0x23e: {  	s0 =	smul.u32 @!p0 $0x3, s0;
	s5 =	sadd.s32 @!p0 s2, s5;
	s8 =	simm.s32 @!p0 $0x800  }
0x23f: {  	[tilespmem:s8], [sflag:$0x2] =	stream.linear.gather @!p0 [hbm4b:s5+s28], $0x400, $0x38;
	[tilespmem:$0x4100] =	vst v63  }
0x240: {  	p1 =	slt.s32 s4, $0x2FFC00;
	s0 =	sshrl.u32 @!p0 s0, $0x3;
	s5 =	smov.u32 s4  }
0x241: {  	s0 =	sadd.s32 @!p0 s7, s0;
	s8 =	simm.s32 @!p0 $0x1000;
	s5 =	simm.s32 @!p1 $0x2FFC00  }
0x242: {  	[tilespmem:s8], [sflag:$0x3] =	stream.linear.gather @!p0 [hbm4b:s0+s28], $0xC00, $0x38;
	[tilespmem:$0x4100] =	vst v63  }
0x243: {  	s31 =	ssub.s32 s4, s5  }
0x244: {  	s0 =	sadd.s32 $0x400, s31  }
0x245: {  	s28 =	simm.s32 $0x0;
	v17 =	vmov s0  }
.LBB2_12:
0x246: {  	v18 =	vor.u32 $0x400, v3  }
0x247: {  	v18 =	vor.u32 s28, v18;
	_ =	sdelay $0x4  }
0x248: {  	v19 =	vld.idx.msk [tilespmem:v18+s6+$0x0], $0xffff  }
0x249: {  	v20 =	vor.u32 s28, v11;
	_ =	sdelay $0x3  }
0x24a: {  	v21 =	vsub.s32 v19, v0  }
0x24b: {  	v20 =	vld.idx.msk [tilespmem:v20+s15+$0x0], $0xffff;
	v23 =	vshrl.u32 v21, $0x7  }
0x24c: {  	vm1 =	vge.s32 v18, v17;
	v22 =	vld.idx.msk [tilespmem:v18+s14+$0x0], $0xffff;
	vm0 =	vlt.u32 v21, $0x800;
	v18 =	vmul.u32 $0x180, v23  }
0x24d: {  	v19 =	vand.u32 $0x7F, v19;
	vm0 =	vmand vm1, vm0  }
0x24e: {  	v18 =	vor.u32 v19, v18  }
0x24f: {  	v19 =	vor.u32 s28, v12;
	_ =	sdelay $0x1  }
0x250: {  	v20 =	vmul.f32 v20, v22;
	_ =	sdelay $0x1  }
0x251: {  	[tilespmem:v18+s16+$0x0] =	vst.idx.add.f32.msk vm0, v20  }
0x252: {  	v19 =	vld.idx.msk [tilespmem:v19+s15+$0x0], $0xffff;
	_ =	sdelay $0x1  }
0x253: {  	v39 =	vadd.s32 $0x80, v18  }
0x254: {  	v40 =	vor.u32 s28, v13;
	_ =	sdelay $0x1  }
0x255: {  	v19 =	vmul.f32 v19, v22;
	_ =	sdelay $0x1  }
0x256: {  	[tilespmem:v39+s16+$0x0] =	vst.idx.add.f32.msk vm0, v19  }
0x257: {  	s0 =	sadd.s32 $0x1, s28;
	v19 =	vld.idx.msk [tilespmem:v40+s15+$0x0], $0xffff  }
0x258: {  	v41 =	vadd.s32 s0, v2  }
0x259: {  	v42 =	vadd.s32 $0x100, v18;
	v20 =	vand.u32 $0x3F, v41;
	v18 =	vor.u32 $0x400, v7  }
0x25a: {  	v43 =	vor.u32 v18, v20;
	_ =	sdelay $0x1  }
0x25b: {  	v19 =	vmul.f32 v19, v22;
	_ =	sdelay $0x1  }
0x25c: {  	[tilespmem:v42+s16+$0x0] =	vst.idx.add.f32.msk vm0, v19  }
0x25d: {  	v19 =	vld.idx.msk [tilespmem:v43+s6+$0x0], $0xffff;
	_ =	sdelay $0x1  }
0x25e: {  	v44 =	vor.u32 v14, v20;
	_ =	sdelay $0x2  }
0x25f: {  	v45 =	vsub.s32 v19, v0  }
0x260: {  	v24 =	vld.idx.msk [tilespmem:v43+s14+$0x0], $0xffff;
	v25 =	vshrl.u32 v45, $0x7  }
0x261: {  	vm11 =	vge.s32 v43, v17;
	v21 =	vld.idx.msk [tilespmem:v44+s15+$0x0], $0xffff;
	vm10 =	vlt.u32 v45, $0x800;
	v46 =	vmul.u32 $0x180, v25  }
0x262: {  	v19 =	vand.u32 $0x7F, v19;
	vm0 =	vmand vm11, vm10  }
0x263: {  	v19 =	vor.u32 v19, v46  }
0x264: {  	v47 =	vor.u32 v15, v20;
	_ =	sdelay $0x1  }
0x265: {  	v21 =	vmul.f32 v21, v24;
	_ =	sdelay $0x1  }
0x266: {  	[tilespmem:v19+s16+$0x0] =	vst.idx.add.f32.msk vm0, v21  }
0x267: {  	v21 =	vld.idx.msk [tilespmem:v47+s15+$0x0], $0xffff;
	_ =	sdelay $0x1  }
0x268: {  	v48 =	vadd.s32 $0x80, v19  }
0x269: {  	v20 =	vor.u32 v16, v20;
	_ =	sdelay $0x1  }
0x26a: {  	v21 =	vmul.f32 v21, v24;
	_ =	sdelay $0x1  }
0x26b: {  	[tilespmem:v48+s16+$0x0] =	vst.idx.add.f32.msk vm0, v21  }
0x26c: {  	s30 =	sadd.s32 $0x2, s28;
	v20 =	vld.idx.msk [tilespmem:v20+s15+$0x0], $0xffff  }
0x26d: {  	v49 =	vadd.s32 s30, v2  }
0x26e: {  	v19 =	vadd.s32 $0x100, v19;
	v21 =	vand.u32 $0x3F, v49  }
0x26f: {  	v50 =	vor.u32 v18, v21;
	_ =	sdelay $0x1  }
0x270: {  	v20 =	vmul.f32 v20, v24;
	_ =	sdelay $0x1  }
0x271: {  	[tilespmem:v19+s16+$0x0] =	vst.idx.add.f32.msk vm0, v20  }
0x272: {  	v19 =	vld.idx.msk [tilespmem:v50+s6+$0x0], $0xffff;
	_ =	sdelay $0x1  }
0x273: {  	v51 =	vor.u32 v14, v21;
	_ =	sdelay $0x2  }
0x274: {  	v52 =	vsub.s32 v19, v0  }
0x275: {  	v53 =	vld.idx.msk [tilespmem:v50+s14+$0x0], $0xffff;
	v54 =	vshrl.u32 v52, $0x7  }
0x276: {  	vm13 =	vge.s32 v50, v17;
	v20 =	vld.idx.msk [tilespmem:v51+s15+$0x0], $0xffff;
	vm12 =	vlt.u32 v52, $0x800;
	v55 =	vmul.u32 $0x180, v54  }
0x277: {  	v19 =	vand.u32 $0x7F, v19;
	vm0 =	vmand vm13, vm12  }
0x278: {  	v19 =	vor.u32 v19, v55  }
0x279: {  	v56 =	vor.u32 v15, v21;
	_ =	sdelay $0x1  }
0x27a: {  	v20 =	vmul.f32 v20, v53;
	_ =	sdelay $0x1  }
0x27b: {  	[tilespmem:v19+s16+$0x0] =	vst.idx.add.f32.msk vm0, v20  }
0x27c: {  	v20 =	vld.idx.msk [tilespmem:v56+s15+$0x0], $0xffff;
	_ =	sdelay $0x1  }
0x27d: {  	v57 =	vadd.s32 $0x80, v19  }
0x27e: {  	v21 =	vor.u32 v16, v21;
	_ =	sdelay $0x1  }
0x27f: {  	v20 =	vmul.f32 v20, v53;
	_ =	sdelay $0x1  }
0x280: {  	[tilespmem:v57+s16+$0x0] =	vst.idx.add.f32.msk vm0, v20  }
0x281: {  	s31 =	sadd.s32 $0x3, s28;
	v20 =	vld.idx.msk [tilespmem:v21+s15+$0x0], $0xffff  }
0x282: {  	v58 =	vadd.s32 s31, v2  }
0x283: {  	v19 =	vadd.s32 $0x100, v19;
	v21 =	vand.u32 $0x3F, v58  }
0x284: {  	v59 =	vor.u32 v18, v21;
	_ =	sdelay $0x1  }
0x285: {  	v20 =	vmul.f32 v20, v53;
	_ =	sdelay $0x1  }
0x286: {  	[tilespmem:v19+s16+$0x0] =	vst.idx.add.f32.msk vm0, v20  }
0x287: {  	v19 =	vld.idx.msk [tilespmem:v59+s6+$0x0], $0xffff;
	_ =	sdelay $0x1  }
0x288: {  	v60 =	vor.u32 v14, v21;
	_ =	sdelay $0x2  }
0x289: {  	v61 =	vsub.s32 v19, v0  }
0x28a: {  	v62 =	vld.idx.msk [tilespmem:v59+s14+$0x0], $0xffff;
	v63 =	vshrl.u32 v61, $0x7  }
0x28b: {  	vm15 =	vge.s32 v59, v17;
	v20 =	vld.idx.msk [tilespmem:v60+s15+$0x0], $0xffff;
	vm14 =	vlt.u32 v61, $0x800;
	v28 =	vmul.u32 $0x180, v63  }
0x28c: {  	v19 =	vand.u32 $0x7F, v19;
	vm0 =	vmand vm15, vm14  }
0x28d: {  	v19 =	vor.u32 v19, v28  }
0x28e: {  	v29 =	vor.u32 v15, v21;
	_ =	sdelay $0x1  }
0x28f: {  	v20 =	vmul.f32 v20, v62;
	_ =	sdelay $0x1  }
0x290: {  	[tilespmem:v19+s16+$0x0] =	vst.idx.add.f32.msk vm0, v20  }
0x291: {  	v20 =	vld.idx.msk [tilespmem:v29+s15+$0x0], $0xffff;
	_ =	sdelay $0x1  }
0x292: {  	v30 =	vadd.s32 $0x80, v19  }
0x293: {  	v21 =	vor.u32 v16, v21;
	_ =	sdelay $0x1  }
0x294: {  	v20 =	vmul.f32 v20, v62;
	_ =	sdelay $0x1  }
0x295: {  	[tilespmem:v30+s16+$0x0] =	vst.idx.add.f32.msk vm0, v20  }
0x296: {  	s4 =	sadd.s32 $0x4, s28;
	v20 =	vld.idx.msk [tilespmem:v21+s15+$0x0], $0xffff  }
0x297: {  	v31 =	vadd.s32 s4, v2  }
0x298: {  	v19 =	vadd.s32 $0x100, v19;
	v21 =	vand.u32 $0x3F, v31  }
0x299: {  	v32 =	vor.u32 v18, v21;
	_ =	sdelay $0x1  }
0x29a: {  	v20 =	vmul.f32 v20, v62;
	_ =	sdelay $0x1  }
0x29b: {  	[tilespmem:v19+s16+$0x0] =	vst.idx.add.f32.msk vm0, v20  }
0x29c: {  	v19 =	vld.idx.msk [tilespmem:v32+s6+$0x0], $0xffff;
	_ =	sdelay $0x1  }
0x29d: {  	v33 =	vor.u32 v14, v21;
	_ =	sdelay $0x2  }
0x29e: {  	v34 =	vsub.s32 v19, v0  }
0x29f: {  	v35 =	vld.idx.msk [tilespmem:v32+s14+$0x0], $0xffff;
	v36 =	vshrl.u32 v34, $0x7  }
0x2a0: {  	vm5 =	vge.s32 v32, v17;
	v20 =	vld.idx.msk [tilespmem:v33+s15+$0x0], $0xffff;
	vm4 =	vlt.u32 v34, $0x800;
	v37 =	vmul.u32 $0x180, v36  }
0x2a1: {  	v19 =	vand.u32 $0x7F, v19;
	vm0 =	vmand vm5, vm4  }
0x2a2: {  	v19 =	vor.u32 v19, v37  }
0x2a3: {  	v38 =	vor.u32 v15, v21;
	_ =	sdelay $0x1  }
0x2a4: {  	v20 =	vmul.f32 v20, v35;
	_ =	sdelay $0x1  }
0x2a5: {  	[tilespmem:v19+s16+$0x0] =	vst.idx.add.f32.msk vm0, v20  }
0x2a6: {  	v20 =	vld.idx.msk [tilespmem:v38+s15+$0x0], $0xffff;
	_ =	sdelay $0x1  }
0x2a7: {  	v39 =	vadd.s32 $0x80, v19  }
0x2a8: {  	v21 =	vor.u32 v16, v21;
	_ =	sdelay $0x1  }
0x2a9: {  	v20 =	vmul.f32 v20, v35;
	_ =	sdelay $0x1  }
0x2aa: {  	[tilespmem:v39+s16+$0x0] =	vst.idx.add.f32.msk vm0, v20  }
0x2ab: {  	s5 =	sadd.s32 $0x5, s28;
	v20 =	vld.idx.msk [tilespmem:v21+s15+$0x0], $0xffff  }
0x2ac: {  	v40 =	vadd.s32 s5, v2  }
0x2ad: {  	v19 =	vadd.s32 $0x100, v19;
	v21 =	vand.u32 $0x3F, v40  }
0x2ae: {  	v41 =	vor.u32 v18, v21;
	_ =	sdelay $0x1  }
0x2af: {  	v20 =	vmul.f32 v20, v35;
	_ =	sdelay $0x1  }
0x2b0: {  	[tilespmem:v19+s16+$0x0] =	vst.idx.add.f32.msk vm0, v20  }
0x2b1: {  	v19 =	vld.idx.msk [tilespmem:v41+s6+$0x0], $0xffff;
	_ =	sdelay $0x1  }
0x2b2: {  	v42 =	vor.u32 v14, v21;
	_ =	sdelay $0x2  }
0x2b3: {  	v43 =	vsub.s32 v19, v0  }
0x2b4: {  	v44 =	vld.idx.msk [tilespmem:v41+s14+$0x0], $0xffff;
	v45 =	vshrl.u32 v43, $0x7  }
0x2b5: {  	vm7 =	vge.s32 v41, v17;
	v20 =	vld.idx.msk [tilespmem:v42+s15+$0x0], $0xffff;
	vm6 =	vlt.u32 v43, $0x800;
	v46 =	vmul.u32 $0x180, v45  }
0x2b6: {  	v19 =	vand.u32 $0x7F, v19;
	vm0 =	vmand vm7, vm6  }
0x2b7: {  	v19 =	vor.u32 v19, v46  }
0x2b8: {  	v47 =	vor.u32 v15, v21;
	_ =	sdelay $0x1  }
0x2b9: {  	v20 =	vmul.f32 v20, v44;
	_ =	sdelay $0x1  }
0x2ba: {  	[tilespmem:v19+s16+$0x0] =	vst.idx.add.f32.msk vm0, v20  }
0x2bb: {  	v20 =	vld.idx.msk [tilespmem:v47+s15+$0x0], $0xffff;
	_ =	sdelay $0x1  }
0x2bc: {  	v48 =	vadd.s32 $0x80, v19  }
0x2bd: {  	v21 =	vor.u32 v16, v21;
	_ =	sdelay $0x1  }
0x2be: {  	v20 =	vmul.f32 v20, v44;
	_ =	sdelay $0x1  }
0x2bf: {  	[tilespmem:v48+s16+$0x0] =	vst.idx.add.f32.msk vm0, v20  }
0x2c0: {  	s8 =	sadd.s32 $0x6, s28;
	v20 =	vld.idx.msk [tilespmem:v21+s15+$0x0], $0xffff  }
0x2c1: {  	v49 =	vadd.s32 s8, v2  }
0x2c2: {  	v19 =	vadd.s32 $0x100, v19;
	v21 =	vand.u32 $0x3F, v49  }
0x2c3: {  	v50 =	vor.u32 v18, v21;
	_ =	sdelay $0x1  }
0x2c4: {  	v20 =	vmul.f32 v20, v44;
	_ =	sdelay $0x1  }
0x2c5: {  	[tilespmem:v19+s16+$0x0] =	vst.idx.add.f32.msk vm0, v20  }
0x2c6: {  	v19 =	vld.idx.msk [tilespmem:v50+s6+$0x0], $0xffff;
	_ =	sdelay $0x1  }
0x2c7: {  	v51 =	vor.u32 v14, v21;
	_ =	sdelay $0x2  }
0x2c8: {  	v52 =	vsub.s32 v19, v0  }
0x2c9: {  	v53 =	vld.idx.msk [tilespmem:v50+s14+$0x0], $0xffff;
	v54 =	vshrl.u32 v52, $0x7  }
0x2ca: {  	vm9 =	vge.s32 v50, v17;
	v20 =	vld.idx.msk [tilespmem:v51+s15+$0x0], $0xffff;
	vm8 =	vlt.u32 v52, $0x800;
	v55 =	vmul.u32 $0x180, v54  }
0x2cb: {  	v19 =	vand.u32 $0x7F, v19;
	vm0 =	vmand vm9, vm8  }
0x2cc: {  	v19 =	vor.u32 v19, v55  }
0x2cd: {  	v56 =	vor.u32 v15, v21;
	_ =	sdelay $0x1  }
0x2ce: {  	v20 =	vmul.f32 v20, v53;
	_ =	sdelay $0x1  }
0x2cf: {  	[tilespmem:v19+s16+$0x0] =	vst.idx.add.f32.msk vm0, v20  }
0x2d0: {  	v20 =	vld.idx.msk [tilespmem:v56+s15+$0x0], $0xffff;
	_ =	sdelay $0x1  }
0x2d1: {  	v57 =	vadd.s32 $0x80, v19  }
0x2d2: {  	v21 =	vor.u32 v16, v21;
	_ =	sdelay $0x1  }
0x2d3: {  	v20 =	vmul.f32 v20, v53;
	_ =	sdelay $0x1  }
0x2d4: {  	[tilespmem:v57+s16+$0x0] =	vst.idx.add.f32.msk vm0, v20  }
0x2d5: {  	s29 =	sadd.s32 $0x7, s28;
	v20 =	vld.idx.msk [tilespmem:v21+s15+$0x0], $0xffff  }
0x2d6: {  	v58 =	vadd.s32 s29, v2  }
0x2d7: {  	v19 =	vadd.s32 $0x100, v19;
	v21 =	vand.u32 $0x3F, v58  }
0x2d8: {  	v59 =	vor.u32 v18, v21;
	_ =	sdelay $0x1  }
0x2d9: {  	v20 =	vmul.f32 v20, v53;
	_ =	sdelay $0x1  }
0x2da: {  	[tilespmem:v19+s16+$0x0] =	vst.idx.add.f32.msk vm0, v20  }
0x2db: {  	v19 =	vld.idx.msk [tilespmem:v59+s6+$0x0], $0xffff;
	_ =	sdelay $0x1  }
0x2dc: {  	v60 =	vor.u32 v14, v21;
	_ =	sdelay $0x2  }
0x2dd: {  	v61 =	vsub.s32 v19, v0  }
0x2de: {  	v62 =	vld.idx.msk [tilespmem:v59+s14+$0x0], $0xffff;
	v63 =	vshrl.u32 v61, $0x7  }
0x2df: {  	vm11 =	vge.s32 v59, v17;
	v20 =	vld.idx.msk [tilespmem:v60+s15+$0x0], $0xffff;
	vm10 =	vlt.u32 v61, $0x800;
	v28 =	vmul.u32 $0x180, v63  }
0x2e0: {  	v19 =	vand.u32 $0x7F, v19;
	vm0 =	vmand vm11, vm10  }
0x2e1: {  	v19 =	vor.u32 v19, v28  }
0x2e2: {  	v29 =	vor.u32 v15, v21;
	_ =	sdelay $0x1  }
0x2e3: {  	v20 =	vmul.f32 v20, v62;
	_ =	sdelay $0x1  }
0x2e4: {  	[tilespmem:v19+s16+$0x0] =	vst.idx.add.f32.msk vm0, v20  }
0x2e5: {  	v20 =	vld.idx.msk [tilespmem:v29+s15+$0x0], $0xffff;
	_ =	sdelay $0x1  }
0x2e6: {  	v30 =	vadd.s32 $0x80, v19  }
0x2e7: {  	v21 =	vor.u32 v16, v21;
	_ =	sdelay $0x1  }
0x2e8: {  	v20 =	vmul.f32 v20, v62;
	_ =	sdelay $0x1  }
0x2e9: {  	[tilespmem:v30+s16+$0x0] =	vst.idx.add.f32.msk vm0, v20  }
0x2ea: {  	s30 =	sadd.s32 $0x8, s28;
	v20 =	vld.idx.msk [tilespmem:v21+s15+$0x0], $0xffff  }
0x2eb: {  	v31 =	vadd.s32 s30, v2  }
0x2ec: {  	v19 =	vadd.s32 $0x100, v19;
	v21 =	vand.u32 $0x3F, v31  }
0x2ed: {  	v32 =	vor.u32 v18, v21;
	_ =	sdelay $0x1  }
0x2ee: {  	v20 =	vmul.f32 v20, v62;
	_ =	sdelay $0x1  }
0x2ef: {  	[tilespmem:v19+s16+$0x0] =	vst.idx.add.f32.msk vm0, v20  }
0x2f0: {  	v19 =	vld.idx.msk [tilespmem:v32+s6+$0x0], $0xffff;
	_ =	sdelay $0x1  }
0x2f1: {  	v33 =	vor.u32 v14, v21;
	_ =	sdelay $0x2  }
0x2f2: {  	v34 =	vsub.s32 v19, v0  }
0x2f3: {  	v35 =	vld.idx.msk [tilespmem:v32+s14+$0x0], $0xffff;
	v36 =	vshrl.u32 v34, $0x7  }
0x2f4: {  	vm13 =	vge.s32 v32, v17;
	v20 =	vld.idx.msk [tilespmem:v33+s15+$0x0], $0xffff;
	vm12 =	vlt.u32 v34, $0x800;
	v37 =	vmul.u32 $0x180, v36  }
0x2f5: {  	v19 =	vand.u32 $0x7F, v19;
	vm0 =	vmand vm13, vm12  }
0x2f6: {  	v19 =	vor.u32 v19, v37  }
0x2f7: {  	v38 =	vor.u32 v15, v21;
	_ =	sdelay $0x1  }
0x2f8: {  	v20 =	vmul.f32 v20, v35;
	_ =	sdelay $0x1  }
0x2f9: {  	[tilespmem:v19+s16+$0x0] =	vst.idx.add.f32.msk vm0, v20  }
0x2fa: {  	v20 =	vld.idx.msk [tilespmem:v38+s15+$0x0], $0xffff;
	_ =	sdelay $0x1  }
0x2fb: {  	v39 =	vadd.s32 $0x80, v19  }
0x2fc: {  	v21 =	vor.u32 v16, v21;
	_ =	sdelay $0x1  }
0x2fd: {  	v20 =	vmul.f32 v20, v35;
	_ =	sdelay $0x1  }
0x2fe: {  	[tilespmem:v39+s16+$0x0] =	vst.idx.add.f32.msk vm0, v20  }
0x2ff: {  	s31 =	sadd.s32 $0x9, s28;
	v20 =	vld.idx.msk [tilespmem:v21+s15+$0x0], $0xffff  }
0x300: {  	v40 =	vadd.s32 s31, v2  }
0x301: {  	v19 =	vadd.s32 $0x100, v19;
	v21 =	vand.u32 $0x3F, v40  }
0x302: {  	v41 =	vor.u32 v18, v21;
	_ =	sdelay $0x1  }
0x303: {  	v20 =	vmul.f32 v20, v35;
	_ =	sdelay $0x1  }
0x304: {  	[tilespmem:v19+s16+$0x0] =	vst.idx.add.f32.msk vm0, v20  }
0x305: {  	v19 =	vld.idx.msk [tilespmem:v41+s6+$0x0], $0xffff;
	_ =	sdelay $0x1  }
0x306: {  	v42 =	vor.u32 v14, v21;
	_ =	sdelay $0x2  }
0x307: {  	v43 =	vsub.s32 v19, v0  }
0x308: {  	v44 =	vld.idx.msk [tilespmem:v41+s14+$0x0], $0xffff;
	v45 =	vshrl.u32 v43, $0x7  }
0x309: {  	vm15 =	vge.s32 v41, v17;
	v20 =	vld.idx.msk [tilespmem:v42+s15+$0x0], $0xffff;
	vm14 =	vlt.u32 v43, $0x800;
	v46 =	vmul.u32 $0x180, v45  }
0x30a: {  	v19 =	vand.u32 $0x7F, v19;
	vm0 =	vmand vm15, vm14  }
0x30b: {  	v19 =	vor.u32 v19, v46  }
0x30c: {  	v47 =	vor.u32 v15, v21;
	_ =	sdelay $0x1  }
0x30d: {  	v20 =	vmul.f32 v20, v44;
	_ =	sdelay $0x1  }
0x30e: {  	[tilespmem:v19+s16+$0x0] =	vst.idx.add.f32.msk vm0, v20  }
0x30f: {  	v20 =	vld.idx.msk [tilespmem:v47+s15+$0x0], $0xffff;
	_ =	sdelay $0x1  }
0x310: {  	v48 =	vadd.s32 $0x80, v19  }
0x311: {  	v21 =	vor.u32 v16, v21;
	_ =	sdelay $0x1  }
0x312: {  	v20 =	vmul.f32 v20, v44;
	_ =	sdelay $0x1  }
0x313: {  	[tilespmem:v48+s16+$0x0] =	vst.idx.add.f32.msk vm0, v20  }
0x314: {  	s4 =	sadd.s32 $0xA, s28;
	v20 =	vld.idx.msk [tilespmem:v21+s15+$0x0], $0xffff  }
0x315: {  	v49 =	vadd.s32 s4, v2  }
0x316: {  	v19 =	vadd.s32 $0x100, v19;
	v21 =	vand.u32 $0x3F, v49  }
0x317: {  	v50 =	vor.u32 v18, v21;
	_ =	sdelay $0x1  }
0x318: {  	v20 =	vmul.f32 v20, v44;
	_ =	sdelay $0x1  }
0x319: {  	[tilespmem:v19+s16+$0x0] =	vst.idx.add.f32.msk vm0, v20  }
0x31a: {  	v19 =	vld.idx.msk [tilespmem:v50+s6+$0x0], $0xffff;
	_ =	sdelay $0x1  }
0x31b: {  	v51 =	vor.u32 v14, v21;
	_ =	sdelay $0x2  }
0x31c: {  	v52 =	vsub.s32 v19, v0  }
0x31d: {  	v53 =	vld.idx.msk [tilespmem:v50+s14+$0x0], $0xffff;
	v54 =	vshrl.u32 v52, $0x7  }
0x31e: {  	vm5 =	vge.s32 v50, v17;
	v20 =	vld.idx.msk [tilespmem:v51+s15+$0x0], $0xffff;
	vm4 =	vlt.u32 v52, $0x800;
	v55 =	vmul.u32 $0x180, v54  }
0x31f: {  	v19 =	vand.u32 $0x7F, v19;
	vm0 =	vmand vm5, vm4  }
0x320: {  	v19 =	vor.u32 v19, v55  }
0x321: {  	v56 =	vor.u32 v15, v21;
	_ =	sdelay $0x1  }
0x322: {  	v20 =	vmul.f32 v20, v53;
	_ =	sdelay $0x1  }
0x323: {  	[tilespmem:v19+s16+$0x0] =	vst.idx.add.f32.msk vm0, v20  }
0x324: {  	v20 =	vld.idx.msk [tilespmem:v56+s15+$0x0], $0xffff;
	_ =	sdelay $0x1  }
0x325: {  	v57 =	vadd.s32 $0x80, v19  }
0x326: {  	v21 =	vor.u32 v16, v21;
	_ =	sdelay $0x1  }
0x327: {  	v20 =	vmul.f32 v20, v53;
	_ =	sdelay $0x1  }
0x328: {  	[tilespmem:v57+s16+$0x0] =	vst.idx.add.f32.msk vm0, v20  }
0x329: {  	s5 =	sadd.s32 $0xB, s28;
	v20 =	vld.idx.msk [tilespmem:v21+s15+$0x0], $0xffff  }
0x32a: {  	v58 =	vadd.s32 s5, v2  }
0x32b: {  	v19 =	vadd.s32 $0x100, v19;
	v21 =	vand.u32 $0x3F, v58  }
0x32c: {  	v59 =	vor.u32 v18, v21;
	_ =	sdelay $0x1  }
0x32d: {  	v20 =	vmul.f32 v20, v53;
	_ =	sdelay $0x1  }
0x32e: {  	[tilespmem:v19+s16+$0x0] =	vst.idx.add.f32.msk vm0, v20  }
0x32f: {  	v19 =	vld.idx.msk [tilespmem:v59+s6+$0x0], $0xffff;
	_ =	sdelay $0x1  }
0x330: {  	v60 =	vor.u32 v14, v21;
	_ =	sdelay $0x2  }
0x331: {  	v61 =	vsub.s32 v19, v0  }
0x332: {  	v62 =	vld.idx.msk [tilespmem:v59+s14+$0x0], $0xffff;
	v63 =	vshrl.u32 v61, $0x7  }
0x333: {  	vm7 =	vge.s32 v59, v17;
	v20 =	vld.idx.msk [tilespmem:v60+s15+$0x0], $0xffff;
	vm6 =	vlt.u32 v61, $0x800;
	v28 =	vmul.u32 $0x180, v63  }
0x334: {  	v19 =	vand.u32 $0x7F, v19;
	vm0 =	vmand vm7, vm6  }
0x335: {  	v19 =	vor.u32 v19, v28  }
0x336: {  	v29 =	vor.u32 v15, v21;
	_ =	sdelay $0x1  }
0x337: {  	v20 =	vmul.f32 v20, v62;
	_ =	sdelay $0x1  }
0x338: {  	[tilespmem:v19+s16+$0x0] =	vst.idx.add.f32.msk vm0, v20  }
0x339: {  	v20 =	vld.idx.msk [tilespmem:v29+s15+$0x0], $0xffff;
	_ =	sdelay $0x1  }
0x33a: {  	v30 =	vadd.s32 $0x80, v19  }
0x33b: {  	v21 =	vor.u32 v16, v21;
	_ =	sdelay $0x1  }
0x33c: {  	v20 =	vmul.f32 v20, v62;
	_ =	sdelay $0x1  }
0x33d: {  	[tilespmem:v30+s16+$0x0] =	vst.idx.add.f32.msk vm0, v20  }
0x33e: {  	s8 =	sadd.s32 $0xC, s28;
	v20 =	vld.idx.msk [tilespmem:v21+s15+$0x0], $0xffff  }
0x33f: {  	v31 =	vadd.s32 s8, v2  }
0x340: {  	v19 =	vadd.s32 $0x100, v19;
	v21 =	vand.u32 $0x3F, v31  }
0x341: {  	v32 =	vor.u32 v18, v21;
	_ =	sdelay $0x1  }
0x342: {  	v20 =	vmul.f32 v20, v62;
	_ =	sdelay $0x1  }
0x343: {  	[tilespmem:v19+s16+$0x0] =	vst.idx.add.f32.msk vm0, v20  }
0x344: {  	v19 =	vld.idx.msk [tilespmem:v32+s6+$0x0], $0xffff;
	_ =	sdelay $0x1  }
0x345: {  	v33 =	vor.u32 v14, v21;
	_ =	sdelay $0x2  }
0x346: {  	v34 =	vsub.s32 v19, v0  }
0x347: {  	v35 =	vld.idx.msk [tilespmem:v32+s14+$0x0], $0xffff;
	v36 =	vshrl.u32 v34, $0x7  }
0x348: {  	vm9 =	vge.s32 v32, v17;
	v20 =	vld.idx.msk [tilespmem:v33+s15+$0x0], $0xffff;
	vm8 =	vlt.u32 v34, $0x800;
	v37 =	vmul.u32 $0x180, v36  }
0x349: {  	v19 =	vand.u32 $0x7F, v19;
	vm0 =	vmand vm9, vm8  }
0x34a: {  	v19 =	vor.u32 v19, v37  }
0x34b: {  	v38 =	vor.u32 v15, v21;
	_ =	sdelay $0x1  }
0x34c: {  	v20 =	vmul.f32 v20, v35;
	_ =	sdelay $0x1  }
0x34d: {  	[tilespmem:v19+s16+$0x0] =	vst.idx.add.f32.msk vm0, v20  }
0x34e: {  	v20 =	vld.idx.msk [tilespmem:v38+s15+$0x0], $0xffff;
	_ =	sdelay $0x1  }
0x34f: {  	v39 =	vadd.s32 $0x80, v19  }
0x350: {  	v21 =	vor.u32 v16, v21;
	_ =	sdelay $0x1  }
0x351: {  	v20 =	vmul.f32 v20, v35;
	_ =	sdelay $0x1  }
0x352: {  	[tilespmem:v39+s16+$0x0] =	vst.idx.add.f32.msk vm0, v20  }
0x353: {  	s29 =	sadd.s32 $0xD, s28;
	v20 =	vld.idx.msk [tilespmem:v21+s15+$0x0], $0xffff  }
0x354: {  	v40 =	vadd.s32 s29, v2  }
0x355: {  	v19 =	vadd.s32 $0x100, v19;
	v21 =	vand.u32 $0x3F, v40  }
0x356: {  	v41 =	vor.u32 v18, v21;
	_ =	sdelay $0x1  }
0x357: {  	v20 =	vmul.f32 v20, v35;
	_ =	sdelay $0x1  }
0x358: {  	[tilespmem:v19+s16+$0x0] =	vst.idx.add.f32.msk vm0, v20  }
0x359: {  	v19 =	vld.idx.msk [tilespmem:v41+s6+$0x0], $0xffff;
	_ =	sdelay $0x1  }
0x35a: {  	v42 =	vor.u32 v14, v21;
	_ =	sdelay $0x2  }
0x35b: {  	v43 =	vsub.s32 v19, v0  }
0x35c: {  	v44 =	vld.idx.msk [tilespmem:v41+s14+$0x0], $0xffff;
	v45 =	vshrl.u32 v43, $0x7  }
0x35d: {  	vm11 =	vge.s32 v41, v17;
	v20 =	vld.idx.msk [tilespmem:v42+s15+$0x0], $0xffff;
	vm10 =	vlt.u32 v43, $0x800;
	v46 =	vmul.u32 $0x180, v45  }
0x35e: {  	v19 =	vand.u32 $0x7F, v19;
	vm0 =	vmand vm11, vm10  }
0x35f: {  	v19 =	vor.u32 v19, v46  }
0x360: {  	v47 =	vor.u32 v15, v21;
	_ =	sdelay $0x1  }
0x361: {  	v20 =	vmul.f32 v20, v44;
	_ =	sdelay $0x1  }
0x362: {  	[tilespmem:v19+s16+$0x0] =	vst.idx.add.f32.msk vm0, v20  }
0x363: {  	v20 =	vld.idx.msk [tilespmem:v47+s15+$0x0], $0xffff;
	_ =	sdelay $0x1  }
0x364: {  	v48 =	vadd.s32 $0x80, v19  }
0x365: {  	v21 =	vor.u32 v16, v21;
	_ =	sdelay $0x1  }
0x366: {  	v20 =	vmul.f32 v20, v44;
	_ =	sdelay $0x1  }
0x367: {  	[tilespmem:v48+s16+$0x0] =	vst.idx.add.f32.msk vm0, v20  }
0x368: {  	s30 =	sadd.s32 $0xE, s28;
	v20 =	vld.idx.msk [tilespmem:v21+s15+$0x0], $0xffff  }
0x369: {  	v49 =	vadd.s32 s30, v2  }
0x36a: {  	v19 =	vadd.s32 $0x100, v19;
	v21 =	vand.u32 $0x3F, v49  }
0x36b: {  	v50 =	vor.u32 v18, v21;
	_ =	sdelay $0x1  }
0x36c: {  	v20 =	vmul.f32 v20, v44;
	_ =	sdelay $0x1  }
0x36d: {  	[tilespmem:v19+s16+$0x0] =	vst.idx.add.f32.msk vm0, v20  }
0x36e: {  	v19 =	vld.idx.msk [tilespmem:v50+s6+$0x0], $0xffff;
	_ =	sdelay $0x1  }
0x36f: {  	v51 =	vor.u32 v14, v21;
	_ =	sdelay $0x2  }
0x370: {  	v52 =	vsub.s32 v19, v0  }
0x371: {  	v53 =	vld.idx.msk [tilespmem:v50+s14+$0x0], $0xffff;
	v54 =	vshrl.u32 v52, $0x7  }
0x372: {  	vm13 =	vge.s32 v50, v17;
	v20 =	vld.idx.msk [tilespmem:v51+s15+$0x0], $0xffff;
	vm12 =	vlt.u32 v52, $0x800;
	v55 =	vmul.u32 $0x180, v54  }
0x373: {  	v19 =	vand.u32 $0x7F, v19;
	vm0 =	vmand vm13, vm12  }
0x374: {  	v19 =	vor.u32 v19, v55  }
0x375: {  	v56 =	vor.u32 v15, v21;
	_ =	sdelay $0x1  }
0x376: {  	v20 =	vmul.f32 v20, v53;
	_ =	sdelay $0x1  }
0x377: {  	[tilespmem:v19+s16+$0x0] =	vst.idx.add.f32.msk vm0, v20  }
0x378: {  	v20 =	vld.idx.msk [tilespmem:v56+s15+$0x0], $0xffff;
	_ =	sdelay $0x1  }
0x379: {  	v57 =	vadd.s32 $0x80, v19  }
0x37a: {  	v21 =	vor.u32 v16, v21;
	_ =	sdelay $0x1  }
0x37b: {  	v20 =	vmul.f32 v20, v53;
	_ =	sdelay $0x1  }
0x37c: {  	[tilespmem:v57+s16+$0x0] =	vst.idx.add.f32.msk vm0, v20  }
0x37d: {  	s31 =	sadd.s32 $0xF, s28;
	v20 =	vld.idx.msk [tilespmem:v21+s15+$0x0], $0xffff  }
0x37e: {  	v58 =	vadd.s32 s31, v2  }
0x37f: {  	v19 =	vadd.s32 $0x100, v19;
	v21 =	vand.u32 $0x3F, v58  }
0x380: {  	v18 =	vor.u32 v18, v21;
	_ =	sdelay $0x1  }
0x381: {  	v20 =	vmul.f32 v20, v53;
	_ =	sdelay $0x1  }
0x382: {  	[tilespmem:v19+s16+$0x0] =	vst.idx.add.f32.msk vm0, v20  }
0x383: {  	v19 =	vld.idx.msk [tilespmem:v18+s6+$0x0], $0xffff;
	_ =	sdelay $0x1  }
0x384: {  	v59 =	vor.u32 v14, v21;
	_ =	sdelay $0x2  }
0x385: {  	v60 =	vsub.s32 v19, v0  }
0x386: {  	v61 =	vld.idx.msk [tilespmem:v18+s14+$0x0], $0xffff;
	v62 =	vshrl.u32 v60, $0x7  }
0x387: {  	vm15 =	vge.s32 v18, v17;
	v20 =	vld.idx.msk [tilespmem:v59+s15+$0x0], $0xffff;
	vm14 =	vlt.u32 v60, $0x800;
	v18 =	vmul.u32 $0x180, v62  }
0x388: {  	v19 =	vand.u32 $0x7F, v19;
	vm0 =	vmand vm15, vm14  }
0x389: {  	v18 =	vor.u32 v19, v18  }
0x38a: {  	v19 =	vor.u32 v15, v21;
	_ =	sdelay $0x1  }
0x38b: {  	v20 =	vmul.f32 v20, v61;
	_ =	sdelay $0x1  }
0x38c: {  	[tilespmem:v18+s16+$0x0] =	vst.idx.add.f32.msk vm0, v20  }
0x38d: {  	v19 =	vld.idx.msk [tilespmem:v19+s15+$0x0], $0xffff;
	_ =	sdelay $0x1  }
0x38e: {  	v63 =	vadd.s32 $0x80, v18  }
0x38f: {  	v21 =	vor.u32 v16, v21;
	_ =	sdelay $0x1  }
0x390: {  	v19 =	vmul.f32 v19, v61;
	_ =	sdelay $0x1  }
0x391: {  	[tilespmem:v63+s16+$0x0] =	vst.idx.add.f32.msk vm0, v19  }
0x392: {  	v19 =	vld.idx.msk [tilespmem:v21+s15+$0x0], $0xffff;
	_ =	sdelay $0x1  }
0x393: {  	p0 =	slt.u32 s28, $0x30;
	v18 =	vadd.s32 $0x100, v18  }
.Ltmp11:
0x394: {  	_ = 	snop;
	(pc) =	sbr.rel @p0 .LBB2_12-.Ltmp11, $3  }
0x395: {  	_ = 	snop  }
0x396: {  	v19 =	vmul.f32 v19, v61;
	_ =	sdelay $0x1  }
0x397: {  	s28 =	sadd.s32 $0x10, s28;
	[tilespmem:v18+s16+$0x0] =	vst.idx.add.f32.msk vm0, v19  }
.Ltmp12:
0x398: {  	_ = 	snop;
	(pc) =	sbr.rel .LBB2_13-.Ltmp12, $1  }
0x399: {  	_ =	sdelay $0x3  }
.LBB2_17:
0x39a: {  	_ =	sfence.sel $0x180000  }
0x39b: {  	[bflag:$0x0] =	sbarrier.arrive $0xFFFF  }
0x39c: {  	_ =	strace $0x90000047  }
0x39d: {  	s0 =	stileid.u32;
	[bflag:$0x2] =	sbarrier.arrive $0xFFFF  }
0x39e: {  	p0 =	sne.s32 s0, $0x0;
	s0 =	rddreg [dreg:$0x4]  }
0x39f: {  	s0 =	sadd.s32 @!p0 $0x100000, s0  }
0x3a0: {  	[sflag:s0] =	ssyncadd.tile.s32 @!p0 $0x1;
	_ =	shalt  }
.Lfunc_end2:
_tile_overlayer_lowered:
.L_overlay_start_2:
0x3a1: {  	(tag) =	ssettag $0x2  }
0x3a2: {  	s0 =	rddreg [dreg:$0x0];
	s2 =	stileid.u32  }
0x3a3: {  	s1 =	rddreg [dreg:$0x1];
	p0 =	sne.s32 s2, $0x0  }
0x3a4: {  	s3 =	rddreg [dreg:$0x2];
	[bflag:$0x3] =	sbarrier.arrive $0xFFFF;
	s2 =	simm.s32 @!p0 $0x1C07  }
0x3a5: {  	[timem:s3], [sflag:s2] =	dma.local @!p0 [hbm:s0], s1  }
0x3a6: {  	s0 =	simm.s32 @!p0 $0x7  }
0x3a7: {  	_ =	swait.ge @!p0 [sflag:s0], s1  }
0x3a8: {  	s1 =	ssub.s32 @!p0 $0x0, s1;
	[sflag:s0] =	ssyncset.done @!p0 $0x0  }
0x3a9: {  	[sflag:s0] =	ssyncadd.s32 @!p0 s1  }
0x3aa: {  	[bflag:$0x3] =	sbarrier.arrive $0xFFFF  }
0x3ab: {  	_ =	shalt  }

</sc_bundles>
